<compile_context>
chip_gen: v7x
topology: tpu7x:2x2x1
jax: 0.10.2.dev20260603
libtpu: 0.0.44.dev20260713+nightly
codegen_flags: <defaults>
</compile_context>

<pallas_src>
import jax
import jax.numpy as jnp
from jax import lax
from jax.experimental import pallas as pl
from jax.experimental.pallas import tpu as pltpu
from jax.experimental.pallas import tpu_sc as plsc

_NC = 2
_NS = 16
_NW = _NC * _NS
_K = 128
_NBUF = 8

_V = 1000000
_D = 64
_RS = 384
_FULL = 2604
_TAIL_R0 = _FULL * _RS
_TAIL_N = _V - _TAIL_R0
_SLABW = _RS * _D


def _tr_blocks(src, lead, obuf, par, nrows):
    iot = lax.iota(jnp.int32, 16)
    rots = [(iot + d) % 16 for d in range(16)]
    rv64 = [rots[d] * 64 + iot for d in range(16)]
    bufv = jnp.full((16,), par, jnp.int32)
    leadv = [jnp.full((16,), lead, jnp.int32)] if lead is not None else []

    @pl.loop(0, nrows, step=16, unroll=2)
    def _blk(q0):
        qv = jnp.full((16,), q0, jnp.int32)

        @pl.loop(0, _D, step=16, unroll=2)
        def _cblk(c0):
            civ = iot + c0
            base = q0 * 64 + c0
            vs = {}
            for d in range(16):
                vs[d] = plsc.load_gather(src, leadv + [civ, qv + rots[d]])
                if d >= 2:
                    plsc.store_scatter(obuf, [bufv, rv64[d - 2] + base], vs.pop(d - 2))
            for d in (14, 15):
                plsc.store_scatter(obuf, [bufv, rv64[d] + base], vs.pop(d))


def _detr_body(wt_hbm, wtail_hbm, w3_hbm, ibuf, tbuf, obuf,
               isem0, isem1, osem0, osem1):
    wid = lax.axis_index("s") * _NC + lax.axis_index("c")
    start = wid * 81 + jnp.minimum(wid, 12)
    n = 81 + (wid < 12).astype(jnp.int32)

    def in_start(slab, par):
        for b, sem in ((0, isem0), (1, isem1)):
            @pl.when(par == b)
            def _(b=b, sem=sem):
                pltpu.async_copy(
                    wt_hbm.at[:, pl.ds(slab * _RS, _RS)], ibuf.at[b], sem)

    def in_wait(par):
        for b, sem in ((0, isem0), (1, isem1)):
            @pl.when(par == b)
            def _(b=b, sem=sem):
                pltpu.make_async_copy(
                    wt_hbm.at[:, pl.ds(0, _RS)], ibuf.at[b], sem).wait()

    def out_start(slab, par):
        for b, sem in ((0, osem0), (1, osem1)):
            @pl.when(par == b)
            def _(b=b, sem=sem):
                pltpu.async_copy(
                    obuf.at[b], w3_hbm.at[pl.ds(slab * _SLABW, _SLABW)], sem)

    def out_wait(par):
        for b, sem in ((0, osem0), (1, osem1)):
            @pl.when(par == b)
            def _(b=b, sem=sem):
                pltpu.make_async_copy(
                    obuf.at[b], w3_hbm.at[pl.ds(0, _SLABW)], sem).wait()

    in_start(start, 0)

    @pl.loop(0, 82)
    def _slab(k):
        @pl.when(k < n)
        def _do():
            par = k % 2
            pl.when(k + 1 < n)(lambda: in_start(start + k + 1, (k + 1) % 2))
            in_wait(par)
            pl.when(k >= 2)(lambda: out_wait(par))
            _tr_blocks(ibuf, par, obuf, par, _RS)
            out_start(start + k, par)

    out_wait((n - 2) % 2)
    out_wait((n - 1) % 2)

    @pl.when(wid == 1)
    def _tail():
        pltpu.sync_copy(wtail_hbm, tbuf)
        _tr_blocks(tbuf, None, obuf, 0, _TAIL_N)
        nw = _TAIL_N * _D
        pltpu.async_copy(
            obuf.at[0, pl.ds(0, nw)],
            w3_hbm.at[pl.ds(_TAIL_R0 * _D, nw)],
            osem0,
        ).wait()


def _emb_body(idx_hbm, table_hbm, out_hbm, idx_v, rows_v, *gsems):
    wid = lax.axis_index("s") * _NC + lax.axis_index("c")
    chunks = idx_hbm.shape[1]
    pltpu.sync_copy(idx_hbm.at[wid], idx_v)
    row0 = wid * chunks * _K

    @pl.loop(0, chunks, step=_NBUF)
    def _group(g0):
        cps = []
        for b in range(_NBUF):
            g = g0 + b
            cps.append(
                pltpu.async_copy(table_hbm.at[idx_v.at[g]], rows_v.at[b], gsems[b])
            )
        for b in range(_NBUF):
            cps[b].wait()
            pltpu.sync_copy(
                rows_v.at[b], out_hbm.at[pl.ds(row0 + (g0 + b) * _K, _K)]
            )


def kernel(x, weight):
    b, s = x.shape
    v, d = weight.shape
    assert (v, d) == (_V, _D)
    n = b * s
    assert n % (_NW * _K) == 0
    chunks = n // (_NW * _K)

    mesh = plsc.VectorSubcoreMesh(core_axis_name="c", subcore_axis_name="s")

    detr = pl.kernel(
        _detr_body,
        out_type=jax.ShapeDtypeStruct((_V * _D,), jnp.float32),
        mesh=mesh,
        scratch_types=[
            pltpu.VMEM((2, _D, _RS), jnp.float32),
            pltpu.VMEM((_D, _TAIL_N), jnp.float32),
            pltpu.VMEM((2, _SLABW), jnp.float32),
            pltpu.SemaphoreType.DMA,
            pltpu.SemaphoreType.DMA,
            pltpu.SemaphoreType.DMA,
            pltpu.SemaphoreType.DMA,
        ],
        compiler_params=pltpu.CompilerParams(
            use_tc_tiling_on_sc=True, needs_layout_passes=False
        ),
    )
    wtail_t = lax.slice(weight, (_TAIL_R0, 0), (_V, _D)).T
    w3 = detr(weight.T, wtail_t)
    wrm = w3.reshape(_V, _D)

    flat = x.reshape(-1).astype(jnp.int32)
    idx3 = flat.reshape(_NW, chunks, _K)

    run = pl.kernel(
        _emb_body,
        out_type=jax.ShapeDtypeStruct((n, d), jnp.float32),
        mesh=mesh,
        scratch_types=[
            pltpu.VMEM((chunks, _K), jnp.int32),
            pltpu.VMEM((_NBUF, _K, d), jnp.float32),
        ]
        + [pltpu.SemaphoreType.DMA] * _NBUF,
        compiler_params=pltpu.CompilerParams(use_tc_tiling_on_sc=False),
    )
    out = run(idx3, wrm)
    return out.reshape(b, s, d)

# --- scband reference (transcript-rebuilt; emitter-appended) ---
"""Pipeline reference for scband-embedding-36112085024820 (READ-ONLY COPY).

The authoritative reference and input builder live on the scoring server;
editing this copy changes nothing except your own understanding.
"""

import jax, jax.numpy as jnp
import numpy as np


def setup_inputs(seed: int = 0) -> dict:
    key = jax.random.key(seed)
    k1, k2 = jax.random.split(key)
    x = jax.random.randint(k1, (16384, 20), 0, 1000000, dtype=jnp.int64)
    weight = jax.random.normal(k2, (1000000, 64), dtype=jnp.float32) * 0.02
    return {"x": x, "weight": weight}


def reference(x, weight):
    # flatten indices: 'bs->(bs)'
    b, s = x.shape
    flat_x = x.reshape(-1)
    # index rows of the embedding table (gather along axis 0)
    out = jnp.take(weight, flat_x, axis=0)
    # un-flatten: '(bs)->bs'
    return out.reshape(b, s, weight.shape[1])

if __name__ == "__main__":
    import jax
    _d = setup_inputs()
    print(jax.jit(kernel)(*tuple(_d.values())))

</pallas_src>

<mosaic_0001>
#map = affine_map<(d0, d1) -> (0, 0)>
#map1 = affine_map<(d0, d1) -> (0)>
module attributes {stable_mosaic.version = 14 : i64} {
  func.func @_detr_body(%arg0: i32, %arg1: i32, %arg2: memref<64x1000000xf32, #tpu.memory_space<hbm>>, %arg3: memref<64x64xf32, #tpu.memory_space<hbm>>, %arg4: memref<64000000xf32, #tpu.memory_space<hbm>>, %arg5: memref<2x64x384xf32, #tpu.memory_space<vmem>>, %arg6: memref<64x64xf32, #tpu.memory_space<vmem>>, %arg7: memref<2x24576xf32, #tpu.memory_space<vmem>>, %arg8: memref<!tpu.dma_semaphore, #tpu.memory_space<semaphore_mem>>, %arg9: memref<!tpu.dma_semaphore, #tpu.memory_space<semaphore_mem>>, %arg10: memref<!tpu.dma_semaphore, #tpu.memory_space<semaphore_mem>>, %arg11: memref<!tpu.dma_semaphore, #tpu.memory_space<semaphore_mem>>) attributes {dimension_semantics = [#tpu.dimension_semantics<core_parallel>, #tpu.dimension_semantics<subcore_parallel>], iteration_bounds = array<i64: 2, 16>, scalar_prefetch = 0 : i64, scratch_operands = 7 : i64, tpu.core_type = #tpu.core_type<sc_vector_subcore>, window_params = [{transform_indices = #map}, {transform_indices = #map}, {transform_indices = #map1}]} {
    %mul3A = arith.constant 2 : i32
    %mul3A_0 = arith.muli %arg1, %mul3A : i32
    %add3A = arith.addi %mul3A_0, %arg0 : i32
    %mul3A_1 = arith.constant 81 : i32
    %mul3A_2 = arith.muli %add3A, %mul3A_1 : i32
    %min3A = arith.constant 12 : i32
    %min3A_3 = arith.minsi %add3A, %min3A : i32
    %add3A_4 = arith.addi %mul3A_2, %min3A_3 : i32
    %lt3A = arith.constant 12 : i32
    %lt3A_5 = arith.cmpi slt, %add3A, %lt3A : i32
    %convert_element_type3A = arith.extui %lt3A_5 : i1 to i32
    %add3A_6 = arith.constant 81 : i32
    %add3A_7 = arith.addi %add3A_6, %convert_element_type3A : i32
    %mul3A_8 = arith.constant 384 : i32
    %mul3A_9 = arith.muli %add3A_4, %mul3A_8 : i32
    %dma_start3A = arith.constant 0 : i32
    %dma_start3A_10 = arith.constant 0 : i32
    %dma_start3A_11 = arith.constant 0 : i32
    %dma_start3A_12 = tpu.memref_slice %arg5[%dma_start3A, %dma_start3A_10, %dma_start3A_11] : memref<2x64x384xf32, #tpu.memory_space<vmem>> -> memref<1x64x384xf32, #tpu.memory_space<vmem>>
    %dma_start3A_13 = tpu.memref_squeeze %dma_start3A_12 : memref<1x64x384xf32, #tpu.memory_space<vmem>> -> memref<64x384xf32, #tpu.memory_space<vmem>>
    %dma_start3A_14 = arith.constant 0 : i32
    %dma_start3A_15 = tpu.memref_slice %arg2[%dma_start3A_14, %mul3A_9] : memref<64x1000000xf32, #tpu.memory_space<hbm>> -> memref<64x384xf32, #tpu.memory_space<hbm>>
    %dma_start3A_16 = arith.constant 0 : i32
    %dma_start3A_17 = arith.constant 0 : i32
    %dma_start3A_18 = tpu.memref_slice %arg5[%dma_start3A, %dma_start3A_16, %dma_start3A_17] : memref<2x64x384xf32, #tpu.memory_space<vmem>> -> memref<1x64x384xf32, #tpu.memory_space<vmem>>
    %dma_start3A_19 = tpu.memref_squeeze %dma_start3A_18 : memref<1x64x384xf32, #tpu.memory_space<vmem>> -> memref<64x384xf32, #tpu.memory_space<vmem>>
    %dma_start3A_20 = arith.constant 0 : i32
    %dma_start3A_21 = tpu.memref_slice %arg2[%dma_start3A_20, %mul3A_9] : memref<64x1000000xf32, #tpu.memory_space<hbm>> -> memref<64x384xf32, #tpu.memory_space<hbm>>
    tpu.enqueue_dma source(%dma_start3A_21 : memref<64x384xf32, #tpu.memory_space<hbm>>) target(%dma_start3A_19 : memref<64x384xf32, #tpu.memory_space<vmem>>) target_semaphore(%arg8 : memref<!tpu.dma_semaphore, #tpu.memory_space<semaphore_mem>>)
    %scan3A = arith.constant 0 : i32
    %scan3A_22 = arith.constant 82 : i32
    %scan3A_23 = arith.addi %scan3A, %scan3A_22 : i32
    %scan3A_24 = arith.constant 1 : i32
    scf.for %scan3A_79 = %scan3A to %scan3A_23 step %scan3A_24  : i32 {
      %mul3A_80 = arith.constant 1 : i32
      %mul3A_81 = arith.muli %scan3A_79, %mul3A_80 : i32
      %add3A_82 = arith.constant 0 : i32
      %add3A_83 = arith.addi %add3A_82, %mul3A_81 : i32
      %lt3A_84 = arith.cmpi slt, %add3A_83, %add3A_7 : i32
      %convert_element_type3A_85 = arith.extui %lt3A_84 : i1 to i32
      %cond3A_86 = arith.constant 0 : i32
      %cond3A_87 = arith.cmpi ne, %convert_element_type3A_85, %cond3A_86 : i32
      scf.if %cond3A_87 {
        %jit3A_88 = arith.constant 2 : i32
        %eq3A_89 = arith.constant 0 : i32
        %eq3A_90 = arith.cmpi eq, %jit3A_88, %eq3A_89 : i32
        %jit3A_91 = arith.constant 1 : i32
        %select_n3A_92 = arith.select %eq3A_90, %jit3A_91, %jit3A_88 : i32
        %rem3A_93 = arith.remsi %add3A_83, %select_n3A_92 : i32
        %ne3A_94 = arith.constant 0 : i32
        %ne3A_95 = arith.cmpi ne, %rem3A_93, %ne3A_94 : i32
        %lt3A_96 = arith.constant 0 : i32
        %lt3A_97 = arith.cmpi slt, %rem3A_93, %lt3A_96 : i32
        %lt3A_98 = arith.constant 0 : i32
        %lt3A_99 = arith.cmpi slt, %select_n3A_92, %lt3A_98 : i32
        %ne3A_100 = arith.xori %lt3A_97, %lt3A_99 : i1
        %and3A_101 = arith.andi %ne3A_100, %ne3A_95 : i1
        %add3A_102 = arith.addi %rem3A_93, %select_n3A_92 : i32
        %select_n3A_103 = arith.select %and3A_101, %add3A_102, %rem3A_93 : i32
        %add3A_104 = arith.constant 1 : i32
        %add3A_105 = arith.addi %add3A_83, %add3A_104 : i32
        %lt3A_106 = arith.cmpi slt, %add3A_105, %add3A_7 : i32
        %convert_element_type3A_107 = arith.extui %lt3A_106 : i1 to i32
        %cond3A_108 = arith.constant 0 : i32
        %cond3A_109 = arith.cmpi ne, %convert_element_type3A_107, %cond3A_108 : i32
        scf.if %cond3A_109 {
          %add3A_605 = arith.addi %add3A_4, %add3A_83 : i32
          %add3A_606 = arith.constant 1 : i32
          %add3A_607 = arith.addi %add3A_605, %add3A_606 : i32
          %add3A_608 = arith.constant 1 : i32
          %add3A_609 = arith.addi %add3A_83, %add3A_608 : i32
          %jit3A_610 = arith.constant 2 : i32
          %eq3A_611 = arith.constant 0 : i32
          %eq3A_612 = arith.cmpi eq, %jit3A_610, %eq3A_611 : i32
          %jit3A_613 = arith.constant 1 : i32
          %select_n3A_614 = arith.select %eq3A_612, %jit3A_613, %jit3A_610 : i32
          %rem3A_615 = arith.remsi %add3A_609, %select_n3A_614 : i32
          %ne3A_616 = arith.constant 0 : i32
          %ne3A_617 = arith.cmpi ne, %rem3A_615, %ne3A_616 : i32
          %lt3A_618 = arith.constant 0 : i32
          %lt3A_619 = arith.cmpi slt, %rem3A_615, %lt3A_618 : i32
          %lt3A_620 = arith.constant 0 : i32
          %lt3A_621 = arith.cmpi slt, %select_n3A_614, %lt3A_620 : i32
          %ne3A_622 = arith.xori %lt3A_619, %lt3A_621 : i1
          %and3A_623 = arith.andi %ne3A_622, %ne3A_617 : i1
          %add3A_624 = arith.addi %rem3A_615, %select_n3A_614 : i32
          %select_n3A_625 = arith.select %and3A_623, %add3A_624, %rem3A_615 : i32
          %eq3A_626 = arith.constant 0 : i32
          %eq3A_627 = arith.cmpi eq, %select_n3A_625, %eq3A_626 : i32
          %convert_element_type3A_628 = arith.extui %eq3A_627 : i1 to i32
          %cond3A_629 = arith.constant 0 : i32
          %cond3A_630 = arith.cmpi ne, %convert_element_type3A_628, %cond3A_629 : i32
          scf.if %cond3A_630 {
            %mul3A_636 = arith.constant 384 : i32
            %mul3A_637 = arith.muli %add3A_607, %mul3A_636 : i32
            %dma_start3A_638 = arith.constant 0 : i32
            %dma_start3A_639 = arith.constant 0 : i32
            %dma_start3A_640 = arith.constant 0 : i32
            %dma_start3A_641 = tpu.memref_slice %arg5[%dma_start3A_638, %dma_start3A_639, %dma_start3A_640] : memref<2x64x384xf32, #tpu.memory_space<vmem>> -> memref<1x64x384xf32, #tpu.memory_space<vmem>>
            %dma_start3A_642 = tpu.memref_squeeze %dma_start3A_641 : memref<1x64x384xf32, #tpu.memory_space<vmem>> -> memref<64x384xf32, #tpu.memory_space<vmem>>
            %dma_start3A_643 = arith.constant 0 : i32
            %dma_start3A_644 = tpu.memref_slice %arg2[%dma_start3A_643, %mul3A_637] : memref<64x1000000xf32, #tpu.memory_space<hbm>> -> memref<64x384xf32, #tpu.memory_space<hbm>>
            %dma_start3A_645 = arith.constant 0 : i32
            %dma_start3A_646 = arith.constant 0 : i32
            %dma_start3A_647 = tpu.memref_slice %arg5[%dma_start3A_638, %dma_start3A_645, %dma_start3A_646] : memref<2x64x384xf32, #tpu.memory_space<vmem>> -> memref<1x64x384xf32, #tpu.memory_space<vmem>>
            %dma_start3A_648 = tpu.memref_squeeze %dma_start3A_647 : memref<1x64x384xf32, #tpu.memory_space<vmem>> -> memref<64x384xf32, #tpu.memory_space<vmem>>
            %dma_start3A_649 = arith.constant 0 : i32
            %dma_start3A_650 = tpu.memref_slice %arg2[%dma_start3A_649, %mul3A_637] : memref<64x1000000xf32, #tpu.memory_space<hbm>> -> memref<64x384xf32, #tpu.memory_space<hbm>>
            tpu.enqueue_dma source(%dma_start3A_650 : memref<64x384xf32, #tpu.memory_space<hbm>>) target(%dma_start3A_648 : memref<64x384xf32, #tpu.memory_space<vmem>>) target_semaphore(%arg8 : memref<!tpu.dma_semaphore, #tpu.memory_space<semaphore_mem>>)
          } else {
          }
          %eq3A_631 = arith.constant 1 : i32
          %eq3A_632 = arith.cmpi eq, %select_n3A_625, %eq3A_631 : i32
          %convert_element_type3A_633 = arith.extui %eq3A_632 : i1 to i32
          %cond3A_634 = arith.constant 0 : i32
          %cond3A_635 = arith.cmpi ne, %convert_element_type3A_633, %cond3A_634 : i32
          scf.if %cond3A_635 {
            %mul3A_636 = arith.constant 384 : i32
            %mul3A_637 = arith.muli %add3A_607, %mul3A_636 : i32
            %dma_start3A_638 = arith.constant 1 : i32
            %dma_start3A_639 = arith.constant 0 : i32
            %dma_start3A_640 = arith.constant 0 : i32
            %dma_start3A_641 = tpu.memref_slice %arg5[%dma_start3A_638, %dma_start3A_639, %dma_start3A_640] : memref<2x64x384xf32, #tpu.memory_space<vmem>> -> memref<1x64x384xf32, #tpu.memory_space<vmem>>
            %dma_start3A_642 = tpu.memref_squeeze %dma_start3A_641 : memref<1x64x384xf32, #tpu.memory_space<vmem>> -> memref<64x384xf32, #tpu.memory_space<vmem>>
            %dma_start3A_643 = arith.constant 0 : i32
            %dma_start3A_644 = tpu.memref_slice %arg2[%dma_start3A_643, %mul3A_637] : memref<64x1000000xf32, #tpu.memory_space<hbm>> -> memref<64x384xf32, #tpu.memory_space<hbm>>
            %dma_start3A_645 = arith.constant 0 : i32
            %dma_start3A_646 = arith.constant 0 : i32
            %dma_start3A_647 = tpu.memref_slice %arg5[%dma_start3A_638, %dma_start3A_645, %dma_start3A_646] : memref<2x64x384xf32, #tpu.memory_space<vmem>> -> memref<1x64x384xf32, #tpu.memory_space<vmem>>
            %dma_start3A_648 = tpu.memref_squeeze %dma_start3A_647 : memref<1x64x384xf32, #tpu.memory_space<vmem>> -> memref<64x384xf32, #tpu.memory_space<vmem>>
            %dma_start3A_649 = arith.constant 0 : i32
            %dma_start3A_650 = tpu.memref_slice %arg2[%dma_start3A_649, %mul3A_637] : memref<64x1000000xf32, #tpu.memory_space<hbm>> -> memref<64x384xf32, #tpu.memory_space<hbm>>
            tpu.enqueue_dma source(%dma_start3A_650 : memref<64x384xf32, #tpu.memory_space<hbm>>) target(%dma_start3A_648 : memref<64x384xf32, #tpu.memory_space<vmem>>) target_semaphore(%arg9 : memref<!tpu.dma_semaphore, #tpu.memory_space<semaphore_mem>>)
          } else {
          }
        } else {
        }
        %eq3A_110 = arith.constant 0 : i32
        %eq3A_111 = arith.cmpi eq, %select_n3A_103, %eq3A_110 : i32
        %convert_element_type3A_112 = arith.extui %eq3A_111 : i1 to i32
        %cond3A_113 = arith.constant 0 : i32
        %cond3A_114 = arith.cmpi ne, %convert_element_type3A_112, %cond3A_113 : i32
        scf.if %cond3A_114 {
          %dma_wait3A = arith.constant 0 : i32
          %dma_wait3A_605 = arith.constant 0 : i32
          %dma_wait3A_606 = arith.constant 0 : i32
          %dma_wait3A_607 = tpu.memref_slice %arg5[%dma_wait3A, %dma_wait3A_605, %dma_wait3A_606] : memref<2x64x384xf32, #tpu.memory_space<vmem>> -> memref<1x64x384xf32, #tpu.memory_space<vmem>>
          %dma_wait3A_608 = tpu.memref_squeeze %dma_wait3A_607 : memref<1x64x384xf32, #tpu.memory_space<vmem>> -> memref<64x384xf32, #tpu.memory_space<vmem>>
          %dma_wait3A_609 = arith.constant 0 : i32
          %dma_wait3A_610 = arith.constant 0 : i32
          %dma_wait3A_611 = tpu.memref_slice %arg2[%dma_wait3A_609, %dma_wait3A_610] : memref<64x1000000xf32, #tpu.memory_space<hbm>> -> memref<64x384xf32, #tpu.memory_space<hbm>>
          %dma_wait3A_612 = arith.constant 0 : i32
          %dma_wait3A_613 = arith.constant 0 : i32
          %dma_wait3A_614 = tpu.memref_slice %arg5[%dma_wait3A, %dma_wait3A_612, %dma_wait3A_613] : memref<2x64x384xf32, #tpu.memory_space<vmem>> -> memref<1x64x384xf32, #tpu.memory_space<vmem>>
          %dma_wait3A_615 = tpu.memref_squeeze %dma_wait3A_614 : memref<1x64x384xf32, #tpu.memory_space<vmem>> -> memref<64x384xf32, #tpu.memory_space<vmem>>
          %dma_wait3A_616 = arith.constant 0 : i32
          %dma_wait3A_617 = arith.constant 0 : i32
          %dma_wait3A_618 = tpu.memref_slice %arg2[%dma_wait3A_616, %dma_wait3A_617] : memref<64x1000000xf32, #tpu.memory_space<hbm>> -> memref<64x384xf32, #tpu.memory_space<hbm>>
          tpu.wait_dma2 semaphore(%arg8 : memref<!tpu.dma_semaphore, #tpu.memory_space<semaphore_mem>>) src(%dma_wait3A_618 : memref<64x384xf32, #tpu.memory_space<hbm>>) dst(%dma_wait3A_615 : memref<64x384xf32, #tpu.memory_space<vmem>>)
        } else {
        }
        %eq3A_115 = arith.constant 1 : i32
        %eq3A_116 = arith.cmpi eq, %select_n3A_103, %eq3A_115 : i32
        %convert_element_type3A_117 = arith.extui %eq3A_116 : i1 to i32
        %cond3A_118 = arith.constant 0 : i32
        %cond3A_119 = arith.cmpi ne, %convert_element_type3A_117, %cond3A_118 : i32
        scf.if %cond3A_119 {
          %dma_wait3A = arith.constant 1 : i32
          %dma_wait3A_605 = arith.constant 0 : i32
          %dma_wait3A_606 = arith.constant 0 : i32
          %dma_wait3A_607 = tpu.memref_slice %arg5[%dma_wait3A, %dma_wait3A_605, %dma_wait3A_606] : memref<2x64x384xf32, #tpu.memory_space<vmem>> -> memref<1x64x384xf32, #tpu.memory_space<vmem>>
          %dma_wait3A_608 = tpu.memref_squeeze %dma_wait3A_607 : memref<1x64x384xf32, #tpu.memory_space<vmem>> -> memref<64x384xf32, #tpu.memory_space<vmem>>
          %dma_wait3A_609 = arith.constant 0 : i32
          %dma_wait3A_610 = arith.constant 0 : i32
          %dma_wait3A_611 = tpu.memref_slice %arg2[%dma_wait3A_609, %dma_wait3A_610] : memref<64x1000000xf32, #tpu.memory_space<hbm>> -> memref<64x384xf32, #tpu.memory_space<hbm>>
          %dma_wait3A_612 = arith.constant 0 : i32
          %dma_wait3A_613 = arith.constant 0 : i32
          %dma_wait3A_614 = tpu.memref_slice %arg5[%dma_wait3A, %dma_wait3A_612, %dma_wait3A_613] : memref<2x64x384xf32, #tpu.memory_space<vmem>> -> memref<1x64x384xf32, #tpu.memory_space<vmem>>
          %dma_wait3A_615 = tpu.memref_squeeze %dma_wait3A_614 : memref<1x64x384xf32, #tpu.memory_space<vmem>> -> memref<64x384xf32, #tpu.memory_space<vmem>>
          %dma_wait3A_616 = arith.constant 0 : i32
          %dma_wait3A_617 = arith.constant 0 : i32
          %dma_wait3A_618 = tpu.memref_slice %arg2[%dma_wait3A_616, %dma_wait3A_617] : memref<64x1000000xf32, #tpu.memory_space<hbm>> -> memref<64x384xf32, #tpu.memory_space<hbm>>
          tpu.wait_dma2 semaphore(%arg9 : memref<!tpu.dma_semaphore, #tpu.memory_space<semaphore_mem>>) src(%dma_wait3A_618 : memref<64x384xf32, #tpu.memory_space<hbm>>) dst(%dma_wait3A_615 : memref<64x384xf32, #tpu.memory_space<vmem>>)
        } else {
        }
        %ge3A = arith.constant 2 : i32
        %ge3A_120 = arith.cmpi sge, %add3A_83, %ge3A : i32
        %convert_element_type3A_121 = arith.extui %ge3A_120 : i1 to i32
        %cond3A_122 = arith.constant 0 : i32
        %cond3A_123 = arith.cmpi ne, %convert_element_type3A_121, %cond3A_122 : i32
        scf.if %cond3A_123 {
          %eq3A_605 = arith.constant 0 : i32
          %eq3A_606 = arith.cmpi eq, %select_n3A_103, %eq3A_605 : i32
          %convert_element_type3A_607 = arith.extui %eq3A_606 : i1 to i32
          %cond3A_608 = arith.constant 0 : i32
          %cond3A_609 = arith.cmpi ne, %convert_element_type3A_607, %cond3A_608 : i32
          scf.if %cond3A_609 {
            %dma_wait3A = arith.constant 0 : i32
            %dma_wait3A_615 = arith.constant 0 : i32
            %dma_wait3A_616 = tpu.memref_slice %arg7[%dma_wait3A, %dma_wait3A_615] : memref<2x24576xf32, #tpu.memory_space<vmem>> -> memref<1x24576xf32, #tpu.memory_space<vmem>>
            %dma_wait3A_617 = tpu.memref_squeeze %dma_wait3A_616 : memref<1x24576xf32, #tpu.memory_space<vmem>> -> memref<24576xf32, #tpu.memory_space<vmem>>
            %dma_wait3A_618 = arith.constant 0 : i32
            %dma_wait3A_619 = tpu.memref_slice %arg4[%dma_wait3A_618] : memref<64000000xf32, #tpu.memory_space<hbm>> -> memref<24576xf32, #tpu.memory_space<hbm>>
            %dma_wait3A_620 = arith.constant 0 : i32
            %dma_wait3A_621 = tpu.memref_slice %arg4[%dma_wait3A_620] : memref<64000000xf32, #tpu.memory_space<hbm>> -> memref<24576xf32, #tpu.memory_space<hbm>>
            %dma_wait3A_622 = arith.constant 0 : i32
            %dma_wait3A_623 = tpu.memref_slice %arg7[%dma_wait3A, %dma_wait3A_622] : memref<2x24576xf32, #tpu.memory_space<vmem>> -> memref<1x24576xf32, #tpu.memory_space<vmem>>
            %dma_wait3A_624 = tpu.memref_squeeze %dma_wait3A_623 : memref<1x24576xf32, #tpu.memory_space<vmem>> -> memref<24576xf32, #tpu.memory_space<vmem>>
            tpu.wait_dma2 semaphore(%arg10 : memref<!tpu.dma_semaphore, #tpu.memory_space<semaphore_mem>>) src(%dma_wait3A_624 : memref<24576xf32, #tpu.memory_space<vmem>>) dst(%dma_wait3A_621 : memref<24576xf32, #tpu.memory_space<hbm>>)
          } else {
          }
          %eq3A_610 = arith.constant 1 : i32
          %eq3A_611 = arith.cmpi eq, %select_n3A_103, %eq3A_610 : i32
          %convert_element_type3A_612 = arith.extui %eq3A_611 : i1 to i32
          %cond3A_613 = arith.constant 0 : i32
          %cond3A_614 = arith.cmpi ne, %convert_element_type3A_612, %cond3A_613 : i32
          scf.if %cond3A_614 {
            %dma_wait3A = arith.constant 1 : i32
            %dma_wait3A_615 = arith.constant 0 : i32
            %dma_wait3A_616 = tpu.memref_slice %arg7[%dma_wait3A, %dma_wait3A_615] : memref<2x24576xf32, #tpu.memory_space<vmem>> -> memref<1x24576xf32, #tpu.memory_space<vmem>>
            %dma_wait3A_617 = tpu.memref_squeeze %dma_wait3A_616 : memref<1x24576xf32, #tpu.memory_space<vmem>> -> memref<24576xf32, #tpu.memory_space<vmem>>
            %dma_wait3A_618 = arith.constant 0 : i32
            %dma_wait3A_619 = tpu.memref_slice %arg4[%dma_wait3A_618] : memref<64000000xf32, #tpu.memory_space<hbm>> -> memref<24576xf32, #tpu.memory_space<hbm>>
            %dma_wait3A_620 = arith.constant 0 : i32
            %dma_wait3A_621 = tpu.memref_slice %arg4[%dma_wait3A_620] : memref<64000000xf32, #tpu.memory_space<hbm>> -> memref<24576xf32, #tpu.memory_space<hbm>>
            %dma_wait3A_622 = arith.constant 0 : i32
            %dma_wait3A_623 = tpu.memref_slice %arg7[%dma_wait3A, %dma_wait3A_622] : memref<2x24576xf32, #tpu.memory_space<vmem>> -> memref<1x24576xf32, #tpu.memory_space<vmem>>
            %dma_wait3A_624 = tpu.memref_squeeze %dma_wait3A_623 : memref<1x24576xf32, #tpu.memory_space<vmem>> -> memref<24576xf32, #tpu.memory_space<vmem>>
            tpu.wait_dma2 semaphore(%arg11 : memref<!tpu.dma_semaphore, #tpu.memory_space<semaphore_mem>>) src(%dma_wait3A_624 : memref<24576xf32, #tpu.memory_space<vmem>>) dst(%dma_wait3A_621 : memref<24576xf32, #tpu.memory_space<hbm>>)
          } else {
          }
        } else {
        }
        %iota3A = tpu.iota {dimensions = array<i32: 0>} : vector<16xi32>
        %add3A_124 = arith.constant 0 : i32
        %add3A_125 = vector.broadcast %add3A_124 : i32 to vector<16xi32>
        %add3A_126 = arith.addi %iota3A, %add3A_125 : vector<16xi32>
        %jit3A_127 = arith.constant 16 : i32
        %eq3A_128 = arith.constant 0 : i32
        %eq3A_129 = arith.cmpi eq, %jit3A_127, %eq3A_128 : i32
        %jit3A_130 = arith.constant 1 : i32
        %select_n3A_131 = arith.select %eq3A_129, %jit3A_130, %jit3A_127 : i32
        %rem3A_132 = vector.broadcast %select_n3A_131 : i32 to vector<16xi32>
        %rem3A_133 = arith.remsi %add3A_126, %rem3A_132 : vector<16xi32>
        %ne3A_134 = arith.constant 0 : i32
        %ne3A_135 = vector.broadcast %ne3A_134 : i32 to vector<16xi32>
        %ne3A_136 = arith.cmpi ne, %rem3A_133, %ne3A_135 : vector<16xi32>
        %lt3A_137 = arith.constant 0 : i32
        %lt3A_138 = vector.broadcast %lt3A_137 : i32 to vector<16xi32>
        %lt3A_139 = arith.cmpi slt, %rem3A_133, %lt3A_138 : vector<16xi32>
        %lt3A_140 = arith.constant 0 : i32
        %lt3A_141 = arith.cmpi slt, %select_n3A_131, %lt3A_140 : i32
        %ne3A_142 = vector.broadcast %lt3A_141 : i1 to vector<16xi1>
        %ne3A_143 = vector.broadcast %ne3A_142 : vector<16xi1> to vector<16xi1>
        %ne3A_144 = arith.xori %lt3A_139, %ne3A_143 : vector<16xi1>
        %and3A_145 = arith.andi %ne3A_144, %ne3A_136 : vector<16xi1>
        %add3A_146 = vector.broadcast %select_n3A_131 : i32 to vector<16xi32>
        %add3A_147 = arith.addi %rem3A_133, %add3A_146 : vector<16xi32>
        %select_n3A_148 = arith.select %and3A_145, %add3A_147, %rem3A_133 : vector<16xi1>, vector<16xi32>
        %add3A_149 = arith.constant 1 : i32
        %add3A_150 = vector.broadcast %add3A_149 : i32 to vector<16xi32>
        %add3A_151 = arith.addi %iota3A, %add3A_150 : vector<16xi32>
        %jit3A_152 = arith.constant 16 : i32
        %eq3A_153 = arith.constant 0 : i32
        %eq3A_154 = arith.cmpi eq, %jit3A_152, %eq3A_153 : i32
        %jit3A_155 = arith.constant 1 : i32
        %select_n3A_156 = arith.select %eq3A_154, %jit3A_155, %jit3A_152 : i32
        %rem3A_157 = vector.broadcast %select_n3A_156 : i32 to vector<16xi32>
        %rem3A_158 = arith.remsi %add3A_151, %rem3A_157 : vector<16xi32>
        %ne3A_159 = arith.constant 0 : i32
        %ne3A_160 = vector.broadcast %ne3A_159 : i32 to vector<16xi32>
        %ne3A_161 = arith.cmpi ne, %rem3A_158, %ne3A_160 : vector<16xi32>
        %lt3A_162 = arith.constant 0 : i32
        %lt3A_163 = vector.broadcast %lt3A_162 : i32 to vector<16xi32>
        %lt3A_164 = arith.cmpi slt, %rem3A_158, %lt3A_163 : vector<16xi32>
        %lt3A_165 = arith.constant 0 : i32
        %lt3A_166 = arith.cmpi slt, %select_n3A_156, %lt3A_165 : i32
        %ne3A_167 = vector.broadcast %lt3A_166 : i1 to vector<16xi1>
        %ne3A_168 = vector.broadcast %ne3A_167 : vector<16xi1> to vector<16xi1>
        %ne3A_169 = arith.xori %lt3A_164, %ne3A_168 : vector<16xi1>
        %and3A_170 = arith.andi %ne3A_169, %ne3A_161 : vector<16xi1>
        %add3A_171 = vector.broadcast %select_n3A_156 : i32 to vector<16xi32>
        %add3A_172 = arith.addi %rem3A_158, %add3A_171 : vector<16xi32>
        %select_n3A_173 = arith.select %and3A_170, %add3A_172, %rem3A_158 : vector<16xi1>, vector<16xi32>
        %add3A_174 = arith.constant 2 : i32
        %add3A_175 = vector.broadcast %add3A_174 : i32 to vector<16xi32>
        %add3A_176 = arith.addi %iota3A, %add3A_175 : vector<16xi32>
        %jit3A_177 = arith.constant 16 : i32
        %eq3A_178 = arith.constant 0 : i32
        %eq3A_179 = arith.cmpi eq, %jit3A_177, %eq3A_178 : i32
        %jit3A_180 = arith.constant 1 : i32
        %select_n3A_181 = arith.select %eq3A_179, %jit3A_180, %jit3A_177 : i32
        %rem3A_182 = vector.broadcast %select_n3A_181 : i32 to vector<16xi32>
        %rem3A_183 = arith.remsi %add3A_176, %rem3A_182 : vector<16xi32>
        %ne3A_184 = arith.constant 0 : i32
        %ne3A_185 = vector.broadcast %ne3A_184 : i32 to vector<16xi32>
        %ne3A_186 = arith.cmpi ne, %rem3A_183, %ne3A_185 : vector<16xi32>
        %lt3A_187 = arith.constant 0 : i32
        %lt3A_188 = vector.broadcast %lt3A_187 : i32 to vector<16xi32>
        %lt3A_189 = arith.cmpi slt, %rem3A_183, %lt3A_188 : vector<16xi32>
        %lt3A_190 = arith.constant 0 : i32
        %lt3A_191 = arith.cmpi slt, %select_n3A_181, %lt3A_190 : i32
        %ne3A_192 = vector.broadcast %lt3A_191 : i1 to vector<16xi1>
        %ne3A_193 = vector.broadcast %ne3A_192 : vector<16xi1> to vector<16xi1>
        %ne3A_194 = arith.xori %lt3A_189, %ne3A_193 : vector<16xi1>
        %and3A_195 = arith.andi %ne3A_194, %ne3A_186 : vector<16xi1>
        %add3A_196 = vector.broadcast %select_n3A_181 : i32 to vector<16xi32>
        %add3A_197 = arith.addi %rem3A_183, %add3A_196 : vector<16xi32>
        %select_n3A_198 = arith.select %and3A_195, %add3A_197, %rem3A_183 : vector<16xi1>, vector<16xi32>
        %add3A_199 = arith.constant 3 : i32
        %add3A_200 = vector.broadcast %add3A_199 : i32 to vector<16xi32>
        %add3A_201 = arith.addi %iota3A, %add3A_200 : vector<16xi32>
        %jit3A_202 = arith.constant 16 : i32
        %eq3A_203 = arith.constant 0 : i32
        %eq3A_204 = arith.cmpi eq, %jit3A_202, %eq3A_203 : i32
        %jit3A_205 = arith.constant 1 : i32
        %select_n3A_206 = arith.select %eq3A_204, %jit3A_205, %jit3A_202 : i32
        %rem3A_207 = vector.broadcast %select_n3A_206 : i32 to vector<16xi32>
        %rem3A_208 = arith.remsi %add3A_201, %rem3A_207 : vector<16xi32>
        %ne3A_209 = arith.constant 0 : i32
        %ne3A_210 = vector.broadcast %ne3A_209 : i32 to vector<16xi32>
        %ne3A_211 = arith.cmpi ne, %rem3A_208, %ne3A_210 : vector<16xi32>
        %lt3A_212 = arith.constant 0 : i32
        %lt3A_213 = vector.broadcast %lt3A_212 : i32 to vector<16xi32>
        %lt3A_214 = arith.cmpi slt, %rem3A_208, %lt3A_213 : vector<16xi32>
        %lt3A_215 = arith.constant 0 : i32
        %lt3A_216 = arith.cmpi slt, %select_n3A_206, %lt3A_215 : i32
        %ne3A_217 = vector.broadcast %lt3A_216 : i1 to vector<16xi1>
        %ne3A_218 = vector.broadcast %ne3A_217 : vector<16xi1> to vector<16xi1>
        %ne3A_219 = arith.xori %lt3A_214, %ne3A_218 : vector<16xi1>
        %and3A_220 = arith.andi %ne3A_219, %ne3A_211 : vector<16xi1>
        %add3A_221 = vector.broadcast %select_n3A_206 : i32 to vector<16xi32>
        %add3A_222 = arith.addi %rem3A_208, %add3A_221 : vector<16xi32>
        %select_n3A_223 = arith.select %and3A_220, %add3A_222, %rem3A_208 : vector<16xi1>, vector<16xi32>
        %add3A_224 = arith.constant 4 : i32
        %add3A_225 = vector.broadcast %add3A_224 : i32 to vector<16xi32>
        %add3A_226 = arith.addi %iota3A, %add3A_225 : vector<16xi32>
        %jit3A_227 = arith.constant 16 : i32
        %eq3A_228 = arith.constant 0 : i32
        %eq3A_229 = arith.cmpi eq, %jit3A_227, %eq3A_228 : i32
        %jit3A_230 = arith.constant 1 : i32
        %select_n3A_231 = arith.select %eq3A_229, %jit3A_230, %jit3A_227 : i32
        %rem3A_232 = vector.broadcast %select_n3A_231 : i32 to vector<16xi32>
        %rem3A_233 = arith.remsi %add3A_226, %rem3A_232 : vector<16xi32>
        %ne3A_234 = arith.constant 0 : i32
        %ne3A_235 = vector.broadcast %ne3A_234 : i32 to vector<16xi32>
        %ne3A_236 = arith.cmpi ne, %rem3A_233, %ne3A_235 : vector<16xi32>
        %lt3A_237 = arith.constant 0 : i32
        %lt3A_238 = vector.broadcast %lt3A_237 : i32 to vector<16xi32>
        %lt3A_239 = arith.cmpi slt, %rem3A_233, %lt3A_238 : vector<16xi32>
        %lt3A_240 = arith.constant 0 : i32
        %lt3A_241 = arith.cmpi slt, %select_n3A_231, %lt3A_240 : i32
        %ne3A_242 = vector.broadcast %lt3A_241 : i1 to vector<16xi1>
        %ne3A_243 = vector.broadcast %ne3A_242 : vector<16xi1> to vector<16xi1>
        %ne3A_244 = arith.xori %lt3A_239, %ne3A_243 : vector<16xi1>
        %and3A_245 = arith.andi %ne3A_244, %ne3A_236 : vector<16xi1>
        %add3A_246 = vector.broadcast %select_n3A_231 : i32 to vector<16xi32>
        %add3A_247 = arith.addi %rem3A_233, %add3A_246 : vector<16xi32>
        %select_n3A_248 = arith.select %and3A_245, %add3A_247, %rem3A_233 : vector<16xi1>, vector<16xi32>
        %add3A_249 = arith.constant 5 : i32
        %add3A_250 = vector.broadcast %add3A_249 : i32 to vector<16xi32>
        %add3A_251 = arith.addi %iota3A, %add3A_250 : vector<16xi32>
        %jit3A_252 = arith.constant 16 : i32
        %eq3A_253 = arith.constant 0 : i32
        %eq3A_254 = arith.cmpi eq, %jit3A_252, %eq3A_253 : i32
        %jit3A_255 = arith.constant 1 : i32
        %select_n3A_256 = arith.select %eq3A_254, %jit3A_255, %jit3A_252 : i32
        %rem3A_257 = vector.broadcast %select_n3A_256 : i32 to vector<16xi32>
        %rem3A_258 = arith.remsi %add3A_251, %rem3A_257 : vector<16xi32>
        %ne3A_259 = arith.constant 0 : i32
        %ne3A_260 = vector.broadcast %ne3A_259 : i32 to vector<16xi32>
        %ne3A_261 = arith.cmpi ne, %rem3A_258, %ne3A_260 : vector<16xi32>
        %lt3A_262 = arith.constant 0 : i32
        %lt3A_263 = vector.broadcast %lt3A_262 : i32 to vector<16xi32>
        %lt3A_264 = arith.cmpi slt, %rem3A_258, %lt3A_263 : vector<16xi32>
        %lt3A_265 = arith.constant 0 : i32
        %lt3A_266 = arith.cmpi slt, %select_n3A_256, %lt3A_265 : i32
        %ne3A_267 = vector.broadcast %lt3A_266 : i1 to vector<16xi1>
        %ne3A_268 = vector.broadcast %ne3A_267 : vector<16xi1> to vector<16xi1>
        %ne3A_269 = arith.xori %lt3A_264, %ne3A_268 : vector<16xi1>
        %and3A_270 = arith.andi %ne3A_269, %ne3A_261 : vector<16xi1>
        %add3A_271 = vector.broadcast %select_n3A_256 : i32 to vector<16xi32>
        %add3A_272 = arith.addi %rem3A_258, %add3A_271 : vector<16xi32>
        %select_n3A_273 = arith.select %and3A_270, %add3A_272, %rem3A_258 : vector<16xi1>, vector<16xi32>
        %add3A_274 = arith.constant 6 : i32
        %add3A_275 = vector.broadcast %add3A_274 : i32 to vector<16xi32>
        %add3A_276 = arith.addi %iota3A, %add3A_275 : vector<16xi32>
        %jit3A_277 = arith.constant 16 : i32
        %eq3A_278 = arith.constant 0 : i32
        %eq3A_279 = arith.cmpi eq, %jit3A_277, %eq3A_278 : i32
        %jit3A_280 = arith.constant 1 : i32
        %select_n3A_281 = arith.select %eq3A_279, %jit3A_280, %jit3A_277 : i32
        %rem3A_282 = vector.broadcast %select_n3A_281 : i32 to vector<16xi32>
        %rem3A_283 = arith.remsi %add3A_276, %rem3A_282 : vector<16xi32>
        %ne3A_284 = arith.constant 0 : i32
        %ne3A_285 = vector.broadcast %ne3A_284 : i32 to vector<16xi32>
        %ne3A_286 = arith.cmpi ne, %rem3A_283, %ne3A_285 : vector<16xi32>
        %lt3A_287 = arith.constant 0 : i32
        %lt3A_288 = vector.broadcast %lt3A_287 : i32 to vector<16xi32>
        %lt3A_289 = arith.cmpi slt, %rem3A_283, %lt3A_288 : vector<16xi32>
        %lt3A_290 = arith.constant 0 : i32
        %lt3A_291 = arith.cmpi slt, %select_n3A_281, %lt3A_290 : i32
        %ne3A_292 = vector.broadcast %lt3A_291 : i1 to vector<16xi1>
        %ne3A_293 = vector.broadcast %ne3A_292 : vector<16xi1> to vector<16xi1>
        %ne3A_294 = arith.xori %lt3A_289, %ne3A_293 : vector<16xi1>
        %and3A_295 = arith.andi %ne3A_294, %ne3A_286 : vector<16xi1>
        %add3A_296 = vector.broadcast %select_n3A_281 : i32 to vector<16xi32>
        %add3A_297 = arith.addi %rem3A_283, %add3A_296 : vector<16xi32>
        %select_n3A_298 = arith.select %and3A_295, %add3A_297, %rem3A_283 : vector<16xi1>, vector<16xi32>
        %add3A_299 = arith.constant 7 : i32
        %add3A_300 = vector.broadcast %add3A_299 : i32 to vector<16xi32>
        %add3A_301 = arith.addi %iota3A, %add3A_300 : vector<16xi32>
        %jit3A_302 = arith.constant 16 : i32
        %eq3A_303 = arith.constant 0 : i32
        %eq3A_304 = arith.cmpi eq, %jit3A_302, %eq3A_303 : i32
        %jit3A_305 = arith.constant 1 : i32
        %select_n3A_306 = arith.select %eq3A_304, %jit3A_305, %jit3A_302 : i32
        %rem3A_307 = vector.broadcast %select_n3A_306 : i32 to vector<16xi32>
        %rem3A_308 = arith.remsi %add3A_301, %rem3A_307 : vector<16xi32>
        %ne3A_309 = arith.constant 0 : i32
        %ne3A_310 = vector.broadcast %ne3A_309 : i32 to vector<16xi32>
        %ne3A_311 = arith.cmpi ne, %rem3A_308, %ne3A_310 : vector<16xi32>
        %lt3A_312 = arith.constant 0 : i32
        %lt3A_313 = vector.broadcast %lt3A_312 : i32 to vector<16xi32>
        %lt3A_314 = arith.cmpi slt, %rem3A_308, %lt3A_313 : vector<16xi32>
        %lt3A_315 = arith.constant 0 : i32
        %lt3A_316 = arith.cmpi slt, %select_n3A_306, %lt3A_315 : i32
        %ne3A_317 = vector.broadcast %lt3A_316 : i1 to vector<16xi1>
        %ne3A_318 = vector.broadcast %ne3A_317 : vector<16xi1> to vector<16xi1>
        %ne3A_319 = arith.xori %lt3A_314, %ne3A_318 : vector<16xi1>
        %and3A_320 = arith.andi %ne3A_319, %ne3A_311 : vector<16xi1>
        %add3A_321 = vector.broadcast %select_n3A_306 : i32 to vector<16xi32>
        %add3A_322 = arith.addi %rem3A_308, %add3A_321 : vector<16xi32>
        %select_n3A_323 = arith.select %and3A_320, %add3A_322, %rem3A_308 : vector<16xi1>, vector<16xi32>
        %add3A_324 = arith.constant 8 : i32
        %add3A_325 = vector.broadcast %add3A_324 : i32 to vector<16xi32>
        %add3A_326 = arith.addi %iota3A, %add3A_325 : vector<16xi32>
        %jit3A_327 = arith.constant 16 : i32
        %eq3A_328 = arith.constant 0 : i32
        %eq3A_329 = arith.cmpi eq, %jit3A_327, %eq3A_328 : i32
        %jit3A_330 = arith.constant 1 : i32
        %select_n3A_331 = arith.select %eq3A_329, %jit3A_330, %jit3A_327 : i32
        %rem3A_332 = vector.broadcast %select_n3A_331 : i32 to vector<16xi32>
        %rem3A_333 = arith.remsi %add3A_326, %rem3A_332 : vector<16xi32>
        %ne3A_334 = arith.constant 0 : i32
        %ne3A_335 = vector.broadcast %ne3A_334 : i32 to vector<16xi32>
        %ne3A_336 = arith.cmpi ne, %rem3A_333, %ne3A_335 : vector<16xi32>
        %lt3A_337 = arith.constant 0 : i32
        %lt3A_338 = vector.broadcast %lt3A_337 : i32 to vector<16xi32>
        %lt3A_339 = arith.cmpi slt, %rem3A_333, %lt3A_338 : vector<16xi32>
        %lt3A_340 = arith.constant 0 : i32
        %lt3A_341 = arith.cmpi slt, %select_n3A_331, %lt3A_340 : i32
        %ne3A_342 = vector.broadcast %lt3A_341 : i1 to vector<16xi1>
        %ne3A_343 = vector.broadcast %ne3A_342 : vector<16xi1> to vector<16xi1>
        %ne3A_344 = arith.xori %lt3A_339, %ne3A_343 : vector<16xi1>
        %and3A_345 = arith.andi %ne3A_344, %ne3A_336 : vector<16xi1>
        %add3A_346 = vector.broadcast %select_n3A_331 : i32 to vector<16xi32>
        %add3A_347 = arith.addi %rem3A_333, %add3A_346 : vector<16xi32>
        %select_n3A_348 = arith.select %and3A_345, %add3A_347, %rem3A_333 : vector<16xi1>, vector<16xi32>
        %add3A_349 = arith.constant 9 : i32
        %add3A_350 = vector.broadcast %add3A_349 : i32 to vector<16xi32>
        %add3A_351 = arith.addi %iota3A, %add3A_350 : vector<16xi32>
        %jit3A_352 = arith.constant 16 : i32
        %eq3A_353 = arith.constant 0 : i32
        %eq3A_354 = arith.cmpi eq, %jit3A_352, %eq3A_353 : i32
        %jit3A_355 = arith.constant 1 : i32
        %select_n3A_356 = arith.select %eq3A_354, %jit3A_355, %jit3A_352 : i32
        %rem3A_357 = vector.broadcast %select_n3A_356 : i32 to vector<16xi32>
        %rem3A_358 = arith.remsi %add3A_351, %rem3A_357 : vector<16xi32>
        %ne3A_359 = arith.constant 0 : i32
        %ne3A_360 = vector.broadcast %ne3A_359 : i32 to vector<16xi32>
        %ne3A_361 = arith.cmpi ne, %rem3A_358, %ne3A_360 : vector<16xi32>
        %lt3A_362 = arith.constant 0 : i32
        %lt3A_363 = vector.broadcast %lt3A_362 : i32 to vector<16xi32>
        %lt3A_364 = arith.cmpi slt, %rem3A_358, %lt3A_363 : vector<16xi32>
        %lt3A_365 = arith.constant 0 : i32
        %lt3A_366 = arith.cmpi slt, %select_n3A_356, %lt3A_365 : i32
        %ne3A_367 = vector.broadcast %lt3A_366 : i1 to vector<16xi1>
        %ne3A_368 = vector.broadcast %ne3A_367 : vector<16xi1> to vector<16xi1>
        %ne3A_369 = arith.xori %lt3A_364, %ne3A_368 : vector<16xi1>
        %and3A_370 = arith.andi %ne3A_369, %ne3A_361 : vector<16xi1>
        %add3A_371 = vector.broadcast %select_n3A_356 : i32 to vector<16xi32>
        %add3A_372 = arith.addi %rem3A_358, %add3A_371 : vector<16xi32>
        %select_n3A_373 = arith.select %and3A_370, %add3A_372, %rem3A_358 : vector<16xi1>, vector<16xi32>
        %add3A_374 = arith.constant 10 : i32
        %add3A_375 = vector.broadcast %add3A_374 : i32 to vector<16xi32>
        %add3A_376 = arith.addi %iota3A, %add3A_375 : vector<16xi32>
        %jit3A_377 = arith.constant 16 : i32
        %eq3A_378 = arith.constant 0 : i32
        %eq3A_379 = arith.cmpi eq, %jit3A_377, %eq3A_378 : i32
        %jit3A_380 = arith.constant 1 : i32
        %select_n3A_381 = arith.select %eq3A_379, %jit3A_380, %jit3A_377 : i32
        %rem3A_382 = vector.broadcast %select_n3A_381 : i32 to vector<16xi32>
        %rem3A_383 = arith.remsi %add3A_376, %rem3A_382 : vector<16xi32>
        %ne3A_384 = arith.constant 0 : i32
        %ne3A_385 = vector.broadcast %ne3A_384 : i32 to vector<16xi32>
        %ne3A_386 = arith.cmpi ne, %rem3A_383, %ne3A_385 : vector<16xi32>
        %lt3A_387 = arith.constant 0 : i32
        %lt3A_388 = vector.broadcast %lt3A_387 : i32 to vector<16xi32>
        %lt3A_389 = arith.cmpi slt, %rem3A_383, %lt3A_388 : vector<16xi32>
        %lt3A_390 = arith.constant 0 : i32
        %lt3A_391 = arith.cmpi slt, %select_n3A_381, %lt3A_390 : i32
        %ne3A_392 = vector.broadcast %lt3A_391 : i1 to vector<16xi1>
        %ne3A_393 = vector.broadcast %ne3A_392 : vector<16xi1> to vector<16xi1>
        %ne3A_394 = arith.xori %lt3A_389, %ne3A_393 : vector<16xi1>
        %and3A_395 = arith.andi %ne3A_394, %ne3A_386 : vector<16xi1>
        %add3A_396 = vector.broadcast %select_n3A_381 : i32 to vector<16xi32>
        %add3A_397 = arith.addi %rem3A_383, %add3A_396 : vector<16xi32>
        %select_n3A_398 = arith.select %and3A_395, %add3A_397, %rem3A_383 : vector<16xi1>, vector<16xi32>
        %add3A_399 = arith.constant 11 : i32
        %add3A_400 = vector.broadcast %add3A_399 : i32 to vector<16xi32>
        %add3A_401 = arith.addi %iota3A, %add3A_400 : vector<16xi32>
        %jit3A_402 = arith.constant 16 : i32
        %eq3A_403 = arith.constant 0 : i32
        %eq3A_404 = arith.cmpi eq, %jit3A_402, %eq3A_403 : i32
        %jit3A_405 = arith.constant 1 : i32
        %select_n3A_406 = arith.select %eq3A_404, %jit3A_405, %jit3A_402 : i32
        %rem3A_407 = vector.broadcast %select_n3A_406 : i32 to vector<16xi32>
        %rem3A_408 = arith.remsi %add3A_401, %rem3A_407 : vector<16xi32>
        %ne3A_409 = arith.constant 0 : i32
        %ne3A_410 = vector.broadcast %ne3A_409 : i32 to vector<16xi32>
        %ne3A_411 = arith.cmpi ne, %rem3A_408, %ne3A_410 : vector<16xi32>
        %lt3A_412 = arith.constant 0 : i32
        %lt3A_413 = vector.broadcast %lt3A_412 : i32 to vector<16xi32>
        %lt3A_414 = arith.cmpi slt, %rem3A_408, %lt3A_413 : vector<16xi32>
        %lt3A_415 = arith.constant 0 : i32
        %lt3A_416 = arith.cmpi slt, %select_n3A_406, %lt3A_415 : i32
        %ne3A_417 = vector.broadcast %lt3A_416 : i1 to vector<16xi1>
        %ne3A_418 = vector.broadcast %ne3A_417 : vector<16xi1> to vector<16xi1>
        %ne3A_419 = arith.xori %lt3A_414, %ne3A_418 : vector<16xi1>
        %and3A_420 = arith.andi %ne3A_419, %ne3A_411 : vector<16xi1>
        %add3A_421 = vector.broadcast %select_n3A_406 : i32 to vector<16xi32>
        %add3A_422 = arith.addi %rem3A_408, %add3A_421 : vector<16xi32>
        %select_n3A_423 = arith.select %and3A_420, %add3A_422, %rem3A_408 : vector<16xi1>, vector<16xi32>
        %add3A_424 = arith.constant 12 : i32
        %add3A_425 = vector.broadcast %add3A_424 : i32 to vector<16xi32>
        %add3A_426 = arith.addi %iota3A, %add3A_425 : vector<16xi32>
        %jit3A_427 = arith.constant 16 : i32
        %eq3A_428 = arith.constant 0 : i32
        %eq3A_429 = arith.cmpi eq, %jit3A_427, %eq3A_428 : i32
        %jit3A_430 = arith.constant 1 : i32
        %select_n3A_431 = arith.select %eq3A_429, %jit3A_430, %jit3A_427 : i32
        %rem3A_432 = vector.broadcast %select_n3A_431 : i32 to vector<16xi32>
        %rem3A_433 = arith.remsi %add3A_426, %rem3A_432 : vector<16xi32>
        %ne3A_434 = arith.constant 0 : i32
        %ne3A_435 = vector.broadcast %ne3A_434 : i32 to vector<16xi32>
        %ne3A_436 = arith.cmpi ne, %rem3A_433, %ne3A_435 : vector<16xi32>
        %lt3A_437 = arith.constant 0 : i32
        %lt3A_438 = vector.broadcast %lt3A_437 : i32 to vector<16xi32>
        %lt3A_439 = arith.cmpi slt, %rem3A_433, %lt3A_438 : vector<16xi32>
        %lt3A_440 = arith.constant 0 : i32
        %lt3A_441 = arith.cmpi slt, %select_n3A_431, %lt3A_440 : i32
        %ne3A_442 = vector.broadcast %lt3A_441 : i1 to vector<16xi1>
        %ne3A_443 = vector.broadcast %ne3A_442 : vector<16xi1> to vector<16xi1>
        %ne3A_444 = arith.xori %lt3A_439, %ne3A_443 : vector<16xi1>
        %and3A_445 = arith.andi %ne3A_444, %ne3A_436 : vector<16xi1>
        %add3A_446 = vector.broadcast %select_n3A_431 : i32 to vector<16xi32>
        %add3A_447 = arith.addi %rem3A_433, %add3A_446 : vector<16xi32>
        %select_n3A_448 = arith.select %and3A_445, %add3A_447, %rem3A_433 : vector<16xi1>, vector<16xi32>
        %add3A_449 = arith.constant 13 : i32
        %add3A_450 = vector.broadcast %add3A_449 : i32 to vector<16xi32>
        %add3A_451 = arith.addi %iota3A, %add3A_450 : vector<16xi32>
        %jit3A_452 = arith.constant 16 : i32
        %eq3A_453 = arith.constant 0 : i32
        %eq3A_454 = arith.cmpi eq, %jit3A_452, %eq3A_453 : i32
        %jit3A_455 = arith.constant 1 : i32
        %select_n3A_456 = arith.select %eq3A_454, %jit3A_455, %jit3A_452 : i32
        %rem3A_457 = vector.broadcast %select_n3A_456 : i32 to vector<16xi32>
        %rem3A_458 = arith.remsi %add3A_451, %rem3A_457 : vector<16xi32>
        %ne3A_459 = arith.constant 0 : i32
        %ne3A_460 = vector.broadcast %ne3A_459 : i32 to vector<16xi32>
        %ne3A_461 = arith.cmpi ne, %rem3A_458, %ne3A_460 : vector<16xi32>
        %lt3A_462 = arith.constant 0 : i32
        %lt3A_463 = vector.broadcast %lt3A_462 : i32 to vector<16xi32>
        %lt3A_464 = arith.cmpi slt, %rem3A_458, %lt3A_463 : vector<16xi32>
        %lt3A_465 = arith.constant 0 : i32
        %lt3A_466 = arith.cmpi slt, %select_n3A_456, %lt3A_465 : i32
        %ne3A_467 = vector.broadcast %lt3A_466 : i1 to vector<16xi1>
        %ne3A_468 = vector.broadcast %ne3A_467 : vector<16xi1> to vector<16xi1>
        %ne3A_469 = arith.xori %lt3A_464, %ne3A_468 : vector<16xi1>
        %and3A_470 = arith.andi %ne3A_469, %ne3A_461 : vector<16xi1>
        %add3A_471 = vector.broadcast %select_n3A_456 : i32 to vector<16xi32>
        %add3A_472 = arith.addi %rem3A_458, %add3A_471 : vector<16xi32>
        %select_n3A_473 = arith.select %and3A_470, %add3A_472, %rem3A_458 : vector<16xi1>, vector<16xi32>
        %add3A_474 = arith.constant 14 : i32
        %add3A_475 = vector.broadcast %add3A_474 : i32 to vector<16xi32>
        %add3A_476 = arith.addi %iota3A, %add3A_475 : vector<16xi32>
        %jit3A_477 = arith.constant 16 : i32
        %eq3A_478 = arith.constant 0 : i32
        %eq3A_479 = arith.cmpi eq, %jit3A_477, %eq3A_478 : i32
        %jit3A_480 = arith.constant 1 : i32
        %select_n3A_481 = arith.select %eq3A_479, %jit3A_480, %jit3A_477 : i32
        %rem3A_482 = vector.broadcast %select_n3A_481 : i32 to vector<16xi32>
        %rem3A_483 = arith.remsi %add3A_476, %rem3A_482 : vector<16xi32>
        %ne3A_484 = arith.constant 0 : i32
        %ne3A_485 = vector.broadcast %ne3A_484 : i32 to vector<16xi32>
        %ne3A_486 = arith.cmpi ne, %rem3A_483, %ne3A_485 : vector<16xi32>
        %lt3A_487 = arith.constant 0 : i32
        %lt3A_488 = vector.broadcast %lt3A_487 : i32 to vector<16xi32>
        %lt3A_489 = arith.cmpi slt, %rem3A_483, %lt3A_488 : vector<16xi32>
        %lt3A_490 = arith.constant 0 : i32
        %lt3A_491 = arith.cmpi slt, %select_n3A_481, %lt3A_490 : i32
        %ne3A_492 = vector.broadcast %lt3A_491 : i1 to vector<16xi1>
        %ne3A_493 = vector.broadcast %ne3A_492 : vector<16xi1> to vector<16xi1>
        %ne3A_494 = arith.xori %lt3A_489, %ne3A_493 : vector<16xi1>
        %and3A_495 = arith.andi %ne3A_494, %ne3A_486 : vector<16xi1>
        %add3A_496 = vector.broadcast %select_n3A_481 : i32 to vector<16xi32>
        %add3A_497 = arith.addi %rem3A_483, %add3A_496 : vector<16xi32>
        %select_n3A_498 = arith.select %and3A_495, %add3A_497, %rem3A_483 : vector<16xi1>, vector<16xi32>
        %add3A_499 = arith.constant 15 : i32
        %add3A_500 = vector.broadcast %add3A_499 : i32 to vector<16xi32>
        %add3A_501 = arith.addi %iota3A, %add3A_500 : vector<16xi32>
        %jit3A_502 = arith.constant 16 : i32
        %eq3A_503 = arith.constant 0 : i32
        %eq3A_504 = arith.cmpi eq, %jit3A_502, %eq3A_503 : i32
        %jit3A_505 = arith.constant 1 : i32
        %select_n3A_506 = arith.select %eq3A_504, %jit3A_505, %jit3A_502 : i32
        %rem3A_507 = vector.broadcast %select_n3A_506 : i32 to vector<16xi32>
        %rem3A_508 = arith.remsi %add3A_501, %rem3A_507 : vector<16xi32>
        %ne3A_509 = arith.constant 0 : i32
        %ne3A_510 = vector.broadcast %ne3A_509 : i32 to vector<16xi32>
        %ne3A_511 = arith.cmpi ne, %rem3A_508, %ne3A_510 : vector<16xi32>
        %lt3A_512 = arith.constant 0 : i32
        %lt3A_513 = vector.broadcast %lt3A_512 : i32 to vector<16xi32>
        %lt3A_514 = arith.cmpi slt, %rem3A_508, %lt3A_513 : vector<16xi32>
        %lt3A_515 = arith.constant 0 : i32
        %lt3A_516 = arith.cmpi slt, %select_n3A_506, %lt3A_515 : i32
        %ne3A_517 = vector.broadcast %lt3A_516 : i1 to vector<16xi1>
        %ne3A_518 = vector.broadcast %ne3A_517 : vector<16xi1> to vector<16xi1>
        %ne3A_519 = arith.xori %lt3A_514, %ne3A_518 : vector<16xi1>
        %and3A_520 = arith.andi %ne3A_519, %ne3A_511 : vector<16xi1>
        %add3A_521 = vector.broadcast %select_n3A_506 : i32 to vector<16xi32>
        %add3A_522 = arith.addi %rem3A_508, %add3A_521 : vector<16xi32>
        %select_n3A_523 = arith.select %and3A_520, %add3A_522, %rem3A_508 : vector<16xi1>, vector<16xi32>
        %mul3A_524 = arith.constant 64 : i32
        %mul3A_525 = vector.broadcast %mul3A_524 : i32 to vector<16xi32>
        %mul3A_526 = arith.muli %select_n3A_148, %mul3A_525 : vector<16xi32>
        %add3A_527 = arith.addi %mul3A_526, %iota3A : vector<16xi32>
        %mul3A_528 = arith.constant 64 : i32
        %mul3A_529 = vector.broadcast %mul3A_528 : i32 to vector<16xi32>
        %mul3A_530 = arith.muli %select_n3A_173, %mul3A_529 : vector<16xi32>
        %add3A_531 = arith.addi %mul3A_530, %iota3A : vector<16xi32>
        %mul3A_532 = arith.constant 64 : i32
        %mul3A_533 = vector.broadcast %mul3A_532 : i32 to vector<16xi32>
        %mul3A_534 = arith.muli %select_n3A_198, %mul3A_533 : vector<16xi32>
        %add3A_535 = arith.addi %mul3A_534, %iota3A : vector<16xi32>
        %mul3A_536 = arith.constant 64 : i32
        %mul3A_537 = vector.broadcast %mul3A_536 : i32 to vector<16xi32>
        %mul3A_538 = arith.muli %select_n3A_223, %mul3A_537 : vector<16xi32>
        %add3A_539 = arith.addi %mul3A_538, %iota3A : vector<16xi32>
        %mul3A_540 = arith.constant 64 : i32
        %mul3A_541 = vector.broadcast %mul3A_540 : i32 to vector<16xi32>
        %mul3A_542 = arith.muli %select_n3A_248, %mul3A_541 : vector<16xi32>
        %add3A_543 = arith.addi %mul3A_542, %iota3A : vector<16xi32>
        %mul3A_544 = arith.constant 64 : i32
        %mul3A_545 = vector.broadcast %mul3A_544 : i32 to vector<16xi32>
        %mul3A_546 = arith.muli %select_n3A_273, %mul3A_545 : vector<16xi32>
        %add3A_547 = arith.addi %mul3A_546, %iota3A : vector<16xi32>
        %mul3A_548 = arith.constant 64 : i32
        %mul3A_549 = vector.broadcast %mul3A_548 : i32 to vector<16xi32>
        %mul3A_550 = arith.muli %select_n3A_298, %mul3A_549 : vector<16xi32>
        %add3A_551 = arith.addi %mul3A_550, %iota3A : vector<16xi32>
        %mul3A_552 = arith.constant 64 : i32
        %mul3A_553 = vector.broadcast %mul3A_552 : i32 to vector<16xi32>
        %mul3A_554 = arith.muli %select_n3A_323, %mul3A_553 : vector<16xi32>
        %add3A_555 = arith.addi %mul3A_554, %iota3A : vector<16xi32>
        %mul3A_556 = arith.constant 64 : i32
        %mul3A_557 = vector.broadcast %mul3A_556 : i32 to vector<16xi32>
        %mul3A_558 = arith.muli %select_n3A_348, %mul3A_557 : vector<16xi32>
        %add3A_559 = arith.addi %mul3A_558, %iota3A : vector<16xi32>
        %mul3A_560 = arith.constant 64 : i32
        %mul3A_561 = vector.broadcast %mul3A_560 : i32 to vector<16xi32>
        %mul3A_562 = arith.muli %select_n3A_373, %mul3A_561 : vector<16xi32>
        %add3A_563 = arith.addi %mul3A_562, %iota3A : vector<16xi32>
        %mul3A_564 = arith.constant 64 : i32
        %mul3A_565 = vector.broadcast %mul3A_564 : i32 to vector<16xi32>
        %mul3A_566 = arith.muli %select_n3A_398, %mul3A_565 : vector<16xi32>
        %add3A_567 = arith.addi %mul3A_566, %iota3A : vector<16xi32>
        %mul3A_568 = arith.constant 64 : i32
        %mul3A_569 = vector.broadcast %mul3A_568 : i32 to vector<16xi32>
        %mul3A_570 = arith.muli %select_n3A_423, %mul3A_569 : vector<16xi32>
        %add3A_571 = arith.addi %mul3A_570, %iota3A : vector<16xi32>
        %mul3A_572 = arith.constant 64 : i32
        %mul3A_573 = vector.broadcast %mul3A_572 : i32 to vector<16xi32>
        %mul3A_574 = arith.muli %select_n3A_448, %mul3A_573 : vector<16xi32>
        %add3A_575 = arith.addi %mul3A_574, %iota3A : vector<16xi32>
        %mul3A_576 = arith.constant 64 : i32
        %mul3A_577 = vector.broadcast %mul3A_576 : i32 to vector<16xi32>
        %mul3A_578 = arith.muli %select_n3A_473, %mul3A_577 : vector<16xi32>
        %add3A_579 = arith.addi %mul3A_578, %iota3A : vector<16xi32>
        %mul3A_580 = arith.constant 64 : i32
        %mul3A_581 = vector.broadcast %mul3A_580 : i32 to vector<16xi32>
        %mul3A_582 = arith.muli %select_n3A_498, %mul3A_581 : vector<16xi32>
        %add3A_583 = arith.addi %mul3A_582, %iota3A : vector<16xi32>
        %mul3A_584 = arith.constant 64 : i32
        %mul3A_585 = vector.broadcast %mul3A_584 : i32 to vector<16xi32>
        %mul3A_586 = arith.muli %select_n3A_523, %mul3A_585 : vector<16xi32>
        %add3A_587 = arith.addi %mul3A_586, %iota3A : vector<16xi32>
        %broadcast_in_dim3A = vector.broadcast %select_n3A_103 : i32 to vector<16xi32>
        %broadcast_in_dim3A_588 = vector.broadcast %select_n3A_103 : i32 to vector<16xi32>
        %scan3A_589 = arith.constant 0 : i32
        %scan3A_590 = arith.constant 24 : i32
        %scan3A_591 = arith.addi %scan3A_589, %scan3A_590 : i32
        %scan3A_592 = arith.constant 2 : i32
        scf.for %scan3A_605 = %scan3A_589 to %scan3A_591 step %scan3A_592  : i32 {
          %mul3A_606 = arith.constant 16 : i32
          %mul3A_607 = arith.muli %scan3A_605, %mul3A_606 : i32
          %add3A_608 = arith.constant 0 : i32
          %add3A_609 = arith.addi %add3A_608, %mul3A_607 : i32
          %broadcast_in_dim3A_610 = vector.broadcast %add3A_609 : i32 to vector<16xi32>
          %scan3A_611 = arith.constant 0 : i32
          %scan3A_612 = arith.constant 4 : i32
          %scan3A_613 = arith.addi %scan3A_611, %scan3A_612 : i32
          %scan3A_614 = arith.constant 2 : i32
          scf.for %scan3A_628 = %scan3A_611 to %scan3A_613 step %scan3A_614  : i32 {
            %mul3A_629 = arith.constant 16 : i32
            %mul3A_630 = arith.muli %scan3A_628, %mul3A_629 : i32
            %add3A_631 = arith.constant 0 : i32
            %add3A_632 = arith.addi %add3A_631, %mul3A_630 : i32
            %add3A_633 = vector.broadcast %add3A_632 : i32 to vector<16xi32>
            %add3A_634 = arith.addi %iota3A, %add3A_633 : vector<16xi32>
            %mul3A_635 = arith.constant 64 : i32
            %mul3A_636 = arith.muli %add3A_609, %mul3A_635 : i32
            %add3A_637 = arith.addi %mul3A_636, %add3A_632 : i32
            %add3A_638 = arith.addi %broadcast_in_dim3A_610, %select_n3A_148 : vector<16xi32>
            %gather3A = tpu.vector_load_idx %arg5[%broadcast_in_dim3A_588, %add3A_634, %add3A_638] : memref<2x64x384xf32, #tpu.memory_space<vmem>>[vector<16xi32>, vector<16xi32>, vector<16xi32>], vector<16xf32>,
            %add3A_639 = arith.addi %broadcast_in_dim3A_610, %select_n3A_173 : vector<16xi32>
            %gather3A_640 = tpu.vector_load_idx %arg5[%broadcast_in_dim3A_588, %add3A_634, %add3A_639] : memref<2x64x384xf32, #tpu.memory_space<vmem>>[vector<16xi32>, vector<16xi32>, vector<16xi32>], vector<16xf32>,
            %add3A_641 = arith.addi %broadcast_in_dim3A_610, %select_n3A_198 : vector<16xi32>
            %gather3A_642 = tpu.vector_load_idx %arg5[%broadcast_in_dim3A_588, %add3A_634, %add3A_641] : memref<2x64x384xf32, #tpu.memory_space<vmem>>[vector<16xi32>, vector<16xi32>, vector<16xi32>], vector<16xf32>,
            %add3A_643 = vector.broadcast %add3A_637 : i32 to vector<16xi32>
            %add3A_644 = arith.addi %add3A_527, %add3A_643 : vector<16xi32>
            tpu.vector_store_idx %arg7[%broadcast_in_dim3A, %add3A_644], %gather3A : memref<2x24576xf32, #tpu.memory_space<vmem>>[vector<16xi32>, vector<16xi32>], vector<16xf32>,
            %add3A_645 = arith.addi %broadcast_in_dim3A_610, %select_n3A_223 : vector<16xi32>
            %gather3A_646 = tpu.vector_load_idx %arg5[%broadcast_in_dim3A_588, %add3A_634, %add3A_645] : memref<2x64x384xf32, #tpu.memory_space<vmem>>[vector<16xi32>, vector<16xi32>, vector<16xi32>], vector<16xf32>,
            %add3A_647 = vector.broadcast %add3A_637 : i32 to vector<16xi32>
            %add3A_648 = arith.addi %add3A_531, %add3A_647 : vector<16xi32>
            tpu.vector_store_idx %arg7[%broadcast_in_dim3A, %add3A_648], %gather3A_640 : memref<2x24576xf32, #tpu.memory_space<vmem>>[vector<16xi32>, vector<16xi32>], vector<16xf32>,
            %add3A_649 = arith.addi %broadcast_in_dim3A_610, %select_n3A_248 : vector<16xi32>
            %gather3A_650 = tpu.vector_load_idx %arg5[%broadcast_in_dim3A_588, %add3A_634, %add3A_649] : memref<2x64x384xf32, #tpu.memory_space<vmem>>[vector<16xi32>, vector<16xi32>, vector<16xi32>], vector<16xf32>,
            %add3A_651 = vector.broadcast %add3A_637 : i32 to vector<16xi32>
            %add3A_652 = arith.addi %add3A_535, %add3A_651 : vector<16xi32>
            tpu.vector_store_idx %arg7[%broadcast_in_dim3A, %add3A_652], %gather3A_642 : memref<2x24576xf32, #tpu.memory_space<vmem>>[vector<16xi32>, vector<16xi32>], vector<16xf32>,
            %add3A_653 = arith.addi %broadcast_in_dim3A_610, %select_n3A_273 : vector<16xi32>
            %gather3A_654 = tpu.vector_load_idx %arg5[%broadcast_in_dim3A_588, %add3A_634, %add3A_653] : memref<2x64x384xf32, #tpu.memory_space<vmem>>[vector<16xi32>, vector<16xi32>, vector<16xi32>], vector<16xf32>,
            %add3A_655 = vector.broadcast %add3A_637 : i32 to vector<16xi32>
            %add3A_656 = arith.addi %add3A_539, %add3A_655 : vector<16xi32>
            tpu.vector_store_idx %arg7[%broadcast_in_dim3A, %add3A_656], %gather3A_646 : memref<2x24576xf32, #tpu.memory_space<vmem>>[vector<16xi32>, vector<16xi32>], vector<16xf32>,
            %add3A_657 = arith.addi %broadcast_in_dim3A_610, %select_n3A_298 : vector<16xi32>
            %gather3A_658 = tpu.vector_load_idx %arg5[%broadcast_in_dim3A_588, %add3A_634, %add3A_657] : memref<2x64x384xf32, #tpu.memory_space<vmem>>[vector<16xi32>, vector<16xi32>, vector<16xi32>], vector<16xf32>,
            %add3A_659 = vector.broadcast %add3A_637 : i32 to vector<16xi32>
            %add3A_660 = arith.addi %add3A_543, %add3A_659 : vector<16xi32>
            tpu.vector_store_idx %arg7[%broadcast_in_dim3A, %add3A_660], %gather3A_650 : memref<2x24576xf32, #tpu.memory_space<vmem>>[vector<16xi32>, vector<16xi32>], vector<16xf32>,
            %add3A_661 = arith.addi %broadcast_in_dim3A_610, %select_n3A_323 : vector<16xi32>
            %gather3A_662 = tpu.vector_load_idx %arg5[%broadcast_in_dim3A_588, %add3A_634, %add3A_661] : memref<2x64x384xf32, #tpu.memory_space<vmem>>[vector<16xi32>, vector<16xi32>, vector<16xi32>], vector<16xf32>,
            %add3A_663 = vector.broadcast %add3A_637 : i32 to vector<16xi32>
            %add3A_664 = arith.addi %add3A_547, %add3A_663 : vector<16xi32>
            tpu.vector_store_idx %arg7[%broadcast_in_dim3A, %add3A_664], %gather3A_654 : memref<2x24576xf32, #tpu.memory_space<vmem>>[vector<16xi32>, vector<16xi32>], vector<16xf32>,
            %add3A_665 = arith.addi %broadcast_in_dim3A_610, %select_n3A_348 : vector<16xi32>
            %gather3A_666 = tpu.vector_load_idx %arg5[%broadcast_in_dim3A_588, %add3A_634, %add3A_665] : memref<2x64x384xf32, #tpu.memory_space<vmem>>[vector<16xi32>, vector<16xi32>, vector<16xi32>], vector<16xf32>,
            %add3A_667 = vector.broadcast %add3A_637 : i32 to vector<16xi32>
            %add3A_668 = arith.addi %add3A_551, %add3A_667 : vector<16xi32>
            tpu.vector_store_idx %arg7[%broadcast_in_dim3A, %add3A_668], %gather3A_658 : memref<2x24576xf32, #tpu.memory_space<vmem>>[vector<16xi32>, vector<16xi32>], vector<16xf32>,
            %add3A_669 = arith.addi %broadcast_in_dim3A_610, %select_n3A_373 : vector<16xi32>
            %gather3A_670 = tpu.vector_load_idx %arg5[%broadcast_in_dim3A_588, %add3A_634, %add3A_669] : memref<2x64x384xf32, #tpu.memory_space<vmem>>[vector<16xi32>, vector<16xi32>, vector<16xi32>], vector<16xf32>,
            %add3A_671 = vector.broadcast %add3A_637 : i32 to vector<16xi32>
            %add3A_672 = arith.addi %add3A_555, %add3A_671 : vector<16xi32>
            tpu.vector_store_idx %arg7[%broadcast_in_dim3A, %add3A_672], %gather3A_662 : memref<2x24576xf32, #tpu.memory_space<vmem>>[vector<16xi32>, vector<16xi32>], vector<16xf32>,
            %add3A_673 = arith.addi %broadcast_in_dim3A_610, %select_n3A_398 : vector<16xi32>
            %gather3A_674 = tpu.vector_load_idx %arg5[%broadcast_in_dim3A_588, %add3A_634, %add3A_673] : memref<2x64x384xf32, #tpu.memory_space<vmem>>[vector<16xi32>, vector<16xi32>, vector<16xi32>], vector<16xf32>,
            %add3A_675 = vector.broadcast %add3A_637 : i32 to vector<16xi32>
            %add3A_676 = arith.addi %add3A_559, %add3A_675 : vector<16xi32>
            tpu.vector_store_idx %arg7[%broadcast_in_dim3A, %add3A_676], %gather3A_666 : memref<2x24576xf32, #tpu.memory_space<vmem>>[vector<16xi32>, vector<16xi32>], vector<16xf32>,
            %add3A_677 = arith.addi %broadcast_in_dim3A_610, %select_n3A_423 : vector<16xi32>
            %gather3A_678 = tpu.vector_load_idx %arg5[%broadcast_in_dim3A_588, %add3A_634, %add3A_677] : memref<2x64x384xf32, #tpu.memory_space<vmem>>[vector<16xi32>, vector<16xi32>, vector<16xi32>], vector<16xf32>,
            %add3A_679 = vector.broadcast %add3A_637 : i32 to vector<16xi32>
            %add3A_680 = arith.addi %add3A_563, %add3A_679 : vector<16xi32>
            tpu.vector_store_idx %arg7[%broadcast_in_dim3A, %add3A_680], %gather3A_670 : memref<2x24576xf32, #tpu.memory_space<vmem>>[vector<16xi32>, vector<16xi32>], vector<16xf32>,
            %add3A_681 = arith.addi %broadcast_in_dim3A_610, %select_n3A_448 : vector<16xi32>
            %gather3A_682 = tpu.vector_load_idx %arg5[%broadcast_in_dim3A_588, %add3A_634, %add3A_681] : memref<2x64x384xf32, #tpu.memory_space<vmem>>[vector<16xi32>, vector<16xi32>, vector<16xi32>], vector<16xf32>,
            %add3A_683 = vector.broadcast %add3A_637 : i32 to vector<16xi32>
            %add3A_684 = arith.addi %add3A_567, %add3A_683 : vector<16xi32>
            tpu.vector_store_idx %arg7[%broadcast_in_dim3A, %add3A_684], %gather3A_674 : memref<2x24576xf32, #tpu.memory_space<vmem>>[vector<16xi32>, vector<16xi32>], vector<16xf32>,
            %add3A_685 = arith.addi %broadcast_in_dim3A_610, %select_n3A_473 : vector<16xi32>
            %gather3A_686 = tpu.vector_load_idx %arg5[%broadcast_in_dim3A_588, %add3A_634, %add3A_685] : memref<2x64x384xf32, #tpu.memory_space<vmem>>[vector<16xi32>, vector<16xi32>, vector<16xi32>], vector<16xf32>,
            %add3A_687 = vector.broadcast %add3A_637 : i32 to vector<16xi32>
            %add3A_688 = arith.addi %add3A_571, %add3A_687 : vector<16xi32>
            tpu.vector_store_idx %arg7[%broadcast_in_dim3A, %add3A_688], %gather3A_678 : memref<2x24576xf32, #tpu.memory_space<vmem>>[vector<16xi32>, vector<16xi32>], vector<16xf32>,
            %add3A_689 = arith.addi %broadcast_in_dim3A_610, %select_n3A_498 : vector<16xi32>
            %gather3A_690 = tpu.vector_load_idx %arg5[%broadcast_in_dim3A_588, %add3A_634, %add3A_689] : memref<2x64x384xf32, #tpu.memory_space<vmem>>[vector<16xi32>, vector<16xi32>, vector<16xi32>], vector<16xf32>,
            %add3A_691 = vector.broadcast %add3A_637 : i32 to vector<16xi32>
            %add3A_692 = arith.addi %add3A_575, %add3A_691 : vector<16xi32>
            tpu.vector_store_idx %arg7[%broadcast_in_dim3A, %add3A_692], %gather3A_682 : memref<2x24576xf32, #tpu.memory_space<vmem>>[vector<16xi32>, vector<16xi32>], vector<16xf32>,
            %add3A_693 = arith.addi %broadcast_in_dim3A_610, %select_n3A_523 : vector<16xi32>
            %gather3A_694 = tpu.vector_load_idx %arg5[%broadcast_in_dim3A_588, %add3A_634, %add3A_693] : memref<2x64x384xf32, #tpu.memory_space<vmem>>[vector<16xi32>, vector<16xi32>, vector<16xi32>], vector<16xf32>,
            %add3A_695 = vector.broadcast %add3A_637 : i32 to vector<16xi32>
            %add3A_696 = arith.addi %add3A_579, %add3A_695 : vector<16xi32>
            tpu.vector_store_idx %arg7[%broadcast_in_dim3A, %add3A_696], %gather3A_686 : memref<2x24576xf32, #tpu.memory_space<vmem>>[vector<16xi32>, vector<16xi32>], vector<16xf32>,
            %add3A_697 = vector.broadcast %add3A_637 : i32 to vector<16xi32>
            %add3A_698 = arith.addi %add3A_583, %add3A_697 : vector<16xi32>
            tpu.vector_store_idx %arg7[%broadcast_in_dim3A, %add3A_698], %gather3A_690 : memref<2x24576xf32, #tpu.memory_space<vmem>>[vector<16xi32>, vector<16xi32>], vector<16xf32>,
            %add3A_699 = vector.broadcast %add3A_637 : i32 to vector<16xi32>
            %add3A_700 = arith.addi %add3A_587, %add3A_699 : vector<16xi32>
            tpu.vector_store_idx %arg7[%broadcast_in_dim3A, %add3A_700], %gather3A_694 : memref<2x24576xf32, #tpu.memory_space<vmem>>[vector<16xi32>, vector<16xi32>], vector<16xf32>,
            %scan3A_701 = arith.constant 1 : i32
            %scan3A_702 = arith.addi %scan3A_628, %scan3A_701 : i32
            %mul3A_703 = arith.constant 16 : i32
            %mul3A_704 = arith.muli %scan3A_702, %mul3A_703 : i32
            %add3A_705 = arith.constant 0 : i32
            %add3A_706 = arith.addi %add3A_705, %mul3A_704 : i32
            %add3A_707 = vector.broadcast %add3A_706 : i32 to vector<16xi32>
            %add3A_708 = arith.addi %iota3A, %add3A_707 : vector<16xi32>
            %mul3A_709 = arith.constant 64 : i32
            %mul3A_710 = arith.muli %add3A_609, %mul3A_709 : i32
            %add3A_711 = arith.addi %mul3A_710, %add3A_706 : i32
            %add3A_712 = arith.addi %broadcast_in_dim3A_610, %select_n3A_148 : vector<16xi32>
            %gather3A_713 = tpu.vector_load_idx %arg5[%broadcast_in_dim3A_588, %add3A_708, %add3A_712] : memref<2x64x384xf32, #tpu.memory_space<vmem>>[vector<16xi32>, vector<16xi32>, vector<16xi32>], vector<16xf32>,
            %add3A_714 = arith.addi %broadcast_in_dim3A_610, %select_n3A_173 : vector<16xi32>
            %gather3A_715 = tpu.vector_load_idx %arg5[%broadcast_in_dim3A_588, %add3A_708, %add3A_714] : memref<2x64x384xf32, #tpu.memory_space<vmem>>[vector<16xi32>, vector<16xi32>, vector<16xi32>], vector<16xf32>,
            %add3A_716 = arith.addi %broadcast_in_dim3A_610, %select_n3A_198 : vector<16xi32>
            %gather3A_717 = tpu.vector_load_idx %arg5[%broadcast_in_dim3A_588, %add3A_708, %add3A_716] : memref<2x64x384xf32, #tpu.memory_space<vmem>>[vector<16xi32>, vector<16xi32>, vector<16xi32>], vector<16xf32>,
            %add3A_718 = vector.broadcast %add3A_711 : i32 to vector<16xi32>
            %add3A_719 = arith.addi %add3A_527, %add3A_718 : vector<16xi32>
            tpu.vector_store_idx %arg7[%broadcast_in_dim3A, %add3A_719], %gather3A_713 : memref<2x24576xf32, #tpu.memory_space<vmem>>[vector<16xi32>, vector<16xi32>], vector<16xf32>,
            %add3A_720 = arith.addi %broadcast_in_dim3A_610, %select_n3A_223 : vector<16xi32>
            %gather3A_721 = tpu.vector_load_idx %arg5[%broadcast_in_dim3A_588, %add3A_708, %add3A_720] : memref<2x64x384xf32, #tpu.memory_space<vmem>>[vector<16xi32>, vector<16xi32>, vector<16xi32>], vector<16xf32>,
            %add3A_722 = vector.broadcast %add3A_711 : i32 to vector<16xi32>
            %add3A_723 = arith.addi %add3A_531, %add3A_722 : vector<16xi32>
            tpu.vector_store_idx %arg7[%broadcast_in_dim3A, %add3A_723], %gather3A_715 : memref<2x24576xf32, #tpu.memory_space<vmem>>[vector<16xi32>, vector<16xi32>], vector<16xf32>,
            %add3A_724 = arith.addi %broadcast_in_dim3A_610, %select_n3A_248 : vector<16xi32>
            %gather3A_725 = tpu.vector_load_idx %arg5[%broadcast_in_dim3A_588, %add3A_708, %add3A_724] : memref<2x64x384xf32, #tpu.memory_space<vmem>>[vector<16xi32>, vector<16xi32>, vector<16xi32>], vector<16xf32>,
            %add3A_726 = vector.broadcast %add3A_711 : i32 to vector<16xi32>
            %add3A_727 = arith.addi %add3A_535, %add3A_726 : vector<16xi32>
            tpu.vector_store_idx %arg7[%broadcast_in_dim3A, %add3A_727], %gather3A_717 : memref<2x24576xf32, #tpu.memory_space<vmem>>[vector<16xi32>, vector<16xi32>], vector<16xf32>,
            %add3A_728 = arith.addi %broadcast_in_dim3A_610, %select_n3A_273 : vector<16xi32>
            %gather3A_729 = tpu.vector_load_idx %arg5[%broadcast_in_dim3A_588, %add3A_708, %add3A_728] : memref<2x64x384xf32, #tpu.memory_space<vmem>>[vector<16xi32>, vector<16xi32>, vector<16xi32>], vector<16xf32>,
            %add3A_730 = vector.broadcast %add3A_711 : i32 to vector<16xi32>
            %add3A_731 = arith.addi %add3A_539, %add3A_730 : vector<16xi32>
            tpu.vector_store_idx %arg7[%broadcast_in_dim3A, %add3A_731], %gather3A_721 : memref<2x24576xf32, #tpu.memory_space<vmem>>[vector<16xi32>, vector<16xi32>], vector<16xf32>,
            %add3A_732 = arith.addi %broadcast_in_dim3A_610, %select_n3A_298 : vector<16xi32>
            %gather3A_733 = tpu.vector_load_idx %arg5[%broadcast_in_dim3A_588, %add3A_708, %add3A_732] : memref<2x64x384xf32, #tpu.memory_space<vmem>>[vector<16xi32>, vector<16xi32>, vector<16xi32>], vector<16xf32>,
            %add3A_734 = vector.broadcast %add3A_711 : i32 to vector<16xi32>
            %add3A_735 = arith.addi %add3A_543, %add3A_734 : vector<16xi32>
            tpu.vector_store_idx %arg7[%broadcast_in_dim3A, %add3A_735], %gather3A_725 : memref<2x24576xf32, #tpu.memory_space<vmem>>[vector<16xi32>, vector<16xi32>], vector<16xf32>,
            %add3A_736 = arith.addi %broadcast_in_dim3A_610, %select_n3A_323 : vector<16xi32>
            %gather3A_737 = tpu.vector_load_idx %arg5[%broadcast_in_dim3A_588, %add3A_708, %add3A_736] : memref<2x64x384xf32, #tpu.memory_space<vmem>>[vector<16xi32>, vector<16xi32>, vector<16xi32>], vector<16xf32>,
            %add3A_738 = vector.broadcast %add3A_711 : i32 to vector<16xi32>
            %add3A_739 = arith.addi %add3A_547, %add3A_738 : vector<16xi32>
            tpu.vector_store_idx %arg7[%broadcast_in_dim3A, %add3A_739], %gather3A_729 : memref<2x24576xf32, #tpu.memory_space<vmem>>[vector<16xi32>, vector<16xi32>], vector<16xf32>,
            %add3A_740 = arith.addi %broadcast_in_dim3A_610, %select_n3A_348 : vector<16xi32>
            %gather3A_741 = tpu.vector_load_idx %arg5[%broadcast_in_dim3A_588, %add3A_708, %add3A_740] : memref<2x64x384xf32, #tpu.memory_space<vmem>>[vector<16xi32>, vector<16xi32>, vector<16xi32>], vector<16xf32>,
            %add3A_742 = vector.broadcast %add3A_711 : i32 to vector<16xi32>
            %add3A_743 = arith.addi %add3A_551, %add3A_742 : vector<16xi32>
            tpu.vector_store_idx %arg7[%broadcast_in_dim3A, %add3A_743], %gather3A_733 : memref<2x24576xf32, #tpu.memory_space<vmem>>[vector<16xi32>, vector<16xi32>], vector<16xf32>,
            %add3A_744 = arith.addi %broadcast_in_dim3A_610, %select_n3A_373 : vector<16xi32>
            %gather3A_745 = tpu.vector_load_idx %arg5[%broadcast_in_dim3A_588, %add3A_708, %add3A_744] : memref<2x64x384xf32, #tpu.memory_space<vmem>>[vector<16xi32>, vector<16xi32>, vector<16xi32>], vector<16xf32>,
            %add3A_746 = vector.broadcast %add3A_711 : i32 to vector<16xi32>
            %add3A_747 = arith.addi %add3A_555, %add3A_746 : vector<16xi32>
            tpu.vector_store_idx %arg7[%broadcast_in_dim3A, %add3A_747], %gather3A_737 : memref<2x24576xf32, #tpu.memory_space<vmem>>[vector<16xi32>, vector<16xi32>], vector<16xf32>,
            %add3A_748 = arith.addi %broadcast_in_dim3A_610, %select_n3A_398 : vector<16xi32>
            %gather3A_749 = tpu.vector_load_idx %arg5[%broadcast_in_dim3A_588, %add3A_708, %add3A_748] : memref<2x64x384xf32, #tpu.memory_space<vmem>>[vector<16xi32>, vector<16xi32>, vector<16xi32>], vector<16xf32>,
            %add3A_750 = vector.broadcast %add3A_711 : i32 to vector<16xi32>
            %add3A_751 = arith.addi %add3A_559, %add3A_750 : vector<16xi32>
            tpu.vector_store_idx %arg7[%broadcast_in_dim3A, %add3A_751], %gather3A_741 : memref<2x24576xf32, #tpu.memory_space<vmem>>[vector<16xi32>, vector<16xi32>], vector<16xf32>,
            %add3A_752 = arith.addi %broadcast_in_dim3A_610, %select_n3A_423 : vector<16xi32>
            %gather3A_753 = tpu.vector_load_idx %arg5[%broadcast_in_dim3A_588, %add3A_708, %add3A_752] : memref<2x64x384xf32, #tpu.memory_space<vmem>>[vector<16xi32>, vector<16xi32>, vector<16xi32>], vector<16xf32>,
            %add3A_754 = vector.broadcast %add3A_711 : i32 to vector<16xi32>
            %add3A_755 = arith.addi %add3A_563, %add3A_754 : vector<16xi32>
            tpu.vector_store_idx %arg7[%broadcast_in_dim3A, %add3A_755], %gather3A_745 : memref<2x24576xf32, #tpu.memory_space<vmem>>[vector<16xi32>, vector<16xi32>], vector<16xf32>,
            %add3A_756 = arith.addi %broadcast_in_dim3A_610, %select_n3A_448 : vector<16xi32>
            %gather3A_757 = tpu.vector_load_idx %arg5[%broadcast_in_dim3A_588, %add3A_708, %add3A_756] : memref<2x64x384xf32, #tpu.memory_space<vmem>>[vector<16xi32>, vector<16xi32>, vector<16xi32>], vector<16xf32>,
            %add3A_758 = vector.broadcast %add3A_711 : i32 to vector<16xi32>
            %add3A_759 = arith.addi %add3A_567, %add3A_758 : vector<16xi32>
            tpu.vector_store_idx %arg7[%broadcast_in_dim3A, %add3A_759], %gather3A_749 : memref<2x24576xf32, #tpu.memory_space<vmem>>[vector<16xi32>, vector<16xi32>], vector<16xf32>,
            %add3A_760 = arith.addi %broadcast_in_dim3A_610, %select_n3A_473 : vector<16xi32>
            %gather3A_761 = tpu.vector_load_idx %arg5[%broadcast_in_dim3A_588, %add3A_708, %add3A_760] : memref<2x64x384xf32, #tpu.memory_space<vmem>>[vector<16xi32>, vector<16xi32>, vector<16xi32>], vector<16xf32>,
            %add3A_762 = vector.broadcast %add3A_711 : i32 to vector<16xi32>
            %add3A_763 = arith.addi %add3A_571, %add3A_762 : vector<16xi32>
            tpu.vector_store_idx %arg7[%broadcast_in_dim3A, %add3A_763], %gather3A_753 : memref<2x24576xf32, #tpu.memory_space<vmem>>[vector<16xi32>, vector<16xi32>], vector<16xf32>,
            %add3A_764 = arith.addi %broadcast_in_dim3A_610, %select_n3A_498 : vector<16xi32>
            %gather3A_765 = tpu.vector_load_idx %arg5[%broadcast_in_dim3A_588, %add3A_708, %add3A_764] : memref<2x64x384xf32, #tpu.memory_space<vmem>>[vector<16xi32>, vector<16xi32>, vector<16xi32>], vector<16xf32>,
            %add3A_766 = vector.broadcast %add3A_711 : i32 to vector<16xi32>
            %add3A_767 = arith.addi %add3A_575, %add3A_766 : vector<16xi32>
            tpu.vector_store_idx %arg7[%broadcast_in_dim3A, %add3A_767], %gather3A_757 : memref<2x24576xf32, #tpu.memory_space<vmem>>[vector<16xi32>, vector<16xi32>], vector<16xf32>,
            %add3A_768 = arith.addi %broadcast_in_dim3A_610, %select_n3A_523 : vector<16xi32>
            %gather3A_769 = tpu.vector_load_idx %arg5[%broadcast_in_dim3A_588, %add3A_708, %add3A_768] : memref<2x64x384xf32, #tpu.memory_space<vmem>>[vector<16xi32>, vector<16xi32>, vector<16xi32>], vector<16xf32>,
            %add3A_770 = vector.broadcast %add3A_711 : i32 to vector<16xi32>
            %add3A_771 = arith.addi %add3A_579, %add3A_770 : vector<16xi32>
            tpu.vector_store_idx %arg7[%broadcast_in_dim3A, %add3A_771], %gather3A_761 : memref<2x24576xf32, #tpu.memory_space<vmem>>[vector<16xi32>, vector<16xi32>], vector<16xf32>,
            %add3A_772 = vector.broadcast %add3A_711 : i32 to vector<16xi32>
            %add3A_773 = arith.addi %add3A_583, %add3A_772 : vector<16xi32>
            tpu.vector_store_idx %arg7[%broadcast_in_dim3A, %add3A_773], %gather3A_765 : memref<2x24576xf32, #tpu.memory_space<vmem>>[vector<16xi32>, vector<16xi32>], vector<16xf32>,
            %add3A_774 = vector.broadcast %add3A_711 : i32 to vector<16xi32>
            %add3A_775 = arith.addi %add3A_587, %add3A_774 : vector<16xi32>
            tpu.vector_store_idx %arg7[%broadcast_in_dim3A, %add3A_775], %gather3A_769 : memref<2x24576xf32, #tpu.memory_space<vmem>>[vector<16xi32>, vector<16xi32>], vector<16xf32>,
          }
          %scan3A_615 = arith.constant 4 : i32
          %scan3A_616 = arith.constant 1 : i32
          %scan3A_617 = arith.addi %scan3A_605, %scan3A_616 : i32
          %mul3A_618 = arith.constant 16 : i32
          %mul3A_619 = arith.muli %scan3A_617, %mul3A_618 : i32
          %add3A_620 = arith.constant 0 : i32
          %add3A_621 = arith.addi %add3A_620, %mul3A_619 : i32
          %broadcast_in_dim3A_622 = vector.broadcast %add3A_621 : i32 to vector<16xi32>
          %scan3A_623 = arith.constant 0 : i32
          %scan3A_624 = arith.constant 4 : i32
          %scan3A_625 = arith.addi %scan3A_623, %scan3A_624 : i32
          %scan3A_626 = arith.constant 2 : i32
          scf.for %scan3A_628 = %scan3A_623 to %scan3A_625 step %scan3A_626  : i32 {
            %mul3A_629 = arith.constant 16 : i32
            %mul3A_630 = arith.muli %scan3A_628, %mul3A_629 : i32
            %add3A_631 = arith.constant 0 : i32
            %add3A_632 = arith.addi %add3A_631, %mul3A_630 : i32
            %add3A_633 = vector.broadcast %add3A_632 : i32 to vector<16xi32>
            %add3A_634 = arith.addi %iota3A, %add3A_633 : vector<16xi32>
            %mul3A_635 = arith.constant 64 : i32
            %mul3A_636 = arith.muli %add3A_621, %mul3A_635 : i32
            %add3A_637 = arith.addi %mul3A_636, %add3A_632 : i32
            %add3A_638 = arith.addi %broadcast_in_dim3A_622, %select_n3A_148 : vector<16xi32>
            %gather3A = tpu.vector_load_idx %arg5[%broadcast_in_dim3A_588, %add3A_634, %add3A_638] : memref<2x64x384xf32, #tpu.memory_space<vmem>>[vector<16xi32>, vector<16xi32>, vector<16xi32>], vector<16xf32>,
            %add3A_639 = arith.addi %broadcast_in_dim3A_622, %select_n3A_173 : vector<16xi32>
            %gather3A_640 = tpu.vector_load_idx %arg5[%broadcast_in_dim3A_588, %add3A_634, %add3A_639] : memref<2x64x384xf32, #tpu.memory_space<vmem>>[vector<16xi32>, vector<16xi32>, vector<16xi32>], vector<16xf32>,
            %add3A_641 = arith.addi %broadcast_in_dim3A_622, %select_n3A_198 : vector<16xi32>
            %gather3A_642 = tpu.vector_load_idx %arg5[%broadcast_in_dim3A_588, %add3A_634, %add3A_641] : memref<2x64x384xf32, #tpu.memory_space<vmem>>[vector<16xi32>, vector<16xi32>, vector<16xi32>], vector<16xf32>,
            %add3A_643 = vector.broadcast %add3A_637 : i32 to vector<16xi32>
            %add3A_644 = arith.addi %add3A_527, %add3A_643 : vector<16xi32>
            tpu.vector_store_idx %arg7[%broadcast_in_dim3A, %add3A_644], %gather3A : memref<2x24576xf32, #tpu.memory_space<vmem>>[vector<16xi32>, vector<16xi32>], vector<16xf32>,
            %add3A_645 = arith.addi %broadcast_in_dim3A_622, %select_n3A_223 : vector<16xi32>
            %gather3A_646 = tpu.vector_load_idx %arg5[%broadcast_in_dim3A_588, %add3A_634, %add3A_645] : memref<2x64x384xf32, #tpu.memory_space<vmem>>[vector<16xi32>, vector<16xi32>, vector<16xi32>], vector<16xf32>,
            %add3A_647 = vector.broadcast %add3A_637 : i32 to vector<16xi32>
            %add3A_648 = arith.addi %add3A_531, %add3A_647 : vector<16xi32>
            tpu.vector_store_idx %arg7[%broadcast_in_dim3A, %add3A_648], %gather3A_640 : memref<2x24576xf32, #tpu.memory_space<vmem>>[vector<16xi32>, vector<16xi32>], vector<16xf32>,
            %add3A_649 = arith.addi %broadcast_in_dim3A_622, %select_n3A_248 : vector<16xi32>
            %gather3A_650 = tpu.vector_load_idx %arg5[%broadcast_in_dim3A_588, %add3A_634, %add3A_649] : memref<2x64x384xf32, #tpu.memory_space<vmem>>[vector<16xi32>, vector<16xi32>, vector<16xi32>], vector<16xf32>,
            %add3A_651 = vector.broadcast %add3A_637 : i32 to vector<16xi32>
            %add3A_652 = arith.addi %add3A_535, %add3A_651 : vector<16xi32>
            tpu.vector_store_idx %arg7[%broadcast_in_dim3A, %add3A_652], %gather3A_642 : memref<2x24576xf32, #tpu.memory_space<vmem>>[vector<16xi32>, vector<16xi32>], vector<16xf32>,
            %add3A_653 = arith.addi %broadcast_in_dim3A_622, %select_n3A_273 : vector<16xi32>
            %gather3A_654 = tpu.vector_load_idx %arg5[%broadcast_in_dim3A_588, %add3A_634, %add3A_653] : memref<2x64x384xf32, #tpu.memory_space<vmem>>[vector<16xi32>, vector<16xi32>, vector<16xi32>], vector<16xf32>,
            %add3A_655 = vector.broadcast %add3A_637 : i32 to vector<16xi32>
            %add3A_656 = arith.addi %add3A_539, %add3A_655 : vector<16xi32>
            tpu.vector_store_idx %arg7[%broadcast_in_dim3A, %add3A_656], %gather3A_646 : memref<2x24576xf32, #tpu.memory_space<vmem>>[vector<16xi32>, vector<16xi32>], vector<16xf32>,
            %add3A_657 = arith.addi %broadcast_in_dim3A_622, %select_n3A_298 : vector<16xi32>
            %gather3A_658 = tpu.vector_load_idx %arg5[%broadcast_in_dim3A_588, %add3A_634, %add3A_657] : memref<2x64x384xf32, #tpu.memory_space<vmem>>[vector<16xi32>, vector<16xi32>, vector<16xi32>], vector<16xf32>,
            %add3A_659 = vector.broadcast %add3A_637 : i32 to vector<16xi32>
            %add3A_660 = arith.addi %add3A_543, %add3A_659 : vector<16xi32>
            tpu.vector_store_idx %arg7[%broadcast_in_dim3A, %add3A_660], %gather3A_650 : memref<2x24576xf32, #tpu.memory_space<vmem>>[vector<16xi32>, vector<16xi32>], vector<16xf32>,
            %add3A_661 = arith.addi %broadcast_in_dim3A_622, %select_n3A_323 : vector<16xi32>
            %gather3A_662 = tpu.vector_load_idx %arg5[%broadcast_in_dim3A_588, %add3A_634, %add3A_661] : memref<2x64x384xf32, #tpu.memory_space<vmem>>[vector<16xi32>, vector<16xi32>, vector<16xi32>], vector<16xf32>,
            %add3A_663 = vector.broadcast %add3A_637 : i32 to vector<16xi32>
            %add3A_664 = arith.addi %add3A_547, %add3A_663 : vector<16xi32>
            tpu.vector_store_idx %arg7[%broadcast_in_dim3A, %add3A_664], %gather3A_654 : memref<2x24576xf32, #tpu.memory_space<vmem>>[vector<16xi32>, vector<16xi32>], vector<16xf32>,
            %add3A_665 = arith.addi %broadcast_in_dim3A_622, %select_n3A_348 : vector<16xi32>
            %gather3A_666 = tpu.vector_load_idx %arg5[%broadcast_in_dim3A_588, %add3A_634, %add3A_665] : memref<2x64x384xf32, #tpu.memory_space<vmem>>[vector<16xi32>, vector<16xi32>, vector<16xi32>], vector<16xf32>,
            %add3A_667 = vector.broadcast %add3A_637 : i32 to vector<16xi32>
            %add3A_668 = arith.addi %add3A_551, %add3A_667 : vector<16xi32>
            tpu.vector_store_idx %arg7[%broadcast_in_dim3A, %add3A_668], %gather3A_658 : memref<2x24576xf32, #tpu.memory_space<vmem>>[vector<16xi32>, vector<16xi32>], vector<16xf32>,
            %add3A_669 = arith.addi %broadcast_in_dim3A_622, %select_n3A_373 : vector<16xi32>
            %gather3A_670 = tpu.vector_load_idx %arg5[%broadcast_in_dim3A_588, %add3A_634, %add3A_669] : memref<2x64x384xf32, #tpu.memory_space<vmem>>[vector<16xi32>, vector<16xi32>, vector<16xi32>], vector<16xf32>,
            %add3A_671 = vector.broadcast %add3A_637 : i32 to vector<16xi32>
            %add3A_672 = arith.addi %add3A_555, %add3A_671 : vector<16xi32>
            tpu.vector_store_idx %arg7[%broadcast_in_dim3A, %add3A_672], %gather3A_662 : memref<2x24576xf32, #tpu.memory_space<vmem>>[vector<16xi32>, vector<16xi32>], vector<16xf32>,
            %add3A_673 = arith.addi %broadcast_in_dim3A_622, %select_n3A_398 : vector<16xi32>
            %gather3A_674 = tpu.vector_load_idx %arg5[%broadcast_in_dim3A_588, %add3A_634, %add3A_673] : memref<2x64x384xf32, #tpu.memory_space<vmem>>[vector<16xi32>, vector<16xi32>, vector<16xi32>], vector<16xf32>,
            %add3A_675 = vector.broadcast %add3A_637 : i32 to vector<16xi32>
            %add3A_676 = arith.addi %add3A_559, %add3A_675 : vector<16xi32>
            tpu.vector_store_idx %arg7[%broadcast_in_dim3A, %add3A_676], %gather3A_666 : memref<2x24576xf32, #tpu.memory_space<vmem>>[vector<16xi32>, vector<16xi32>], vector<16xf32>,
            %add3A_677 = arith.addi %broadcast_in_dim3A_622, %select_n3A_423 : vector<16xi32>
            %gather3A_678 = tpu.vector_load_idx %arg5[%broadcast_in_dim3A_588, %add3A_634, %add3A_677] : memref<2x64x384xf32, #tpu.memory_space<vmem>>[vector<16xi32>, vector<16xi32>, vector<16xi32>], vector<16xf32>,
            %add3A_679 = vector.broadcast %add3A_637 : i32 to vector<16xi32>
            %add3A_680 = arith.addi %add3A_563, %add3A_679 : vector<16xi32>
            tpu.vector_store_idx %arg7[%broadcast_in_dim3A, %add3A_680], %gather3A_670 : memref<2x24576xf32, #tpu.memory_space<vmem>>[vector<16xi32>, vector<16xi32>], vector<16xf32>,
            %add3A_681 = arith.addi %broadcast_in_dim3A_622, %select_n3A_448 : vector<16xi32>
            %gather3A_682 = tpu.vector_load_idx %arg5[%broadcast_in_dim3A_588, %add3A_634, %add3A_681] : memref<2x64x384xf32, #tpu.memory_space<vmem>>[vector<16xi32>, vector<16xi32>, vector<16xi32>], vector<16xf32>,
            %add3A_683 = vector.broadcast %add3A_637 : i32 to vector<16xi32>
            %add3A_684 = arith.addi %add3A_567, %add3A_683 : vector<16xi32>
            tpu.vector_store_idx %arg7[%broadcast_in_dim3A, %add3A_684], %gather3A_674 : memref<2x24576xf32, #tpu.memory_space<vmem>>[vector<16xi32>, vector<16xi32>], vector<16xf32>,
            %add3A_685 = arith.addi %broadcast_in_dim3A_622, %select_n3A_473 : vector<16xi32>
            %gather3A_686 = tpu.vector_load_idx %arg5[%broadcast_in_dim3A_588, %add3A_634, %add3A_685] : memref<2x64x384xf32, #tpu.memory_space<vmem>>[vector<16xi32>, vector<16xi32>, vector<16xi32>], vector<16xf32>,
            %add3A_687 = vector.broadcast %add3A_637 : i32 to vector<16xi32>
            %add3A_688 = arith.addi %add3A_571, %add3A_687 : vector<16xi32>
            tpu.vector_store_idx %arg7[%broadcast_in_dim3A, %add3A_688], %gather3A_678 : memref<2x24576xf32, #tpu.memory_space<vmem>>[vector<16xi32>, vector<16xi32>], vector<16xf32>,
            %add3A_689 = arith.addi %broadcast_in_dim3A_622, %select_n3A_498 : vector<16xi32>
            %gather3A_690 = tpu.vector_load_idx %arg5[%broadcast_in_dim3A_588, %add3A_634, %add3A_689] : memref<2x64x384xf32, #tpu.memory_space<vmem>>[vector<16xi32>, vector<16xi32>, vector<16xi32>], vector<16xf32>,
            %add3A_691 = vector.broadcast %add3A_637 : i32 to vector<16xi32>
            %add3A_692 = arith.addi %add3A_575, %add3A_691 : vector<16xi32>
            tpu.vector_store_idx %arg7[%broadcast_in_dim3A, %add3A_692], %gather3A_682 : memref<2x24576xf32, #tpu.memory_space<vmem>>[vector<16xi32>, vector<16xi32>], vector<16xf32>,
            %add3A_693 = arith.addi %broadcast_in_dim3A_622, %select_n3A_523 : vector<16xi32>
            %gather3A_694 = tpu.vector_load_idx %arg5[%broadcast_in_dim3A_588, %add3A_634, %add3A_693] : memref<2x64x384xf32, #tpu.memory_space<vmem>>[vector<16xi32>, vector<16xi32>, vector<16xi32>], vector<16xf32>,
            %add3A_695 = vector.broadcast %add3A_637 : i32 to vector<16xi32>
            %add3A_696 = arith.addi %add3A_579, %add3A_695 : vector<16xi32>
            tpu.vector_store_idx %arg7[%broadcast_in_dim3A, %add3A_696], %gather3A_686 : memref<2x24576xf32, #tpu.memory_space<vmem>>[vector<16xi32>, vector<16xi32>], vector<16xf32>,
            %add3A_697 = vector.broadcast %add3A_637 : i32 to vector<16xi32>
            %add3A_698 = arith.addi %add3A_583, %add3A_697 : vector<16xi32>
            tpu.vector_store_idx %arg7[%broadcast_in_dim3A, %add3A_698], %gather3A_690 : memref<2x24576xf32, #tpu.memory_space<vmem>>[vector<16xi32>, vector<16xi32>], vector<16xf32>,
            %add3A_699 = vector.broadcast %add3A_637 : i32 to vector<16xi32>
            %add3A_700 = arith.addi %add3A_587, %add3A_699 : vector<16xi32>
            tpu.vector_store_idx %arg7[%broadcast_in_dim3A, %add3A_700], %gather3A_694 : memref<2x24576xf32, #tpu.memory_space<vmem>>[vector<16xi32>, vector<16xi32>], vector<16xf32>,
            %scan3A_701 = arith.constant 1 : i32
            %scan3A_702 = arith.addi %scan3A_628, %scan3A_701 : i32
            %mul3A_703 = arith.constant 16 : i32
            %mul3A_704 = arith.muli %scan3A_702, %mul3A_703 : i32
            %add3A_705 = arith.constant 0 : i32
            %add3A_706 = arith.addi %add3A_705, %mul3A_704 : i32
            %add3A_707 = vector.broadcast %add3A_706 : i32 to vector<16xi32>
            %add3A_708 = arith.addi %iota3A, %add3A_707 : vector<16xi32>
            %mul3A_709 = arith.constant 64 : i32
            %mul3A_710 = arith.muli %add3A_621, %mul3A_709 : i32
            %add3A_711 = arith.addi %mul3A_710, %add3A_706 : i32
            %add3A_712 = arith.addi %broadcast_in_dim3A_622, %select_n3A_148 : vector<16xi32>
            %gather3A_713 = tpu.vector_load_idx %arg5[%broadcast_in_dim3A_588, %add3A_708, %add3A_712] : memref<2x64x384xf32, #tpu.memory_space<vmem>>[vector<16xi32>, vector<16xi32>, vector<16xi32>], vector<16xf32>,
            %add3A_714 = arith.addi %broadcast_in_dim3A_622, %select_n3A_173 : vector<16xi32>
            %gather3A_715 = tpu.vector_load_idx %arg5[%broadcast_in_dim3A_588, %add3A_708, %add3A_714] : memref<2x64x384xf32, #tpu.memory_space<vmem>>[vector<16xi32>, vector<16xi32>, vector<16xi32>], vector<16xf32>,
            %add3A_716 = arith.addi %broadcast_in_dim3A_622, %select_n3A_198 : vector<16xi32>
            %gather3A_717 = tpu.vector_load_idx %arg5[%broadcast_in_dim3A_588, %add3A_708, %add3A_716] : memref<2x64x384xf32, #tpu.memory_space<vmem>>[vector<16xi32>, vector<16xi32>, vector<16xi32>], vector<16xf32>,
            %add3A_718 = vector.broadcast %add3A_711 : i32 to vector<16xi32>
            %add3A_719 = arith.addi %add3A_527, %add3A_718 : vector<16xi32>
            tpu.vector_store_idx %arg7[%broadcast_in_dim3A, %add3A_719], %gather3A_713 : memref<2x24576xf32, #tpu.memory_space<vmem>>[vector<16xi32>, vector<16xi32>], vector<16xf32>,
            %add3A_720 = arith.addi %broadcast_in_dim3A_622, %select_n3A_223 : vector<16xi32>
            %gather3A_721 = tpu.vector_load_idx %arg5[%broadcast_in_dim3A_588, %add3A_708, %add3A_720] : memref<2x64x384xf32, #tpu.memory_space<vmem>>[vector<16xi32>, vector<16xi32>, vector<16xi32>], vector<16xf32>,
            %add3A_722 = vector.broadcast %add3A_711 : i32 to vector<16xi32>
            %add3A_723 = arith.addi %add3A_531, %add3A_722 : vector<16xi32>
            tpu.vector_store_idx %arg7[%broadcast_in_dim3A, %add3A_723], %gather3A_715 : memref<2x24576xf32, #tpu.memory_space<vmem>>[vector<16xi32>, vector<16xi32>], vector<16xf32>,
            %add3A_724 = arith.addi %broadcast_in_dim3A_622, %select_n3A_248 : vector<16xi32>
            %gather3A_725 = tpu.vector_load_idx %arg5[%broadcast_in_dim3A_588, %add3A_708, %add3A_724] : memref<2x64x384xf32, #tpu.memory_space<vmem>>[vector<16xi32>, vector<16xi32>, vector<16xi32>], vector<16xf32>,
            %add3A_726 = vector.broadcast %add3A_711 : i32 to vector<16xi32>
            %add3A_727 = arith.addi %add3A_535, %add3A_726 : vector<16xi32>
            tpu.vector_store_idx %arg7[%broadcast_in_dim3A, %add3A_727], %gather3A_717 : memref<2x24576xf32, #tpu.memory_space<vmem>>[vector<16xi32>, vector<16xi32>], vector<16xf32>,
            %add3A_728 = arith.addi %broadcast_in_dim3A_622, %select_n3A_273 : vector<16xi32>
            %gather3A_729 = tpu.vector_load_idx %arg5[%broadcast_in_dim3A_588, %add3A_708, %add3A_728] : memref<2x64x384xf32, #tpu.memory_space<vmem>>[vector<16xi32>, vector<16xi32>, vector<16xi32>], vector<16xf32>,
            %add3A_730 = vector.broadcast %add3A_711 : i32 to vector<16xi32>
            %add3A_731 = arith.addi %add3A_539, %add3A_730 : vector<16xi32>
            tpu.vector_store_idx %arg7[%broadcast_in_dim3A, %add3A_731], %gather3A_721 : memref<2x24576xf32, #tpu.memory_space<vmem>>[vector<16xi32>, vector<16xi32>], vector<16xf32>,
            %add3A_732 = arith.addi %broadcast_in_dim3A_622, %select_n3A_298 : vector<16xi32>
            %gather3A_733 = tpu.vector_load_idx %arg5[%broadcast_in_dim3A_588, %add3A_708, %add3A_732] : memref<2x64x384xf32, #tpu.memory_space<vmem>>[vector<16xi32>, vector<16xi32>, vector<16xi32>], vector<16xf32>,
            %add3A_734 = vector.broadcast %add3A_711 : i32 to vector<16xi32>
            %add3A_735 = arith.addi %add3A_543, %add3A_734 : vector<16xi32>
            tpu.vector_store_idx %arg7[%broadcast_in_dim3A, %add3A_735], %gather3A_725 : memref<2x24576xf32, #tpu.memory_space<vmem>>[vector<16xi32>, vector<16xi32>], vector<16xf32>,
            %add3A_736 = arith.addi %broadcast_in_dim3A_622, %select_n3A_323 : vector<16xi32>
            %gather3A_737 = tpu.vector_load_idx %arg5[%broadcast_in_dim3A_588, %add3A_708, %add3A_736] : memref<2x64x384xf32, #tpu.memory_space<vmem>>[vector<16xi32>, vector<16xi32>, vector<16xi32>], vector<16xf32>,
            %add3A_738 = vector.broadcast %add3A_711 : i32 to vector<16xi32>
            %add3A_739 = arith.addi %add3A_547, %add3A_738 : vector<16xi32>
            tpu.vector_store_idx %arg7[%broadcast_in_dim3A, %add3A_739], %gather3A_729 : memref<2x24576xf32, #tpu.memory_space<vmem>>[vector<16xi32>, vector<16xi32>], vector<16xf32>,
            %add3A_740 = arith.addi %broadcast_in_dim3A_622, %select_n3A_348 : vector<16xi32>
            %gather3A_741 = tpu.vector_load_idx %arg5[%broadcast_in_dim3A_588, %add3A_708, %add3A_740] : memref<2x64x384xf32, #tpu.memory_space<vmem>>[vector<16xi32>, vector<16xi32>, vector<16xi32>], vector<16xf32>,
            %add3A_742 = vector.broadcast %add3A_711 : i32 to vector<16xi32>
            %add3A_743 = arith.addi %add3A_551, %add3A_742 : vector<16xi32>
            tpu.vector_store_idx %arg7[%broadcast_in_dim3A, %add3A_743], %gather3A_733 : memref<2x24576xf32, #tpu.memory_space<vmem>>[vector<16xi32>, vector<16xi32>], vector<16xf32>,
            %add3A_744 = arith.addi %broadcast_in_dim3A_622, %select_n3A_373 : vector<16xi32>
            %gather3A_745 = tpu.vector_load_idx %arg5[%broadcast_in_dim3A_588, %add3A_708, %add3A_744] : memref<2x64x384xf32, #tpu.memory_space<vmem>>[vector<16xi32>, vector<16xi32>, vector<16xi32>], vector<16xf32>,
            %add3A_746 = vector.broadcast %add3A_711 : i32 to vector<16xi32>
            %add3A_747 = arith.addi %add3A_555, %add3A_746 : vector<16xi32>
            tpu.vector_store_idx %arg7[%broadcast_in_dim3A, %add3A_747], %gather3A_737 : memref<2x24576xf32, #tpu.memory_space<vmem>>[vector<16xi32>, vector<16xi32>], vector<16xf32>,
            %add3A_748 = arith.addi %broadcast_in_dim3A_622, %select_n3A_398 : vector<16xi32>
            %gather3A_749 = tpu.vector_load_idx %arg5[%broadcast_in_dim3A_588, %add3A_708, %add3A_748] : memref<2x64x384xf32, #tpu.memory_space<vmem>>[vector<16xi32>, vector<16xi32>, vector<16xi32>], vector<16xf32>,
            %add3A_750 = vector.broadcast %add3A_711 : i32 to vector<16xi32>
            %add3A_751 = arith.addi %add3A_559, %add3A_750 : vector<16xi32>
            tpu.vector_store_idx %arg7[%broadcast_in_dim3A, %add3A_751], %gather3A_741 : memref<2x24576xf32, #tpu.memory_space<vmem>>[vector<16xi32>, vector<16xi32>], vector<16xf32>,
            %add3A_752 = arith.addi %broadcast_in_dim3A_622, %select_n3A_423 : vector<16xi32>
            %gather3A_753 = tpu.vector_load_idx %arg5[%broadcast_in_dim3A_588, %add3A_708, %add3A_752] : memref<2x64x384xf32, #tpu.memory_space<vmem>>[vector<16xi32>, vector<16xi32>, vector<16xi32>], vector<16xf32>,
            %add3A_754 = vector.broadcast %add3A_711 : i32 to vector<16xi32>
            %add3A_755 = arith.addi %add3A_563, %add3A_754 : vector<16xi32>
            tpu.vector_store_idx %arg7[%broadcast_in_dim3A, %add3A_755], %gather3A_745 : memref<2x24576xf32, #tpu.memory_space<vmem>>[vector<16xi32>, vector<16xi32>], vector<16xf32>,
            %add3A_756 = arith.addi %broadcast_in_dim3A_622, %select_n3A_448 : vector<16xi32>
            %gather3A_757 = tpu.vector_load_idx %arg5[%broadcast_in_dim3A_588, %add3A_708, %add3A_756] : memref<2x64x384xf32, #tpu.memory_space<vmem>>[vector<16xi32>, vector<16xi32>, vector<16xi32>], vector<16xf32>,
            %add3A_758 = vector.broadcast %add3A_711 : i32 to vector<16xi32>
            %add3A_759 = arith.addi %add3A_567, %add3A_758 : vector<16xi32>
            tpu.vector_store_idx %arg7[%broadcast_in_dim3A, %add3A_759], %gather3A_749 : memref<2x24576xf32, #tpu.memory_space<vmem>>[vector<16xi32>, vector<16xi32>], vector<16xf32>,
            %add3A_760 = arith.addi %broadcast_in_dim3A_622, %select_n3A_473 : vector<16xi32>
            %gather3A_761 = tpu.vector_load_idx %arg5[%broadcast_in_dim3A_588, %add3A_708, %add3A_760] : memref<2x64x384xf32, #tpu.memory_space<vmem>>[vector<16xi32>, vector<16xi32>, vector<16xi32>], vector<16xf32>,
            %add3A_762 = vector.broadcast %add3A_711 : i32 to vector<16xi32>
            %add3A_763 = arith.addi %add3A_571, %add3A_762 : vector<16xi32>
            tpu.vector_store_idx %arg7[%broadcast_in_dim3A, %add3A_763], %gather3A_753 : memref<2x24576xf32, #tpu.memory_space<vmem>>[vector<16xi32>, vector<16xi32>], vector<16xf32>,
            %add3A_764 = arith.addi %broadcast_in_dim3A_622, %select_n3A_498 : vector<16xi32>
            %gather3A_765 = tpu.vector_load_idx %arg5[%broadcast_in_dim3A_588, %add3A_708, %add3A_764] : memref<2x64x384xf32, #tpu.memory_space<vmem>>[vector<16xi32>, vector<16xi32>, vector<16xi32>], vector<16xf32>,
            %add3A_766 = vector.broadcast %add3A_711 : i32 to vector<16xi32>
            %add3A_767 = arith.addi %add3A_575, %add3A_766 : vector<16xi32>
            tpu.vector_store_idx %arg7[%broadcast_in_dim3A, %add3A_767], %gather3A_757 : memref<2x24576xf32, #tpu.memory_space<vmem>>[vector<16xi32>, vector<16xi32>], vector<16xf32>,
            %add3A_768 = arith.addi %broadcast_in_dim3A_622, %select_n3A_523 : vector<16xi32>
            %gather3A_769 = tpu.vector_load_idx %arg5[%broadcast_in_dim3A_588, %add3A_708, %add3A_768] : memref<2x64x384xf32, #tpu.memory_space<vmem>>[vector<16xi32>, vector<16xi32>, vector<16xi32>], vector<16xf32>,
            %add3A_770 = vector.broadcast %add3A_711 : i32 to vector<16xi32>
            %add3A_771 = arith.addi %add3A_579, %add3A_770 : vector<16xi32>
            tpu.vector_store_idx %arg7[%broadcast_in_dim3A, %add3A_771], %gather3A_761 : memref<2x24576xf32, #tpu.memory_space<vmem>>[vector<16xi32>, vector<16xi32>], vector<16xf32>,
            %add3A_772 = vector.broadcast %add3A_711 : i32 to vector<16xi32>
            %add3A_773 = arith.addi %add3A_583, %add3A_772 : vector<16xi32>
            tpu.vector_store_idx %arg7[%broadcast_in_dim3A, %add3A_773], %gather3A_765 : memref<2x24576xf32, #tpu.memory_space<vmem>>[vector<16xi32>, vector<16xi32>], vector<16xf32>,
            %add3A_774 = vector.broadcast %add3A_711 : i32 to vector<16xi32>
            %add3A_775 = arith.addi %add3A_587, %add3A_774 : vector<16xi32>
            tpu.vector_store_idx %arg7[%broadcast_in_dim3A, %add3A_775], %gather3A_769 : memref<2x24576xf32, #tpu.memory_space<vmem>>[vector<16xi32>, vector<16xi32>], vector<16xf32>,
          }
          %scan3A_627 = arith.constant 4 : i32
        }
        %scan3A_593 = arith.constant 24 : i32
        %add3A_594 = arith.addi %add3A_4, %add3A_83 : i32
        %eq3A_595 = arith.constant 0 : i32
        %eq3A_596 = arith.cmpi eq, %select_n3A_103, %eq3A_595 : i32
        %convert_element_type3A_597 = arith.extui %eq3A_596 : i1 to i32
        %cond3A_598 = arith.constant 0 : i32
        %cond3A_599 = arith.cmpi ne, %convert_element_type3A_597, %cond3A_598 : i32
        scf.if %cond3A_599 {
          %mul3A_605 = arith.constant 24576 : i32
          %mul3A_606 = arith.muli %add3A_594, %mul3A_605 : i32
          %dma_start3A_607 = arith.constant 0 : i32
          %dma_start3A_608 = arith.constant 0 : i32
          %dma_start3A_609 = tpu.memref_slice %arg7[%dma_start3A_607, %dma_start3A_608] : memref<2x24576xf32, #tpu.memory_space<vmem>> -> memref<1x24576xf32, #tpu.memory_space<vmem>>
          %dma_start3A_610 = tpu.memref_squeeze %dma_start3A_609 : memref<1x24576xf32, #tpu.memory_space<vmem>> -> memref<24576xf32, #tpu.memory_space<vmem>>
          %dma_start3A_611 = tpu.memref_slice %arg4[%mul3A_606] : memref<64000000xf32, #tpu.memory_space<hbm>> -> memref<24576xf32, #tpu.memory_space<hbm>>
          %dma_start3A_612 = tpu.memref_slice %arg4[%mul3A_606] : memref<64000000xf32, #tpu.memory_space<hbm>> -> memref<24576xf32, #tpu.memory_space<hbm>>
          %dma_start3A_613 = arith.constant 0 : i32
          %dma_start3A_614 = tpu.memref_slice %arg7[%dma_start3A_607, %dma_start3A_613] : memref<2x24576xf32, #tpu.memory_space<vmem>> -> memref<1x24576xf32, #tpu.memory_space<vmem>>
          %dma_start3A_615 = tpu.memref_squeeze %dma_start3A_614 : memref<1x24576xf32, #tpu.memory_space<vmem>> -> memref<24576xf32, #tpu.memory_space<vmem>>
          tpu.enqueue_dma source(%dma_start3A_615 : memref<24576xf32, #tpu.memory_space<vmem>>) target(%dma_start3A_612 : memref<24576xf32, #tpu.memory_space<hbm>>) target_semaphore(%arg10 : memref<!tpu.dma_semaphore, #tpu.memory_space<semaphore_mem>>)
        } else {
        }
        %eq3A_600 = arith.constant 1 : i32
        %eq3A_601 = arith.cmpi eq, %select_n3A_103, %eq3A_600 : i32
        %convert_element_type3A_602 = arith.extui %eq3A_601 : i1 to i32
        %cond3A_603 = arith.constant 0 : i32
        %cond3A_604 = arith.cmpi ne, %convert_element_type3A_602, %cond3A_603 : i32
        scf.if %cond3A_604 {
          %mul3A_605 = arith.constant 24576 : i32
          %mul3A_606 = arith.muli %add3A_594, %mul3A_605 : i32
          %dma_start3A_607 = arith.constant 1 : i32
          %dma_start3A_608 = arith.constant 0 : i32
          %dma_start3A_609 = tpu.memref_slice %arg7[%dma_start3A_607, %dma_start3A_608] : memref<2x24576xf32, #tpu.memory_space<vmem>> -> memref<1x24576xf32, #tpu.memory_space<vmem>>
          %dma_start3A_610 = tpu.memref_squeeze %dma_start3A_609 : memref<1x24576xf32, #tpu.memory_space<vmem>> -> memref<24576xf32, #tpu.memory_space<vmem>>
          %dma_start3A_611 = tpu.memref_slice %arg4[%mul3A_606] : memref<64000000xf32, #tpu.memory_space<hbm>> -> memref<24576xf32, #tpu.memory_space<hbm>>
          %dma_start3A_612 = tpu.memref_slice %arg4[%mul3A_606] : memref<64000000xf32, #tpu.memory_space<hbm>> -> memref<24576xf32, #tpu.memory_space<hbm>>
          %dma_start3A_613 = arith.constant 0 : i32
          %dma_start3A_614 = tpu.memref_slice %arg7[%dma_start3A_607, %dma_start3A_613] : memref<2x24576xf32, #tpu.memory_space<vmem>> -> memref<1x24576xf32, #tpu.memory_space<vmem>>
          %dma_start3A_615 = tpu.memref_squeeze %dma_start3A_614 : memref<1x24576xf32, #tpu.memory_space<vmem>> -> memref<24576xf32, #tpu.memory_space<vmem>>
          tpu.enqueue_dma source(%dma_start3A_615 : memref<24576xf32, #tpu.memory_space<vmem>>) target(%dma_start3A_612 : memref<24576xf32, #tpu.memory_space<hbm>>) target_semaphore(%arg11 : memref<!tpu.dma_semaphore, #tpu.memory_space<semaphore_mem>>)
        } else {
        }
      } else {
      }
    }
    %scan3A_25 = arith.constant 82 : i32
    %sub3A = arith.constant 2 : i32
    %sub3A_26 = arith.subi %add3A_7, %sub3A : i32
    %jit3A = arith.constant 2 : i32
    %eq3A = arith.constant 0 : i32
    %eq3A_27 = arith.cmpi eq, %jit3A, %eq3A : i32
    %jit3A_28 = arith.constant 1 : i32
    %select_n3A = arith.select %eq3A_27, %jit3A_28, %jit3A : i32
    %rem3A = arith.remsi %sub3A_26, %select_n3A : i32
    %ne3A = arith.constant 0 : i32
    %ne3A_29 = arith.cmpi ne, %rem3A, %ne3A : i32
    %lt3A_30 = arith.constant 0 : i32
    %lt3A_31 = arith.cmpi slt, %rem3A, %lt3A_30 : i32
    %lt3A_32 = arith.constant 0 : i32
    %lt3A_33 = arith.cmpi slt, %select_n3A, %lt3A_32 : i32
    %ne3A_34 = arith.xori %lt3A_31, %lt3A_33 : i1
    %and3A = arith.andi %ne3A_34, %ne3A_29 : i1
    %add3A_35 = arith.addi %rem3A, %select_n3A : i32
    %select_n3A_36 = arith.select %and3A, %add3A_35, %rem3A : i32
    %eq3A_37 = arith.constant 0 : i32
    %eq3A_38 = arith.cmpi eq, %select_n3A_36, %eq3A_37 : i32
    %convert_element_type3A_39 = arith.extui %eq3A_38 : i1 to i32
    %cond3A = arith.constant 0 : i32
    %cond3A_40 = arith.cmpi ne, %convert_element_type3A_39, %cond3A : i32
    scf.if %cond3A_40 {
      %dma_wait3A = arith.constant 0 : i32
      %dma_wait3A_79 = arith.constant 0 : i32
      %dma_wait3A_80 = tpu.memref_slice %arg7[%dma_wait3A, %dma_wait3A_79] : memref<2x24576xf32, #tpu.memory_space<vmem>> -> memref<1x24576xf32, #tpu.memory_space<vmem>>
      %dma_wait3A_81 = tpu.memref_squeeze %dma_wait3A_80 : memref<1x24576xf32, #tpu.memory_space<vmem>> -> memref<24576xf32, #tpu.memory_space<vmem>>
      %dma_wait3A_82 = arith.constant 0 : i32
      %dma_wait3A_83 = tpu.memref_slice %arg4[%dma_wait3A_82] : memref<64000000xf32, #tpu.memory_space<hbm>> -> memref<24576xf32, #tpu.memory_space<hbm>>
      %dma_wait3A_84 = arith.constant 0 : i32
      %dma_wait3A_85 = tpu.memref_slice %arg4[%dma_wait3A_84] : memref<64000000xf32, #tpu.memory_space<hbm>> -> memref<24576xf32, #tpu.memory_space<hbm>>
      %dma_wait3A_86 = arith.constant 0 : i32
      %dma_wait3A_87 = tpu.memref_slice %arg7[%dma_wait3A, %dma_wait3A_86] : memref<2x24576xf32, #tpu.memory_space<vmem>> -> memref<1x24576xf32, #tpu.memory_space<vmem>>
      %dma_wait3A_88 = tpu.memref_squeeze %dma_wait3A_87 : memref<1x24576xf32, #tpu.memory_space<vmem>> -> memref<24576xf32, #tpu.memory_space<vmem>>
      tpu.wait_dma2 semaphore(%arg10 : memref<!tpu.dma_semaphore, #tpu.memory_space<semaphore_mem>>) src(%dma_wait3A_88 : memref<24576xf32, #tpu.memory_space<vmem>>) dst(%dma_wait3A_85 : memref<24576xf32, #tpu.memory_space<hbm>>)
    } else {
    }
    %eq3A_41 = arith.constant 1 : i32
    %eq3A_42 = arith.cmpi eq, %select_n3A_36, %eq3A_41 : i32
    %convert_element_type3A_43 = arith.extui %eq3A_42 : i1 to i32
    %cond3A_44 = arith.constant 0 : i32
    %cond3A_45 = arith.cmpi ne, %convert_element_type3A_43, %cond3A_44 : i32
    scf.if %cond3A_45 {
      %dma_wait3A = arith.constant 1 : i32
      %dma_wait3A_79 = arith.constant 0 : i32
      %dma_wait3A_80 = tpu.memref_slice %arg7[%dma_wait3A, %dma_wait3A_79] : memref<2x24576xf32, #tpu.memory_space<vmem>> -> memref<1x24576xf32, #tpu.memory_space<vmem>>
      %dma_wait3A_81 = tpu.memref_squeeze %dma_wait3A_80 : memref<1x24576xf32, #tpu.memory_space<vmem>> -> memref<24576xf32, #tpu.memory_space<vmem>>
      %dma_wait3A_82 = arith.constant 0 : i32
      %dma_wait3A_83 = tpu.memref_slice %arg4[%dma_wait3A_82] : memref<64000000xf32, #tpu.memory_space<hbm>> -> memref<24576xf32, #tpu.memory_space<hbm>>
      %dma_wait3A_84 = arith.constant 0 : i32
      %dma_wait3A_85 = tpu.memref_slice %arg4[%dma_wait3A_84] : memref<64000000xf32, #tpu.memory_space<hbm>> -> memref<24576xf32, #tpu.memory_space<hbm>>
      %dma_wait3A_86 = arith.constant 0 : i32
      %dma_wait3A_87 = tpu.memref_slice %arg7[%dma_wait3A, %dma_wait3A_86] : memref<2x24576xf32, #tpu.memory_space<vmem>> -> memref<1x24576xf32, #tpu.memory_space<vmem>>
      %dma_wait3A_88 = tpu.memref_squeeze %dma_wait3A_87 : memref<1x24576xf32, #tpu.memory_space<vmem>> -> memref<24576xf32, #tpu.memory_space<vmem>>
      tpu.wait_dma2 semaphore(%arg11 : memref<!tpu.dma_semaphore, #tpu.memory_space<semaphore_mem>>) src(%dma_wait3A_88 : memref<24576xf32, #tpu.memory_space<vmem>>) dst(%dma_wait3A_85 : memref<24576xf32, #tpu.memory_space<hbm>>)
    } else {
    }
    %sub3A_46 = arith.constant 1 : i32
    %sub3A_47 = arith.subi %add3A_7, %sub3A_46 : i32
    %jit3A_48 = arith.constant 2 : i32
    %eq3A_49 = arith.constant 0 : i32
    %eq3A_50 = arith.cmpi eq, %jit3A_48, %eq3A_49 : i32
    %jit3A_51 = arith.constant 1 : i32
    %select_n3A_52 = arith.select %eq3A_50, %jit3A_51, %jit3A_48 : i32
    %rem3A_53 = arith.remsi %sub3A_47, %select_n3A_52 : i32
    %ne3A_54 = arith.constant 0 : i32
    %ne3A_55 = arith.cmpi ne, %rem3A_53, %ne3A_54 : i32
    %lt3A_56 = arith.constant 0 : i32
    %lt3A_57 = arith.cmpi slt, %rem3A_53, %lt3A_56 : i32
    %lt3A_58 = arith.constant 0 : i32
    %lt3A_59 = arith.cmpi slt, %select_n3A_52, %lt3A_58 : i32
    %ne3A_60 = arith.xori %lt3A_57, %lt3A_59 : i1
    %and3A_61 = arith.andi %ne3A_60, %ne3A_55 : i1
    %add3A_62 = arith.addi %rem3A_53, %select_n3A_52 : i32
    %select_n3A_63 = arith.select %and3A_61, %add3A_62, %rem3A_53 : i32
    %eq3A_64 = arith.constant 0 : i32
    %eq3A_65 = arith.cmpi eq, %select_n3A_63, %eq3A_64 : i32
    %convert_element_type3A_66 = arith.extui %eq3A_65 : i1 to i32
    %cond3A_67 = arith.constant 0 : i32
    %cond3A_68 = arith.cmpi ne, %convert_element_type3A_66, %cond3A_67 : i32
    scf.if %cond3A_68 {
      %dma_wait3A = arith.constant 0 : i32
      %dma_wait3A_79 = arith.constant 0 : i32
      %dma_wait3A_80 = tpu.memref_slice %arg7[%dma_wait3A, %dma_wait3A_79] : memref<2x24576xf32, #tpu.memory_space<vmem>> -> memref<1x24576xf32, #tpu.memory_space<vmem>>
      %dma_wait3A_81 = tpu.memref_squeeze %dma_wait3A_80 : memref<1x24576xf32, #tpu.memory_space<vmem>> -> memref<24576xf32, #tpu.memory_space<vmem>>
      %dma_wait3A_82 = arith.constant 0 : i32
      %dma_wait3A_83 = tpu.memref_slice %arg4[%dma_wait3A_82] : memref<64000000xf32, #tpu.memory_space<hbm>> -> memref<24576xf32, #tpu.memory_space<hbm>>
      %dma_wait3A_84 = arith.constant 0 : i32
      %dma_wait3A_85 = tpu.memref_slice %arg4[%dma_wait3A_84] : memref<64000000xf32, #tpu.memory_space<hbm>> -> memref<24576xf32, #tpu.memory_space<hbm>>
      %dma_wait3A_86 = arith.constant 0 : i32
      %dma_wait3A_87 = tpu.memref_slice %arg7[%dma_wait3A, %dma_wait3A_86] : memref<2x24576xf32, #tpu.memory_space<vmem>> -> memref<1x24576xf32, #tpu.memory_space<vmem>>
      %dma_wait3A_88 = tpu.memref_squeeze %dma_wait3A_87 : memref<1x24576xf32, #tpu.memory_space<vmem>> -> memref<24576xf32, #tpu.memory_space<vmem>>
      tpu.wait_dma2 semaphore(%arg10 : memref<!tpu.dma_semaphore, #tpu.memory_space<semaphore_mem>>) src(%dma_wait3A_88 : memref<24576xf32, #tpu.memory_space<vmem>>) dst(%dma_wait3A_85 : memref<24576xf32, #tpu.memory_space<hbm>>)
    } else {
    }
    %eq3A_69 = arith.constant 1 : i32
    %eq3A_70 = arith.cmpi eq, %select_n3A_63, %eq3A_69 : i32
    %convert_element_type3A_71 = arith.extui %eq3A_70 : i1 to i32
    %cond3A_72 = arith.constant 0 : i32
    %cond3A_73 = arith.cmpi ne, %convert_element_type3A_71, %cond3A_72 : i32
    scf.if %cond3A_73 {
      %dma_wait3A = arith.constant 1 : i32
      %dma_wait3A_79 = arith.constant 0 : i32
      %dma_wait3A_80 = tpu.memref_slice %arg7[%dma_wait3A, %dma_wait3A_79] : memref<2x24576xf32, #tpu.memory_space<vmem>> -> memref<1x24576xf32, #tpu.memory_space<vmem>>
      %dma_wait3A_81 = tpu.memref_squeeze %dma_wait3A_80 : memref<1x24576xf32, #tpu.memory_space<vmem>> -> memref<24576xf32, #tpu.memory_space<vmem>>
      %dma_wait3A_82 = arith.constant 0 : i32
      %dma_wait3A_83 = tpu.memref_slice %arg4[%dma_wait3A_82] : memref<64000000xf32, #tpu.memory_space<hbm>> -> memref<24576xf32, #tpu.memory_space<hbm>>
      %dma_wait3A_84 = arith.constant 0 : i32
      %dma_wait3A_85 = tpu.memref_slice %arg4[%dma_wait3A_84] : memref<64000000xf32, #tpu.memory_space<hbm>> -> memref<24576xf32, #tpu.memory_space<hbm>>
      %dma_wait3A_86 = arith.constant 0 : i32
      %dma_wait3A_87 = tpu.memref_slice %arg7[%dma_wait3A, %dma_wait3A_86] : memref<2x24576xf32, #tpu.memory_space<vmem>> -> memref<1x24576xf32, #tpu.memory_space<vmem>>
      %dma_wait3A_88 = tpu.memref_squeeze %dma_wait3A_87 : memref<1x24576xf32, #tpu.memory_space<vmem>> -> memref<24576xf32, #tpu.memory_space<vmem>>
      tpu.wait_dma2 semaphore(%arg11 : memref<!tpu.dma_semaphore, #tpu.memory_space<semaphore_mem>>) src(%dma_wait3A_88 : memref<24576xf32, #tpu.memory_space<vmem>>) dst(%dma_wait3A_85 : memref<24576xf32, #tpu.memory_space<hbm>>)
    } else {
    }
    %eq3A_74 = arith.constant 1 : i32
    %eq3A_75 = arith.cmpi eq, %add3A, %eq3A_74 : i32
    %convert_element_type3A_76 = arith.extui %eq3A_75 : i1 to i32
    %cond3A_77 = arith.constant 0 : i32
    %cond3A_78 = arith.cmpi ne, %convert_element_type3A_76, %cond3A_77 : i32
    scf.if %cond3A_78 {
      "tpu.region"() ({
        %run_scoped3A = tpu.sem_alloc : memref<!tpu.dma_semaphore, #tpu.memory_space<semaphore_mem>>
        tpu.enqueue_dma source(%arg3 : memref<64x64xf32, #tpu.memory_space<hbm>>) target(%arg6 : memref<64x64xf32, #tpu.memory_space<vmem>>) target_semaphore(%run_scoped3A : memref<!tpu.dma_semaphore, #tpu.memory_space<semaphore_mem>>)
        tpu.wait_dma2 semaphore(%run_scoped3A : memref<!tpu.dma_semaphore, #tpu.memory_space<semaphore_mem>>) src(%arg3 : memref<64x64xf32, #tpu.memory_space<hbm>>) dst(%arg6 : memref<64x64xf32, #tpu.memory_space<vmem>>)
        tpu.yield
      }) : () -> ()
      %iota3A = tpu.iota {dimensions = array<i32: 0>} : vector<16xi32>
      %add3A_79 = arith.constant 0 : i32
      %add3A_80 = vector.broadcast %add3A_79 : i32 to vector<16xi32>
      %add3A_81 = arith.addi %iota3A, %add3A_80 : vector<16xi32>
      %jit3A_82 = arith.constant 16 : i32
      %eq3A_83 = arith.constant 0 : i32
      %eq3A_84 = arith.cmpi eq, %jit3A_82, %eq3A_83 : i32
      %jit3A_85 = arith.constant 1 : i32
      %select_n3A_86 = arith.select %eq3A_84, %jit3A_85, %jit3A_82 : i32
      %rem3A_87 = vector.broadcast %select_n3A_86 : i32 to vector<16xi32>
      %rem3A_88 = arith.remsi %add3A_81, %rem3A_87 : vector<16xi32>
      %ne3A_89 = arith.constant 0 : i32
      %ne3A_90 = vector.broadcast %ne3A_89 : i32 to vector<16xi32>
      %ne3A_91 = arith.cmpi ne, %rem3A_88, %ne3A_90 : vector<16xi32>
      %lt3A_92 = arith.constant 0 : i32
      %lt3A_93 = vector.broadcast %lt3A_92 : i32 to vector<16xi32>
      %lt3A_94 = arith.cmpi slt, %rem3A_88, %lt3A_93 : vector<16xi32>
      %lt3A_95 = arith.constant 0 : i32
      %lt3A_96 = arith.cmpi slt, %select_n3A_86, %lt3A_95 : i32
      %ne3A_97 = vector.broadcast %lt3A_96 : i1 to vector<16xi1>
      %ne3A_98 = vector.broadcast %ne3A_97 : vector<16xi1> to vector<16xi1>
      %ne3A_99 = arith.xori %lt3A_94, %ne3A_98 : vector<16xi1>
      %and3A_100 = arith.andi %ne3A_99, %ne3A_91 : vector<16xi1>
      %add3A_101 = vector.broadcast %select_n3A_86 : i32 to vector<16xi32>
      %add3A_102 = arith.addi %rem3A_88, %add3A_101 : vector<16xi32>
      %select_n3A_103 = arith.select %and3A_100, %add3A_102, %rem3A_88 : vector<16xi1>, vector<16xi32>
      %add3A_104 = arith.constant 1 : i32
      %add3A_105 = vector.broadcast %add3A_104 : i32 to vector<16xi32>
      %add3A_106 = arith.addi %iota3A, %add3A_105 : vector<16xi32>
      %jit3A_107 = arith.constant 16 : i32
      %eq3A_108 = arith.constant 0 : i32
      %eq3A_109 = arith.cmpi eq, %jit3A_107, %eq3A_108 : i32
      %jit3A_110 = arith.constant 1 : i32
      %select_n3A_111 = arith.select %eq3A_109, %jit3A_110, %jit3A_107 : i32
      %rem3A_112 = vector.broadcast %select_n3A_111 : i32 to vector<16xi32>
      %rem3A_113 = arith.remsi %add3A_106, %rem3A_112 : vector<16xi32>
      %ne3A_114 = arith.constant 0 : i32
      %ne3A_115 = vector.broadcast %ne3A_114 : i32 to vector<16xi32>
      %ne3A_116 = arith.cmpi ne, %rem3A_113, %ne3A_115 : vector<16xi32>
      %lt3A_117 = arith.constant 0 : i32
      %lt3A_118 = vector.broadcast %lt3A_117 : i32 to vector<16xi32>
      %lt3A_119 = arith.cmpi slt, %rem3A_113, %lt3A_118 : vector<16xi32>
      %lt3A_120 = arith.constant 0 : i32
      %lt3A_121 = arith.cmpi slt, %select_n3A_111, %lt3A_120 : i32
      %ne3A_122 = vector.broadcast %lt3A_121 : i1 to vector<16xi1>
      %ne3A_123 = vector.broadcast %ne3A_122 : vector<16xi1> to vector<16xi1>
      %ne3A_124 = arith.xori %lt3A_119, %ne3A_123 : vector<16xi1>
      %and3A_125 = arith.andi %ne3A_124, %ne3A_116 : vector<16xi1>
      %add3A_126 = vector.broadcast %select_n3A_111 : i32 to vector<16xi32>
      %add3A_127 = arith.addi %rem3A_113, %add3A_126 : vector<16xi32>
      %select_n3A_128 = arith.select %and3A_125, %add3A_127, %rem3A_113 : vector<16xi1>, vector<16xi32>
      %add3A_129 = arith.constant 2 : i32
      %add3A_130 = vector.broadcast %add3A_129 : i32 to vector<16xi32>
      %add3A_131 = arith.addi %iota3A, %add3A_130 : vector<16xi32>
      %jit3A_132 = arith.constant 16 : i32
      %eq3A_133 = arith.constant 0 : i32
      %eq3A_134 = arith.cmpi eq, %jit3A_132, %eq3A_133 : i32
      %jit3A_135 = arith.constant 1 : i32
      %select_n3A_136 = arith.select %eq3A_134, %jit3A_135, %jit3A_132 : i32
      %rem3A_137 = vector.broadcast %select_n3A_136 : i32 to vector<16xi32>
      %rem3A_138 = arith.remsi %add3A_131, %rem3A_137 : vector<16xi32>
      %ne3A_139 = arith.constant 0 : i32
      %ne3A_140 = vector.broadcast %ne3A_139 : i32 to vector<16xi32>
      %ne3A_141 = arith.cmpi ne, %rem3A_138, %ne3A_140 : vector<16xi32>
      %lt3A_142 = arith.constant 0 : i32
      %lt3A_143 = vector.broadcast %lt3A_142 : i32 to vector<16xi32>
      %lt3A_144 = arith.cmpi slt, %rem3A_138, %lt3A_143 : vector<16xi32>
      %lt3A_145 = arith.constant 0 : i32
      %lt3A_146 = arith.cmpi slt, %select_n3A_136, %lt3A_145 : i32
      %ne3A_147 = vector.broadcast %lt3A_146 : i1 to vector<16xi1>
      %ne3A_148 = vector.broadcast %ne3A_147 : vector<16xi1> to vector<16xi1>
      %ne3A_149 = arith.xori %lt3A_144, %ne3A_148 : vector<16xi1>
      %and3A_150 = arith.andi %ne3A_149, %ne3A_141 : vector<16xi1>
      %add3A_151 = vector.broadcast %select_n3A_136 : i32 to vector<16xi32>
      %add3A_152 = arith.addi %rem3A_138, %add3A_151 : vector<16xi32>
      %select_n3A_153 = arith.select %and3A_150, %add3A_152, %rem3A_138 : vector<16xi1>, vector<16xi32>
      %add3A_154 = arith.constant 3 : i32
      %add3A_155 = vector.broadcast %add3A_154 : i32 to vector<16xi32>
      %add3A_156 = arith.addi %iota3A, %add3A_155 : vector<16xi32>
      %jit3A_157 = arith.constant 16 : i32
      %eq3A_158 = arith.constant 0 : i32
      %eq3A_159 = arith.cmpi eq, %jit3A_157, %eq3A_158 : i32
      %jit3A_160 = arith.constant 1 : i32
      %select_n3A_161 = arith.select %eq3A_159, %jit3A_160, %jit3A_157 : i32
      %rem3A_162 = vector.broadcast %select_n3A_161 : i32 to vector<16xi32>
      %rem3A_163 = arith.remsi %add3A_156, %rem3A_162 : vector<16xi32>
      %ne3A_164 = arith.constant 0 : i32
      %ne3A_165 = vector.broadcast %ne3A_164 : i32 to vector<16xi32>
      %ne3A_166 = arith.cmpi ne, %rem3A_163, %ne3A_165 : vector<16xi32>
      %lt3A_167 = arith.constant 0 : i32
      %lt3A_168 = vector.broadcast %lt3A_167 : i32 to vector<16xi32>
      %lt3A_169 = arith.cmpi slt, %rem3A_163, %lt3A_168 : vector<16xi32>
      %lt3A_170 = arith.constant 0 : i32
      %lt3A_171 = arith.cmpi slt, %select_n3A_161, %lt3A_170 : i32
      %ne3A_172 = vector.broadcast %lt3A_171 : i1 to vector<16xi1>
      %ne3A_173 = vector.broadcast %ne3A_172 : vector<16xi1> to vector<16xi1>
      %ne3A_174 = arith.xori %lt3A_169, %ne3A_173 : vector<16xi1>
      %and3A_175 = arith.andi %ne3A_174, %ne3A_166 : vector<16xi1>
      %add3A_176 = vector.broadcast %select_n3A_161 : i32 to vector<16xi32>
      %add3A_177 = arith.addi %rem3A_163, %add3A_176 : vector<16xi32>
      %select_n3A_178 = arith.select %and3A_175, %add3A_177, %rem3A_163 : vector<16xi1>, vector<16xi32>
      %add3A_179 = arith.constant 4 : i32
      %add3A_180 = vector.broadcast %add3A_179 : i32 to vector<16xi32>
      %add3A_181 = arith.addi %iota3A, %add3A_180 : vector<16xi32>
      %jit3A_182 = arith.constant 16 : i32
      %eq3A_183 = arith.constant 0 : i32
      %eq3A_184 = arith.cmpi eq, %jit3A_182, %eq3A_183 : i32
      %jit3A_185 = arith.constant 1 : i32
      %select_n3A_186 = arith.select %eq3A_184, %jit3A_185, %jit3A_182 : i32
      %rem3A_187 = vector.broadcast %select_n3A_186 : i32 to vector<16xi32>
      %rem3A_188 = arith.remsi %add3A_181, %rem3A_187 : vector<16xi32>
      %ne3A_189 = arith.constant 0 : i32
      %ne3A_190 = vector.broadcast %ne3A_189 : i32 to vector<16xi32>
      %ne3A_191 = arith.cmpi ne, %rem3A_188, %ne3A_190 : vector<16xi32>
      %lt3A_192 = arith.constant 0 : i32
      %lt3A_193 = vector.broadcast %lt3A_192 : i32 to vector<16xi32>
      %lt3A_194 = arith.cmpi slt, %rem3A_188, %lt3A_193 : vector<16xi32>
      %lt3A_195 = arith.constant 0 : i32
      %lt3A_196 = arith.cmpi slt, %select_n3A_186, %lt3A_195 : i32
      %ne3A_197 = vector.broadcast %lt3A_196 : i1 to vector<16xi1>
      %ne3A_198 = vector.broadcast %ne3A_197 : vector<16xi1> to vector<16xi1>
      %ne3A_199 = arith.xori %lt3A_194, %ne3A_198 : vector<16xi1>
      %and3A_200 = arith.andi %ne3A_199, %ne3A_191 : vector<16xi1>
      %add3A_201 = vector.broadcast %select_n3A_186 : i32 to vector<16xi32>
      %add3A_202 = arith.addi %rem3A_188, %add3A_201 : vector<16xi32>
      %select_n3A_203 = arith.select %and3A_200, %add3A_202, %rem3A_188 : vector<16xi1>, vector<16xi32>
      %add3A_204 = arith.constant 5 : i32
      %add3A_205 = vector.broadcast %add3A_204 : i32 to vector<16xi32>
      %add3A_206 = arith.addi %iota3A, %add3A_205 : vector<16xi32>
      %jit3A_207 = arith.constant 16 : i32
      %eq3A_208 = arith.constant 0 : i32
      %eq3A_209 = arith.cmpi eq, %jit3A_207, %eq3A_208 : i32
      %jit3A_210 = arith.constant 1 : i32
      %select_n3A_211 = arith.select %eq3A_209, %jit3A_210, %jit3A_207 : i32
      %rem3A_212 = vector.broadcast %select_n3A_211 : i32 to vector<16xi32>
      %rem3A_213 = arith.remsi %add3A_206, %rem3A_212 : vector<16xi32>
      %ne3A_214 = arith.constant 0 : i32
      %ne3A_215 = vector.broadcast %ne3A_214 : i32 to vector<16xi32>
      %ne3A_216 = arith.cmpi ne, %rem3A_213, %ne3A_215 : vector<16xi32>
      %lt3A_217 = arith.constant 0 : i32
      %lt3A_218 = vector.broadcast %lt3A_217 : i32 to vector<16xi32>
      %lt3A_219 = arith.cmpi slt, %rem3A_213, %lt3A_218 : vector<16xi32>
      %lt3A_220 = arith.constant 0 : i32
      %lt3A_221 = arith.cmpi slt, %select_n3A_211, %lt3A_220 : i32
      %ne3A_222 = vector.broadcast %lt3A_221 : i1 to vector<16xi1>
      %ne3A_223 = vector.broadcast %ne3A_222 : vector<16xi1> to vector<16xi1>
      %ne3A_224 = arith.xori %lt3A_219, %ne3A_223 : vector<16xi1>
      %and3A_225 = arith.andi %ne3A_224, %ne3A_216 : vector<16xi1>
      %add3A_226 = vector.broadcast %select_n3A_211 : i32 to vector<16xi32>
      %add3A_227 = arith.addi %rem3A_213, %add3A_226 : vector<16xi32>
      %select_n3A_228 = arith.select %and3A_225, %add3A_227, %rem3A_213 : vector<16xi1>, vector<16xi32>
      %add3A_229 = arith.constant 6 : i32
      %add3A_230 = vector.broadcast %add3A_229 : i32 to vector<16xi32>
      %add3A_231 = arith.addi %iota3A, %add3A_230 : vector<16xi32>
      %jit3A_232 = arith.constant 16 : i32
      %eq3A_233 = arith.constant 0 : i32
      %eq3A_234 = arith.cmpi eq, %jit3A_232, %eq3A_233 : i32
      %jit3A_235 = arith.constant 1 : i32
      %select_n3A_236 = arith.select %eq3A_234, %jit3A_235, %jit3A_232 : i32
      %rem3A_237 = vector.broadcast %select_n3A_236 : i32 to vector<16xi32>
      %rem3A_238 = arith.remsi %add3A_231, %rem3A_237 : vector<16xi32>
      %ne3A_239 = arith.constant 0 : i32
      %ne3A_240 = vector.broadcast %ne3A_239 : i32 to vector<16xi32>
      %ne3A_241 = arith.cmpi ne, %rem3A_238, %ne3A_240 : vector<16xi32>
      %lt3A_242 = arith.constant 0 : i32
      %lt3A_243 = vector.broadcast %lt3A_242 : i32 to vector<16xi32>
      %lt3A_244 = arith.cmpi slt, %rem3A_238, %lt3A_243 : vector<16xi32>
      %lt3A_245 = arith.constant 0 : i32
      %lt3A_246 = arith.cmpi slt, %select_n3A_236, %lt3A_245 : i32
      %ne3A_247 = vector.broadcast %lt3A_246 : i1 to vector<16xi1>
      %ne3A_248 = vector.broadcast %ne3A_247 : vector<16xi1> to vector<16xi1>
      %ne3A_249 = arith.xori %lt3A_244, %ne3A_248 : vector<16xi1>
      %and3A_250 = arith.andi %ne3A_249, %ne3A_241 : vector<16xi1>
      %add3A_251 = vector.broadcast %select_n3A_236 : i32 to vector<16xi32>
      %add3A_252 = arith.addi %rem3A_238, %add3A_251 : vector<16xi32>
      %select_n3A_253 = arith.select %and3A_250, %add3A_252, %rem3A_238 : vector<16xi1>, vector<16xi32>
      %add3A_254 = arith.constant 7 : i32
      %add3A_255 = vector.broadcast %add3A_254 : i32 to vector<16xi32>
      %add3A_256 = arith.addi %iota3A, %add3A_255 : vector<16xi32>
      %jit3A_257 = arith.constant 16 : i32
      %eq3A_258 = arith.constant 0 : i32
      %eq3A_259 = arith.cmpi eq, %jit3A_257, %eq3A_258 : i32
      %jit3A_260 = arith.constant 1 : i32
      %select_n3A_261 = arith.select %eq3A_259, %jit3A_260, %jit3A_257 : i32
      %rem3A_262 = vector.broadcast %select_n3A_261 : i32 to vector<16xi32>
      %rem3A_263 = arith.remsi %add3A_256, %rem3A_262 : vector<16xi32>
      %ne3A_264 = arith.constant 0 : i32
      %ne3A_265 = vector.broadcast %ne3A_264 : i32 to vector<16xi32>
      %ne3A_266 = arith.cmpi ne, %rem3A_263, %ne3A_265 : vector<16xi32>
      %lt3A_267 = arith.constant 0 : i32
      %lt3A_268 = vector.broadcast %lt3A_267 : i32 to vector<16xi32>
      %lt3A_269 = arith.cmpi slt, %rem3A_263, %lt3A_268 : vector<16xi32>
      %lt3A_270 = arith.constant 0 : i32
      %lt3A_271 = arith.cmpi slt, %select_n3A_261, %lt3A_270 : i32
      %ne3A_272 = vector.broadcast %lt3A_271 : i1 to vector<16xi1>
      %ne3A_273 = vector.broadcast %ne3A_272 : vector<16xi1> to vector<16xi1>
      %ne3A_274 = arith.xori %lt3A_269, %ne3A_273 : vector<16xi1>
      %and3A_275 = arith.andi %ne3A_274, %ne3A_266 : vector<16xi1>
      %add3A_276 = vector.broadcast %select_n3A_261 : i32 to vector<16xi32>
      %add3A_277 = arith.addi %rem3A_263, %add3A_276 : vector<16xi32>
      %select_n3A_278 = arith.select %and3A_275, %add3A_277, %rem3A_263 : vector<16xi1>, vector<16xi32>
      %add3A_279 = arith.constant 8 : i32
      %add3A_280 = vector.broadcast %add3A_279 : i32 to vector<16xi32>
      %add3A_281 = arith.addi %iota3A, %add3A_280 : vector<16xi32>
      %jit3A_282 = arith.constant 16 : i32
      %eq3A_283 = arith.constant 0 : i32
      %eq3A_284 = arith.cmpi eq, %jit3A_282, %eq3A_283 : i32
      %jit3A_285 = arith.constant 1 : i32
      %select_n3A_286 = arith.select %eq3A_284, %jit3A_285, %jit3A_282 : i32
      %rem3A_287 = vector.broadcast %select_n3A_286 : i32 to vector<16xi32>
      %rem3A_288 = arith.remsi %add3A_281, %rem3A_287 : vector<16xi32>
      %ne3A_289 = arith.constant 0 : i32
      %ne3A_290 = vector.broadcast %ne3A_289 : i32 to vector<16xi32>
      %ne3A_291 = arith.cmpi ne, %rem3A_288, %ne3A_290 : vector<16xi32>
      %lt3A_292 = arith.constant 0 : i32
      %lt3A_293 = vector.broadcast %lt3A_292 : i32 to vector<16xi32>
      %lt3A_294 = arith.cmpi slt, %rem3A_288, %lt3A_293 : vector<16xi32>
      %lt3A_295 = arith.constant 0 : i32
      %lt3A_296 = arith.cmpi slt, %select_n3A_286, %lt3A_295 : i32
      %ne3A_297 = vector.broadcast %lt3A_296 : i1 to vector<16xi1>
      %ne3A_298 = vector.broadcast %ne3A_297 : vector<16xi1> to vector<16xi1>
      %ne3A_299 = arith.xori %lt3A_294, %ne3A_298 : vector<16xi1>
      %and3A_300 = arith.andi %ne3A_299, %ne3A_291 : vector<16xi1>
      %add3A_301 = vector.broadcast %select_n3A_286 : i32 to vector<16xi32>
      %add3A_302 = arith.addi %rem3A_288, %add3A_301 : vector<16xi32>
      %select_n3A_303 = arith.select %and3A_300, %add3A_302, %rem3A_288 : vector<16xi1>, vector<16xi32>
      %add3A_304 = arith.constant 9 : i32
      %add3A_305 = vector.broadcast %add3A_304 : i32 to vector<16xi32>
      %add3A_306 = arith.addi %iota3A, %add3A_305 : vector<16xi32>
      %jit3A_307 = arith.constant 16 : i32
      %eq3A_308 = arith.constant 0 : i32
      %eq3A_309 = arith.cmpi eq, %jit3A_307, %eq3A_308 : i32
      %jit3A_310 = arith.constant 1 : i32
      %select_n3A_311 = arith.select %eq3A_309, %jit3A_310, %jit3A_307 : i32
      %rem3A_312 = vector.broadcast %select_n3A_311 : i32 to vector<16xi32>
      %rem3A_313 = arith.remsi %add3A_306, %rem3A_312 : vector<16xi32>
      %ne3A_314 = arith.constant 0 : i32
      %ne3A_315 = vector.broadcast %ne3A_314 : i32 to vector<16xi32>
      %ne3A_316 = arith.cmpi ne, %rem3A_313, %ne3A_315 : vector<16xi32>
      %lt3A_317 = arith.constant 0 : i32
      %lt3A_318 = vector.broadcast %lt3A_317 : i32 to vector<16xi32>
      %lt3A_319 = arith.cmpi slt, %rem3A_313, %lt3A_318 : vector<16xi32>
      %lt3A_320 = arith.constant 0 : i32
      %lt3A_321 = arith.cmpi slt, %select_n3A_311, %lt3A_320 : i32
      %ne3A_322 = vector.broadcast %lt3A_321 : i1 to vector<16xi1>
      %ne3A_323 = vector.broadcast %ne3A_322 : vector<16xi1> to vector<16xi1>
      %ne3A_324 = arith.xori %lt3A_319, %ne3A_323 : vector<16xi1>
      %and3A_325 = arith.andi %ne3A_324, %ne3A_316 : vector<16xi1>
      %add3A_326 = vector.broadcast %select_n3A_311 : i32 to vector<16xi32>
      %add3A_327 = arith.addi %rem3A_313, %add3A_326 : vector<16xi32>
      %select_n3A_328 = arith.select %and3A_325, %add3A_327, %rem3A_313 : vector<16xi1>, vector<16xi32>
      %add3A_329 = arith.constant 10 : i32
      %add3A_330 = vector.broadcast %add3A_329 : i32 to vector<16xi32>
      %add3A_331 = arith.addi %iota3A, %add3A_330 : vector<16xi32>
      %jit3A_332 = arith.constant 16 : i32
      %eq3A_333 = arith.constant 0 : i32
      %eq3A_334 = arith.cmpi eq, %jit3A_332, %eq3A_333 : i32
      %jit3A_335 = arith.constant 1 : i32
      %select_n3A_336 = arith.select %eq3A_334, %jit3A_335, %jit3A_332 : i32
      %rem3A_337 = vector.broadcast %select_n3A_336 : i32 to vector<16xi32>
      %rem3A_338 = arith.remsi %add3A_331, %rem3A_337 : vector<16xi32>
      %ne3A_339 = arith.constant 0 : i32
      %ne3A_340 = vector.broadcast %ne3A_339 : i32 to vector<16xi32>
      %ne3A_341 = arith.cmpi ne, %rem3A_338, %ne3A_340 : vector<16xi32>
      %lt3A_342 = arith.constant 0 : i32
      %lt3A_343 = vector.broadcast %lt3A_342 : i32 to vector<16xi32>
      %lt3A_344 = arith.cmpi slt, %rem3A_338, %lt3A_343 : vector<16xi32>
      %lt3A_345 = arith.constant 0 : i32
      %lt3A_346 = arith.cmpi slt, %select_n3A_336, %lt3A_345 : i32
      %ne3A_347 = vector.broadcast %lt3A_346 : i1 to vector<16xi1>
      %ne3A_348 = vector.broadcast %ne3A_347 : vector<16xi1> to vector<16xi1>
      %ne3A_349 = arith.xori %lt3A_344, %ne3A_348 : vector<16xi1>
      %and3A_350 = arith.andi %ne3A_349, %ne3A_341 : vector<16xi1>
      %add3A_351 = vector.broadcast %select_n3A_336 : i32 to vector<16xi32>
      %add3A_352 = arith.addi %rem3A_338, %add3A_351 : vector<16xi32>
      %select_n3A_353 = arith.select %and3A_350, %add3A_352, %rem3A_338 : vector<16xi1>, vector<16xi32>
      %add3A_354 = arith.constant 11 : i32
      %add3A_355 = vector.broadcast %add3A_354 : i32 to vector<16xi32>
      %add3A_356 = arith.addi %iota3A, %add3A_355 : vector<16xi32>
      %jit3A_357 = arith.constant 16 : i32
      %eq3A_358 = arith.constant 0 : i32
      %eq3A_359 = arith.cmpi eq, %jit3A_357, %eq3A_358 : i32
      %jit3A_360 = arith.constant 1 : i32
      %select_n3A_361 = arith.select %eq3A_359, %jit3A_360, %jit3A_357 : i32
      %rem3A_362 = vector.broadcast %select_n3A_361 : i32 to vector<16xi32>
      %rem3A_363 = arith.remsi %add3A_356, %rem3A_362 : vector<16xi32>
      %ne3A_364 = arith.constant 0 : i32
      %ne3A_365 = vector.broadcast %ne3A_364 : i32 to vector<16xi32>
      %ne3A_366 = arith.cmpi ne, %rem3A_363, %ne3A_365 : vector<16xi32>
      %lt3A_367 = arith.constant 0 : i32
      %lt3A_368 = vector.broadcast %lt3A_367 : i32 to vector<16xi32>
      %lt3A_369 = arith.cmpi slt, %rem3A_363, %lt3A_368 : vector<16xi32>
      %lt3A_370 = arith.constant 0 : i32
      %lt3A_371 = arith.cmpi slt, %select_n3A_361, %lt3A_370 : i32
      %ne3A_372 = vector.broadcast %lt3A_371 : i1 to vector<16xi1>
      %ne3A_373 = vector.broadcast %ne3A_372 : vector<16xi1> to vector<16xi1>
      %ne3A_374 = arith.xori %lt3A_369, %ne3A_373 : vector<16xi1>
      %and3A_375 = arith.andi %ne3A_374, %ne3A_366 : vector<16xi1>
      %add3A_376 = vector.broadcast %select_n3A_361 : i32 to vector<16xi32>
      %add3A_377 = arith.addi %rem3A_363, %add3A_376 : vector<16xi32>
      %select_n3A_378 = arith.select %and3A_375, %add3A_377, %rem3A_363 : vector<16xi1>, vector<16xi32>
      %add3A_379 = arith.constant 12 : i32
      %add3A_380 = vector.broadcast %add3A_379 : i32 to vector<16xi32>
      %add3A_381 = arith.addi %iota3A, %add3A_380 : vector<16xi32>
      %jit3A_382 = arith.constant 16 : i32
      %eq3A_383 = arith.constant 0 : i32
      %eq3A_384 = arith.cmpi eq, %jit3A_382, %eq3A_383 : i32
      %jit3A_385 = arith.constant 1 : i32
      %select_n3A_386 = arith.select %eq3A_384, %jit3A_385, %jit3A_382 : i32
      %rem3A_387 = vector.broadcast %select_n3A_386 : i32 to vector<16xi32>
      %rem3A_388 = arith.remsi %add3A_381, %rem3A_387 : vector<16xi32>
      %ne3A_389 = arith.constant 0 : i32
      %ne3A_390 = vector.broadcast %ne3A_389 : i32 to vector<16xi32>
      %ne3A_391 = arith.cmpi ne, %rem3A_388, %ne3A_390 : vector<16xi32>
      %lt3A_392 = arith.constant 0 : i32
      %lt3A_393 = vector.broadcast %lt3A_392 : i32 to vector<16xi32>
      %lt3A_394 = arith.cmpi slt, %rem3A_388, %lt3A_393 : vector<16xi32>
      %lt3A_395 = arith.constant 0 : i32
      %lt3A_396 = arith.cmpi slt, %select_n3A_386, %lt3A_395 : i32
      %ne3A_397 = vector.broadcast %lt3A_396 : i1 to vector<16xi1>
      %ne3A_398 = vector.broadcast %ne3A_397 : vector<16xi1> to vector<16xi1>
      %ne3A_399 = arith.xori %lt3A_394, %ne3A_398 : vector<16xi1>
      %and3A_400 = arith.andi %ne3A_399, %ne3A_391 : vector<16xi1>
      %add3A_401 = vector.broadcast %select_n3A_386 : i32 to vector<16xi32>
      %add3A_402 = arith.addi %rem3A_388, %add3A_401 : vector<16xi32>
      %select_n3A_403 = arith.select %and3A_400, %add3A_402, %rem3A_388 : vector<16xi1>, vector<16xi32>
      %add3A_404 = arith.constant 13 : i32
      %add3A_405 = vector.broadcast %add3A_404 : i32 to vector<16xi32>
      %add3A_406 = arith.addi %iota3A, %add3A_405 : vector<16xi32>
      %jit3A_407 = arith.constant 16 : i32
      %eq3A_408 = arith.constant 0 : i32
      %eq3A_409 = arith.cmpi eq, %jit3A_407, %eq3A_408 : i32
      %jit3A_410 = arith.constant 1 : i32
      %select_n3A_411 = arith.select %eq3A_409, %jit3A_410, %jit3A_407 : i32
      %rem3A_412 = vector.broadcast %select_n3A_411 : i32 to vector<16xi32>
      %rem3A_413 = arith.remsi %add3A_406, %rem3A_412 : vector<16xi32>
      %ne3A_414 = arith.constant 0 : i32
      %ne3A_415 = vector.broadcast %ne3A_414 : i32 to vector<16xi32>
      %ne3A_416 = arith.cmpi ne, %rem3A_413, %ne3A_415 : vector<16xi32>
      %lt3A_417 = arith.constant 0 : i32
      %lt3A_418 = vector.broadcast %lt3A_417 : i32 to vector<16xi32>
      %lt3A_419 = arith.cmpi slt, %rem3A_413, %lt3A_418 : vector<16xi32>
      %lt3A_420 = arith.constant 0 : i32
      %lt3A_421 = arith.cmpi slt, %select_n3A_411, %lt3A_420 : i32
      %ne3A_422 = vector.broadcast %lt3A_421 : i1 to vector<16xi1>
      %ne3A_423 = vector.broadcast %ne3A_422 : vector<16xi1> to vector<16xi1>
      %ne3A_424 = arith.xori %lt3A_419, %ne3A_423 : vector<16xi1>
      %and3A_425 = arith.andi %ne3A_424, %ne3A_416 : vector<16xi1>
      %add3A_426 = vector.broadcast %select_n3A_411 : i32 to vector<16xi32>
      %add3A_427 = arith.addi %rem3A_413, %add3A_426 : vector<16xi32>
      %select_n3A_428 = arith.select %and3A_425, %add3A_427, %rem3A_413 : vector<16xi1>, vector<16xi32>
      %add3A_429 = arith.constant 14 : i32
      %add3A_430 = vector.broadcast %add3A_429 : i32 to vector<16xi32>
      %add3A_431 = arith.addi %iota3A, %add3A_430 : vector<16xi32>
      %jit3A_432 = arith.constant 16 : i32
      %eq3A_433 = arith.constant 0 : i32
      %eq3A_434 = arith.cmpi eq, %jit3A_432, %eq3A_433 : i32
      %jit3A_435 = arith.constant 1 : i32
      %select_n3A_436 = arith.select %eq3A_434, %jit3A_435, %jit3A_432 : i32
      %rem3A_437 = vector.broadcast %select_n3A_436 : i32 to vector<16xi32>
      %rem3A_438 = arith.remsi %add3A_431, %rem3A_437 : vector<16xi32>
      %ne3A_439 = arith.constant 0 : i32
      %ne3A_440 = vector.broadcast %ne3A_439 : i32 to vector<16xi32>
      %ne3A_441 = arith.cmpi ne, %rem3A_438, %ne3A_440 : vector<16xi32>
      %lt3A_442 = arith.constant 0 : i32
      %lt3A_443 = vector.broadcast %lt3A_442 : i32 to vector<16xi32>
      %lt3A_444 = arith.cmpi slt, %rem3A_438, %lt3A_443 : vector<16xi32>
      %lt3A_445 = arith.constant 0 : i32
      %lt3A_446 = arith.cmpi slt, %select_n3A_436, %lt3A_445 : i32
      %ne3A_447 = vector.broadcast %lt3A_446 : i1 to vector<16xi1>
      %ne3A_448 = vector.broadcast %ne3A_447 : vector<16xi1> to vector<16xi1>
      %ne3A_449 = arith.xori %lt3A_444, %ne3A_448 : vector<16xi1>
      %and3A_450 = arith.andi %ne3A_449, %ne3A_441 : vector<16xi1>
      %add3A_451 = vector.broadcast %select_n3A_436 : i32 to vector<16xi32>
      %add3A_452 = arith.addi %rem3A_438, %add3A_451 : vector<16xi32>
      %select_n3A_453 = arith.select %and3A_450, %add3A_452, %rem3A_438 : vector<16xi1>, vector<16xi32>
      %add3A_454 = arith.constant 15 : i32
      %add3A_455 = vector.broadcast %add3A_454 : i32 to vector<16xi32>
      %add3A_456 = arith.addi %iota3A, %add3A_455 : vector<16xi32>
      %jit3A_457 = arith.constant 16 : i32
      %eq3A_458 = arith.constant 0 : i32
      %eq3A_459 = arith.cmpi eq, %jit3A_457, %eq3A_458 : i32
      %jit3A_460 = arith.constant 1 : i32
      %select_n3A_461 = arith.select %eq3A_459, %jit3A_460, %jit3A_457 : i32
      %rem3A_462 = vector.broadcast %select_n3A_461 : i32 to vector<16xi32>
      %rem3A_463 = arith.remsi %add3A_456, %rem3A_462 : vector<16xi32>
      %ne3A_464 = arith.constant 0 : i32
      %ne3A_465 = vector.broadcast %ne3A_464 : i32 to vector<16xi32>
      %ne3A_466 = arith.cmpi ne, %rem3A_463, %ne3A_465 : vector<16xi32>
      %lt3A_467 = arith.constant 0 : i32
      %lt3A_468 = vector.broadcast %lt3A_467 : i32 to vector<16xi32>
      %lt3A_469 = arith.cmpi slt, %rem3A_463, %lt3A_468 : vector<16xi32>
      %lt3A_470 = arith.constant 0 : i32
      %lt3A_471 = arith.cmpi slt, %select_n3A_461, %lt3A_470 : i32
      %ne3A_472 = vector.broadcast %lt3A_471 : i1 to vector<16xi1>
      %ne3A_473 = vector.broadcast %ne3A_472 : vector<16xi1> to vector<16xi1>
      %ne3A_474 = arith.xori %lt3A_469, %ne3A_473 : vector<16xi1>
      %and3A_475 = arith.andi %ne3A_474, %ne3A_466 : vector<16xi1>
      %add3A_476 = vector.broadcast %select_n3A_461 : i32 to vector<16xi32>
      %add3A_477 = arith.addi %rem3A_463, %add3A_476 : vector<16xi32>
      %select_n3A_478 = arith.select %and3A_475, %add3A_477, %rem3A_463 : vector<16xi1>, vector<16xi32>
      %mul3A_479 = arith.constant 64 : i32
      %mul3A_480 = vector.broadcast %mul3A_479 : i32 to vector<16xi32>
      %mul3A_481 = arith.muli %select_n3A_103, %mul3A_480 : vector<16xi32>
      %add3A_482 = arith.addi %mul3A_481, %iota3A : vector<16xi32>
      %mul3A_483 = arith.constant 64 : i32
      %mul3A_484 = vector.broadcast %mul3A_483 : i32 to vector<16xi32>
      %mul3A_485 = arith.muli %select_n3A_128, %mul3A_484 : vector<16xi32>
      %add3A_486 = arith.addi %mul3A_485, %iota3A : vector<16xi32>
      %mul3A_487 = arith.constant 64 : i32
      %mul3A_488 = vector.broadcast %mul3A_487 : i32 to vector<16xi32>
      %mul3A_489 = arith.muli %select_n3A_153, %mul3A_488 : vector<16xi32>
      %add3A_490 = arith.addi %mul3A_489, %iota3A : vector<16xi32>
      %mul3A_491 = arith.constant 64 : i32
      %mul3A_492 = vector.broadcast %mul3A_491 : i32 to vector<16xi32>
      %mul3A_493 = arith.muli %select_n3A_178, %mul3A_492 : vector<16xi32>
      %add3A_494 = arith.addi %mul3A_493, %iota3A : vector<16xi32>
      %mul3A_495 = arith.constant 64 : i32
      %mul3A_496 = vector.broadcast %mul3A_495 : i32 to vector<16xi32>
      %mul3A_497 = arith.muli %select_n3A_203, %mul3A_496 : vector<16xi32>
      %add3A_498 = arith.addi %mul3A_497, %iota3A : vector<16xi32>
      %mul3A_499 = arith.constant 64 : i32
      %mul3A_500 = vector.broadcast %mul3A_499 : i32 to vector<16xi32>
      %mul3A_501 = arith.muli %select_n3A_228, %mul3A_500 : vector<16xi32>
      %add3A_502 = arith.addi %mul3A_501, %iota3A : vector<16xi32>
      %mul3A_503 = arith.constant 64 : i32
      %mul3A_504 = vector.broadcast %mul3A_503 : i32 to vector<16xi32>
      %mul3A_505 = arith.muli %select_n3A_253, %mul3A_504 : vector<16xi32>
      %add3A_506 = arith.addi %mul3A_505, %iota3A : vector<16xi32>
      %mul3A_507 = arith.constant 64 : i32
      %mul3A_508 = vector.broadcast %mul3A_507 : i32 to vector<16xi32>
      %mul3A_509 = arith.muli %select_n3A_278, %mul3A_508 : vector<16xi32>
      %add3A_510 = arith.addi %mul3A_509, %iota3A : vector<16xi32>
      %mul3A_511 = arith.constant 64 : i32
      %mul3A_512 = vector.broadcast %mul3A_511 : i32 to vector<16xi32>
      %mul3A_513 = arith.muli %select_n3A_303, %mul3A_512 : vector<16xi32>
      %add3A_514 = arith.addi %mul3A_513, %iota3A : vector<16xi32>
      %mul3A_515 = arith.constant 64 : i32
      %mul3A_516 = vector.broadcast %mul3A_515 : i32 to vector<16xi32>
      %mul3A_517 = arith.muli %select_n3A_328, %mul3A_516 : vector<16xi32>
      %add3A_518 = arith.addi %mul3A_517, %iota3A : vector<16xi32>
      %mul3A_519 = arith.constant 64 : i32
      %mul3A_520 = vector.broadcast %mul3A_519 : i32 to vector<16xi32>
      %mul3A_521 = arith.muli %select_n3A_353, %mul3A_520 : vector<16xi32>
      %add3A_522 = arith.addi %mul3A_521, %iota3A : vector<16xi32>
      %mul3A_523 = arith.constant 64 : i32
      %mul3A_524 = vector.broadcast %mul3A_523 : i32 to vector<16xi32>
      %mul3A_525 = arith.muli %select_n3A_378, %mul3A_524 : vector<16xi32>
      %add3A_526 = arith.addi %mul3A_525, %iota3A : vector<16xi32>
      %mul3A_527 = arith.constant 64 : i32
      %mul3A_528 = vector.broadcast %mul3A_527 : i32 to vector<16xi32>
      %mul3A_529 = arith.muli %select_n3A_403, %mul3A_528 : vector<16xi32>
      %add3A_530 = arith.addi %mul3A_529, %iota3A : vector<16xi32>
      %mul3A_531 = arith.constant 64 : i32
      %mul3A_532 = vector.broadcast %mul3A_531 : i32 to vector<16xi32>
      %mul3A_533 = arith.muli %select_n3A_428, %mul3A_532 : vector<16xi32>
      %add3A_534 = arith.addi %mul3A_533, %iota3A : vector<16xi32>
      %mul3A_535 = arith.constant 64 : i32
      %mul3A_536 = vector.broadcast %mul3A_535 : i32 to vector<16xi32>
      %mul3A_537 = arith.muli %select_n3A_453, %mul3A_536 : vector<16xi32>
      %add3A_538 = arith.addi %mul3A_537, %iota3A : vector<16xi32>
      %mul3A_539 = arith.constant 64 : i32
      %mul3A_540 = vector.broadcast %mul3A_539 : i32 to vector<16xi32>
      %mul3A_541 = arith.muli %select_n3A_478, %mul3A_540 : vector<16xi32>
      %add3A_542 = arith.addi %mul3A_541, %iota3A : vector<16xi32>
      %broadcast_in_dim3A = arith.constant 0 : i32
      %broadcast_in_dim3A_543 = vector.broadcast %broadcast_in_dim3A : i32 to vector<16xi32>
      %scan3A_544 = arith.constant 0 : i32
      %scan3A_545 = arith.constant 4 : i32
      %scan3A_546 = arith.addi %scan3A_544, %scan3A_545 : i32
      %scan3A_547 = arith.constant 2 : i32
      scf.for %scan3A_570 = %scan3A_544 to %scan3A_546 step %scan3A_547  : i32 {
        %mul3A_571 = arith.constant 16 : i32
        %mul3A_572 = arith.muli %scan3A_570, %mul3A_571 : i32
        %add3A_573 = arith.constant 0 : i32
        %add3A_574 = arith.addi %add3A_573, %mul3A_572 : i32
        %broadcast_in_dim3A_575 = vector.broadcast %add3A_574 : i32 to vector<16xi32>
        %scan3A_576 = arith.constant 0 : i32
        %scan3A_577 = arith.constant 4 : i32
        %scan3A_578 = arith.addi %scan3A_576, %scan3A_577 : i32
        %scan3A_579 = arith.constant 2 : i32
        scf.for %scan3A_593 = %scan3A_576 to %scan3A_578 step %scan3A_579  : i32 {
          %mul3A_594 = arith.constant 16 : i32
          %mul3A_595 = arith.muli %scan3A_593, %mul3A_594 : i32
          %add3A_596 = arith.constant 0 : i32
          %add3A_597 = arith.addi %add3A_596, %mul3A_595 : i32
          %add3A_598 = vector.broadcast %add3A_597 : i32 to vector<16xi32>
          %add3A_599 = arith.addi %iota3A, %add3A_598 : vector<16xi32>
          %mul3A_600 = arith.constant 64 : i32
          %mul3A_601 = arith.muli %add3A_574, %mul3A_600 : i32
          %add3A_602 = arith.addi %mul3A_601, %add3A_597 : i32
          %add3A_603 = arith.addi %broadcast_in_dim3A_575, %select_n3A_103 : vector<16xi32>
          %gather3A = tpu.vector_load_idx %arg6[%add3A_599, %add3A_603] : memref<64x64xf32, #tpu.memory_space<vmem>>[vector<16xi32>, vector<16xi32>], vector<16xf32>,
          %add3A_604 = arith.addi %broadcast_in_dim3A_575, %select_n3A_128 : vector<16xi32>
          %gather3A_605 = tpu.vector_load_idx %arg6[%add3A_599, %add3A_604] : memref<64x64xf32, #tpu.memory_space<vmem>>[vector<16xi32>, vector<16xi32>], vector<16xf32>,
          %add3A_606 = arith.addi %broadcast_in_dim3A_575, %select_n3A_153 : vector<16xi32>
          %gather3A_607 = tpu.vector_load_idx %arg6[%add3A_599, %add3A_606] : memref<64x64xf32, #tpu.memory_space<vmem>>[vector<16xi32>, vector<16xi32>], vector<16xf32>,
          %add3A_608 = vector.broadcast %add3A_602 : i32 to vector<16xi32>
          %add3A_609 = arith.addi %add3A_482, %add3A_608 : vector<16xi32>
          tpu.vector_store_idx %arg7[%broadcast_in_dim3A_543, %add3A_609], %gather3A : memref<2x24576xf32, #tpu.memory_space<vmem>>[vector<16xi32>, vector<16xi32>], vector<16xf32>,
          %add3A_610 = arith.addi %broadcast_in_dim3A_575, %select_n3A_178 : vector<16xi32>
          %gather3A_611 = tpu.vector_load_idx %arg6[%add3A_599, %add3A_610] : memref<64x64xf32, #tpu.memory_space<vmem>>[vector<16xi32>, vector<16xi32>], vector<16xf32>,
          %add3A_612 = vector.broadcast %add3A_602 : i32 to vector<16xi32>
          %add3A_613 = arith.addi %add3A_486, %add3A_612 : vector<16xi32>
          tpu.vector_store_idx %arg7[%broadcast_in_dim3A_543, %add3A_613], %gather3A_605 : memref<2x24576xf32, #tpu.memory_space<vmem>>[vector<16xi32>, vector<16xi32>], vector<16xf32>,
          %add3A_614 = arith.addi %broadcast_in_dim3A_575, %select_n3A_203 : vector<16xi32>
          %gather3A_615 = tpu.vector_load_idx %arg6[%add3A_599, %add3A_614] : memref<64x64xf32, #tpu.memory_space<vmem>>[vector<16xi32>, vector<16xi32>], vector<16xf32>,
          %add3A_616 = vector.broadcast %add3A_602 : i32 to vector<16xi32>
          %add3A_617 = arith.addi %add3A_490, %add3A_616 : vector<16xi32>
          tpu.vector_store_idx %arg7[%broadcast_in_dim3A_543, %add3A_617], %gather3A_607 : memref<2x24576xf32, #tpu.memory_space<vmem>>[vector<16xi32>, vector<16xi32>], vector<16xf32>,
          %add3A_618 = arith.addi %broadcast_in_dim3A_575, %select_n3A_228 : vector<16xi32>
          %gather3A_619 = tpu.vector_load_idx %arg6[%add3A_599, %add3A_618] : memref<64x64xf32, #tpu.memory_space<vmem>>[vector<16xi32>, vector<16xi32>], vector<16xf32>,
          %add3A_620 = vector.broadcast %add3A_602 : i32 to vector<16xi32>
          %add3A_621 = arith.addi %add3A_494, %add3A_620 : vector<16xi32>
          tpu.vector_store_idx %arg7[%broadcast_in_dim3A_543, %add3A_621], %gather3A_611 : memref<2x24576xf32, #tpu.memory_space<vmem>>[vector<16xi32>, vector<16xi32>], vector<16xf32>,
          %add3A_622 = arith.addi %broadcast_in_dim3A_575, %select_n3A_253 : vector<16xi32>
          %gather3A_623 = tpu.vector_load_idx %arg6[%add3A_599, %add3A_622] : memref<64x64xf32, #tpu.memory_space<vmem>>[vector<16xi32>, vector<16xi32>], vector<16xf32>,
          %add3A_624 = vector.broadcast %add3A_602 : i32 to vector<16xi32>
          %add3A_625 = arith.addi %add3A_498, %add3A_624 : vector<16xi32>
          tpu.vector_store_idx %arg7[%broadcast_in_dim3A_543, %add3A_625], %gather3A_615 : memref<2x24576xf32, #tpu.memory_space<vmem>>[vector<16xi32>, vector<16xi32>], vector<16xf32>,
          %add3A_626 = arith.addi %broadcast_in_dim3A_575, %select_n3A_278 : vector<16xi32>
          %gather3A_627 = tpu.vector_load_idx %arg6[%add3A_599, %add3A_626] : memref<64x64xf32, #tpu.memory_space<vmem>>[vector<16xi32>, vector<16xi32>], vector<16xf32>,
          %add3A_628 = vector.broadcast %add3A_602 : i32 to vector<16xi32>
          %add3A_629 = arith.addi %add3A_502, %add3A_628 : vector<16xi32>
          tpu.vector_store_idx %arg7[%broadcast_in_dim3A_543, %add3A_629], %gather3A_619 : memref<2x24576xf32, #tpu.memory_space<vmem>>[vector<16xi32>, vector<16xi32>], vector<16xf32>,
          %add3A_630 = arith.addi %broadcast_in_dim3A_575, %select_n3A_303 : vector<16xi32>
          %gather3A_631 = tpu.vector_load_idx %arg6[%add3A_599, %add3A_630] : memref<64x64xf32, #tpu.memory_space<vmem>>[vector<16xi32>, vector<16xi32>], vector<16xf32>,
          %add3A_632 = vector.broadcast %add3A_602 : i32 to vector<16xi32>
          %add3A_633 = arith.addi %add3A_506, %add3A_632 : vector<16xi32>
          tpu.vector_store_idx %arg7[%broadcast_in_dim3A_543, %add3A_633], %gather3A_623 : memref<2x24576xf32, #tpu.memory_space<vmem>>[vector<16xi32>, vector<16xi32>], vector<16xf32>,
          %add3A_634 = arith.addi %broadcast_in_dim3A_575, %select_n3A_328 : vector<16xi32>
          %gather3A_635 = tpu.vector_load_idx %arg6[%add3A_599, %add3A_634] : memref<64x64xf32, #tpu.memory_space<vmem>>[vector<16xi32>, vector<16xi32>], vector<16xf32>,
          %add3A_636 = vector.broadcast %add3A_602 : i32 to vector<16xi32>
          %add3A_637 = arith.addi %add3A_510, %add3A_636 : vector<16xi32>
          tpu.vector_store_idx %arg7[%broadcast_in_dim3A_543, %add3A_637], %gather3A_627 : memref<2x24576xf32, #tpu.memory_space<vmem>>[vector<16xi32>, vector<16xi32>], vector<16xf32>,
          %add3A_638 = arith.addi %broadcast_in_dim3A_575, %select_n3A_353 : vector<16xi32>
          %gather3A_639 = tpu.vector_load_idx %arg6[%add3A_599, %add3A_638] : memref<64x64xf32, #tpu.memory_space<vmem>>[vector<16xi32>, vector<16xi32>], vector<16xf32>,
          %add3A_640 = vector.broadcast %add3A_602 : i32 to vector<16xi32>
          %add3A_641 = arith.addi %add3A_514, %add3A_640 : vector<16xi32>
          tpu.vector_store_idx %arg7[%broadcast_in_dim3A_543, %add3A_641], %gather3A_631 : memref<2x24576xf32, #tpu.memory_space<vmem>>[vector<16xi32>, vector<16xi32>], vector<16xf32>,
          %add3A_642 = arith.addi %broadcast_in_dim3A_575, %select_n3A_378 : vector<16xi32>
          %gather3A_643 = tpu.vector_load_idx %arg6[%add3A_599, %add3A_642] : memref<64x64xf32, #tpu.memory_space<vmem>>[vector<16xi32>, vector<16xi32>], vector<16xf32>,
          %add3A_644 = vector.broadcast %add3A_602 : i32 to vector<16xi32>
          %add3A_645 = arith.addi %add3A_518, %add3A_644 : vector<16xi32>
          tpu.vector_store_idx %arg7[%broadcast_in_dim3A_543, %add3A_645], %gather3A_635 : memref<2x24576xf32, #tpu.memory_space<vmem>>[vector<16xi32>, vector<16xi32>], vector<16xf32>,
          %add3A_646 = arith.addi %broadcast_in_dim3A_575, %select_n3A_403 : vector<16xi32>
          %gather3A_647 = tpu.vector_load_idx %arg6[%add3A_599, %add3A_646] : memref<64x64xf32, #tpu.memory_space<vmem>>[vector<16xi32>, vector<16xi32>], vector<16xf32>,
          %add3A_648 = vector.broadcast %add3A_602 : i32 to vector<16xi32>
          %add3A_649 = arith.addi %add3A_522, %add3A_648 : vector<16xi32>
          tpu.vector_store_idx %arg7[%broadcast_in_dim3A_543, %add3A_649], %gather3A_639 : memref<2x24576xf32, #tpu.memory_space<vmem>>[vector<16xi32>, vector<16xi32>], vector<16xf32>,
          %add3A_650 = arith.addi %broadcast_in_dim3A_575, %select_n3A_428 : vector<16xi32>
          %gather3A_651 = tpu.vector_load_idx %arg6[%add3A_599, %add3A_650] : memref<64x64xf32, #tpu.memory_space<vmem>>[vector<16xi32>, vector<16xi32>], vector<16xf32>,
          %add3A_652 = vector.broadcast %add3A_602 : i32 to vector<16xi32>
          %add3A_653 = arith.addi %add3A_526, %add3A_652 : vector<16xi32>
          tpu.vector_store_idx %arg7[%broadcast_in_dim3A_543, %add3A_653], %gather3A_643 : memref<2x24576xf32, #tpu.memory_space<vmem>>[vector<16xi32>, vector<16xi32>], vector<16xf32>,
          %add3A_654 = arith.addi %broadcast_in_dim3A_575, %select_n3A_453 : vector<16xi32>
          %gather3A_655 = tpu.vector_load_idx %arg6[%add3A_599, %add3A_654] : memref<64x64xf32, #tpu.memory_space<vmem>>[vector<16xi32>, vector<16xi32>], vector<16xf32>,
          %add3A_656 = vector.broadcast %add3A_602 : i32 to vector<16xi32>
          %add3A_657 = arith.addi %add3A_530, %add3A_656 : vector<16xi32>
          tpu.vector_store_idx %arg7[%broadcast_in_dim3A_543, %add3A_657], %gather3A_647 : memref<2x24576xf32, #tpu.memory_space<vmem>>[vector<16xi32>, vector<16xi32>], vector<16xf32>,
          %add3A_658 = arith.addi %broadcast_in_dim3A_575, %select_n3A_478 : vector<16xi32>
          %gather3A_659 = tpu.vector_load_idx %arg6[%add3A_599, %add3A_658] : memref<64x64xf32, #tpu.memory_space<vmem>>[vector<16xi32>, vector<16xi32>], vector<16xf32>,
          %add3A_660 = vector.broadcast %add3A_602 : i32 to vector<16xi32>
          %add3A_661 = arith.addi %add3A_534, %add3A_660 : vector<16xi32>
          tpu.vector_store_idx %arg7[%broadcast_in_dim3A_543, %add3A_661], %gather3A_651 : memref<2x24576xf32, #tpu.memory_space<vmem>>[vector<16xi32>, vector<16xi32>], vector<16xf32>,
          %add3A_662 = vector.broadcast %add3A_602 : i32 to vector<16xi32>
          %add3A_663 = arith.addi %add3A_538, %add3A_662 : vector<16xi32>
          tpu.vector_store_idx %arg7[%broadcast_in_dim3A_543, %add3A_663], %gather3A_655 : memref<2x24576xf32, #tpu.memory_space<vmem>>[vector<16xi32>, vector<16xi32>], vector<16xf32>,
          %add3A_664 = vector.broadcast %add3A_602 : i32 to vector<16xi32>
          %add3A_665 = arith.addi %add3A_542, %add3A_664 : vector<16xi32>
          tpu.vector_store_idx %arg7[%broadcast_in_dim3A_543, %add3A_665], %gather3A_659 : memref<2x24576xf32, #tpu.memory_space<vmem>>[vector<16xi32>, vector<16xi32>], vector<16xf32>,
          %scan3A_666 = arith.constant 1 : i32
          %scan3A_667 = arith.addi %scan3A_593, %scan3A_666 : i32
          %mul3A_668 = arith.constant 16 : i32
          %mul3A_669 = arith.muli %scan3A_667, %mul3A_668 : i32
          %add3A_670 = arith.constant 0 : i32
          %add3A_671 = arith.addi %add3A_670, %mul3A_669 : i32
          %add3A_672 = vector.broadcast %add3A_671 : i32 to vector<16xi32>
          %add3A_673 = arith.addi %iota3A, %add3A_672 : vector<16xi32>
          %mul3A_674 = arith.constant 64 : i32
          %mul3A_675 = arith.muli %add3A_574, %mul3A_674 : i32
          %add3A_676 = arith.addi %mul3A_675, %add3A_671 : i32
          %add3A_677 = arith.addi %broadcast_in_dim3A_575, %select_n3A_103 : vector<16xi32>
          %gather3A_678 = tpu.vector_load_idx %arg6[%add3A_673, %add3A_677] : memref<64x64xf32, #tpu.memory_space<vmem>>[vector<16xi32>, vector<16xi32>], vector<16xf32>,
          %add3A_679 = arith.addi %broadcast_in_dim3A_575, %select_n3A_128 : vector<16xi32>
          %gather3A_680 = tpu.vector_load_idx %arg6[%add3A_673, %add3A_679] : memref<64x64xf32, #tpu.memory_space<vmem>>[vector<16xi32>, vector<16xi32>], vector<16xf32>,
          %add3A_681 = arith.addi %broadcast_in_dim3A_575, %select_n3A_153 : vector<16xi32>
          %gather3A_682 = tpu.vector_load_idx %arg6[%add3A_673, %add3A_681] : memref<64x64xf32, #tpu.memory_space<vmem>>[vector<16xi32>, vector<16xi32>], vector<16xf32>,
          %add3A_683 = vector.broadcast %add3A_676 : i32 to vector<16xi32>
          %add3A_684 = arith.addi %add3A_482, %add3A_683 : vector<16xi32>
          tpu.vector_store_idx %arg7[%broadcast_in_dim3A_543, %add3A_684], %gather3A_678 : memref<2x24576xf32, #tpu.memory_space<vmem>>[vector<16xi32>, vector<16xi32>], vector<16xf32>,
          %add3A_685 = arith.addi %broadcast_in_dim3A_575, %select_n3A_178 : vector<16xi32>
          %gather3A_686 = tpu.vector_load_idx %arg6[%add3A_673, %add3A_685] : memref<64x64xf32, #tpu.memory_space<vmem>>[vector<16xi32>, vector<16xi32>], vector<16xf32>,
          %add3A_687 = vector.broadcast %add3A_676 : i32 to vector<16xi32>
          %add3A_688 = arith.addi %add3A_486, %add3A_687 : vector<16xi32>
          tpu.vector_store_idx %arg7[%broadcast_in_dim3A_543, %add3A_688], %gather3A_680 : memref<2x24576xf32, #tpu.memory_space<vmem>>[vector<16xi32>, vector<16xi32>], vector<16xf32>,
          %add3A_689 = arith.addi %broadcast_in_dim3A_575, %select_n3A_203 : vector<16xi32>
          %gather3A_690 = tpu.vector_load_idx %arg6[%add3A_673, %add3A_689] : memref<64x64xf32, #tpu.memory_space<vmem>>[vector<16xi32>, vector<16xi32>], vector<16xf32>,
          %add3A_691 = vector.broadcast %add3A_676 : i32 to vector<16xi32>
          %add3A_692 = arith.addi %add3A_490, %add3A_691 : vector<16xi32>
          tpu.vector_store_idx %arg7[%broadcast_in_dim3A_543, %add3A_692], %gather3A_682 : memref<2x24576xf32, #tpu.memory_space<vmem>>[vector<16xi32>, vector<16xi32>], vector<16xf32>,
          %add3A_693 = arith.addi %broadcast_in_dim3A_575, %select_n3A_228 : vector<16xi32>
          %gather3A_694 = tpu.vector_load_idx %arg6[%add3A_673, %add3A_693] : memref<64x64xf32, #tpu.memory_space<vmem>>[vector<16xi32>, vector<16xi32>], vector<16xf32>,
          %add3A_695 = vector.broadcast %add3A_676 : i32 to vector<16xi32>
          %add3A_696 = arith.addi %add3A_494, %add3A_695 : vector<16xi32>
          tpu.vector_store_idx %arg7[%broadcast_in_dim3A_543, %add3A_696], %gather3A_686 : memref<2x24576xf32, #tpu.memory_space<vmem>>[vector<16xi32>, vector<16xi32>], vector<16xf32>,
          %add3A_697 = arith.addi %broadcast_in_dim3A_575, %select_n3A_253 : vector<16xi32>
          %gather3A_698 = tpu.vector_load_idx %arg6[%add3A_673, %add3A_697] : memref<64x64xf32, #tpu.memory_space<vmem>>[vector<16xi32>, vector<16xi32>], vector<16xf32>,
          %add3A_699 = vector.broadcast %add3A_676 : i32 to vector<16xi32>
          %add3A_700 = arith.addi %add3A_498, %add3A_699 : vector<16xi32>
          tpu.vector_store_idx %arg7[%broadcast_in_dim3A_543, %add3A_700], %gather3A_690 : memref<2x24576xf32, #tpu.memory_space<vmem>>[vector<16xi32>, vector<16xi32>], vector<16xf32>,
          %add3A_701 = arith.addi %broadcast_in_dim3A_575, %select_n3A_278 : vector<16xi32>
          %gather3A_702 = tpu.vector_load_idx %arg6[%add3A_673, %add3A_701] : memref<64x64xf32, #tpu.memory_space<vmem>>[vector<16xi32>, vector<16xi32>], vector<16xf32>,
          %add3A_703 = vector.broadcast %add3A_676 : i32 to vector<16xi32>
          %add3A_704 = arith.addi %add3A_502, %add3A_703 : vector<16xi32>
          tpu.vector_store_idx %arg7[%broadcast_in_dim3A_543, %add3A_704], %gather3A_694 : memref<2x24576xf32, #tpu.memory_space<vmem>>[vector<16xi32>, vector<16xi32>], vector<16xf32>,
          %add3A_705 = arith.addi %broadcast_in_dim3A_575, %select_n3A_303 : vector<16xi32>
          %gather3A_706 = tpu.vector_load_idx %arg6[%add3A_673, %add3A_705] : memref<64x64xf32, #tpu.memory_space<vmem>>[vector<16xi32>, vector<16xi32>], vector<16xf32>,
          %add3A_707 = vector.broadcast %add3A_676 : i32 to vector<16xi32>
          %add3A_708 = arith.addi %add3A_506, %add3A_707 : vector<16xi32>
          tpu.vector_store_idx %arg7[%broadcast_in_dim3A_543, %add3A_708], %gather3A_698 : memref<2x24576xf32, #tpu.memory_space<vmem>>[vector<16xi32>, vector<16xi32>], vector<16xf32>,
          %add3A_709 = arith.addi %broadcast_in_dim3A_575, %select_n3A_328 : vector<16xi32>
          %gather3A_710 = tpu.vector_load_idx %arg6[%add3A_673, %add3A_709] : memref<64x64xf32, #tpu.memory_space<vmem>>[vector<16xi32>, vector<16xi32>], vector<16xf32>,
          %add3A_711 = vector.broadcast %add3A_676 : i32 to vector<16xi32>
          %add3A_712 = arith.addi %add3A_510, %add3A_711 : vector<16xi32>
          tpu.vector_store_idx %arg7[%broadcast_in_dim3A_543, %add3A_712], %gather3A_702 : memref<2x24576xf32, #tpu.memory_space<vmem>>[vector<16xi32>, vector<16xi32>], vector<16xf32>,
          %add3A_713 = arith.addi %broadcast_in_dim3A_575, %select_n3A_353 : vector<16xi32>
          %gather3A_714 = tpu.vector_load_idx %arg6[%add3A_673, %add3A_713] : memref<64x64xf32, #tpu.memory_space<vmem>>[vector<16xi32>, vector<16xi32>], vector<16xf32>,
          %add3A_715 = vector.broadcast %add3A_676 : i32 to vector<16xi32>
          %add3A_716 = arith.addi %add3A_514, %add3A_715 : vector<16xi32>
          tpu.vector_store_idx %arg7[%broadcast_in_dim3A_543, %add3A_716], %gather3A_706 : memref<2x24576xf32, #tpu.memory_space<vmem>>[vector<16xi32>, vector<16xi32>], vector<16xf32>,
          %add3A_717 = arith.addi %broadcast_in_dim3A_575, %select_n3A_378 : vector<16xi32>
          %gather3A_718 = tpu.vector_load_idx %arg6[%add3A_673, %add3A_717] : memref<64x64xf32, #tpu.memory_space<vmem>>[vector<16xi32>, vector<16xi32>], vector<16xf32>,
          %add3A_719 = vector.broadcast %add3A_676 : i32 to vector<16xi32>
          %add3A_720 = arith.addi %add3A_518, %add3A_719 : vector<16xi32>
          tpu.vector_store_idx %arg7[%broadcast_in_dim3A_543, %add3A_720], %gather3A_710 : memref<2x24576xf32, #tpu.memory_space<vmem>>[vector<16xi32>, vector<16xi32>], vector<16xf32>,
          %add3A_721 = arith.addi %broadcast_in_dim3A_575, %select_n3A_403 : vector<16xi32>
          %gather3A_722 = tpu.vector_load_idx %arg6[%add3A_673, %add3A_721] : memref<64x64xf32, #tpu.memory_space<vmem>>[vector<16xi32>, vector<16xi32>], vector<16xf32>,
          %add3A_723 = vector.broadcast %add3A_676 : i32 to vector<16xi32>
          %add3A_724 = arith.addi %add3A_522, %add3A_723 : vector<16xi32>
          tpu.vector_store_idx %arg7[%broadcast_in_dim3A_543, %add3A_724], %gather3A_714 : memref<2x24576xf32, #tpu.memory_space<vmem>>[vector<16xi32>, vector<16xi32>], vector<16xf32>,
          %add3A_725 = arith.addi %broadcast_in_dim3A_575, %select_n3A_428 : vector<16xi32>
          %gather3A_726 = tpu.vector_load_idx %arg6[%add3A_673, %add3A_725] : memref<64x64xf32, #tpu.memory_space<vmem>>[vector<16xi32>, vector<16xi32>], vector<16xf32>,
          %add3A_727 = vector.broadcast %add3A_676 : i32 to vector<16xi32>
          %add3A_728 = arith.addi %add3A_526, %add3A_727 : vector<16xi32>
          tpu.vector_store_idx %arg7[%broadcast_in_dim3A_543, %add3A_728], %gather3A_718 : memref<2x24576xf32, #tpu.memory_space<vmem>>[vector<16xi32>, vector<16xi32>], vector<16xf32>,
          %add3A_729 = arith.addi %broadcast_in_dim3A_575, %select_n3A_453 : vector<16xi32>
          %gather3A_730 = tpu.vector_load_idx %arg6[%add3A_673, %add3A_729] : memref<64x64xf32, #tpu.memory_space<vmem>>[vector<16xi32>, vector<16xi32>], vector<16xf32>,
          %add3A_731 = vector.broadcast %add3A_676 : i32 to vector<16xi32>
          %add3A_732 = arith.addi %add3A_530, %add3A_731 : vector<16xi32>
          tpu.vector_store_idx %arg7[%broadcast_in_dim3A_543, %add3A_732], %gather3A_722 : memref<2x24576xf32, #tpu.memory_space<vmem>>[vector<16xi32>, vector<16xi32>], vector<16xf32>,
          %add3A_733 = arith.addi %broadcast_in_dim3A_575, %select_n3A_478 : vector<16xi32>
          %gather3A_734 = tpu.vector_load_idx %arg6[%add3A_673, %add3A_733] : memref<64x64xf32, #tpu.memory_space<vmem>>[vector<16xi32>, vector<16xi32>], vector<16xf32>,
          %add3A_735 = vector.broadcast %add3A_676 : i32 to vector<16xi32>
          %add3A_736 = arith.addi %add3A_534, %add3A_735 : vector<16xi32>
          tpu.vector_store_idx %arg7[%broadcast_in_dim3A_543, %add3A_736], %gather3A_726 : memref<2x24576xf32, #tpu.memory_space<vmem>>[vector<16xi32>, vector<16xi32>], vector<16xf32>,
          %add3A_737 = vector.broadcast %add3A_676 : i32 to vector<16xi32>
          %add3A_738 = arith.addi %add3A_538, %add3A_737 : vector<16xi32>
          tpu.vector_store_idx %arg7[%broadcast_in_dim3A_543, %add3A_738], %gather3A_730 : memref<2x24576xf32, #tpu.memory_space<vmem>>[vector<16xi32>, vector<16xi32>], vector<16xf32>,
          %add3A_739 = vector.broadcast %add3A_676 : i32 to vector<16xi32>
          %add3A_740 = arith.addi %add3A_542, %add3A_739 : vector<16xi32>
          tpu.vector_store_idx %arg7[%broadcast_in_dim3A_543, %add3A_740], %gather3A_734 : memref<2x24576xf32, #tpu.memory_space<vmem>>[vector<16xi32>, vector<16xi32>], vector<16xf32>,
        }
        %scan3A_580 = arith.constant 4 : i32
        %scan3A_581 = arith.constant 1 : i32
        %scan3A_582 = arith.addi %scan3A_570, %scan3A_581 : i32
        %mul3A_583 = arith.constant 16 : i32
        %mul3A_584 = arith.muli %scan3A_582, %mul3A_583 : i32
        %add3A_585 = arith.constant 0 : i32
        %add3A_586 = arith.addi %add3A_585, %mul3A_584 : i32
        %broadcast_in_dim3A_587 = vector.broadcast %add3A_586 : i32 to vector<16xi32>
        %scan3A_588 = arith.constant 0 : i32
        %scan3A_589 = arith.constant 4 : i32
        %scan3A_590 = arith.addi %scan3A_588, %scan3A_589 : i32
        %scan3A_591 = arith.constant 2 : i32
        scf.for %scan3A_593 = %scan3A_588 to %scan3A_590 step %scan3A_591  : i32 {
          %mul3A_594 = arith.constant 16 : i32
          %mul3A_595 = arith.muli %scan3A_593, %mul3A_594 : i32
          %add3A_596 = arith.constant 0 : i32
          %add3A_597 = arith.addi %add3A_596, %mul3A_595 : i32
          %add3A_598 = vector.broadcast %add3A_597 : i32 to vector<16xi32>
          %add3A_599 = arith.addi %iota3A, %add3A_598 : vector<16xi32>
          %mul3A_600 = arith.constant 64 : i32
          %mul3A_601 = arith.muli %add3A_586, %mul3A_600 : i32
          %add3A_602 = arith.addi %mul3A_601, %add3A_597 : i32
          %add3A_603 = arith.addi %broadcast_in_dim3A_587, %select_n3A_103 : vector<16xi32>
          %gather3A = tpu.vector_load_idx %arg6[%add3A_599, %add3A_603] : memref<64x64xf32, #tpu.memory_space<vmem>>[vector<16xi32>, vector<16xi32>], vector<16xf32>,
          %add3A_604 = arith.addi %broadcast_in_dim3A_587, %select_n3A_128 : vector<16xi32>
          %gather3A_605 = tpu.vector_load_idx %arg6[%add3A_599, %add3A_604] : memref<64x64xf32, #tpu.memory_space<vmem>>[vector<16xi32>, vector<16xi32>], vector<16xf32>,
          %add3A_606 = arith.addi %broadcast_in_dim3A_587, %select_n3A_153 : vector<16xi32>
          %gather3A_607 = tpu.vector_load_idx %arg6[%add3A_599, %add3A_606] : memref<64x64xf32, #tpu.memory_space<vmem>>[vector<16xi32>, vector<16xi32>], vector<16xf32>,
          %add3A_608 = vector.broadcast %add3A_602 : i32 to vector<16xi32>
          %add3A_609 = arith.addi %add3A_482, %add3A_608 : vector<16xi32>
          tpu.vector_store_idx %arg7[%broadcast_in_dim3A_543, %add3A_609], %gather3A : memref<2x24576xf32, #tpu.memory_space<vmem>>[vector<16xi32>, vector<16xi32>], vector<16xf32>,
          %add3A_610 = arith.addi %broadcast_in_dim3A_587, %select_n3A_178 : vector<16xi32>
          %gather3A_611 = tpu.vector_load_idx %arg6[%add3A_599, %add3A_610] : memref<64x64xf32, #tpu.memory_space<vmem>>[vector<16xi32>, vector<16xi32>], vector<16xf32>,
          %add3A_612 = vector.broadcast %add3A_602 : i32 to vector<16xi32>
          %add3A_613 = arith.addi %add3A_486, %add3A_612 : vector<16xi32>
          tpu.vector_store_idx %arg7[%broadcast_in_dim3A_543, %add3A_613], %gather3A_605 : memref<2x24576xf32, #tpu.memory_space<vmem>>[vector<16xi32>, vector<16xi32>], vector<16xf32>,
          %add3A_614 = arith.addi %broadcast_in_dim3A_587, %select_n3A_203 : vector<16xi32>
          %gather3A_615 = tpu.vector_load_idx %arg6[%add3A_599, %add3A_614] : memref<64x64xf32, #tpu.memory_space<vmem>>[vector<16xi32>, vector<16xi32>], vector<16xf32>,
          %add3A_616 = vector.broadcast %add3A_602 : i32 to vector<16xi32>
          %add3A_617 = arith.addi %add3A_490, %add3A_616 : vector<16xi32>
          tpu.vector_store_idx %arg7[%broadcast_in_dim3A_543, %add3A_617], %gather3A_607 : memref<2x24576xf32, #tpu.memory_space<vmem>>[vector<16xi32>, vector<16xi32>], vector<16xf32>,
          %add3A_618 = arith.addi %broadcast_in_dim3A_587, %select_n3A_228 : vector<16xi32>
          %gather3A_619 = tpu.vector_load_idx %arg6[%add3A_599, %add3A_618] : memref<64x64xf32, #tpu.memory_space<vmem>>[vector<16xi32>, vector<16xi32>], vector<16xf32>,
          %add3A_620 = vector.broadcast %add3A_602 : i32 to vector<16xi32>
          %add3A_621 = arith.addi %add3A_494, %add3A_620 : vector<16xi32>
          tpu.vector_store_idx %arg7[%broadcast_in_dim3A_543, %add3A_621], %gather3A_611 : memref<2x24576xf32, #tpu.memory_space<vmem>>[vector<16xi32>, vector<16xi32>], vector<16xf32>,
          %add3A_622 = arith.addi %broadcast_in_dim3A_587, %select_n3A_253 : vector<16xi32>
          %gather3A_623 = tpu.vector_load_idx %arg6[%add3A_599, %add3A_622] : memref<64x64xf32, #tpu.memory_space<vmem>>[vector<16xi32>, vector<16xi32>], vector<16xf32>,
          %add3A_624 = vector.broadcast %add3A_602 : i32 to vector<16xi32>
          %add3A_625 = arith.addi %add3A_498, %add3A_624 : vector<16xi32>
          tpu.vector_store_idx %arg7[%broadcast_in_dim3A_543, %add3A_625], %gather3A_615 : memref<2x24576xf32, #tpu.memory_space<vmem>>[vector<16xi32>, vector<16xi32>], vector<16xf32>,
          %add3A_626 = arith.addi %broadcast_in_dim3A_587, %select_n3A_278 : vector<16xi32>
          %gather3A_627 = tpu.vector_load_idx %arg6[%add3A_599, %add3A_626] : memref<64x64xf32, #tpu.memory_space<vmem>>[vector<16xi32>, vector<16xi32>], vector<16xf32>,
          %add3A_628 = vector.broadcast %add3A_602 : i32 to vector<16xi32>
          %add3A_629 = arith.addi %add3A_502, %add3A_628 : vector<16xi32>
          tpu.vector_store_idx %arg7[%broadcast_in_dim3A_543, %add3A_629], %gather3A_619 : memref<2x24576xf32, #tpu.memory_space<vmem>>[vector<16xi32>, vector<16xi32>], vector<16xf32>,
          %add3A_630 = arith.addi %broadcast_in_dim3A_587, %select_n3A_303 : vector<16xi32>
          %gather3A_631 = tpu.vector_load_idx %arg6[%add3A_599, %add3A_630] : memref<64x64xf32, #tpu.memory_space<vmem>>[vector<16xi32>, vector<16xi32>], vector<16xf32>,
          %add3A_632 = vector.broadcast %add3A_602 : i32 to vector<16xi32>
          %add3A_633 = arith.addi %add3A_506, %add3A_632 : vector<16xi32>
          tpu.vector_store_idx %arg7[%broadcast_in_dim3A_543, %add3A_633], %gather3A_623 : memref<2x24576xf32, #tpu.memory_space<vmem>>[vector<16xi32>, vector<16xi32>], vector<16xf32>,
          %add3A_634 = arith.addi %broadcast_in_dim3A_587, %select_n3A_328 : vector<16xi32>
          %gather3A_635 = tpu.vector_load_idx %arg6[%add3A_599, %add3A_634] : memref<64x64xf32, #tpu.memory_space<vmem>>[vector<16xi32>, vector<16xi32>], vector<16xf32>,
          %add3A_636 = vector.broadcast %add3A_602 : i32 to vector<16xi32>
          %add3A_637 = arith.addi %add3A_510, %add3A_636 : vector<16xi32>
          tpu.vector_store_idx %arg7[%broadcast_in_dim3A_543, %add3A_637], %gather3A_627 : memref<2x24576xf32, #tpu.memory_space<vmem>>[vector<16xi32>, vector<16xi32>], vector<16xf32>,
          %add3A_638 = arith.addi %broadcast_in_dim3A_587, %select_n3A_353 : vector<16xi32>
          %gather3A_639 = tpu.vector_load_idx %arg6[%add3A_599, %add3A_638] : memref<64x64xf32, #tpu.memory_space<vmem>>[vector<16xi32>, vector<16xi32>], vector<16xf32>,
          %add3A_640 = vector.broadcast %add3A_602 : i32 to vector<16xi32>
          %add3A_641 = arith.addi %add3A_514, %add3A_640 : vector<16xi32>
          tpu.vector_store_idx %arg7[%broadcast_in_dim3A_543, %add3A_641], %gather3A_631 : memref<2x24576xf32, #tpu.memory_space<vmem>>[vector<16xi32>, vector<16xi32>], vector<16xf32>,
          %add3A_642 = arith.addi %broadcast_in_dim3A_587, %select_n3A_378 : vector<16xi32>
          %gather3A_643 = tpu.vector_load_idx %arg6[%add3A_599, %add3A_642] : memref<64x64xf32, #tpu.memory_space<vmem>>[vector<16xi32>, vector<16xi32>], vector<16xf32>,
          %add3A_644 = vector.broadcast %add3A_602 : i32 to vector<16xi32>
          %add3A_645 = arith.addi %add3A_518, %add3A_644 : vector<16xi32>
          tpu.vector_store_idx %arg7[%broadcast_in_dim3A_543, %add3A_645], %gather3A_635 : memref<2x24576xf32, #tpu.memory_space<vmem>>[vector<16xi32>, vector<16xi32>], vector<16xf32>,
          %add3A_646 = arith.addi %broadcast_in_dim3A_587, %select_n3A_403 : vector<16xi32>
          %gather3A_647 = tpu.vector_load_idx %arg6[%add3A_599, %add3A_646] : memref<64x64xf32, #tpu.memory_space<vmem>>[vector<16xi32>, vector<16xi32>], vector<16xf32>,
          %add3A_648 = vector.broadcast %add3A_602 : i32 to vector<16xi32>
          %add3A_649 = arith.addi %add3A_522, %add3A_648 : vector<16xi32>
          tpu.vector_store_idx %arg7[%broadcast_in_dim3A_543, %add3A_649], %gather3A_639 : memref<2x24576xf32, #tpu.memory_space<vmem>>[vector<16xi32>, vector<16xi32>], vector<16xf32>,
          %add3A_650 = arith.addi %broadcast_in_dim3A_587, %select_n3A_428 : vector<16xi32>
          %gather3A_651 = tpu.vector_load_idx %arg6[%add3A_599, %add3A_650] : memref<64x64xf32, #tpu.memory_space<vmem>>[vector<16xi32>, vector<16xi32>], vector<16xf32>,
          %add3A_652 = vector.broadcast %add3A_602 : i32 to vector<16xi32>
          %add3A_653 = arith.addi %add3A_526, %add3A_652 : vector<16xi32>
          tpu.vector_store_idx %arg7[%broadcast_in_dim3A_543, %add3A_653], %gather3A_643 : memref<2x24576xf32, #tpu.memory_space<vmem>>[vector<16xi32>, vector<16xi32>], vector<16xf32>,
          %add3A_654 = arith.addi %broadcast_in_dim3A_587, %select_n3A_453 : vector<16xi32>
          %gather3A_655 = tpu.vector_load_idx %arg6[%add3A_599, %add3A_654] : memref<64x64xf32, #tpu.memory_space<vmem>>[vector<16xi32>, vector<16xi32>], vector<16xf32>,
          %add3A_656 = vector.broadcast %add3A_602 : i32 to vector<16xi32>
          %add3A_657 = arith.addi %add3A_530, %add3A_656 : vector<16xi32>
          tpu.vector_store_idx %arg7[%broadcast_in_dim3A_543, %add3A_657], %gather3A_647 : memref<2x24576xf32, #tpu.memory_space<vmem>>[vector<16xi32>, vector<16xi32>], vector<16xf32>,
          %add3A_658 = arith.addi %broadcast_in_dim3A_587, %select_n3A_478 : vector<16xi32>
          %gather3A_659 = tpu.vector_load_idx %arg6[%add3A_599, %add3A_658] : memref<64x64xf32, #tpu.memory_space<vmem>>[vector<16xi32>, vector<16xi32>], vector<16xf32>,
          %add3A_660 = vector.broadcast %add3A_602 : i32 to vector<16xi32>
          %add3A_661 = arith.addi %add3A_534, %add3A_660 : vector<16xi32>
          tpu.vector_store_idx %arg7[%broadcast_in_dim3A_543, %add3A_661], %gather3A_651 : memref<2x24576xf32, #tpu.memory_space<vmem>>[vector<16xi32>, vector<16xi32>], vector<16xf32>,
          %add3A_662 = vector.broadcast %add3A_602 : i32 to vector<16xi32>
          %add3A_663 = arith.addi %add3A_538, %add3A_662 : vector<16xi32>
          tpu.vector_store_idx %arg7[%broadcast_in_dim3A_543, %add3A_663], %gather3A_655 : memref<2x24576xf32, #tpu.memory_space<vmem>>[vector<16xi32>, vector<16xi32>], vector<16xf32>,
          %add3A_664 = vector.broadcast %add3A_602 : i32 to vector<16xi32>
          %add3A_665 = arith.addi %add3A_542, %add3A_664 : vector<16xi32>
          tpu.vector_store_idx %arg7[%broadcast_in_dim3A_543, %add3A_665], %gather3A_659 : memref<2x24576xf32, #tpu.memory_space<vmem>>[vector<16xi32>, vector<16xi32>], vector<16xf32>,
          %scan3A_666 = arith.constant 1 : i32
          %scan3A_667 = arith.addi %scan3A_593, %scan3A_666 : i32
          %mul3A_668 = arith.constant 16 : i32
          %mul3A_669 = arith.muli %scan3A_667, %mul3A_668 : i32
          %add3A_670 = arith.constant 0 : i32
          %add3A_671 = arith.addi %add3A_670, %mul3A_669 : i32
          %add3A_672 = vector.broadcast %add3A_671 : i32 to vector<16xi32>
          %add3A_673 = arith.addi %iota3A, %add3A_672 : vector<16xi32>
          %mul3A_674 = arith.constant 64 : i32
          %mul3A_675 = arith.muli %add3A_586, %mul3A_674 : i32
          %add3A_676 = arith.addi %mul3A_675, %add3A_671 : i32
          %add3A_677 = arith.addi %broadcast_in_dim3A_587, %select_n3A_103 : vector<16xi32>
          %gather3A_678 = tpu.vector_load_idx %arg6[%add3A_673, %add3A_677] : memref<64x64xf32, #tpu.memory_space<vmem>>[vector<16xi32>, vector<16xi32>], vector<16xf32>,
          %add3A_679 = arith.addi %broadcast_in_dim3A_587, %select_n3A_128 : vector<16xi32>
          %gather3A_680 = tpu.vector_load_idx %arg6[%add3A_673, %add3A_679] : memref<64x64xf32, #tpu.memory_space<vmem>>[vector<16xi32>, vector<16xi32>], vector<16xf32>,
          %add3A_681 = arith.addi %broadcast_in_dim3A_587, %select_n3A_153 : vector<16xi32>
          %gather3A_682 = tpu.vector_load_idx %arg6[%add3A_673, %add3A_681] : memref<64x64xf32, #tpu.memory_space<vmem>>[vector<16xi32>, vector<16xi32>], vector<16xf32>,
          %add3A_683 = vector.broadcast %add3A_676 : i32 to vector<16xi32>
          %add3A_684 = arith.addi %add3A_482, %add3A_683 : vector<16xi32>
          tpu.vector_store_idx %arg7[%broadcast_in_dim3A_543, %add3A_684], %gather3A_678 : memref<2x24576xf32, #tpu.memory_space<vmem>>[vector<16xi32>, vector<16xi32>], vector<16xf32>,
          %add3A_685 = arith.addi %broadcast_in_dim3A_587, %select_n3A_178 : vector<16xi32>
          %gather3A_686 = tpu.vector_load_idx %arg6[%add3A_673, %add3A_685] : memref<64x64xf32, #tpu.memory_space<vmem>>[vector<16xi32>, vector<16xi32>], vector<16xf32>,
          %add3A_687 = vector.broadcast %add3A_676 : i32 to vector<16xi32>
          %add3A_688 = arith.addi %add3A_486, %add3A_687 : vector<16xi32>
          tpu.vector_store_idx %arg7[%broadcast_in_dim3A_543, %add3A_688], %gather3A_680 : memref<2x24576xf32, #tpu.memory_space<vmem>>[vector<16xi32>, vector<16xi32>], vector<16xf32>,
          %add3A_689 = arith.addi %broadcast_in_dim3A_587, %select_n3A_203 : vector<16xi32>
          %gather3A_690 = tpu.vector_load_idx %arg6[%add3A_673, %add3A_689] : memref<64x64xf32, #tpu.memory_space<vmem>>[vector<16xi32>, vector<16xi32>], vector<16xf32>,
          %add3A_691 = vector.broadcast %add3A_676 : i32 to vector<16xi32>
          %add3A_692 = arith.addi %add3A_490, %add3A_691 : vector<16xi32>
          tpu.vector_store_idx %arg7[%broadcast_in_dim3A_543, %add3A_692], %gather3A_682 : memref<2x24576xf32, #tpu.memory_space<vmem>>[vector<16xi32>, vector<16xi32>], vector<16xf32>,
          %add3A_693 = arith.addi %broadcast_in_dim3A_587, %select_n3A_228 : vector<16xi32>
          %gather3A_694 = tpu.vector_load_idx %arg6[%add3A_673, %add3A_693] : memref<64x64xf32, #tpu.memory_space<vmem>>[vector<16xi32>, vector<16xi32>], vector<16xf32>,
          %add3A_695 = vector.broadcast %add3A_676 : i32 to vector<16xi32>
          %add3A_696 = arith.addi %add3A_494, %add3A_695 : vector<16xi32>
          tpu.vector_store_idx %arg7[%broadcast_in_dim3A_543, %add3A_696], %gather3A_686 : memref<2x24576xf32, #tpu.memory_space<vmem>>[vector<16xi32>, vector<16xi32>], vector<16xf32>,
          %add3A_697 = arith.addi %broadcast_in_dim3A_587, %select_n3A_253 : vector<16xi32>
          %gather3A_698 = tpu.vector_load_idx %arg6[%add3A_673, %add3A_697] : memref<64x64xf32, #tpu.memory_space<vmem>>[vector<16xi32>, vector<16xi32>], vector<16xf32>,
          %add3A_699 = vector.broadcast %add3A_676 : i32 to vector<16xi32>
          %add3A_700 = arith.addi %add3A_498, %add3A_699 : vector<16xi32>
          tpu.vector_store_idx %arg7[%broadcast_in_dim3A_543, %add3A_700], %gather3A_690 : memref<2x24576xf32, #tpu.memory_space<vmem>>[vector<16xi32>, vector<16xi32>], vector<16xf32>,
          %add3A_701 = arith.addi %broadcast_in_dim3A_587, %select_n3A_278 : vector<16xi32>
          %gather3A_702 = tpu.vector_load_idx %arg6[%add3A_673, %add3A_701] : memref<64x64xf32, #tpu.memory_space<vmem>>[vector<16xi32>, vector<16xi32>], vector<16xf32>,
          %add3A_703 = vector.broadcast %add3A_676 : i32 to vector<16xi32>
          %add3A_704 = arith.addi %add3A_502, %add3A_703 : vector<16xi32>
          tpu.vector_store_idx %arg7[%broadcast_in_dim3A_543, %add3A_704], %gather3A_694 : memref<2x24576xf32, #tpu.memory_space<vmem>>[vector<16xi32>, vector<16xi32>], vector<16xf32>,
          %add3A_705 = arith.addi %broadcast_in_dim3A_587, %select_n3A_303 : vector<16xi32>
          %gather3A_706 = tpu.vector_load_idx %arg6[%add3A_673, %add3A_705] : memref<64x64xf32, #tpu.memory_space<vmem>>[vector<16xi32>, vector<16xi32>], vector<16xf32>,
          %add3A_707 = vector.broadcast %add3A_676 : i32 to vector<16xi32>
          %add3A_708 = arith.addi %add3A_506, %add3A_707 : vector<16xi32>
          tpu.vector_store_idx %arg7[%broadcast_in_dim3A_543, %add3A_708], %gather3A_698 : memref<2x24576xf32, #tpu.memory_space<vmem>>[vector<16xi32>, vector<16xi32>], vector<16xf32>,
          %add3A_709 = arith.addi %broadcast_in_dim3A_587, %select_n3A_328 : vector<16xi32>
          %gather3A_710 = tpu.vector_load_idx %arg6[%add3A_673, %add3A_709] : memref<64x64xf32, #tpu.memory_space<vmem>>[vector<16xi32>, vector<16xi32>], vector<16xf32>,
          %add3A_711 = vector.broadcast %add3A_676 : i32 to vector<16xi32>
          %add3A_712 = arith.addi %add3A_510, %add3A_711 : vector<16xi32>
          tpu.vector_store_idx %arg7[%broadcast_in_dim3A_543, %add3A_712], %gather3A_702 : memref<2x24576xf32, #tpu.memory_space<vmem>>[vector<16xi32>, vector<16xi32>], vector<16xf32>,
          %add3A_713 = arith.addi %broadcast_in_dim3A_587, %select_n3A_353 : vector<16xi32>
          %gather3A_714 = tpu.vector_load_idx %arg6[%add3A_673, %add3A_713] : memref<64x64xf32, #tpu.memory_space<vmem>>[vector<16xi32>, vector<16xi32>], vector<16xf32>,
          %add3A_715 = vector.broadcast %add3A_676 : i32 to vector<16xi32>
          %add3A_716 = arith.addi %add3A_514, %add3A_715 : vector<16xi32>
          tpu.vector_store_idx %arg7[%broadcast_in_dim3A_543, %add3A_716], %gather3A_706 : memref<2x24576xf32, #tpu.memory_space<vmem>>[vector<16xi32>, vector<16xi32>], vector<16xf32>,
          %add3A_717 = arith.addi %broadcast_in_dim3A_587, %select_n3A_378 : vector<16xi32>
          %gather3A_718 = tpu.vector_load_idx %arg6[%add3A_673, %add3A_717] : memref<64x64xf32, #tpu.memory_space<vmem>>[vector<16xi32>, vector<16xi32>], vector<16xf32>,
          %add3A_719 = vector.broadcast %add3A_676 : i32 to vector<16xi32>
          %add3A_720 = arith.addi %add3A_518, %add3A_719 : vector<16xi32>
          tpu.vector_store_idx %arg7[%broadcast_in_dim3A_543, %add3A_720], %gather3A_710 : memref<2x24576xf32, #tpu.memory_space<vmem>>[vector<16xi32>, vector<16xi32>], vector<16xf32>,
          %add3A_721 = arith.addi %broadcast_in_dim3A_587, %select_n3A_403 : vector<16xi32>
          %gather3A_722 = tpu.vector_load_idx %arg6[%add3A_673, %add3A_721] : memref<64x64xf32, #tpu.memory_space<vmem>>[vector<16xi32>, vector<16xi32>], vector<16xf32>,
          %add3A_723 = vector.broadcast %add3A_676 : i32 to vector<16xi32>
          %add3A_724 = arith.addi %add3A_522, %add3A_723 : vector<16xi32>
          tpu.vector_store_idx %arg7[%broadcast_in_dim3A_543, %add3A_724], %gather3A_714 : memref<2x24576xf32, #tpu.memory_space<vmem>>[vector<16xi32>, vector<16xi32>], vector<16xf32>,
          %add3A_725 = arith.addi %broadcast_in_dim3A_587, %select_n3A_428 : vector<16xi32>
          %gather3A_726 = tpu.vector_load_idx %arg6[%add3A_673, %add3A_725] : memref<64x64xf32, #tpu.memory_space<vmem>>[vector<16xi32>, vector<16xi32>], vector<16xf32>,
          %add3A_727 = vector.broadcast %add3A_676 : i32 to vector<16xi32>
          %add3A_728 = arith.addi %add3A_526, %add3A_727 : vector<16xi32>
          tpu.vector_store_idx %arg7[%broadcast_in_dim3A_543, %add3A_728], %gather3A_718 : memref<2x24576xf32, #tpu.memory_space<vmem>>[vector<16xi32>, vector<16xi32>], vector<16xf32>,
          %add3A_729 = arith.addi %broadcast_in_dim3A_587, %select_n3A_453 : vector<16xi32>
          %gather3A_730 = tpu.vector_load_idx %arg6[%add3A_673, %add3A_729] : memref<64x64xf32, #tpu.memory_space<vmem>>[vector<16xi32>, vector<16xi32>], vector<16xf32>,
          %add3A_731 = vector.broadcast %add3A_676 : i32 to vector<16xi32>
          %add3A_732 = arith.addi %add3A_530, %add3A_731 : vector<16xi32>
          tpu.vector_store_idx %arg7[%broadcast_in_dim3A_543, %add3A_732], %gather3A_722 : memref<2x24576xf32, #tpu.memory_space<vmem>>[vector<16xi32>, vector<16xi32>], vector<16xf32>,
          %add3A_733 = arith.addi %broadcast_in_dim3A_587, %select_n3A_478 : vector<16xi32>
          %gather3A_734 = tpu.vector_load_idx %arg6[%add3A_673, %add3A_733] : memref<64x64xf32, #tpu.memory_space<vmem>>[vector<16xi32>, vector<16xi32>], vector<16xf32>,
          %add3A_735 = vector.broadcast %add3A_676 : i32 to vector<16xi32>
          %add3A_736 = arith.addi %add3A_534, %add3A_735 : vector<16xi32>
          tpu.vector_store_idx %arg7[%broadcast_in_dim3A_543, %add3A_736], %gather3A_726 : memref<2x24576xf32, #tpu.memory_space<vmem>>[vector<16xi32>, vector<16xi32>], vector<16xf32>,
          %add3A_737 = vector.broadcast %add3A_676 : i32 to vector<16xi32>
          %add3A_738 = arith.addi %add3A_538, %add3A_737 : vector<16xi32>
          tpu.vector_store_idx %arg7[%broadcast_in_dim3A_543, %add3A_738], %gather3A_730 : memref<2x24576xf32, #tpu.memory_space<vmem>>[vector<16xi32>, vector<16xi32>], vector<16xf32>,
          %add3A_739 = vector.broadcast %add3A_676 : i32 to vector<16xi32>
          %add3A_740 = arith.addi %add3A_542, %add3A_739 : vector<16xi32>
          tpu.vector_store_idx %arg7[%broadcast_in_dim3A_543, %add3A_740], %gather3A_734 : memref<2x24576xf32, #tpu.memory_space<vmem>>[vector<16xi32>, vector<16xi32>], vector<16xf32>,
        }
        %scan3A_592 = arith.constant 4 : i32
      }
      %scan3A_548 = arith.constant 4 : i32
      %dma_start3A_549 = arith.constant 0 : i32
      %dma_start3A_550 = arith.constant 0 : i32
      %dma_start3A_551 = tpu.memref_slice %arg7[%dma_start3A_549, %dma_start3A_550] : memref<2x24576xf32, #tpu.memory_space<vmem>> -> memref<1x4096xf32, #tpu.memory_space<vmem>>
      %dma_start3A_552 = tpu.memref_squeeze %dma_start3A_551 : memref<1x4096xf32, #tpu.memory_space<vmem>> -> memref<4096xf32, #tpu.memory_space<vmem>>
      %dma_start3A_553 = arith.constant 63995904 : i32
      %dma_start3A_554 = tpu.memref_slice %arg4[%dma_start3A_553] : memref<64000000xf32, #tpu.memory_space<hbm>> -> memref<4096xf32, #tpu.memory_space<hbm>>
      %dma_start3A_555 = arith.constant 63995904 : i32
      %dma_start3A_556 = tpu.memref_slice %arg4[%dma_start3A_555] : memref<64000000xf32, #tpu.memory_space<hbm>> -> memref<4096xf32, #tpu.memory_space<hbm>>
      %dma_start3A_557 = arith.constant 0 : i32
      %dma_start3A_558 = tpu.memref_slice %arg7[%dma_start3A_549, %dma_start3A_557] : memref<2x24576xf32, #tpu.memory_space<vmem>> -> memref<1x4096xf32, #tpu.memory_space<vmem>>
      %dma_start3A_559 = tpu.memref_squeeze %dma_start3A_558 : memref<1x4096xf32, #tpu.memory_space<vmem>> -> memref<4096xf32, #tpu.memory_space<vmem>>
      tpu.enqueue_dma source(%dma_start3A_559 : memref<4096xf32, #tpu.memory_space<vmem>>) target(%dma_start3A_556 : memref<4096xf32, #tpu.memory_space<hbm>>) target_semaphore(%arg10 : memref<!tpu.dma_semaphore, #tpu.memory_space<semaphore_mem>>)
      %dma_wait3A = arith.constant 0 : i32
      %dma_wait3A_560 = arith.constant 0 : i32
      %dma_wait3A_561 = tpu.memref_slice %arg7[%dma_wait3A, %dma_wait3A_560] : memref<2x24576xf32, #tpu.memory_space<vmem>> -> memref<1x4096xf32, #tpu.memory_space<vmem>>
      %dma_wait3A_562 = tpu.memref_squeeze %dma_wait3A_561 : memref<1x4096xf32, #tpu.memory_space<vmem>> -> memref<4096xf32, #tpu.memory_space<vmem>>
      %dma_wait3A_563 = arith.constant 63995904 : i32
      %dma_wait3A_564 = tpu.memref_slice %arg4[%dma_wait3A_563] : memref<64000000xf32, #tpu.memory_space<hbm>> -> memref<4096xf32, #tpu.memory_space<hbm>>
      %dma_wait3A_565 = arith.constant 63995904 : i32
      %dma_wait3A_566 = tpu.memref_slice %arg4[%dma_wait3A_565] : memref<64000000xf32, #tpu.memory_space<hbm>> -> memref<4096xf32, #tpu.memory_space<hbm>>
      %dma_wait3A_567 = arith.constant 0 : i32
      %dma_wait3A_568 = tpu.memref_slice %arg7[%dma_wait3A, %dma_wait3A_567] : memref<2x24576xf32, #tpu.memory_space<vmem>> -> memref<1x4096xf32, #tpu.memory_space<vmem>>
      %dma_wait3A_569 = tpu.memref_squeeze %dma_wait3A_568 : memref<1x4096xf32, #tpu.memory_space<vmem>> -> memref<4096xf32, #tpu.memory_space<vmem>>
      tpu.wait_dma2 semaphore(%arg10 : memref<!tpu.dma_semaphore, #tpu.memory_space<semaphore_mem>>) src(%dma_wait3A_569 : memref<4096xf32, #tpu.memory_space<vmem>>) dst(%dma_wait3A_566 : memref<4096xf32, #tpu.memory_space<hbm>>)
    } else {
    }
    return
  }
}

#map = affine_map<(d0, d1) -> (0, 0, 0)>
#map1 = affine_map<(d0, d1) -> (0, 0)>
module attributes {stable_mosaic.version = 14 : i64} {
  func.func @_emb_body(%arg0: i32, %arg1: i32, %arg2: memref<32x80x128xi32, #tpu.memory_space<hbm>>, %arg3: memref<1000000x64xf32, #tpu.memory_space<hbm>>, %arg4: memref<327680x64xf32, #tpu.memory_space<hbm>>, %arg5: memref<80x128xi32, #tpu.memory_space<vmem>>, %arg6: memref<8x128x64xf32, #tpu.memory_space<vmem>>, %arg7: memref<!tpu.dma_semaphore, #tpu.memory_space<semaphore_mem>>, %arg8: memref<!tpu.dma_semaphore, #tpu.memory_space<semaphore_mem>>, %arg9: memref<!tpu.dma_semaphore, #tpu.memory_space<semaphore_mem>>, %arg10: memref<!tpu.dma_semaphore, #tpu.memory_space<semaphore_mem>>, %arg11: memref<!tpu.dma_semaphore, #tpu.memory_space<semaphore_mem>>, %arg12: memref<!tpu.dma_semaphore, #tpu.memory_space<semaphore_mem>>, %arg13: memref<!tpu.dma_semaphore, #tpu.memory_space<semaphore_mem>>, %arg14: memref<!tpu.dma_semaphore, #tpu.memory_space<semaphore_mem>>) attributes {dimension_semantics = [#tpu.dimension_semantics<core_parallel>, #tpu.dimension_semantics<subcore_parallel>], iteration_bounds = array<i64: 2, 16>, scalar_prefetch = 0 : i64, scratch_operands = 10 : i64, tpu.core_type = #tpu.core_type<sc_vector_subcore>, window_params = [{transform_indices = #map}, {transform_indices = #map1}, {transform_indices = #map1}]} {
    %mul3A = arith.constant 2 : i32
    %mul3A_0 = arith.muli %arg1, %mul3A : i32
    %add3A = arith.addi %mul3A_0, %arg0 : i32
    "tpu.region"() ({
      %run_scoped3A = tpu.sem_alloc : memref<!tpu.dma_semaphore, #tpu.memory_space<semaphore_mem>>
      %dma_start3A = arith.constant 0 : i32
      %dma_start3A_9 = arith.constant 0 : i32
      %dma_start3A_10 = tpu.memref_slice %arg2[%add3A, %dma_start3A, %dma_start3A_9] : memref<32x80x128xi32, #tpu.memory_space<hbm>> -> memref<1x80x128xi32, #tpu.memory_space<hbm>>
      %dma_start3A_11 = tpu.memref_squeeze %dma_start3A_10 : memref<1x80x128xi32, #tpu.memory_space<hbm>> -> memref<80x128xi32, #tpu.memory_space<hbm>>
      %dma_start3A_12 = arith.constant 0 : i32
      %dma_start3A_13 = arith.constant 0 : i32
      %dma_start3A_14 = tpu.memref_slice %arg2[%add3A, %dma_start3A_12, %dma_start3A_13] : memref<32x80x128xi32, #tpu.memory_space<hbm>> -> memref<1x80x128xi32, #tpu.memory_space<hbm>>
      %dma_start3A_15 = tpu.memref_squeeze %dma_start3A_14 : memref<1x80x128xi32, #tpu.memory_space<hbm>> -> memref<80x128xi32, #tpu.memory_space<hbm>>
      tpu.enqueue_dma source(%dma_start3A_15 : memref<80x128xi32, #tpu.memory_space<hbm>>) target(%arg5 : memref<80x128xi32, #tpu.memory_space<vmem>>) target_semaphore(%run_scoped3A : memref<!tpu.dma_semaphore, #tpu.memory_space<semaphore_mem>>)
      %dma_wait3A = arith.constant 0 : i32
      %dma_wait3A_16 = arith.constant 0 : i32
      %dma_wait3A_17 = tpu.memref_slice %arg2[%add3A, %dma_wait3A, %dma_wait3A_16] : memref<32x80x128xi32, #tpu.memory_space<hbm>> -> memref<1x80x128xi32, #tpu.memory_space<hbm>>
      %dma_wait3A_18 = tpu.memref_squeeze %dma_wait3A_17 : memref<1x80x128xi32, #tpu.memory_space<hbm>> -> memref<80x128xi32, #tpu.memory_space<hbm>>
      %dma_wait3A_19 = arith.constant 0 : i32
      %dma_wait3A_20 = arith.constant 0 : i32
      %dma_wait3A_21 = tpu.memref_slice %arg2[%add3A, %dma_wait3A_19, %dma_wait3A_20] : memref<32x80x128xi32, #tpu.memory_space<hbm>> -> memref<1x80x128xi32, #tpu.memory_space<hbm>>
      %dma_wait3A_22 = tpu.memref_squeeze %dma_wait3A_21 : memref<1x80x128xi32, #tpu.memory_space<hbm>> -> memref<80x128xi32, #tpu.memory_space<hbm>>
      tpu.wait_dma2 semaphore(%run_scoped3A : memref<!tpu.dma_semaphore, #tpu.memory_space<semaphore_mem>>) src(%dma_wait3A_22 : memref<80x128xi32, #tpu.memory_space<hbm>>) dst(%arg5 : memref<80x128xi32, #tpu.memory_space<vmem>>)
      tpu.yield
    }) : () -> ()
    %mul3A_1 = arith.constant 80 : i32
    %mul3A_2 = arith.muli %add3A, %mul3A_1 : i32
    %mul3A_3 = arith.constant 128 : i32
    %mul3A_4 = arith.muli %mul3A_2, %mul3A_3 : i32
    %scan3A = arith.constant 0 : i32
    %scan3A_5 = arith.constant 10 : i32
    %scan3A_6 = arith.addi %scan3A, %scan3A_5 : i32
    %scan3A_7 = arith.constant 1 : i32
    scf.for %scan3A_9 = %scan3A to %scan3A_6 step %scan3A_7  : i32 {
      %mul3A_10 = arith.constant 8 : i32
      %mul3A_11 = arith.muli %scan3A_9, %mul3A_10 : i32
      %add3A_12 = arith.constant 0 : i32
      %add3A_13 = arith.addi %add3A_12, %mul3A_11 : i32
      %add3A_14 = arith.constant 0 : i32
      %add3A_15 = arith.addi %add3A_13, %add3A_14 : i32
      %dma_start3A = arith.constant 0 : i32
      %dma_start3A_16 = arith.constant 0 : i32
      %dma_start3A_17 = arith.constant 0 : i32
      %dma_start3A_18 = tpu.memref_slice %arg6[%dma_start3A, %dma_start3A_16, %dma_start3A_17] : memref<8x128x64xf32, #tpu.memory_space<vmem>> -> memref<1x128x64xf32, #tpu.memory_space<vmem>>
      %dma_start3A_19 = tpu.memref_squeeze %dma_start3A_18 : memref<1x128x64xf32, #tpu.memory_space<vmem>> -> memref<128x64xf32, #tpu.memory_space<vmem>>
      %dma_start3A_20 = arith.constant 0 : i32
      %dma_start3A_21 = tpu.memref_slice %arg5[%add3A_15, %dma_start3A_20] : memref<80x128xi32, #tpu.memory_space<vmem>> -> memref<1x128xi32, #tpu.memory_space<vmem>>
      %dma_start3A_22 = tpu.memref_squeeze %dma_start3A_21 : memref<1x128xi32, #tpu.memory_space<vmem>> -> memref<128xi32, #tpu.memory_space<vmem>>
      %dma_start3A_23 = arith.constant 0 : i32
      %dma_start3A_24 = arith.constant 0 : i32
      %dma_start3A_25 = tpu.memref_slice %arg3[%dma_start3A_23, %dma_start3A_24] : memref<1000000x64xf32, #tpu.memory_space<hbm>> -> memref<1000000x64xf32, #tpu.memory_space<hbm>>
      tpu.enqueue_indirect_dma source(%dma_start3A_25 : memref<1000000x64xf32, #tpu.memory_space<hbm>>) target(%dma_start3A_19 : memref<128x64xf32, #tpu.memory_space<vmem>>) offsets(%dma_start3A_22 : memref<128xi32, #tpu.memory_space<vmem>>) semaphore(%arg7 : memref<!tpu.dma_semaphore, #tpu.memory_space<semaphore_mem>>)
      %add3A_26 = arith.constant 1 : i32
      %add3A_27 = arith.addi %add3A_13, %add3A_26 : i32
      %dma_start3A_28 = arith.constant 1 : i32
      %dma_start3A_29 = arith.constant 0 : i32
      %dma_start3A_30 = arith.constant 0 : i32
      %dma_start3A_31 = tpu.memref_slice %arg6[%dma_start3A_28, %dma_start3A_29, %dma_start3A_30] : memref<8x128x64xf32, #tpu.memory_space<vmem>> -> memref<1x128x64xf32, #tpu.memory_space<vmem>>
      %dma_start3A_32 = tpu.memref_squeeze %dma_start3A_31 : memref<1x128x64xf32, #tpu.memory_space<vmem>> -> memref<128x64xf32, #tpu.memory_space<vmem>>
      %dma_start3A_33 = arith.constant 0 : i32
      %dma_start3A_34 = tpu.memref_slice %arg5[%add3A_27, %dma_start3A_33] : memref<80x128xi32, #tpu.memory_space<vmem>> -> memref<1x128xi32, #tpu.memory_space<vmem>>
      %dma_start3A_35 = tpu.memref_squeeze %dma_start3A_34 : memref<1x128xi32, #tpu.memory_space<vmem>> -> memref<128xi32, #tpu.memory_space<vmem>>
      %dma_start3A_36 = arith.constant 0 : i32
      %dma_start3A_37 = arith.constant 0 : i32
      %dma_start3A_38 = tpu.memref_slice %arg3[%dma_start3A_36, %dma_start3A_37] : memref<1000000x64xf32, #tpu.memory_space<hbm>> -> memref<1000000x64xf32, #tpu.memory_space<hbm>>
      tpu.enqueue_indirect_dma source(%dma_start3A_38 : memref<1000000x64xf32, #tpu.memory_space<hbm>>) target(%dma_start3A_32 : memref<128x64xf32, #tpu.memory_space<vmem>>) offsets(%dma_start3A_35 : memref<128xi32, #tpu.memory_space<vmem>>) semaphore(%arg8 : memref<!tpu.dma_semaphore, #tpu.memory_space<semaphore_mem>>)
      %add3A_39 = arith.constant 2 : i32
      %add3A_40 = arith.addi %add3A_13, %add3A_39 : i32
      %dma_start3A_41 = arith.constant 2 : i32
      %dma_start3A_42 = arith.constant 0 : i32
      %dma_start3A_43 = arith.constant 0 : i32
      %dma_start3A_44 = tpu.memref_slice %arg6[%dma_start3A_41, %dma_start3A_42, %dma_start3A_43] : memref<8x128x64xf32, #tpu.memory_space<vmem>> -> memref<1x128x64xf32, #tpu.memory_space<vmem>>
      %dma_start3A_45 = tpu.memref_squeeze %dma_start3A_44 : memref<1x128x64xf32, #tpu.memory_space<vmem>> -> memref<128x64xf32, #tpu.memory_space<vmem>>
      %dma_start3A_46 = arith.constant 0 : i32
      %dma_start3A_47 = tpu.memref_slice %arg5[%add3A_40, %dma_start3A_46] : memref<80x128xi32, #tpu.memory_space<vmem>> -> memref<1x128xi32, #tpu.memory_space<vmem>>
      %dma_start3A_48 = tpu.memref_squeeze %dma_start3A_47 : memref<1x128xi32, #tpu.memory_space<vmem>> -> memref<128xi32, #tpu.memory_space<vmem>>
      %dma_start3A_49 = arith.constant 0 : i32
      %dma_start3A_50 = arith.constant 0 : i32
      %dma_start3A_51 = tpu.memref_slice %arg3[%dma_start3A_49, %dma_start3A_50] : memref<1000000x64xf32, #tpu.memory_space<hbm>> -> memref<1000000x64xf32, #tpu.memory_space<hbm>>
      tpu.enqueue_indirect_dma source(%dma_start3A_51 : memref<1000000x64xf32, #tpu.memory_space<hbm>>) target(%dma_start3A_45 : memref<128x64xf32, #tpu.memory_space<vmem>>) offsets(%dma_start3A_48 : memref<128xi32, #tpu.memory_space<vmem>>) semaphore(%arg9 : memref<!tpu.dma_semaphore, #tpu.memory_space<semaphore_mem>>)
      %add3A_52 = arith.constant 3 : i32
      %add3A_53 = arith.addi %add3A_13, %add3A_52 : i32
      %dma_start3A_54 = arith.constant 3 : i32
      %dma_start3A_55 = arith.constant 0 : i32
      %dma_start3A_56 = arith.constant 0 : i32
      %dma_start3A_57 = tpu.memref_slice %arg6[%dma_start3A_54, %dma_start3A_55, %dma_start3A_56] : memref<8x128x64xf32, #tpu.memory_space<vmem>> -> memref<1x128x64xf32, #tpu.memory_space<vmem>>
      %dma_start3A_58 = tpu.memref_squeeze %dma_start3A_57 : memref<1x128x64xf32, #tpu.memory_space<vmem>> -> memref<128x64xf32, #tpu.memory_space<vmem>>
      %dma_start3A_59 = arith.constant 0 : i32
      %dma_start3A_60 = tpu.memref_slice %arg5[%add3A_53, %dma_start3A_59] : memref<80x128xi32, #tpu.memory_space<vmem>> -> memref<1x128xi32, #tpu.memory_space<vmem>>
      %dma_start3A_61 = tpu.memref_squeeze %dma_start3A_60 : memref<1x128xi32, #tpu.memory_space<vmem>> -> memref<128xi32, #tpu.memory_space<vmem>>
      %dma_start3A_62 = arith.constant 0 : i32
      %dma_start3A_63 = arith.constant 0 : i32
      %dma_start3A_64 = tpu.memref_slice %arg3[%dma_start3A_62, %dma_start3A_63] : memref<1000000x64xf32, #tpu.memory_space<hbm>> -> memref<1000000x64xf32, #tpu.memory_space<hbm>>
      tpu.enqueue_indirect_dma source(%dma_start3A_64 : memref<1000000x64xf32, #tpu.memory_space<hbm>>) target(%dma_start3A_58 : memref<128x64xf32, #tpu.memory_space<vmem>>) offsets(%dma_start3A_61 : memref<128xi32, #tpu.memory_space<vmem>>) semaphore(%arg10 : memref<!tpu.dma_semaphore, #tpu.memory_space<semaphore_mem>>)
      %add3A_65 = arith.constant 4 : i32
      %add3A_66 = arith.addi %add3A_13, %add3A_65 : i32
      %dma_start3A_67 = arith.constant 4 : i32
      %dma_start3A_68 = arith.constant 0 : i32
      %dma_start3A_69 = arith.constant 0 : i32
      %dma_start3A_70 = tpu.memref_slice %arg6[%dma_start3A_67, %dma_start3A_68, %dma_start3A_69] : memref<8x128x64xf32, #tpu.memory_space<vmem>> -> memref<1x128x64xf32, #tpu.memory_space<vmem>>
      %dma_start3A_71 = tpu.memref_squeeze %dma_start3A_70 : memref<1x128x64xf32, #tpu.memory_space<vmem>> -> memref<128x64xf32, #tpu.memory_space<vmem>>
      %dma_start3A_72 = arith.constant 0 : i32
      %dma_start3A_73 = tpu.memref_slice %arg5[%add3A_66, %dma_start3A_72] : memref<80x128xi32, #tpu.memory_space<vmem>> -> memref<1x128xi32, #tpu.memory_space<vmem>>
      %dma_start3A_74 = tpu.memref_squeeze %dma_start3A_73 : memref<1x128xi32, #tpu.memory_space<vmem>> -> memref<128xi32, #tpu.memory_space<vmem>>
      %dma_start3A_75 = arith.constant 0 : i32
      %dma_start3A_76 = arith.constant 0 : i32
      %dma_start3A_77 = tpu.memref_slice %arg3[%dma_start3A_75, %dma_start3A_76] : memref<1000000x64xf32, #tpu.memory_space<hbm>> -> memref<1000000x64xf32, #tpu.memory_space<hbm>>
      tpu.enqueue_indirect_dma source(%dma_start3A_77 : memref<1000000x64xf32, #tpu.memory_space<hbm>>) target(%dma_start3A_71 : memref<128x64xf32, #tpu.memory_space<vmem>>) offsets(%dma_start3A_74 : memref<128xi32, #tpu.memory_space<vmem>>) semaphore(%arg11 : memref<!tpu.dma_semaphore, #tpu.memory_space<semaphore_mem>>)
      %add3A_78 = arith.constant 5 : i32
      %add3A_79 = arith.addi %add3A_13, %add3A_78 : i32
      %dma_start3A_80 = arith.constant 5 : i32
      %dma_start3A_81 = arith.constant 0 : i32
      %dma_start3A_82 = arith.constant 0 : i32
      %dma_start3A_83 = tpu.memref_slice %arg6[%dma_start3A_80, %dma_start3A_81, %dma_start3A_82] : memref<8x128x64xf32, #tpu.memory_space<vmem>> -> memref<1x128x64xf32, #tpu.memory_space<vmem>>
      %dma_start3A_84 = tpu.memref_squeeze %dma_start3A_83 : memref<1x128x64xf32, #tpu.memory_space<vmem>> -> memref<128x64xf32, #tpu.memory_space<vmem>>
      %dma_start3A_85 = arith.constant 0 : i32
      %dma_start3A_86 = tpu.memref_slice %arg5[%add3A_79, %dma_start3A_85] : memref<80x128xi32, #tpu.memory_space<vmem>> -> memref<1x128xi32, #tpu.memory_space<vmem>>
      %dma_start3A_87 = tpu.memref_squeeze %dma_start3A_86 : memref<1x128xi32, #tpu.memory_space<vmem>> -> memref<128xi32, #tpu.memory_space<vmem>>
      %dma_start3A_88 = arith.constant 0 : i32
      %dma_start3A_89 = arith.constant 0 : i32
      %dma_start3A_90 = tpu.memref_slice %arg3[%dma_start3A_88, %dma_start3A_89] : memref<1000000x64xf32, #tpu.memory_space<hbm>> -> memref<1000000x64xf32, #tpu.memory_space<hbm>>
      tpu.enqueue_indirect_dma source(%dma_start3A_90 : memref<1000000x64xf32, #tpu.memory_space<hbm>>) target(%dma_start3A_84 : memref<128x64xf32, #tpu.memory_space<vmem>>) offsets(%dma_start3A_87 : memref<128xi32, #tpu.memory_space<vmem>>) semaphore(%arg12 : memref<!tpu.dma_semaphore, #tpu.memory_space<semaphore_mem>>)
      %add3A_91 = arith.constant 6 : i32
      %add3A_92 = arith.addi %add3A_13, %add3A_91 : i32
      %dma_start3A_93 = arith.constant 6 : i32
      %dma_start3A_94 = arith.constant 0 : i32
      %dma_start3A_95 = arith.constant 0 : i32
      %dma_start3A_96 = tpu.memref_slice %arg6[%dma_start3A_93, %dma_start3A_94, %dma_start3A_95] : memref<8x128x64xf32, #tpu.memory_space<vmem>> -> memref<1x128x64xf32, #tpu.memory_space<vmem>>
      %dma_start3A_97 = tpu.memref_squeeze %dma_start3A_96 : memref<1x128x64xf32, #tpu.memory_space<vmem>> -> memref<128x64xf32, #tpu.memory_space<vmem>>
      %dma_start3A_98 = arith.constant 0 : i32
      %dma_start3A_99 = tpu.memref_slice %arg5[%add3A_92, %dma_start3A_98] : memref<80x128xi32, #tpu.memory_space<vmem>> -> memref<1x128xi32, #tpu.memory_space<vmem>>
      %dma_start3A_100 = tpu.memref_squeeze %dma_start3A_99 : memref<1x128xi32, #tpu.memory_space<vmem>> -> memref<128xi32, #tpu.memory_space<vmem>>
      %dma_start3A_101 = arith.constant 0 : i32
      %dma_start3A_102 = arith.constant 0 : i32
      %dma_start3A_103 = tpu.memref_slice %arg3[%dma_start3A_101, %dma_start3A_102] : memref<1000000x64xf32, #tpu.memory_space<hbm>> -> memref<1000000x64xf32, #tpu.memory_space<hbm>>
      tpu.enqueue_indirect_dma source(%dma_start3A_103 : memref<1000000x64xf32, #tpu.memory_space<hbm>>) target(%dma_start3A_97 : memref<128x64xf32, #tpu.memory_space<vmem>>) offsets(%dma_start3A_100 : memref<128xi32, #tpu.memory_space<vmem>>) semaphore(%arg13 : memref<!tpu.dma_semaphore, #tpu.memory_space<semaphore_mem>>)
      %add3A_104 = arith.constant 7 : i32
      %add3A_105 = arith.addi %add3A_13, %add3A_104 : i32
      %dma_start3A_106 = arith.constant 7 : i32
      %dma_start3A_107 = arith.constant 0 : i32
      %dma_start3A_108 = arith.constant 0 : i32
      %dma_start3A_109 = tpu.memref_slice %arg6[%dma_start3A_106, %dma_start3A_107, %dma_start3A_108] : memref<8x128x64xf32, #tpu.memory_space<vmem>> -> memref<1x128x64xf32, #tpu.memory_space<vmem>>
      %dma_start3A_110 = tpu.memref_squeeze %dma_start3A_109 : memref<1x128x64xf32, #tpu.memory_space<vmem>> -> memref<128x64xf32, #tpu.memory_space<vmem>>
      %dma_start3A_111 = arith.constant 0 : i32
      %dma_start3A_112 = tpu.memref_slice %arg5[%add3A_105, %dma_start3A_111] : memref<80x128xi32, #tpu.memory_space<vmem>> -> memref<1x128xi32, #tpu.memory_space<vmem>>
      %dma_start3A_113 = tpu.memref_squeeze %dma_start3A_112 : memref<1x128xi32, #tpu.memory_space<vmem>> -> memref<128xi32, #tpu.memory_space<vmem>>
      %dma_start3A_114 = arith.constant 0 : i32
      %dma_start3A_115 = arith.constant 0 : i32
      %dma_start3A_116 = tpu.memref_slice %arg3[%dma_start3A_114, %dma_start3A_115] : memref<1000000x64xf32, #tpu.memory_space<hbm>> -> memref<1000000x64xf32, #tpu.memory_space<hbm>>
      tpu.enqueue_indirect_dma source(%dma_start3A_116 : memref<1000000x64xf32, #tpu.memory_space<hbm>>) target(%dma_start3A_110 : memref<128x64xf32, #tpu.memory_space<vmem>>) offsets(%dma_start3A_113 : memref<128xi32, #tpu.memory_space<vmem>>) semaphore(%arg14 : memref<!tpu.dma_semaphore, #tpu.memory_space<semaphore_mem>>)
      %dma_wait3A = arith.constant 0 : i32
      %dma_wait3A_117 = arith.constant 0 : i32
      %dma_wait3A_118 = arith.constant 0 : i32
      %dma_wait3A_119 = tpu.memref_slice %arg6[%dma_wait3A, %dma_wait3A_117, %dma_wait3A_118] : memref<8x128x64xf32, #tpu.memory_space<vmem>> -> memref<1x128x64xf32, #tpu.memory_space<vmem>>
      %dma_wait3A_120 = tpu.memref_squeeze %dma_wait3A_119 : memref<1x128x64xf32, #tpu.memory_space<vmem>> -> memref<128x64xf32, #tpu.memory_space<vmem>>
      %dma_wait3A_121 = arith.constant 0 : i32
      %dma_wait3A_122 = tpu.memref_slice %arg5[%add3A_15, %dma_wait3A_121] : memref<80x128xi32, #tpu.memory_space<vmem>> -> memref<1x128xi32, #tpu.memory_space<vmem>>
      %dma_wait3A_123 = tpu.memref_squeeze %dma_wait3A_122 : memref<1x128xi32, #tpu.memory_space<vmem>> -> memref<128xi32, #tpu.memory_space<vmem>>
      %dma_wait3A_124 = arith.constant 0 : i32
      %dma_wait3A_125 = arith.constant 0 : i32
      %dma_wait3A_126 = tpu.memref_slice %arg3[%dma_wait3A_124, %dma_wait3A_125] : memref<1000000x64xf32, #tpu.memory_space<hbm>> -> memref<1000000x64xf32, #tpu.memory_space<hbm>>
      tpu.wait_indirect_dma semaphore(%arg7 : memref<!tpu.dma_semaphore, #tpu.memory_space<semaphore_mem>>) src(%dma_wait3A_126 : memref<1000000x64xf32, #tpu.memory_space<hbm>>) dst(%dma_wait3A_120 : memref<128x64xf32, #tpu.memory_space<vmem>>)
      %add3A_127 = arith.constant 0 : i32
      %add3A_128 = arith.addi %add3A_13, %add3A_127 : i32
      %mul3A_129 = arith.constant 128 : i32
      %mul3A_130 = arith.muli %add3A_128, %mul3A_129 : i32
      %add3A_131 = arith.addi %mul3A_4, %mul3A_130 : i32
      %run_scoped3A = arith.constant 0 : i32
      "tpu.region"() ({
        %run_scoped3A_251 = tpu.sem_alloc : memref<!tpu.dma_semaphore, #tpu.memory_space<semaphore_mem>>
        %dma_start3A_252 = arith.constant 0 : i32
        %dma_start3A_253 = arith.constant 0 : i32
        %dma_start3A_254 = tpu.memref_slice %arg6[%run_scoped3A, %dma_start3A_252, %dma_start3A_253] : memref<8x128x64xf32, #tpu.memory_space<vmem>> -> memref<1x128x64xf32, #tpu.memory_space<vmem>>
        %dma_start3A_255 = tpu.memref_squeeze %dma_start3A_254 : memref<1x128x64xf32, #tpu.memory_space<vmem>> -> memref<128x64xf32, #tpu.memory_space<vmem>>
        %dma_start3A_256 = arith.constant 0 : i32
        %dma_start3A_257 = tpu.memref_slice %arg4[%add3A_131, %dma_start3A_256] : memref<327680x64xf32, #tpu.memory_space<hbm>> -> memref<128x64xf32, #tpu.memory_space<hbm>>
        %dma_start3A_258 = arith.constant 0 : i32
        %dma_start3A_259 = tpu.memref_slice %arg4[%add3A_131, %dma_start3A_258] : memref<327680x64xf32, #tpu.memory_space<hbm>> -> memref<128x64xf32, #tpu.memory_space<hbm>>
        %dma_start3A_260 = arith.constant 0 : i32
        %dma_start3A_261 = arith.constant 0 : i32
        %dma_start3A_262 = tpu.memref_slice %arg6[%run_scoped3A, %dma_start3A_260, %dma_start3A_261] : memref<8x128x64xf32, #tpu.memory_space<vmem>> -> memref<1x128x64xf32, #tpu.memory_space<vmem>>
        %dma_start3A_263 = tpu.memref_squeeze %dma_start3A_262 : memref<1x128x64xf32, #tpu.memory_space<vmem>> -> memref<128x64xf32, #tpu.memory_space<vmem>>
        tpu.enqueue_dma source(%dma_start3A_263 : memref<128x64xf32, #tpu.memory_space<vmem>>) target(%dma_start3A_259 : memref<128x64xf32, #tpu.memory_space<hbm>>) target_semaphore(%run_scoped3A_251 : memref<!tpu.dma_semaphore, #tpu.memory_space<semaphore_mem>>)
        %dma_wait3A_264 = arith.constant 0 : i32
        %dma_wait3A_265 = arith.constant 0 : i32
        %dma_wait3A_266 = tpu.memref_slice %arg6[%run_scoped3A, %dma_wait3A_264, %dma_wait3A_265] : memref<8x128x64xf32, #tpu.memory_space<vmem>> -> memref<1x128x64xf32, #tpu.memory_space<vmem>>
        %dma_wait3A_267 = tpu.memref_squeeze %dma_wait3A_266 : memref<1x128x64xf32, #tpu.memory_space<vmem>> -> memref<128x64xf32, #tpu.memory_space<vmem>>
        %dma_wait3A_268 = arith.constant 0 : i32
        %dma_wait3A_269 = tpu.memref_slice %arg4[%add3A_131, %dma_wait3A_268] : memref<327680x64xf32, #tpu.memory_space<hbm>> -> memref<128x64xf32, #tpu.memory_space<hbm>>
        %dma_wait3A_270 = arith.constant 0 : i32
        %dma_wait3A_271 = tpu.memref_slice %arg4[%add3A_131, %dma_wait3A_270] : memref<327680x64xf32, #tpu.memory_space<hbm>> -> memref<128x64xf32, #tpu.memory_space<hbm>>
        %dma_wait3A_272 = arith.constant 0 : i32
        %dma_wait3A_273 = arith.constant 0 : i32
        %dma_wait3A_274 = tpu.memref_slice %arg6[%run_scoped3A, %dma_wait3A_272, %dma_wait3A_273] : memref<8x128x64xf32, #tpu.memory_space<vmem>> -> memref<1x128x64xf32, #tpu.memory_space<vmem>>
        %dma_wait3A_275 = tpu.memref_squeeze %dma_wait3A_274 : memref<1x128x64xf32, #tpu.memory_space<vmem>> -> memref<128x64xf32, #tpu.memory_space<vmem>>
        tpu.wait_dma2 semaphore(%run_scoped3A_251 : memref<!tpu.dma_semaphore, #tpu.memory_space<semaphore_mem>>) src(%dma_wait3A_275 : memref<128x64xf32, #tpu.memory_space<vmem>>) dst(%dma_wait3A_271 : memref<128x64xf32, #tpu.memory_space<hbm>>)
        tpu.yield
      }) : () -> ()
      %dma_wait3A_132 = arith.constant 1 : i32
      %dma_wait3A_133 = arith.constant 0 : i32
      %dma_wait3A_134 = arith.constant 0 : i32
      %dma_wait3A_135 = tpu.memref_slice %arg6[%dma_wait3A_132, %dma_wait3A_133, %dma_wait3A_134] : memref<8x128x64xf32, #tpu.memory_space<vmem>> -> memref<1x128x64xf32, #tpu.memory_space<vmem>>
      %dma_wait3A_136 = tpu.memref_squeeze %dma_wait3A_135 : memref<1x128x64xf32, #tpu.memory_space<vmem>> -> memref<128x64xf32, #tpu.memory_space<vmem>>
      %dma_wait3A_137 = arith.constant 0 : i32
      %dma_wait3A_138 = tpu.memref_slice %arg5[%add3A_27, %dma_wait3A_137] : memref<80x128xi32, #tpu.memory_space<vmem>> -> memref<1x128xi32, #tpu.memory_space<vmem>>
      %dma_wait3A_139 = tpu.memref_squeeze %dma_wait3A_138 : memref<1x128xi32, #tpu.memory_space<vmem>> -> memref<128xi32, #tpu.memory_space<vmem>>
      %dma_wait3A_140 = arith.constant 0 : i32
      %dma_wait3A_141 = arith.constant 0 : i32
      %dma_wait3A_142 = tpu.memref_slice %arg3[%dma_wait3A_140, %dma_wait3A_141] : memref<1000000x64xf32, #tpu.memory_space<hbm>> -> memref<1000000x64xf32, #tpu.memory_space<hbm>>
      tpu.wait_indirect_dma semaphore(%arg8 : memref<!tpu.dma_semaphore, #tpu.memory_space<semaphore_mem>>) src(%dma_wait3A_142 : memref<1000000x64xf32, #tpu.memory_space<hbm>>) dst(%dma_wait3A_136 : memref<128x64xf32, #tpu.memory_space<vmem>>)
      %add3A_143 = arith.constant 1 : i32
      %add3A_144 = arith.addi %add3A_13, %add3A_143 : i32
      %mul3A_145 = arith.constant 128 : i32
      %mul3A_146 = arith.muli %add3A_144, %mul3A_145 : i32
      %add3A_147 = arith.addi %mul3A_4, %mul3A_146 : i32
      %run_scoped3A_148 = arith.constant 1 : i32
      "tpu.region"() ({
        %run_scoped3A_251 = tpu.sem_alloc : memref<!tpu.dma_semaphore, #tpu.memory_space<semaphore_mem>>
        %dma_start3A_252 = arith.constant 0 : i32
        %dma_start3A_253 = arith.constant 0 : i32
        %dma_start3A_254 = tpu.memref_slice %arg6[%run_scoped3A_148, %dma_start3A_252, %dma_start3A_253] : memref<8x128x64xf32, #tpu.memory_space<vmem>> -> memref<1x128x64xf32, #tpu.memory_space<vmem>>
        %dma_start3A_255 = tpu.memref_squeeze %dma_start3A_254 : memref<1x128x64xf32, #tpu.memory_space<vmem>> -> memref<128x64xf32, #tpu.memory_space<vmem>>
        %dma_start3A_256 = arith.constant 0 : i32
        %dma_start3A_257 = tpu.memref_slice %arg4[%add3A_147, %dma_start3A_256] : memref<327680x64xf32, #tpu.memory_space<hbm>> -> memref<128x64xf32, #tpu.memory_space<hbm>>
        %dma_start3A_258 = arith.constant 0 : i32
        %dma_start3A_259 = tpu.memref_slice %arg4[%add3A_147, %dma_start3A_258] : memref<327680x64xf32, #tpu.memory_space<hbm>> -> memref<128x64xf32, #tpu.memory_space<hbm>>
        %dma_start3A_260 = arith.constant 0 : i32
        %dma_start3A_261 = arith.constant 0 : i32
        %dma_start3A_262 = tpu.memref_slice %arg6[%run_scoped3A_148, %dma_start3A_260, %dma_start3A_261] : memref<8x128x64xf32, #tpu.memory_space<vmem>> -> memref<1x128x64xf32, #tpu.memory_space<vmem>>
        %dma_start3A_263 = tpu.memref_squeeze %dma_start3A_262 : memref<1x128x64xf32, #tpu.memory_space<vmem>> -> memref<128x64xf32, #tpu.memory_space<vmem>>
        tpu.enqueue_dma source(%dma_start3A_263 : memref<128x64xf32, #tpu.memory_space<vmem>>) target(%dma_start3A_259 : memref<128x64xf32, #tpu.memory_space<hbm>>) target_semaphore(%run_scoped3A_251 : memref<!tpu.dma_semaphore, #tpu.memory_space<semaphore_mem>>)
        %dma_wait3A_264 = arith.constant 0 : i32
        %dma_wait3A_265 = arith.constant 0 : i32
        %dma_wait3A_266 = tpu.memref_slice %arg6[%run_scoped3A_148, %dma_wait3A_264, %dma_wait3A_265] : memref<8x128x64xf32, #tpu.memory_space<vmem>> -> memref<1x128x64xf32, #tpu.memory_space<vmem>>
        %dma_wait3A_267 = tpu.memref_squeeze %dma_wait3A_266 : memref<1x128x64xf32, #tpu.memory_space<vmem>> -> memref<128x64xf32, #tpu.memory_space<vmem>>
        %dma_wait3A_268 = arith.constant 0 : i32
        %dma_wait3A_269 = tpu.memref_slice %arg4[%add3A_147, %dma_wait3A_268] : memref<327680x64xf32, #tpu.memory_space<hbm>> -> memref<128x64xf32, #tpu.memory_space<hbm>>
        %dma_wait3A_270 = arith.constant 0 : i32
        %dma_wait3A_271 = tpu.memref_slice %arg4[%add3A_147, %dma_wait3A_270] : memref<327680x64xf32, #tpu.memory_space<hbm>> -> memref<128x64xf32, #tpu.memory_space<hbm>>
        %dma_wait3A_272 = arith.constant 0 : i32
        %dma_wait3A_273 = arith.constant 0 : i32
        %dma_wait3A_274 = tpu.memref_slice %arg6[%run_scoped3A_148, %dma_wait3A_272, %dma_wait3A_273] : memref<8x128x64xf32, #tpu.memory_space<vmem>> -> memref<1x128x64xf32, #tpu.memory_space<vmem>>
        %dma_wait3A_275 = tpu.memref_squeeze %dma_wait3A_274 : memref<1x128x64xf32, #tpu.memory_space<vmem>> -> memref<128x64xf32, #tpu.memory_space<vmem>>
        tpu.wait_dma2 semaphore(%run_scoped3A_251 : memref<!tpu.dma_semaphore, #tpu.memory_space<semaphore_mem>>) src(%dma_wait3A_275 : memref<128x64xf32, #tpu.memory_space<vmem>>) dst(%dma_wait3A_271 : memref<128x64xf32, #tpu.memory_space<hbm>>)
        tpu.yield
      }) : () -> ()
      %dma_wait3A_149 = arith.constant 2 : i32
      %dma_wait3A_150 = arith.constant 0 : i32
      %dma_wait3A_151 = arith.constant 0 : i32
      %dma_wait3A_152 = tpu.memref_slice %arg6[%dma_wait3A_149, %dma_wait3A_150, %dma_wait3A_151] : memref<8x128x64xf32, #tpu.memory_space<vmem>> -> memref<1x128x64xf32, #tpu.memory_space<vmem>>
      %dma_wait3A_153 = tpu.memref_squeeze %dma_wait3A_152 : memref<1x128x64xf32, #tpu.memory_space<vmem>> -> memref<128x64xf32, #tpu.memory_space<vmem>>
      %dma_wait3A_154 = arith.constant 0 : i32
      %dma_wait3A_155 = tpu.memref_slice %arg5[%add3A_40, %dma_wait3A_154] : memref<80x128xi32, #tpu.memory_space<vmem>> -> memref<1x128xi32, #tpu.memory_space<vmem>>
      %dma_wait3A_156 = tpu.memref_squeeze %dma_wait3A_155 : memref<1x128xi32, #tpu.memory_space<vmem>> -> memref<128xi32, #tpu.memory_space<vmem>>
      %dma_wait3A_157 = arith.constant 0 : i32
      %dma_wait3A_158 = arith.constant 0 : i32
      %dma_wait3A_159 = tpu.memref_slice %arg3[%dma_wait3A_157, %dma_wait3A_158] : memref<1000000x64xf32, #tpu.memory_space<hbm>> -> memref<1000000x64xf32, #tpu.memory_space<hbm>>
      tpu.wait_indirect_dma semaphore(%arg9 : memref<!tpu.dma_semaphore, #tpu.memory_space<semaphore_mem>>) src(%dma_wait3A_159 : memref<1000000x64xf32, #tpu.memory_space<hbm>>) dst(%dma_wait3A_153 : memref<128x64xf32, #tpu.memory_space<vmem>>)
      %add3A_160 = arith.constant 2 : i32
      %add3A_161 = arith.addi %add3A_13, %add3A_160 : i32
      %mul3A_162 = arith.constant 128 : i32
      %mul3A_163 = arith.muli %add3A_161, %mul3A_162 : i32
      %add3A_164 = arith.addi %mul3A_4, %mul3A_163 : i32
      %run_scoped3A_165 = arith.constant 2 : i32
      "tpu.region"() ({
        %run_scoped3A_251 = tpu.sem_alloc : memref<!tpu.dma_semaphore, #tpu.memory_space<semaphore_mem>>
        %dma_start3A_252 = arith.constant 0 : i32
        %dma_start3A_253 = arith.constant 0 : i32
        %dma_start3A_254 = tpu.memref_slice %arg6[%run_scoped3A_165, %dma_start3A_252, %dma_start3A_253] : memref<8x128x64xf32, #tpu.memory_space<vmem>> -> memref<1x128x64xf32, #tpu.memory_space<vmem>>
        %dma_start3A_255 = tpu.memref_squeeze %dma_start3A_254 : memref<1x128x64xf32, #tpu.memory_space<vmem>> -> memref<128x64xf32, #tpu.memory_space<vmem>>
        %dma_start3A_256 = arith.constant 0 : i32
        %dma_start3A_257 = tpu.memref_slice %arg4[%add3A_164, %dma_start3A_256] : memref<327680x64xf32, #tpu.memory_space<hbm>> -> memref<128x64xf32, #tpu.memory_space<hbm>>
        %dma_start3A_258 = arith.constant 0 : i32
        %dma_start3A_259 = tpu.memref_slice %arg4[%add3A_164, %dma_start3A_258] : memref<327680x64xf32, #tpu.memory_space<hbm>> -> memref<128x64xf32, #tpu.memory_space<hbm>>
        %dma_start3A_260 = arith.constant 0 : i32
        %dma_start3A_261 = arith.constant 0 : i32
        %dma_start3A_262 = tpu.memref_slice %arg6[%run_scoped3A_165, %dma_start3A_260, %dma_start3A_261] : memref<8x128x64xf32, #tpu.memory_space<vmem>> -> memref<1x128x64xf32, #tpu.memory_space<vmem>>
        %dma_start3A_263 = tpu.memref_squeeze %dma_start3A_262 : memref<1x128x64xf32, #tpu.memory_space<vmem>> -> memref<128x64xf32, #tpu.memory_space<vmem>>
        tpu.enqueue_dma source(%dma_start3A_263 : memref<128x64xf32, #tpu.memory_space<vmem>>) target(%dma_start3A_259 : memref<128x64xf32, #tpu.memory_space<hbm>>) target_semaphore(%run_scoped3A_251 : memref<!tpu.dma_semaphore, #tpu.memory_space<semaphore_mem>>)
        %dma_wait3A_264 = arith.constant 0 : i32
        %dma_wait3A_265 = arith.constant 0 : i32
        %dma_wait3A_266 = tpu.memref_slice %arg6[%run_scoped3A_165, %dma_wait3A_264, %dma_wait3A_265] : memref<8x128x64xf32, #tpu.memory_space<vmem>> -> memref<1x128x64xf32, #tpu.memory_space<vmem>>
        %dma_wait3A_267 = tpu.memref_squeeze %dma_wait3A_266 : memref<1x128x64xf32, #tpu.memory_space<vmem>> -> memref<128x64xf32, #tpu.memory_space<vmem>>
        %dma_wait3A_268 = arith.constant 0 : i32
        %dma_wait3A_269 = tpu.memref_slice %arg4[%add3A_164, %dma_wait3A_268] : memref<327680x64xf32, #tpu.memory_space<hbm>> -> memref<128x64xf32, #tpu.memory_space<hbm>>
        %dma_wait3A_270 = arith.constant 0 : i32
        %dma_wait3A_271 = tpu.memref_slice %arg4[%add3A_164, %dma_wait3A_270] : memref<327680x64xf32, #tpu.memory_space<hbm>> -> memref<128x64xf32, #tpu.memory_space<hbm>>
        %dma_wait3A_272 = arith.constant 0 : i32
        %dma_wait3A_273 = arith.constant 0 : i32
        %dma_wait3A_274 = tpu.memref_slice %arg6[%run_scoped3A_165, %dma_wait3A_272, %dma_wait3A_273] : memref<8x128x64xf32, #tpu.memory_space<vmem>> -> memref<1x128x64xf32, #tpu.memory_space<vmem>>
        %dma_wait3A_275 = tpu.memref_squeeze %dma_wait3A_274 : memref<1x128x64xf32, #tpu.memory_space<vmem>> -> memref<128x64xf32, #tpu.memory_space<vmem>>
        tpu.wait_dma2 semaphore(%run_scoped3A_251 : memref<!tpu.dma_semaphore, #tpu.memory_space<semaphore_mem>>) src(%dma_wait3A_275 : memref<128x64xf32, #tpu.memory_space<vmem>>) dst(%dma_wait3A_271 : memref<128x64xf32, #tpu.memory_space<hbm>>)
        tpu.yield
      }) : () -> ()
      %dma_wait3A_166 = arith.constant 3 : i32
      %dma_wait3A_167 = arith.constant 0 : i32
      %dma_wait3A_168 = arith.constant 0 : i32
      %dma_wait3A_169 = tpu.memref_slice %arg6[%dma_wait3A_166, %dma_wait3A_167, %dma_wait3A_168] : memref<8x128x64xf32, #tpu.memory_space<vmem>> -> memref<1x128x64xf32, #tpu.memory_space<vmem>>
      %dma_wait3A_170 = tpu.memref_squeeze %dma_wait3A_169 : memref<1x128x64xf32, #tpu.memory_space<vmem>> -> memref<128x64xf32, #tpu.memory_space<vmem>>
      %dma_wait3A_171 = arith.constant 0 : i32
      %dma_wait3A_172 = tpu.memref_slice %arg5[%add3A_53, %dma_wait3A_171] : memref<80x128xi32, #tpu.memory_space<vmem>> -> memref<1x128xi32, #tpu.memory_space<vmem>>
      %dma_wait3A_173 = tpu.memref_squeeze %dma_wait3A_172 : memref<1x128xi32, #tpu.memory_space<vmem>> -> memref<128xi32, #tpu.memory_space<vmem>>
      %dma_wait3A_174 = arith.constant 0 : i32
      %dma_wait3A_175 = arith.constant 0 : i32
      %dma_wait3A_176 = tpu.memref_slice %arg3[%dma_wait3A_174, %dma_wait3A_175] : memref<1000000x64xf32, #tpu.memory_space<hbm>> -> memref<1000000x64xf32, #tpu.memory_space<hbm>>
      tpu.wait_indirect_dma semaphore(%arg10 : memref<!tpu.dma_semaphore, #tpu.memory_space<semaphore_mem>>) src(%dma_wait3A_176 : memref<1000000x64xf32, #tpu.memory_space<hbm>>) dst(%dma_wait3A_170 : memref<128x64xf32, #tpu.memory_space<vmem>>)
      %add3A_177 = arith.constant 3 : i32
      %add3A_178 = arith.addi %add3A_13, %add3A_177 : i32
      %mul3A_179 = arith.constant 128 : i32
      %mul3A_180 = arith.muli %add3A_178, %mul3A_179 : i32
      %add3A_181 = arith.addi %mul3A_4, %mul3A_180 : i32
      %run_scoped3A_182 = arith.constant 3 : i32
      "tpu.region"() ({
        %run_scoped3A_251 = tpu.sem_alloc : memref<!tpu.dma_semaphore, #tpu.memory_space<semaphore_mem>>
        %dma_start3A_252 = arith.constant 0 : i32
        %dma_start3A_253 = arith.constant 0 : i32
        %dma_start3A_254 = tpu.memref_slice %arg6[%run_scoped3A_182, %dma_start3A_252, %dma_start3A_253] : memref<8x128x64xf32, #tpu.memory_space<vmem>> -> memref<1x128x64xf32, #tpu.memory_space<vmem>>
        %dma_start3A_255 = tpu.memref_squeeze %dma_start3A_254 : memref<1x128x64xf32, #tpu.memory_space<vmem>> -> memref<128x64xf32, #tpu.memory_space<vmem>>
        %dma_start3A_256 = arith.constant 0 : i32
        %dma_start3A_257 = tpu.memref_slice %arg4[%add3A_181, %dma_start3A_256] : memref<327680x64xf32, #tpu.memory_space<hbm>> -> memref<128x64xf32, #tpu.memory_space<hbm>>
        %dma_start3A_258 = arith.constant 0 : i32
        %dma_start3A_259 = tpu.memref_slice %arg4[%add3A_181, %dma_start3A_258] : memref<327680x64xf32, #tpu.memory_space<hbm>> -> memref<128x64xf32, #tpu.memory_space<hbm>>
        %dma_start3A_260 = arith.constant 0 : i32
        %dma_start3A_261 = arith.constant 0 : i32
        %dma_start3A_262 = tpu.memref_slice %arg6[%run_scoped3A_182, %dma_start3A_260, %dma_start3A_261] : memref<8x128x64xf32, #tpu.memory_space<vmem>> -> memref<1x128x64xf32, #tpu.memory_space<vmem>>
        %dma_start3A_263 = tpu.memref_squeeze %dma_start3A_262 : memref<1x128x64xf32, #tpu.memory_space<vmem>> -> memref<128x64xf32, #tpu.memory_space<vmem>>
        tpu.enqueue_dma source(%dma_start3A_263 : memref<128x64xf32, #tpu.memory_space<vmem>>) target(%dma_start3A_259 : memref<128x64xf32, #tpu.memory_space<hbm>>) target_semaphore(%run_scoped3A_251 : memref<!tpu.dma_semaphore, #tpu.memory_space<semaphore_mem>>)
        %dma_wait3A_264 = arith.constant 0 : i32
        %dma_wait3A_265 = arith.constant 0 : i32
        %dma_wait3A_266 = tpu.memref_slice %arg6[%run_scoped3A_182, %dma_wait3A_264, %dma_wait3A_265] : memref<8x128x64xf32, #tpu.memory_space<vmem>> -> memref<1x128x64xf32, #tpu.memory_space<vmem>>
        %dma_wait3A_267 = tpu.memref_squeeze %dma_wait3A_266 : memref<1x128x64xf32, #tpu.memory_space<vmem>> -> memref<128x64xf32, #tpu.memory_space<vmem>>
        %dma_wait3A_268 = arith.constant 0 : i32
        %dma_wait3A_269 = tpu.memref_slice %arg4[%add3A_181, %dma_wait3A_268] : memref<327680x64xf32, #tpu.memory_space<hbm>> -> memref<128x64xf32, #tpu.memory_space<hbm>>
        %dma_wait3A_270 = arith.constant 0 : i32
        %dma_wait3A_271 = tpu.memref_slice %arg4[%add3A_181, %dma_wait3A_270] : memref<327680x64xf32, #tpu.memory_space<hbm>> -> memref<128x64xf32, #tpu.memory_space<hbm>>
        %dma_wait3A_272 = arith.constant 0 : i32
        %dma_wait3A_273 = arith.constant 0 : i32
        %dma_wait3A_274 = tpu.memref_slice %arg6[%run_scoped3A_182, %dma_wait3A_272, %dma_wait3A_273] : memref<8x128x64xf32, #tpu.memory_space<vmem>> -> memref<1x128x64xf32, #tpu.memory_space<vmem>>
        %dma_wait3A_275 = tpu.memref_squeeze %dma_wait3A_274 : memref<1x128x64xf32, #tpu.memory_space<vmem>> -> memref<128x64xf32, #tpu.memory_space<vmem>>
        tpu.wait_dma2 semaphore(%run_scoped3A_251 : memref<!tpu.dma_semaphore, #tpu.memory_space<semaphore_mem>>) src(%dma_wait3A_275 : memref<128x64xf32, #tpu.memory_space<vmem>>) dst(%dma_wait3A_271 : memref<128x64xf32, #tpu.memory_space<hbm>>)
        tpu.yield
      }) : () -> ()
      %dma_wait3A_183 = arith.constant 4 : i32
      %dma_wait3A_184 = arith.constant 0 : i32
      %dma_wait3A_185 = arith.constant 0 : i32
      %dma_wait3A_186 = tpu.memref_slice %arg6[%dma_wait3A_183, %dma_wait3A_184, %dma_wait3A_185] : memref<8x128x64xf32, #tpu.memory_space<vmem>> -> memref<1x128x64xf32, #tpu.memory_space<vmem>>
      %dma_wait3A_187 = tpu.memref_squeeze %dma_wait3A_186 : memref<1x128x64xf32, #tpu.memory_space<vmem>> -> memref<128x64xf32, #tpu.memory_space<vmem>>
      %dma_wait3A_188 = arith.constant 0 : i32
      %dma_wait3A_189 = tpu.memref_slice %arg5[%add3A_66, %dma_wait3A_188] : memref<80x128xi32, #tpu.memory_space<vmem>> -> memref<1x128xi32, #tpu.memory_space<vmem>>
      %dma_wait3A_190 = tpu.memref_squeeze %dma_wait3A_189 : memref<1x128xi32, #tpu.memory_space<vmem>> -> memref<128xi32, #tpu.memory_space<vmem>>
      %dma_wait3A_191 = arith.constant 0 : i32
      %dma_wait3A_192 = arith.constant 0 : i32
      %dma_wait3A_193 = tpu.memref_slice %arg3[%dma_wait3A_191, %dma_wait3A_192] : memref<1000000x64xf32, #tpu.memory_space<hbm>> -> memref<1000000x64xf32, #tpu.memory_space<hbm>>
      tpu.wait_indirect_dma semaphore(%arg11 : memref<!tpu.dma_semaphore, #tpu.memory_space<semaphore_mem>>) src(%dma_wait3A_193 : memref<1000000x64xf32, #tpu.memory_space<hbm>>) dst(%dma_wait3A_187 : memref<128x64xf32, #tpu.memory_space<vmem>>)
      %add3A_194 = arith.constant 4 : i32
      %add3A_195 = arith.addi %add3A_13, %add3A_194 : i32
      %mul3A_196 = arith.constant 128 : i32
      %mul3A_197 = arith.muli %add3A_195, %mul3A_196 : i32
      %add3A_198 = arith.addi %mul3A_4, %mul3A_197 : i32
      %run_scoped3A_199 = arith.constant 4 : i32
      "tpu.region"() ({
        %run_scoped3A_251 = tpu.sem_alloc : memref<!tpu.dma_semaphore, #tpu.memory_space<semaphore_mem>>
        %dma_start3A_252 = arith.constant 0 : i32
        %dma_start3A_253 = arith.constant 0 : i32
        %dma_start3A_254 = tpu.memref_slice %arg6[%run_scoped3A_199, %dma_start3A_252, %dma_start3A_253] : memref<8x128x64xf32, #tpu.memory_space<vmem>> -> memref<1x128x64xf32, #tpu.memory_space<vmem>>
        %dma_start3A_255 = tpu.memref_squeeze %dma_start3A_254 : memref<1x128x64xf32, #tpu.memory_space<vmem>> -> memref<128x64xf32, #tpu.memory_space<vmem>>
        %dma_start3A_256 = arith.constant 0 : i32
        %dma_start3A_257 = tpu.memref_slice %arg4[%add3A_198, %dma_start3A_256] : memref<327680x64xf32, #tpu.memory_space<hbm>> -> memref<128x64xf32, #tpu.memory_space<hbm>>
        %dma_start3A_258 = arith.constant 0 : i32
        %dma_start3A_259 = tpu.memref_slice %arg4[%add3A_198, %dma_start3A_258] : memref<327680x64xf32, #tpu.memory_space<hbm>> -> memref<128x64xf32, #tpu.memory_space<hbm>>
        %dma_start3A_260 = arith.constant 0 : i32
        %dma_start3A_261 = arith.constant 0 : i32
        %dma_start3A_262 = tpu.memref_slice %arg6[%run_scoped3A_199, %dma_start3A_260, %dma_start3A_261] : memref<8x128x64xf32, #tpu.memory_space<vmem>> -> memref<1x128x64xf32, #tpu.memory_space<vmem>>
        %dma_start3A_263 = tpu.memref_squeeze %dma_start3A_262 : memref<1x128x64xf32, #tpu.memory_space<vmem>> -> memref<128x64xf32, #tpu.memory_space<vmem>>
        tpu.enqueue_dma source(%dma_start3A_263 : memref<128x64xf32, #tpu.memory_space<vmem>>) target(%dma_start3A_259 : memref<128x64xf32, #tpu.memory_space<hbm>>) target_semaphore(%run_scoped3A_251 : memref<!tpu.dma_semaphore, #tpu.memory_space<semaphore_mem>>)
        %dma_wait3A_264 = arith.constant 0 : i32
        %dma_wait3A_265 = arith.constant 0 : i32
        %dma_wait3A_266 = tpu.memref_slice %arg6[%run_scoped3A_199, %dma_wait3A_264, %dma_wait3A_265] : memref<8x128x64xf32, #tpu.memory_space<vmem>> -> memref<1x128x64xf32, #tpu.memory_space<vmem>>
        %dma_wait3A_267 = tpu.memref_squeeze %dma_wait3A_266 : memref<1x128x64xf32, #tpu.memory_space<vmem>> -> memref<128x64xf32, #tpu.memory_space<vmem>>
        %dma_wait3A_268 = arith.constant 0 : i32
        %dma_wait3A_269 = tpu.memref_slice %arg4[%add3A_198, %dma_wait3A_268] : memref<327680x64xf32, #tpu.memory_space<hbm>> -> memref<128x64xf32, #tpu.memory_space<hbm>>
        %dma_wait3A_270 = arith.constant 0 : i32
        %dma_wait3A_271 = tpu.memref_slice %arg4[%add3A_198, %dma_wait3A_270] : memref<327680x64xf32, #tpu.memory_space<hbm>> -> memref<128x64xf32, #tpu.memory_space<hbm>>
        %dma_wait3A_272 = arith.constant 0 : i32
        %dma_wait3A_273 = arith.constant 0 : i32
        %dma_wait3A_274 = tpu.memref_slice %arg6[%run_scoped3A_199, %dma_wait3A_272, %dma_wait3A_273] : memref<8x128x64xf32, #tpu.memory_space<vmem>> -> memref<1x128x64xf32, #tpu.memory_space<vmem>>
        %dma_wait3A_275 = tpu.memref_squeeze %dma_wait3A_274 : memref<1x128x64xf32, #tpu.memory_space<vmem>> -> memref<128x64xf32, #tpu.memory_space<vmem>>
        tpu.wait_dma2 semaphore(%run_scoped3A_251 : memref<!tpu.dma_semaphore, #tpu.memory_space<semaphore_mem>>) src(%dma_wait3A_275 : memref<128x64xf32, #tpu.memory_space<vmem>>) dst(%dma_wait3A_271 : memref<128x64xf32, #tpu.memory_space<hbm>>)
        tpu.yield
      }) : () -> ()
      %dma_wait3A_200 = arith.constant 5 : i32
      %dma_wait3A_201 = arith.constant 0 : i32
      %dma_wait3A_202 = arith.constant 0 : i32
      %dma_wait3A_203 = tpu.memref_slice %arg6[%dma_wait3A_200, %dma_wait3A_201, %dma_wait3A_202] : memref<8x128x64xf32, #tpu.memory_space<vmem>> -> memref<1x128x64xf32, #tpu.memory_space<vmem>>
      %dma_wait3A_204 = tpu.memref_squeeze %dma_wait3A_203 : memref<1x128x64xf32, #tpu.memory_space<vmem>> -> memref<128x64xf32, #tpu.memory_space<vmem>>
      %dma_wait3A_205 = arith.constant 0 : i32
      %dma_wait3A_206 = tpu.memref_slice %arg5[%add3A_79, %dma_wait3A_205] : memref<80x128xi32, #tpu.memory_space<vmem>> -> memref<1x128xi32, #tpu.memory_space<vmem>>
      %dma_wait3A_207 = tpu.memref_squeeze %dma_wait3A_206 : memref<1x128xi32, #tpu.memory_space<vmem>> -> memref<128xi32, #tpu.memory_space<vmem>>
      %dma_wait3A_208 = arith.constant 0 : i32
      %dma_wait3A_209 = arith.constant 0 : i32
      %dma_wait3A_210 = tpu.memref_slice %arg3[%dma_wait3A_208, %dma_wait3A_209] : memref<1000000x64xf32, #tpu.memory_space<hbm>> -> memref<1000000x64xf32, #tpu.memory_space<hbm>>
      tpu.wait_indirect_dma semaphore(%arg12 : memref<!tpu.dma_semaphore, #tpu.memory_space<semaphore_mem>>) src(%dma_wait3A_210 : memref<1000000x64xf32, #tpu.memory_space<hbm>>) dst(%dma_wait3A_204 : memref<128x64xf32, #tpu.memory_space<vmem>>)
      %add3A_211 = arith.constant 5 : i32
      %add3A_212 = arith.addi %add3A_13, %add3A_211 : i32
      %mul3A_213 = arith.constant 128 : i32
      %mul3A_214 = arith.muli %add3A_212, %mul3A_213 : i32
      %add3A_215 = arith.addi %mul3A_4, %mul3A_214 : i32
      %run_scoped3A_216 = arith.constant 5 : i32
      "tpu.region"() ({
        %run_scoped3A_251 = tpu.sem_alloc : memref<!tpu.dma_semaphore, #tpu.memory_space<semaphore_mem>>
        %dma_start3A_252 = arith.constant 0 : i32
        %dma_start3A_253 = arith.constant 0 : i32
        %dma_start3A_254 = tpu.memref_slice %arg6[%run_scoped3A_216, %dma_start3A_252, %dma_start3A_253] : memref<8x128x64xf32, #tpu.memory_space<vmem>> -> memref<1x128x64xf32, #tpu.memory_space<vmem>>
        %dma_start3A_255 = tpu.memref_squeeze %dma_start3A_254 : memref<1x128x64xf32, #tpu.memory_space<vmem>> -> memref<128x64xf32, #tpu.memory_space<vmem>>
        %dma_start3A_256 = arith.constant 0 : i32
        %dma_start3A_257 = tpu.memref_slice %arg4[%add3A_215, %dma_start3A_256] : memref<327680x64xf32, #tpu.memory_space<hbm>> -> memref<128x64xf32, #tpu.memory_space<hbm>>
        %dma_start3A_258 = arith.constant 0 : i32
        %dma_start3A_259 = tpu.memref_slice %arg4[%add3A_215, %dma_start3A_258] : memref<327680x64xf32, #tpu.memory_space<hbm>> -> memref<128x64xf32, #tpu.memory_space<hbm>>
        %dma_start3A_260 = arith.constant 0 : i32
        %dma_start3A_261 = arith.constant 0 : i32
        %dma_start3A_262 = tpu.memref_slice %arg6[%run_scoped3A_216, %dma_start3A_260, %dma_start3A_261] : memref<8x128x64xf32, #tpu.memory_space<vmem>> -> memref<1x128x64xf32, #tpu.memory_space<vmem>>
        %dma_start3A_263 = tpu.memref_squeeze %dma_start3A_262 : memref<1x128x64xf32, #tpu.memory_space<vmem>> -> memref<128x64xf32, #tpu.memory_space<vmem>>
        tpu.enqueue_dma source(%dma_start3A_263 : memref<128x64xf32, #tpu.memory_space<vmem>>) target(%dma_start3A_259 : memref<128x64xf32, #tpu.memory_space<hbm>>) target_semaphore(%run_scoped3A_251 : memref<!tpu.dma_semaphore, #tpu.memory_space<semaphore_mem>>)
        %dma_wait3A_264 = arith.constant 0 : i32
        %dma_wait3A_265 = arith.constant 0 : i32
        %dma_wait3A_266 = tpu.memref_slice %arg6[%run_scoped3A_216, %dma_wait3A_264, %dma_wait3A_265] : memref<8x128x64xf32, #tpu.memory_space<vmem>> -> memref<1x128x64xf32, #tpu.memory_space<vmem>>
        %dma_wait3A_267 = tpu.memref_squeeze %dma_wait3A_266 : memref<1x128x64xf32, #tpu.memory_space<vmem>> -> memref<128x64xf32, #tpu.memory_space<vmem>>
        %dma_wait3A_268 = arith.constant 0 : i32
        %dma_wait3A_269 = tpu.memref_slice %arg4[%add3A_215, %dma_wait3A_268] : memref<327680x64xf32, #tpu.memory_space<hbm>> -> memref<128x64xf32, #tpu.memory_space<hbm>>
        %dma_wait3A_270 = arith.constant 0 : i32
        %dma_wait3A_271 = tpu.memref_slice %arg4[%add3A_215, %dma_wait3A_270] : memref<327680x64xf32, #tpu.memory_space<hbm>> -> memref<128x64xf32, #tpu.memory_space<hbm>>
        %dma_wait3A_272 = arith.constant 0 : i32
        %dma_wait3A_273 = arith.constant 0 : i32
        %dma_wait3A_274 = tpu.memref_slice %arg6[%run_scoped3A_216, %dma_wait3A_272, %dma_wait3A_273] : memref<8x128x64xf32, #tpu.memory_space<vmem>> -> memref<1x128x64xf32, #tpu.memory_space<vmem>>
        %dma_wait3A_275 = tpu.memref_squeeze %dma_wait3A_274 : memref<1x128x64xf32, #tpu.memory_space<vmem>> -> memref<128x64xf32, #tpu.memory_space<vmem>>
        tpu.wait_dma2 semaphore(%run_scoped3A_251 : memref<!tpu.dma_semaphore, #tpu.memory_space<semaphore_mem>>) src(%dma_wait3A_275 : memref<128x64xf32, #tpu.memory_space<vmem>>) dst(%dma_wait3A_271 : memref<128x64xf32, #tpu.memory_space<hbm>>)
        tpu.yield
      }) : () -> ()
      %dma_wait3A_217 = arith.constant 6 : i32
      %dma_wait3A_218 = arith.constant 0 : i32
      %dma_wait3A_219 = arith.constant 0 : i32
      %dma_wait3A_220 = tpu.memref_slice %arg6[%dma_wait3A_217, %dma_wait3A_218, %dma_wait3A_219] : memref<8x128x64xf32, #tpu.memory_space<vmem>> -> memref<1x128x64xf32, #tpu.memory_space<vmem>>
      %dma_wait3A_221 = tpu.memref_squeeze %dma_wait3A_220 : memref<1x128x64xf32, #tpu.memory_space<vmem>> -> memref<128x64xf32, #tpu.memory_space<vmem>>
      %dma_wait3A_222 = arith.constant 0 : i32
      %dma_wait3A_223 = tpu.memref_slice %arg5[%add3A_92, %dma_wait3A_222] : memref<80x128xi32, #tpu.memory_space<vmem>> -> memref<1x128xi32, #tpu.memory_space<vmem>>
      %dma_wait3A_224 = tpu.memref_squeeze %dma_wait3A_223 : memref<1x128xi32, #tpu.memory_space<vmem>> -> memref<128xi32, #tpu.memory_space<vmem>>
      %dma_wait3A_225 = arith.constant 0 : i32
      %dma_wait3A_226 = arith.constant 0 : i32
      %dma_wait3A_227 = tpu.memref_slice %arg3[%dma_wait3A_225, %dma_wait3A_226] : memref<1000000x64xf32, #tpu.memory_space<hbm>> -> memref<1000000x64xf32, #tpu.memory_space<hbm>>
      tpu.wait_indirect_dma semaphore(%arg13 : memref<!tpu.dma_semaphore, #tpu.memory_space<semaphore_mem>>) src(%dma_wait3A_227 : memref<1000000x64xf32, #tpu.memory_space<hbm>>) dst(%dma_wait3A_221 : memref<128x64xf32, #tpu.memory_space<vmem>>)
      %add3A_228 = arith.constant 6 : i32
      %add3A_229 = arith.addi %add3A_13, %add3A_228 : i32
      %mul3A_230 = arith.constant 128 : i32
      %mul3A_231 = arith.muli %add3A_229, %mul3A_230 : i32
      %add3A_232 = arith.addi %mul3A_4, %mul3A_231 : i32
      %run_scoped3A_233 = arith.constant 6 : i32
      "tpu.region"() ({
        %run_scoped3A_251 = tpu.sem_alloc : memref<!tpu.dma_semaphore, #tpu.memory_space<semaphore_mem>>
        %dma_start3A_252 = arith.constant 0 : i32
        %dma_start3A_253 = arith.constant 0 : i32
        %dma_start3A_254 = tpu.memref_slice %arg6[%run_scoped3A_233, %dma_start3A_252, %dma_start3A_253] : memref<8x128x64xf32, #tpu.memory_space<vmem>> -> memref<1x128x64xf32, #tpu.memory_space<vmem>>
        %dma_start3A_255 = tpu.memref_squeeze %dma_start3A_254 : memref<1x128x64xf32, #tpu.memory_space<vmem>> -> memref<128x64xf32, #tpu.memory_space<vmem>>
        %dma_start3A_256 = arith.constant 0 : i32
        %dma_start3A_257 = tpu.memref_slice %arg4[%add3A_232, %dma_start3A_256] : memref<327680x64xf32, #tpu.memory_space<hbm>> -> memref<128x64xf32, #tpu.memory_space<hbm>>
        %dma_start3A_258 = arith.constant 0 : i32
        %dma_start3A_259 = tpu.memref_slice %arg4[%add3A_232, %dma_start3A_258] : memref<327680x64xf32, #tpu.memory_space<hbm>> -> memref<128x64xf32, #tpu.memory_space<hbm>>
        %dma_start3A_260 = arith.constant 0 : i32
        %dma_start3A_261 = arith.constant 0 : i32
        %dma_start3A_262 = tpu.memref_slice %arg6[%run_scoped3A_233, %dma_start3A_260, %dma_start3A_261] : memref<8x128x64xf32, #tpu.memory_space<vmem>> -> memref<1x128x64xf32, #tpu.memory_space<vmem>>
        %dma_start3A_263 = tpu.memref_squeeze %dma_start3A_262 : memref<1x128x64xf32, #tpu.memory_space<vmem>> -> memref<128x64xf32, #tpu.memory_space<vmem>>
        tpu.enqueue_dma source(%dma_start3A_263 : memref<128x64xf32, #tpu.memory_space<vmem>>) target(%dma_start3A_259 : memref<128x64xf32, #tpu.memory_space<hbm>>) target_semaphore(%run_scoped3A_251 : memref<!tpu.dma_semaphore, #tpu.memory_space<semaphore_mem>>)
        %dma_wait3A_264 = arith.constant 0 : i32
        %dma_wait3A_265 = arith.constant 0 : i32
        %dma_wait3A_266 = tpu.memref_slice %arg6[%run_scoped3A_233, %dma_wait3A_264, %dma_wait3A_265] : memref<8x128x64xf32, #tpu.memory_space<vmem>> -> memref<1x128x64xf32, #tpu.memory_space<vmem>>
        %dma_wait3A_267 = tpu.memref_squeeze %dma_wait3A_266 : memref<1x128x64xf32, #tpu.memory_space<vmem>> -> memref<128x64xf32, #tpu.memory_space<vmem>>
        %dma_wait3A_268 = arith.constant 0 : i32
        %dma_wait3A_269 = tpu.memref_slice %arg4[%add3A_232, %dma_wait3A_268] : memref<327680x64xf32, #tpu.memory_space<hbm>> -> memref<128x64xf32, #tpu.memory_space<hbm>>
        %dma_wait3A_270 = arith.constant 0 : i32
        %dma_wait3A_271 = tpu.memref_slice %arg4[%add3A_232, %dma_wait3A_270] : memref<327680x64xf32, #tpu.memory_space<hbm>> -> memref<128x64xf32, #tpu.memory_space<hbm>>
        %dma_wait3A_272 = arith.constant 0 : i32
        %dma_wait3A_273 = arith.constant 0 : i32
        %dma_wait3A_274 = tpu.memref_slice %arg6[%run_scoped3A_233, %dma_wait3A_272, %dma_wait3A_273] : memref<8x128x64xf32, #tpu.memory_space<vmem>> -> memref<1x128x64xf32, #tpu.memory_space<vmem>>
        %dma_wait3A_275 = tpu.memref_squeeze %dma_wait3A_274 : memref<1x128x64xf32, #tpu.memory_space<vmem>> -> memref<128x64xf32, #tpu.memory_space<vmem>>
        tpu.wait_dma2 semaphore(%run_scoped3A_251 : memref<!tpu.dma_semaphore, #tpu.memory_space<semaphore_mem>>) src(%dma_wait3A_275 : memref<128x64xf32, #tpu.memory_space<vmem>>) dst(%dma_wait3A_271 : memref<128x64xf32, #tpu.memory_space<hbm>>)
        tpu.yield
      }) : () -> ()
      %dma_wait3A_234 = arith.constant 7 : i32
      %dma_wait3A_235 = arith.constant 0 : i32
      %dma_wait3A_236 = arith.constant 0 : i32
      %dma_wait3A_237 = tpu.memref_slice %arg6[%dma_wait3A_234, %dma_wait3A_235, %dma_wait3A_236] : memref<8x128x64xf32, #tpu.memory_space<vmem>> -> memref<1x128x64xf32, #tpu.memory_space<vmem>>
      %dma_wait3A_238 = tpu.memref_squeeze %dma_wait3A_237 : memref<1x128x64xf32, #tpu.memory_space<vmem>> -> memref<128x64xf32, #tpu.memory_space<vmem>>
      %dma_wait3A_239 = arith.constant 0 : i32
      %dma_wait3A_240 = tpu.memref_slice %arg5[%add3A_105, %dma_wait3A_239] : memref<80x128xi32, #tpu.memory_space<vmem>> -> memref<1x128xi32, #tpu.memory_space<vmem>>
      %dma_wait3A_241 = tpu.memref_squeeze %dma_wait3A_240 : memref<1x128xi32, #tpu.memory_space<vmem>> -> memref<128xi32, #tpu.memory_space<vmem>>
      %dma_wait3A_242 = arith.constant 0 : i32
      %dma_wait3A_243 = arith.constant 0 : i32
      %dma_wait3A_244 = tpu.memref_slice %arg3[%dma_wait3A_242, %dma_wait3A_243] : memref<1000000x64xf32, #tpu.memory_space<hbm>> -> memref<1000000x64xf32, #tpu.memory_space<hbm>>
      tpu.wait_indirect_dma semaphore(%arg14 : memref<!tpu.dma_semaphore, #tpu.memory_space<semaphore_mem>>) src(%dma_wait3A_244 : memref<1000000x64xf32, #tpu.memory_space<hbm>>) dst(%dma_wait3A_238 : memref<128x64xf32, #tpu.memory_space<vmem>>)
      %add3A_245 = arith.constant 7 : i32
      %add3A_246 = arith.addi %add3A_13, %add3A_245 : i32
      %mul3A_247 = arith.constant 128 : i32
      %mul3A_248 = arith.muli %add3A_246, %mul3A_247 : i32
      %add3A_249 = arith.addi %mul3A_4, %mul3A_248 : i32
      %run_scoped3A_250 = arith.constant 7 : i32
      "tpu.region"() ({
        %run_scoped3A_251 = tpu.sem_alloc : memref<!tpu.dma_semaphore, #tpu.memory_space<semaphore_mem>>
        %dma_start3A_252 = arith.constant 0 : i32
        %dma_start3A_253 = arith.constant 0 : i32
        %dma_start3A_254 = tpu.memref_slice %arg6[%run_scoped3A_250, %dma_start3A_252, %dma_start3A_253] : memref<8x128x64xf32, #tpu.memory_space<vmem>> -> memref<1x128x64xf32, #tpu.memory_space<vmem>>
        %dma_start3A_255 = tpu.memref_squeeze %dma_start3A_254 : memref<1x128x64xf32, #tpu.memory_space<vmem>> -> memref<128x64xf32, #tpu.memory_space<vmem>>
        %dma_start3A_256 = arith.constant 0 : i32
        %dma_start3A_257 = tpu.memref_slice %arg4[%add3A_249, %dma_start3A_256] : memref<327680x64xf32, #tpu.memory_space<hbm>> -> memref<128x64xf32, #tpu.memory_space<hbm>>
        %dma_start3A_258 = arith.constant 0 : i32
        %dma_start3A_259 = tpu.memref_slice %arg4[%add3A_249, %dma_start3A_258] : memref<327680x64xf32, #tpu.memory_space<hbm>> -> memref<128x64xf32, #tpu.memory_space<hbm>>
        %dma_start3A_260 = arith.constant 0 : i32
        %dma_start3A_261 = arith.constant 0 : i32
        %dma_start3A_262 = tpu.memref_slice %arg6[%run_scoped3A_250, %dma_start3A_260, %dma_start3A_261] : memref<8x128x64xf32, #tpu.memory_space<vmem>> -> memref<1x128x64xf32, #tpu.memory_space<vmem>>
        %dma_start3A_263 = tpu.memref_squeeze %dma_start3A_262 : memref<1x128x64xf32, #tpu.memory_space<vmem>> -> memref<128x64xf32, #tpu.memory_space<vmem>>
        tpu.enqueue_dma source(%dma_start3A_263 : memref<128x64xf32, #tpu.memory_space<vmem>>) target(%dma_start3A_259 : memref<128x64xf32, #tpu.memory_space<hbm>>) target_semaphore(%run_scoped3A_251 : memref<!tpu.dma_semaphore, #tpu.memory_space<semaphore_mem>>)
        %dma_wait3A_264 = arith.constant 0 : i32
        %dma_wait3A_265 = arith.constant 0 : i32
        %dma_wait3A_266 = tpu.memref_slice %arg6[%run_scoped3A_250, %dma_wait3A_264, %dma_wait3A_265] : memref<8x128x64xf32, #tpu.memory_space<vmem>> -> memref<1x128x64xf32, #tpu.memory_space<vmem>>
        %dma_wait3A_267 = tpu.memref_squeeze %dma_wait3A_266 : memref<1x128x64xf32, #tpu.memory_space<vmem>> -> memref<128x64xf32, #tpu.memory_space<vmem>>
        %dma_wait3A_268 = arith.constant 0 : i32
        %dma_wait3A_269 = tpu.memref_slice %arg4[%add3A_249, %dma_wait3A_268] : memref<327680x64xf32, #tpu.memory_space<hbm>> -> memref<128x64xf32, #tpu.memory_space<hbm>>
        %dma_wait3A_270 = arith.constant 0 : i32
        %dma_wait3A_271 = tpu.memref_slice %arg4[%add3A_249, %dma_wait3A_270] : memref<327680x64xf32, #tpu.memory_space<hbm>> -> memref<128x64xf32, #tpu.memory_space<hbm>>
        %dma_wait3A_272 = arith.constant 0 : i32
        %dma_wait3A_273 = arith.constant 0 : i32
        %dma_wait3A_274 = tpu.memref_slice %arg6[%run_scoped3A_250, %dma_wait3A_272, %dma_wait3A_273] : memref<8x128x64xf32, #tpu.memory_space<vmem>> -> memref<1x128x64xf32, #tpu.memory_space<vmem>>
        %dma_wait3A_275 = tpu.memref_squeeze %dma_wait3A_274 : memref<1x128x64xf32, #tpu.memory_space<vmem>> -> memref<128x64xf32, #tpu.memory_space<vmem>>
        tpu.wait_dma2 semaphore(%run_scoped3A_251 : memref<!tpu.dma_semaphore, #tpu.memory_space<semaphore_mem>>) src(%dma_wait3A_275 : memref<128x64xf32, #tpu.memory_space<vmem>>) dst(%dma_wait3A_271 : memref<128x64xf32, #tpu.memory_space<hbm>>)
        tpu.yield
      }) : () -> ()
    }
    %scan3A_8 = arith.constant 10 : i32
    return
  }
}

</mosaic_0001>

<sc_bundles>
// kernel: kernel.4.cloned.1.call-start
scs
__scs_entry_jumppad:
0x0: {  	(pc) =	sbr.rel $0x88, $3  }
0x1: {  	(tag) =	ssettag $0x0;
	lr =	simm.s32 $0x1  }
0x2: {  	[smem:$0x3F9F] =	sst lr;
	_ =	strace $0xD0000000  }
0x3: {  	_ = 	snop  }
0x4: {  	_ = 	snop  }
0x5: {  	_ = 	snop  }
0x6: {  	_ = 	snop  }
0x7: {  	_ = 	snop  }
__scs_overlays_trampoline_lowered:
0x8: {  	[smem:$0x3FAE] =	sst s0  }
0x9: {  	[smem:$0x3FAF] =	sst s1  }
0xa: {  	[smem:$0x3FB0] =	sst s2  }
0xb: {  	[smem:$0x3FB1] =	sst s3  }
0xc: {  	[smem:$0x3FB2] =	sst s4  }
0xd: {  	[smem:$0x3FB3] =	sst s5  }
0xe: {  	[smem:$0x3FB4] =	sst s6  }
0xf: {  	[smem:$0x3FB5] =	sst s7  }
0x10: {  	[smem:$0x3FB6] =	sst s8  }
0x11: {  	[smem:$0x3FB7] =	sst s9;
	s0 =	simm.s32 @!p0 $0x0  }
0x12: {  	s1 =	sld [smem:$0x3F9D];
	s0 =	simm.s32 @p0 $0x1  }
0x13: {  	[smem:$0x3FB8] =	sst s0;
	s0 =	simm.s32 @!p1 $0x0  }
0x14: {  	s2 =	sld [smem:$0x3F9C];
	s0 =	simm.s32 @p1 $0x1  }
0x15: {  	[smem:$0x3FB9] =	sst s0;
	s0 =	simm.s32 @!p2 $0x0  }
0x16: {  	s3 =	sld [smem:$0x3FDB];
	s0 =	simm.s32 @p2 $0x1  }
0x17: {  	s4 =	simm.s32 $0x1BF5;
	[smem:$0x3FBB] =	sst s0  }
0x18: {  	s0 =	sld [smem:$0x3F9E];
	_ =	swait.ge [sflag:s4], $0x0  }
0x19: {  	s7 =	sld [smem:$0x3F9F]  }
0x1a: {  	s8 =	sadd.s32 $0xFFFFE003, lr  }
0x1b: {  	s9 =	sadd.s32 $0xFFFFFEF7, lr;
	s5 =	simm.s32 $0xFFFFFFFF;
	p2 =	slt.u32 s8, $0xFFFFF086  }
0x1c: {  	p1 =	slt.u32 s9, $0xF7A;
	s5 =	simm.s32 @!p2 $0x0  }
0x1d: {  	s5 =	simm.s32 @p1 $0x1;
	p0 =	seq.s32 s7, s2  }
0x1e: {  	s7 =	smul.u32 @!p0 $0xF7A, s2;
	p2 =	seq.s32 @!p0 s5, $0x0  }
0x1f: {  	s9 =	smul.u32 $0xF7A, s1;
	s8 =	simm.s32 @!p0 $0x1BF5;
	p2 =	por !p2, p0  }
0x20: {  	[sflag:s8] =	ssyncset.s32 @!p0 $0xFFFFF086;
	s6 =	sadd.s32 @!p0 s3, s7;
	s7 =	simm.s32 @!p0 $0x108  }
0x21: {  	s3 =	sadd.s32 s3, s9;
	s6 =	sadd.s32 @!p0 $0x88, s6;
	s7 =	simm.s32 @p2 $0x1082  }
0x22: {  	[simem:s7], [sflag:s8] =	dma.local @!p0 [hbm:s6], $0xF7A  }
0x23: {  	s9 =	sor.u32 $0xD0000000, s2;
	s6 =	simm.s32 $0x108;
	_ =	swait.ge @!p0 [sflag:s8], $0x0  }
0x24: {  	s3 =	sadd.s32 $0x88, s3;
	s6 =	simm.s32 @!p1 $0x1082;
	[sflag:s4] =	ssyncset.s32 $0xFFFFF086  }
0x25: {  	[simem:s6], [sflag:s4] =	dma.local [hbm:s3], $0xF7A  }
0x26: {  	[smem:$0x3F9F] =	sst s1;
	(tag) =	ssettag s2;
	_ =	strace s9  }
0x27: {  	s1 =	sld [smem:$0x3FAF]  }
0x28: {  	s2 =	sld [smem:$0x3FB0]  }
0x29: {  	s4 =	sld [smem:$0x3FB2]  }
0x2a: {  	p0 =	seq.s32 s5, $0x0;
	s5 =	sld [smem:$0x3FB3]  }
0x2b: {  	s6 =	sld [smem:$0x3FB4]  }
0x2c: {  	s7 =	sld [smem:$0x3FB5]  }
0x2d: {  	s3 =	simm.s32 $0x108;
	s8 =	sld [smem:$0x3FB6]  }
0x2e: {  	s3 =	simm.s32 @!p0 $0x1082;
	s9 =	sld [smem:$0x3FB7]  }
0x2f: {  	lr =	sadd.s32 s0, s3;
	s0 =	sld [smem:$0x3FAE]  }
0x30: {  	s3 =	sld [smem:$0x3FB1]  }
0x31: {  	[smem:$0x3FBA] =	sst s10  }
0x32: {  	s10 =	sld [smem:$0x3FB8];
	_ =	sdelay $0x3  }
0x33: {  	p0 =	seq.s32 s10, $0x1;
	s10 =	sld [smem:$0x3FBA];
	_ =	sdelay $0x3  }
0x34: {  	[smem:$0x3FBA] =	sst s10  }
0x35: {  	s10 =	sld [smem:$0x3FB9];
	_ =	sdelay $0x3  }
0x36: {  	p1 =	seq.s32 s10, $0x1;
	s10 =	sld [smem:$0x3FBA];
	_ =	sdelay $0x3  }
0x37: {  	[smem:$0x3FBA] =	sst s10  }
0x38: {  	s10 =	sld [smem:$0x3FBB]  }
0x39: {  	_ = 	snop;
	(pc) =	sbr.ind lr, $3  }
0x3a: {  	_ = 	snop  }
0x3b: {  	_ = 	snop  }
0x3c: {  	p2 =	seq.s32 s10, $0x1;
	s10 =	sld [smem:$0x3FBA]  }
0x3d: {  	_ =	shalt  }
0x3e: {  	_ =	shalt  }
0x3f: {  	_ =	shalt  }
0x40: {  	_ =	shalt  }
0x41: {  	_ =	shalt  }
0x42: {  	_ =	shalt  }
0x43: {  	_ =	shalt  }
0x44: {  	_ =	shalt  }
0x45: {  	_ =	shalt  }
0x46: {  	_ =	shalt  }
0x47: {  	_ =	shalt  }
0x48: {  	_ =	shalt  }
0x49: {  	_ =	shalt  }
0x4a: {  	_ =	shalt  }
0x4b: {  	_ =	shalt  }
0x4c: {  	_ =	shalt  }
0x4d: {  	_ =	shalt  }
0x4e: {  	_ =	shalt  }
0x4f: {  	_ =	shalt  }
0x50: {  	_ =	shalt  }
0x51: {  	_ =	shalt  }
0x52: {  	_ =	shalt  }
0x53: {  	_ =	shalt  }
0x54: {  	_ =	shalt  }
0x55: {  	_ =	shalt  }
0x56: {  	_ =	shalt  }
0x57: {  	_ =	shalt  }
0x58: {  	_ =	shalt  }
0x59: {  	_ =	shalt  }
0x5a: {  	_ =	shalt  }
0x5b: {  	_ =	shalt  }
0x5c: {  	_ =	shalt  }
0x5d: {  	_ =	shalt  }
0x5e: {  	_ =	shalt  }
0x5f: {  	_ =	shalt  }
0x60: {  	_ =	shalt  }
0x61: {  	_ =	shalt  }
0x62: {  	_ =	shalt  }
0x63: {  	_ =	shalt  }
0x64: {  	_ =	shalt  }
0x65: {  	_ =	shalt  }
0x66: {  	_ =	shalt  }
0x67: {  	_ =	shalt  }
0x68: {  	_ =	shalt  }
0x69: {  	_ =	shalt  }
0x6a: {  	_ =	shalt  }
0x6b: {  	_ =	shalt  }
0x6c: {  	_ =	shalt  }
0x6d: {  	_ =	shalt  }
0x6e: {  	_ =	shalt  }
0x6f: {  	_ =	shalt  }
0x70: {  	_ =	shalt  }
0x71: {  	_ =	shalt  }
0x72: {  	_ =	shalt  }
0x73: {  	_ =	shalt  }
0x74: {  	_ =	shalt  }
0x75: {  	_ =	shalt  }
0x76: {  	_ =	shalt  }
0x77: {  	_ =	shalt  }
0x78: {  	_ =	shalt  }
0x79: {  	_ =	shalt  }
0x7a: {  	_ =	shalt  }
0x7b: {  	_ =	shalt  }
0x7c: {  	_ =	shalt  }
0x7d: {  	_ =	shalt  }
0x7e: {  	_ =	shalt  }
0x7f: {  	_ =	shalt  }
0x80: {  	_ =	shalt  }
0x81: {  	_ =	shalt  }
0x82: {  	_ =	shalt  }
0x83: {  	_ =	shalt  }
0x84: {  	_ =	shalt  }
0x85: {  	_ =	shalt  }
0x86: {  	_ =	shalt  }
0x87: {  	_ =	shalt  }
.Lfunc_end0:
.L_simem_size_0:
called_computation.1_lowered:
.L_overlay_start_0:
0x88: {  	s2 =	sld [smem:$0x3FD9]  }
0x89: {  	s3 =	sld [smem:$0x3FFE];
	_ =	sdelay $0x1  }
0x8a: {  	s1 =	srdreg.scid  }
0x8b: {  	s0 =	sand.u32 $0x1, s1  }
0x8c: {  	s17 =	sshll.u32 s0, $0xA;
	s2 =	sadd.s32 s3, s2  }
0x8d: {  	s2 =	sadd.s32 s2, s17  }
0x8e: {  	[smem:$0x3FC6] =	sst s2  }
0x8f: {  	_ = 	snop  }
0x90: {  	s2 =	sld [smem:$0x3FC8]  }
0x91: {  	s18 =	sld [smem:$0x3FD0];
	(tm) =	ssettm $0x1  }
0x92: {  	s4 =	sld [smem:$0x3FFB];
	_ =	sdelay $0x3  }
0x93: {  	_ =	strace s4  }
0x94: {  	s4 =	sld [smem:$0x3FFC];
	_ =	sdelay $0x3  }
0x95: {  	_ =	strace s4  }
0x96: {  	s4 =	sld [smem:$0x3FFD];
	_ =	sdelay $0x3  }
0x97: {  	_ =	strace s4  }
0x98: {  	_ =	strace $0x8FFFFFFF  }
0x99: {  	s19 =	sld [smem:$0x3FDB];
	_ =	sdelay $0x1  }
0x9a: {  	s5 =	simm.s32 $_scs_section_size  }
0x9b: {  	s6 =	simm.s32 $_size__tile_overlayer_lowered;
	s7 =	simm.s32 $_tile_overlayer_lowered  }
0x9c: {  	s22 =	simm.s32 $0x1BFF;
	s21 =	sshll.u32 s7, $0x1;
	s4 =	sadd.s32 s5, s19  }
0x9d: {  	s8 =	simm.s32 $0x0;
	s20 =	sshll.u32 s6, $0x1;
	s6 =	sadd.s32 s21, s4  }
0x9e: {  	[timem:s8], [sflag:s22] =	dma.local [hbm:s6], s20  }
0x9f: {  	_ =	swait.ge [sflag:s22], s20  }
0xa0: {  	s5 =	ssub.s32 $0x0, s20;
	[sflag:s22] =	ssyncset.done $0x0  }
0xa1: {  	[sflag:s22] =	ssyncadd.s32 s5;
	_ =	sdelay $0x1  }
0xa2: {  	s23 =	simm.s32 $0x1B8B  }
0xa3: {  	_ =	swait.ge [sflag:s23], $0x1  }
0xa4: {  	[sflag:s23] =	ssyncset.done $0x0  }
0xa5: {  	s25 =	simm.s32 $0x1B8E;
	s24 =	sld [smem:$0x3FFE];
	[sflag:s23] =	ssyncadd.s32 $0xFFFFFFFF  }
0xa6: {  	s26 =	simm.s32 $execute0_lowered;
	[smem:$0x3FD2] =	sst s25  }
0xa7: {  	s6 =	sshll.u32 s26, $0x1;
	_ =	strace $0x80000046;
	[dreg:$0x1] =	wrdreg $0xFFFFFFFF  }
0xa8: {  	s28 =	simm.s32 $_size_execute0_lowered;
	s4 =	sadd.s32 s4, s6;
	[dreg:$0x0] =	wrdreg $0x0  }
0xa9: {  	s6 =	sshll.u32 s28, $0x1;
	[dreg:$0x2] =	wrdreg s4  }
0xaa: {  	[dreg:$0x3] =	wrdreg s6  }
0xab: {  	[dreg:$0x4] =	wrdreg $0xC0  }
0xac: {  	_ =	task [dreg:s8], $0x5FFFF  }
0xad: {  	[dreg:$0x1] =	wrdreg $0xFFFFFFFF  }
0xae: {  	[dreg:$0x0] =	wrdreg $0x60  }
0xaf: {  	[dreg:$0x2] =	wrdreg s2  }
0xb0: {  	[dreg:$0x3] =	wrdreg s18  }
0xb1: {  	[dreg:$0x4] =	wrdreg s24  }
0xb2: {  	[dreg:$0x5] =	wrdreg $0x9  }
0xb3: {  	_ =	task.clear_ibuf [dreg:s8], $0x6FFFF;
	_ =	strace $0x90000046  }
0xb4: {  	s29 =	simm.s32 $0x9;
	_ =	strace $0x80000048  }
0xb5: {  	_ =	swait.ge [sflag:s29], $0x1  }
0xb6: {  	[sflag:s29] =	ssyncadd.s32 $0xFFFFFFFF  }
0xb7: {  	_ =	strace $0x90000048  }
0xb8: {  	_ =	sfence  }
0xb9: {  	s30 =	sld [smem:$0x0];
	_ =	sdelay $0x2  }
0xba: {  	s31 =	sshll.u32 s1, $0xD;
	s1 =	sshrl.u32 s1, $0x2  }
0xbb: {  	s3 =	sand.u32 $0x4000, s31;
	s1 =	sadd.s32 s1, s30  }
0xbc: {  	s0 =	sor.u32 s3, s0;
	s1 =	sshll.u32 s1, $0x11  }
0xbd: {  	s0 =	sor.u32 s1, s0  }
0xbe: {  	s0 =	sadd.s32 $0x8F2B, s0  }
0xbf: {  	[sflag:s0] =	ssyncadd.remote.s32 $0x1  }
0xc0: {  	_ =	sfence.sel $0xFFFF  }
0xc1: {  	[dreg:$0x0] =	wrdreg $0xFFFFFFFF;
	(pc) =	sbr.abs _section_cstart, $3  }
0xc2: {  	[dreg:$0x1] =	wrdreg $0xFFFFFFFF  }
0xc3: {  	_ =	task.clear_ibuf [dreg:s8], $0x2FFFF;
	_ =	strace $0x9FFFFFFF  }
0xc4: {  	(tm) =	ssettm $0x7FFFFFFF  }
0xc5: {  	_ =	shalt  }
tec
execute0_lowered:
.L_overlay_start_1:
0x0: {  	(tag) =	ssettag $0x1  }
0x1: {  	v0 =	vimm.s32 $0xC28140;
	vm5 =	vcmask $0x300  }
0x2: {  	v1 =	vimm.s32 $0x10F;
	vm0 =	vcmask $0xB00;
	vm7 =	vcmask $0x704  }
0x3: {  	vm8 =	vcmask $0xB08;
	vm9 =	vcmask $0xF0C;
	vm10 =	vcmask $0x1310  }
0x4: {  	vm6 =	vcmask $0x1714;
	vm4 =	vcmask $0x1B18;
	vm3 =	vcmask $0x1F1C  }
0x5: {  	vm2 =	vcmask $0x2320;
	vm1 =	vcmask $0x2724;
	v2 =	vimm.s32 $0xBCE8D4C  }
0x6: {  	v7 =	vimm.s32 $0x4F;
	vm11 =	vcmask $0x3B2C;
	v3 =	vimm.s32 $0x18F  }
0x7: {  	v4 =	vimm.s32 $0x4B0ACD8C;
	vm12 =	vcmask $0x3728;
	v5 =	vimm.s32 $0x8B4A09CC  }
0x8: {  	vm13 =	vcmask $0x3324;
	vm14 =	vcmask $0x2F20;
	vm15 =	vcmask $0x2B1C  }
0x9: {  	v11 =	vimm.s32 $0x8F;
	v12 =	vimm.s32 $0xCF8E4D0C;
	v13 =	vimm.s32 $0x874605C8  }
0xa: {  	v14 =	vimm.s32 $0x2CF;
	v15 =	vimm.s32 $0x30F;
	v16 =	vimm.s32 $0x3C68544  }
0xb: {  	v31 =	vimm.s32 $0xCBA98765;
	v0 =	vunpack.c.0.s8.s32 v0;
	v1 =	vsel vm5, $0x140, v1  }
0xc: {  	v2 =	vunpack.c.0.s8.s32 v2;
	v3 =	vsel vm5, $0x1C0, v3;
	v4 =	vunpack.c.0.s8.s32 v4  }
0xd: {  	v8 =	vunpack.c.0.s8.s32 v5;
	v12 =	vunpack.c.0.s8.s32 v12;
	v13 =	vunpack.c.0.s8.s32 v13  }
0xe: {  	v14 =	vsel vm5, $0x300, v14;
	v15 =	vsel vm5, $0x340, v15;
	v16 =	vunpack.c.0.s8.s32 v16  }
0xf: {  	v31 =	vunpack.c.l.s4.s8 v31;
	v3 =	vsel vm7, $0x201, v3;
	v14 =	vsel vm7, $0x341, v14  }
0x10: {  	v0 =	vand.u32 $0xFF, v0;
	v2 =	vand.u32 $0xFF, v2;
	v13 =	vand.u32 $0xFF, v13  }
0x11: {  	v12 =	vand.u32 $0xFF, v12;
	v6 =	vnsel vm0, $0xF, v0;
	v0 =	vsel vm7, $0x181, v1  }
0x12: {  	v1 =	vimm.s32 $0x14F;
	vm0 =	vcmask $0x2B28;
	v0 =	vsel vm8, $0x1C2, v0  }
0x13: {  	v1 =	vsel vm5, $0x180, v1;
	v6 =	vsel vm9, $0x103, v6;
	v0 =	vsel vm9, $0x203, v0  }
0x14: {  	v1 =	vsel vm7, $0x1C1, v1;
	v6 =	vsel vm10, $0x144, v6;
	v0 =	vsel vm10, $0x244, v0  }
0x15: {  	v1 =	vsel vm8, $0x202, v1;
	v6 =	vsel vm6, $0x185, v6;
	v0 =	vsel vm6, $0x285, v0  }
0x16: {  	v1 =	vsel vm9, $0x243, v1;
	v6 =	vsel vm4, $0x1C6, v6;
	v0 =	vsel vm4, $0x2C6, v0  }
0x17: {  	v1 =	vsel vm10, $0x284, v1;
	v6 =	vsel vm3, $0x207, v6;
	v0 =	vsel vm3, $0x307, v0  }
0x18: {  	v1 =	vsel vm6, $0x2C5, v1;
	v6 =	vsel vm2, $0x248, v6;
	v0 =	vsel vm2, $0x348, v0  }
0x19: {  	v1 =	vsel vm4, $0x306, v1;
	v6 =	vsel vm1, $0x289, v6;
	v0 =	vsel vm1, $0x389, v0  }
0x1a: {  	v1 =	vsel vm3, $0x347, v1;
	v6 =	vsel vm0, $0x2CA, v6;
	v0 =	vsel vm0, $0x3CA, v0  }
0x1b: {  	v1 =	vsel vm2, $0x388, v1;
	v0 =	vsel vm11, v2, v0;
	v2 =	vsel vm8, $0x242, v3  }
0x1c: {  	v1 =	vsel vm1, $0x3C9, v1;
	v3 =	vand.u32 $0xFF, v4;
	v2 =	vsel vm9, $0x283, v2  }
0x1d: {  	v4 =	vimm.s32 $0x1CF;
	vm11 =	vcmask $0x1304;
	v2 =	vsel vm10, $0x2C4, v2  }
0x1e: {  	v4 =	vsel vm5, $0x200, v4;
	v5 =	vsel vm12, v3, v1;
	v2 =	vsel vm6, $0x305, v2  }
0x1f: {  	v3 =	vand.u32 $0xFF, v8;
	v4 =	vsel vm7, $0x241, v4;
	v2 =	vsel vm4, $0x346, v2  }
0x20: {  	v8 =	vimm.s32 $0xCB8A4908;
	v1 =	vsel vm3, $0x387, v2;
	v2 =	vsel vm8, $0x282, v4  }
0x21: {  	vm12 =	vcmask $0x2718;
	v4 =	vimm.s32 $0x20F;
	v2 =	vsel vm9, $0x2C3, v2  }
0x22: {  	v8 =	vunpack.c.0.s8.s32 v8;
	v4 =	vsel vm5, $0x240, v4;
	v2 =	vsel vm10, $0x304, v2  }
0x23: {  	v1 =	vsel vm2, $0x3C8, v1;
	v4 =	vsel vm7, $0x281, v4;
	v2 =	vsel vm6, $0x345, v2  }
0x24: {  	v9 =	vsel vm4, $0x386, v2;
	v2 =	vsel vm13, v3, v1;
	v3 =	vsel vm8, $0x2C2, v4  }
0x25: {  	v4 =	vand.u32 $0xFF, v8;
	v8 =	vimm.s32 $0x7CA8948;
	vm13 =	vcmask $0x2314  }
0x26: {  	v1 =	vsel vm3, $0x3C7, v9;
	v3 =	vsel vm9, $0x303, v3;
	v9 =	vimm.s32 $0x24F  }
0x27: {  	v8 =	vunpack.c.0.s8.s32 v8;
	v3 =	vsel vm10, $0x344, v3;
	v9 =	vsel vm5, $0x280, v9  }
0x28: {  	v10 =	vsel vm6, $0x385, v3;
	v3 =	vsel vm14, v4, v1;
	v4 =	vsel vm7, $0x2C1, v9  }
0x29: {  	v8 =	vand.u32 $0xFF, v8;
	v9 =	vimm.s32 $0x4706C988;
	vm14 =	vcmask $0x1F10  }
0x2a: {  	v1 =	vsel vm4, $0x3C6, v10;
	v4 =	vsel vm8, $0x302, v4;
	v9 =	vunpack.c.0.s8.s32 v9  }
0x2b: {  	v10 =	vsel vm9, $0x343, v4;
	v4 =	vsel vm15, v8, v1;
	vm15 =	vcmask $0x1B0C  }
0x2c: {  	v1 =	vsel vm10, $0x384, v10;
	v8 =	vand.u32 $0xFF, v9;
	v9 =	vimm.s32 $0x308  }
0x2d: {  	v10 =	vimm.s32 $0x100;
	v1 =	vsel vm6, $0x3C5, v1;
	v9 =	vsel vm7, $0x349, v9  }
0x2e: {  	v10 =	vsel vm7, $0x141, v10;
	v8 =	vsel vm12, v8, v1;
	v1 =	vsel vm5, $0x80, v7  }
0x2f: {  	v7 =	vsel vm5, $0xC0, v11;
	v9 =	vsel vm8, $0x38A, v9;
	v11 =	vimm.s32 $0x28F  }
0x30: {  	v10 =	vsel vm8, $0x182, v10;
	vm12 =	vcmask $0x2F2C;
	v1 =	vsel vm7, $0xC1, v1  }
0x31: {  	v7 =	vsel vm7, $0x101, v7;
	v11 =	vsel vm5, $0x2C0, v11;
	v10 =	vsel vm9, $0x1C3, v10  }
0x32: {  	v9 =	vsel vm9, $0x3CB, v9;
	v8 =	vsel vm0, $0x10A, v8;
	v6 =	vsel vm12, $0x30B, v6  }
0x33: {  	v4 =	vsel vm12, $0x10B, v4;
	v1 =	vsel vm8, $0x102, v1;
	v7 =	vsel vm8, $0x142, v7  }
0x34: {  	v11 =	vsel vm7, $0x301, v11;
	v10 =	vsel vm10, $0x204, v10;
	v32 =	vsel vm14, v12, v9  }
0x35: {  	v12 =	vsel vm7, $0x381, v15;
	v15 =	vimm.s32 $0x4302C584;
	v8 =	vsel vm12, $0x14B, v8  }
0x36: {  	v1 =	vsel vm9, $0x143, v1;
	v7 =	vsel vm9, $0x183, v7;
	v11 =	vsel vm8, $0x342, v11  }
0x37: {  	v12 =	vsel vm8, $0x3C2, v12;
	v15 =	vunpack.c.0.s8.s32 v15;
	v10 =	vsel vm6, $0x245, v10  }
0x38: {  	v1 =	vsel vm10, $0x184, v1;
	v7 =	vsel vm10, $0x1C4, v7;
	v11 =	vsel vm9, $0x383, v11  }
0x39: {  	v10 =	vsel vm4, $0x286, v10;
	v11 =	vsel vm10, $0x3C4, v11;
	v15 =	vand.u32 $0xFF, v15  }
0x3a: {  	vm10 =	vcmask $0x1708;
	v1 =	vsel vm6, $0x1C5, v1;
	v7 =	vsel vm6, $0x205, v7  }
0x3b: {  	v33 =	vsel vm3, $0x2C7, v10;
	v11 =	vsel vm13, v13, v11;
	v13 =	vsel vm8, $0x382, v14  }
0x3c: {  	v14 =	vimm.s32 $0xC7864504;
	v1 =	vsel vm4, $0x206, v1;
	v7 =	vsel vm4, $0x246, v7  }
0x3d: {  	vm13 =	vcmask $0x3330;
	v32 =	vcombine.low v33, v32;
	v13 =	vsel vm9, $0x3C3, v13  }
0x3e: {  	v14 =	vunpack.c.0.s8.s32 v14;
	v1 =	vsel vm3, $0x247, v1;
	v7 =	vsel vm3, $0x287, v7  }
0x3f: {  	v11 =	vsel vm1, $0x109, v11;
	v6 =	vsel vm13, $0x34C, v6;
	v3 =	vsel vm13, $0x10C, v3  }
0x40: {  	v4 =	vsel vm13, $0x14C, v4;
	v8 =	vsel vm13, $0x18C, v8;
	v1 =	vsel vm2, $0x288, v1  }
0x41: {  	v7 =	vsel vm2, $0x2C8, v7;
	v11 =	vsel vm0, $0x14A, v11;
	v9 =	vand.u32 $0xFF, v14  }
0x42: {  	v14 =	vimm.s32 $0x34F;
	v17 =	vsel vm1, $0x2C9, v1;
	v7 =	vsel vm1, $0x309, v7  }
0x43: {  	v1 =	vlaneseq.u32;
	v11 =	vsel vm12, $0x18B, v11;
	v9 =	vsel vm14, v9, v13  }
0x44: {  	v13 =	vand.u32 $0xFF, v16;
	v14 =	vsel vm5, $0x380, v14;
	v16 =	vimm.s32 $0x834201C4  }
0x45: {  	v18 =	vand.u32 $0x7, v1;
	v7 =	vsel vm0, $0x34A, v7;
	v11 =	vsel vm13, $0x1CC, v11  }
0x46: {  	vm14 =	vcmask $0x3734;
	v12 =	vsel vm15, v13, v12;
	v13 =	vsel vm7, $0x3C1, v14  }
0x47: {  	v14 =	vunpack.c.0.s8.s32 v16;
	v16 =	vimm.s32 $0x38F;
	v9 =	vsel vm2, $0x108, v9  }
0x48: {  	v7 =	vsel vm12, $0x38B, v7;
	v6 =	vsel vm14, $0x38D, v6;
	v22 =	vsel vm14, $0x14D, v3  }
0x49: {  	v23 =	vsel vm14, $0x18D, v4;
	v24 =	vsel vm14, $0x1CD, v8;
	v11 =	vsel vm14, $0x20D, v11  }
0x4a: {  	vm15 =	vcmask $0x3B38;
	v16 =	vsel vm5, $0x3C0, v16;
	v13 =	vsel vm10, v15, v13  }
0x4b: {  	v10 =	vsel vm3, $0x107, v12;
	v15 =	vimm.s32 $0x87654321;
	v9 =	vsel vm1, $0x149, v9  }
0x4c: {  	v7 =	vsel vm13, $0x3CC, v7;
	v5 =	vsel vm15, $0x10E, v5;
	v8 =	vsel vm15, $0x1CE, v23  }
0x4d: {  	v23 =	vimm.s32 $0xA9876543;
	v14 =	vand.u32 $0xFF, v14;
	v13 =	vsel vm4, $0x106, v13  }
0x4e: {  	v10 =	vsel vm2, $0x148, v10;
	v15 =	vunpack.c.l.s4.s8 v15;
	v9 =	vsel vm0, $0x18A, v9  }
0x4f: {  	v7 =	vsel vm14, $0xD, v7;
	v14 =	vsel vm11, v14, v16;
	v12 =	vsel vm3, $0x147, v13  }
0x50: {  	v16 =	vimm.s32 $0x10FEDCBA;
	v10 =	vsel vm1, $0x189, v10;
	v9 =	vsel vm12, $0x1CB, v9  }
0x51: {  	v4 =	vsel vm15, $0x4E, v7;
	v7 =	vsel vm15, $0x18E, v22;
	v14 =	vsel vm6, $0x105, v14  }
0x52: {  	v12 =	vsel vm2, $0x188, v12;
	v16 =	vunpack.c.l.s4.s8 v16;
	v20 =	vunpack.c.0.s8.s32 v15  }
0x53: {  	v15 =	vsel vm0, $0x30A, v17;
	v10 =	vsel vm0, $0x1CA, v10;
	v9 =	vsel vm13, $0x20C, v9  }
0x54: {  	v14 =	vsel vm4, $0x146, v14;
	v12 =	vsel vm1, $0x1C9, v12;
	v15 =	vsel vm12, $0x34B, v15  }
0x55: {  	v10 =	vsel vm12, $0x20B, v10;
	v25 =	vsel vm14, $0x24D, v9;
	v9 =	vsel vm15, $0x20E, v24  }
0x56: {  	v13 =	vsel vm3, $0x187, v14;
	v14 =	vimm.s32 $0xFEDCBA9;
	v21 =	vunpack.c.0.s8.s32 v16  }
0x57: {  	v12 =	vsel vm0, $0x20A, v12;
	v15 =	vsel vm13, $0x38C, v15;
	v10 =	vsel vm13, $0x24C, v10  }
0x58: {  	v16 =	vimm.s32 $0x210FEDCB;
	v13 =	vsel vm2, $0x1C8, v13;
	v14 =	vunpack.c.l.s4.s8 v14  }
0x59: {  	v12 =	vsel vm12, $0x24B, v12;
	v26 =	vsel vm14, $0x28D, v10;
	v10 =	vsel vm15, $0x24E, v11  }
0x5a: {  	v11 =	vsel vm15, $0x28E, v25;
	v16 =	vunpack.c.l.s4.s8 v16;
	v25 =	vimm.s32 $0xBA987654  }
0x5b: {  	v13 =	vsel vm1, $0x209, v13;
	v12 =	vsel vm13, $0x28C, v12;
	v25 =	vunpack.c.l.s4.s8 v25  }
0x5c: {  	v19 =	vunpack.c.0.s8.s32 v14;
	v14 =	vimm.s32 $0x98765432;
	v13 =	vsel vm0, $0x24A, v13  }
0x5d: {  	v27 =	vsel vm14, $0x2CD, v12;
	v12 =	vsel vm15, $0x2CE, v26;
	v24 =	vunpack.c.0.s8.s32 v16  }
0x5e: {  	v16 =	vunpack.c.l.s4.s8 v23;
	v23 =	vimm.s32 $0x3210FEDC;
	v26 =	vimm.s32 $0xFEDCBA98  }
0x5f: {  	v14 =	vunpack.c.l.s4.s8 v14;
	v13 =	vsel vm12, $0x28B, v13;
	v23 =	vunpack.c.l.s4.s8 v23  }
0x60: {  	v26 =	vunpack.c.l.s4.s8 v26;
	v25 =	vunpack.c.0.s8.s32 v25;
	v13 =	vsel vm13, $0x2CC, v13  }
0x61: {  	v34 =	vcombine.low v19, v20;
	v17 =	vunpack.c.0.s8.s32 v14;
	v14 =	vsel vm14, $0x3CD, v15  }
0x62: {  	v15 =	vsel vm14, $0x10D, v2;
	v28 =	vsel vm14, $0x30D, v13;
	v2 =	vsel vm15, $0x3CE, v6  }
0x63: {  	v13 =	vsel vm15, $0x30E, v27;
	v27 =	vimm.s32 $0x76543210;
	v23 =	vunpack.c.0.s8.s32 v23  }
0x64: {  	v26 =	vunpack.c.0.s8.s32 v26;
	v3 =	vsel vm15, $0xE, v14;
	v6 =	vsel vm15, $0x14E, v15  }
0x65: {  	v14 =	vsel vm15, $0x34E, v28;
	v15 =	vmul.u32 $0x80, v18;
	v18 =	vcombine.low v20, v19  }
0x66: {  	v28 =	vunpack.c.0.s8.s32 v16;
	v16 =	vunpack.c.l.s4.s8 v27;
	v27 =	vimm.s32 $0x43210FED  }
0x67: {  	s0 =	rddreg [dreg:$0x0];
	s3 =	srdreg.scid;
	v19 =	vimm.s32 $0xDCBA9876;
	v22 =	vcombine.low v17, v21;
	v27 =	vunpack.c.l.s4.s8 v27  }
0x68: {  	s1 =	stileid.u32;
	s2 =	rddreg [dreg:$0x1];
	v30 =	vcombine.low v25, v23;
	v26 =	vand.u32 $0xF, v26;
	v19 =	vunpack.c.l.s4.s8 v19  }
0x69: {  	s10 =	rddreg [dreg:$0x2];
	s4 =	simm.s32 $0x0;
	s12 =	simm.s32 $0x3;
	v29 =	vcombine.low v28, v24;
	v16 =	vunpack.c.0.s8.s32 v16;
	v28 =	vcombine.low v24, v28  }
0x6a: {  	s13 =	simm.s32 $0x3;
	s14 =	simm.s32 $0x4;
	s15 =	simm.s32 $0xC00;
	v24 =	vunpack.c.0.s8.s32 v31;
	v31 =	vcombine.low v23, v25;
	v27 =	vunpack.c.0.s8.s32 v27  }
0x6b: {  	s16 =	simm.s32 $0x7A1400;
	s17 =	simm.s32 $0x6000;
	s18 =	simm.s32 $0x1;
	[tilespmem:$0x1FFC0] =	vst v15;
	v19 =	vunpack.c.0.s8.s32 v19;
	v15 =	vcombine.low v26, v16;
	v26 =	vimm.s32 $0x543210FE  }
0x6c: {  	s19 =	simm.s32 $0xE000;
	s20 =	simm.s32 $0x2;
	s22 =	simm.s32 $0x5;
	v20 =	vunpack.c.l.s4.s8 v26;
	v26 =	vcombine.low v21, v17;
	v17 =	vimm.s32 $0x6543210F  }
0x6d: {  	s23 =	simm.s32 $0x0;
	s7 =	sand.u32 $0x1, s3;
	s3 =	rddreg [dreg:$0x3];
	v21 =	vimm.s32 $0xEDCBA987;
	v23 =	vcombine.low v24, v27;
	v37 =	vcombine.low v27, v24  }
0x6e: {  	s31 =	sshll.u32 s1, $0x1;
	[smem:$0x7FF] =	sst s4;
	p0 =	slt.u32 s1, $0x6;
	v27 =	vand.u32 $0xF, v31;
	v17 =	vunpack.c.l.s4.s8 v17;
	v21 =	vunpack.c.l.s4.s8 v21  }
0x6f: {  	s21 =	sor.u32 s7, s31;
	s8 =	ssub.s32 $0x2, s7;
	s7 =	simm.s32 $0x52;
	v31 =	vmul.u32 $0x41, v1;
	[tilespmem:$0x1FFD0] =	vst v15;
	v15 =	vand.u32 $0xF, v18;
	v20 =	vunpack.c.0.s8.s32 v20  }
0x70: {  	s13 =	simm.s32 @!p0 $0x4;
	s5 =	smul.u32 $0x51, s21;
	_ =	strace $0x80000047;
	[tilespmem:$0x1FFE0] =	vst v15;
	v15 =	vand.u32 $0xF, v22;
	v35 =	vunpack.c.0.s8.s32 v17;
	v36 =	vunpack.c.0.s8.s32 v21  }
.Ltmp0:
0x71: {  	s14 =	simm.s32 @!p0 $0x3;
	s6 =	smin.u32 s21, $0xC;
	v21 =	vand.u32 $0xF, v23;
	v24 =	vcombine.low v19, v20;
	v38 =	vcombine.low v20, v19;
	(pc) =	sbr.rel .LBB2_1-.Ltmp0, $4  }
0x72: {  	s11 =	sshrl.u32 s8, $0x1;
	s7 =	simm.s32 @!p0 $0x51;
	s5 =	sadd.s32 s6, s5;
	v19 =	vand.u32 $0xF, v29;
	v20 =	vand.u32 $0xF, v30;
	v25 =	vcombine.low v36, v35  }
0x73: {  	p0 =	sne.s32 s21, $0x1;
	s21 =	simm.s32 $0xC000;
	s9 =	smul.u32 $0x180, s5;
	v30 =	vcombine.low v35, v36;
	v22 =	vand.u32 $0xF, v24;
	v24 =	vand.u32 $0xF, v34  }
0x74: {  	s11 =	ssub.s32 s8, s11;
	s6 =	sadd.s32 $0xE00, s10;
	s10 =	sadd.s32 $0x7A1E00, s10;
	v29 =	vand.u32 $0xF, v38;
	v23 =	vand.u32 $0xF, v25;
	v25 =	vand.u32 $0xF, v26  }
0x75: {  	s11 =	smax.u32 s11, $0x1;
	s8 =	sadd.s32 s0, s9;
	s9 =	sadd.s32 $0x1, s5;
	[tilespmem:$0x1FFF0] =	vst v15;
	v26 =	vand.u32 $0xF, v28;
	v28 =	vand.u32 $0xF, v37;
	v30 =	vand.u32 $0xF, v30  }
.LBB2_33:
0x76: {  	[hbm4b:s28+s4] =	stream.linear.scatter [tilespmem:s24], [sflag:$0x3], $0x80, $0x38;
	[tilespmem:$0x1A000] =	vst v63  }
0x77: {  	_ =	swait.ge [sflag:s12], $0x1000  }
0x78: {  	[sflag:s12] =	ssyncset.done $0x0  }
0x79: {  	[sflag:s12] =	ssyncadd.s32 $0xFFFFF000  }
.LBB2_34:
0x7a: {  	s23 =	sadd.s32 $0x1, s23  }
0x7b: {  	p1 =	sne.s32 s23, s11  }
.Ltmp1:
0x7c: {  	_ = 	snop;
	(pc) =	sbr.rel @!p1 .LBB2_35-.Ltmp1, $1  }
0x7d: {  	_ =	sdelay $0x3  }
.LBB2_1:
.Ltmp2:
0x7e: {  	(pc) =	sbr.rel .LBB2_2-.Ltmp2, $3  }
0x7f: {  	_ =	sdelay $0x1  }
0x80: {  	[tilespmem:s4], [sflag:$0x1] =	stream.strided.gather [hbm4b:s8+s15], $0x6000, s16, s15, $0x38;
	[tilespmem:$0x1A000] =	vst v63  }
0x81: {  	s25 =	simm.s32 $0x0  }
.LBB2_22:
0x82: {  	[hbm4b:s30+s4] =	stream.linear.scatter [tilespmem:s26], [sflag:$0x4], $0x80, $0x38;
	[tilespmem:$0x1A000] =	vst v63  }
.LBB2_23:
0x83: {  	p1 =	sne.s32 s24, $0x52  }
.Ltmp3:
0x84: {  	_ = 	snop;
	(pc) =	sbr.rel @!p1 .LBB2_24-.Ltmp3, $2  }
0x85: {  	_ =	sdelay $0x2  }
0x86: {  	s25 =	smov.u32 s24  }
.LBB2_2:
0x87: {  	p1 =	slt.u32 s25, s7  }
.Ltmp4:
0x88: {  	_ = 	snop;
	(pc) =	sbr.rel @!p1 .LBB2_23-.Ltmp4, $2  }
0x89: {  	_ =	sdelay $0x2  }
0x8a: {  	s24 =	sadd.s32 $0x1, s25  }
0x8b: {  	s24 =	sadd.s32 $0x1, s25  }
0x8c: {  	p1 =	sge.u32 s24, s7  }
.Ltmp5:
0x8d: {  	_ = 	snop;
	(pc) =	sbr.rel @p1 .LBB2_6-.Ltmp5, $2  }
0x8e: {  	_ =	sdelay $0x2  }
0x8f: {  	s26 =	sand.u32 $0x1, s25  }
0x90: {  	s28 =	sadd.s32 s25, s9;
	s29 =	sand.u32 $0x1, s24  }
0x91: {  	s28 =	smul.u32 $0x180, s28;
	p1 =	seq.s32 s29, $0x1  }
0x92: {  	s29 =	simm.s32 @!p1 $0xC00;
	s30 =	simm.s32 @!p1 $0x7A1400  }
0x93: {  	s31 =	simm.s32 @!p1 $0x0;
	p2 =	sne.s32 @!p1 s26, $0x0;
	s28 =	sadd.s32 s0, s28  }
0x94: {  	[tilespmem:s31], [sflag:$0x1] =	stream.strided.gather @!p1 [hbm4b:s28+s29], $0x6000, s30, s29, $0x38;
	[tilespmem:$0x1A000] =	vst v63  }
0x95: {  	p1 =	por p1, !p2  }
.Ltmp6:
0x96: {  	_ = 	snop;
	(pc) =	sbr.rel @!p1 .LBB2_8-.Ltmp6, $1  }
0x97: {  	_ =	sdelay $0x3  }
0x98: {  	[tilespmem:s17], [sflag:$0x2] =	stream.strided.gather [hbm4b:s28+s15], $0x6000, s16, s15, $0x38;
	[tilespmem:$0x1A000] =	vst v63  }
.LBB2_6:
0x99: {  	p1 =	sne.s32 s26, $0x0  }
.Ltmp7:
0x9a: {  	_ = 	snop;
	(pc) =	sbr.rel @p1 .LBB2_8-.Ltmp7, $1  }
0x9b: {  	_ =	sdelay $0x3  }
0x9c: {  	p2 =	sgt.u32 s25, $0x1  }
.Ltmp8:
0x9d: {  	_ = 	snop;
	(pc) =	sbr.rel @p2 .LBB2_9-.Ltmp8, $4  }
.Ltmp9:
0x9e: {  	_ = 	snop;
	(pc) =	sbr.rel @!p2 .LBB2_10-.Ltmp9, $4  }
0x9f: {  	_ =	swait.ge [sflag:s18], $0x6000  }
0xa0: {  	[sflag:s18] =	ssyncset.done $0x0  }
0xa1: {  	p1 =	por $0x1, $0x1;
	s28 =	simm.s32 $0x3;
	[sflag:s18] =	ssyncadd.s32 $0xFFFFA000  }
0xa2: {  	_ = 	snop  }
.LBB2_8:
0xa3: {  	p2 =	slt.u32 s25, $0x2  }
.Ltmp10:
0xa4: {  	_ = 	snop;
	(pc) =	sbr.rel @p2 .LBB2_10-.Ltmp10, $4  }
0xa5: {  	_ = 	snop  }
0xa6: {  	_ =	swait.ge [sflag:s20], $0x6000  }
0xa7: {  	[sflag:s20] =	ssyncset.done $0x0  }
0xa8: {  	p1 =	por $0x0, $0x0;
	s28 =	simm.s32 $0x4;
	[sflag:s20] =	ssyncadd.s32 $0xFFFFA000  }
.LBB2_9:
0xa9: {  	_ =	swait.ge [sflag:s28], $0x6000  }
0xaa: {  	[sflag:s28] =	ssyncset.done $0x0  }
0xab: {  	[sflag:s28] =	ssyncadd.s32 $0xFFFFA000  }
.LBB2_10:
0xac: {  	v15 =	vld [tilespmem:$0x1FFC0];
	_ =	sdelay $0x1  }
0xad: {  	v34 =	vmov s26  }
0xae: {  	v33 =	vmul.u32 $0x6000, v34;
	_ =	sdelay $0x1  }
0xaf: {  	s26 =	simm.s32 $0x0;
	v34 =	vshll.u32 v34, $0x7;
	v33 =	vor.u32 v15, v33  }
.LBB2_11:
0xb0: {  	v15 =	vld [tilespmem:$0x1FFE0];
	_ =	sdelay $0x3  }
0xb1: {  	s28 =	sshll.u32 s26, $0x4  }
0xb2: {  	v35 =	vmov s28;
	v36 =	vor.u32 s28, v1;
	v63 =	vor.u32 s28, v15;
	v15 =	vld [tilespmem:$0x1FFF0]  }
0xb3: {  	v39 =	vor.u32 s28, v19;
	v40 =	vor.u32 s28, v20;
	v41 =	vor.u32 s28, v21  }
0xb4: {  	v42 =	vor.u32 s28, v22;
	v43 =	vor.u32 s28, v23;
	v45 =	vor.u32 s28, v24  }
0xb5: {  	v46 =	vor.u32 s28, v25;
	v47 =	vor.u32 s28, v26;
	v48 =	vor.u32 s28, v27  }
0xb6: {  	v49 =	vor.u32 s28, v28;
	v50 =	vor.u32 s28, v29;
	v51 =	vor.u32 s28, v30  }
0xb7: {  	v35 =	vshll.u32 v35, $0x3;
	v39 =	vand.u32 $0x6F, v39;
	v38 =	vor.u32 s28, v15;
	v15 =	vld [tilespmem:$0x1FFD0]  }
0xb8: {  	v40 =	vand.u32 $0x6F, v40;
	v41 =	vand.u32 $0x6F, v41;
	v42 =	vand.u32 $0x6F, v42  }
0xb9: {  	v43 =	vand.u32 $0x6F, v43;
	v45 =	vand.u32 $0x6F, v45;
	v46 =	vand.u32 $0x6F, v46  }
0xba: {  	v47 =	vand.u32 $0x6F, v47;
	v48 =	vand.u32 $0x6F, v48;
	v49 =	vand.u32 $0x6F, v49  }
0xbb: {  	v50 =	vand.u32 $0x6F, v50;
	v51 =	vand.u32 $0x6F, v51;
	v37 =	vand.u32 $0xC00, v35  }
0xbc: {  	v35 =	vand.u32 $0x6F, v36;
	v36 =	vor.u32 v33, v37;
	v44 =	vor.u32 s28, v15  }
0xbd: {  	p2 =	por $0x1, $0x1;
	s29 =	simm.s32 $0x0;
	v37 =	vand.u32 $0x6F, v63;
	v38 =	vand.u32 $0x6F, v38;
	s28 =	sshll.u32 s26, $0xA;
	v44 =	vand.u32 $0x6F, v44  }
.LBB2_12:
0xbe: {  	v52 =	vor.u32 s29, v1;
	s30 =	sor.u32 s28, s29  }
0xbf: {  	v52 =	vshrl.u32 v52, $0x3;
	v53 =	vor.u32 s30, v31  }
0xc0: {  	v57 =	vor.u32 s30, v2;
	v61 =	vor.u32 s30, v4;
	v52 =	vmul.u32 $0xC00, v52  }
0xc1: {  	v63 =	vor.u32 s30, v32;
	v17 =	vor.u32 s30, v0;
	v56 =	vshll.u32 v53, $0x1  }
0xc2: {  	v53 =	vand.u32 $0x6F, v53;
	v62 =	vshll.u32 v57, $0x1;
	v52 =	vadd.s32 v52, v36  }
0xc3: {  	v57 =	vand.u32 $0x6F, v57;
	v16 =	vshll.u32 v63, $0x1;
	v54 =	vor.u32 v35, v52  }
0xc4: {  	v63 =	vand.u32 $0x6F, v63;
	v18 =	vshll.u32 v17, $0x1;
	v17 =	vand.u32 $0x6F, v17  }
0xc5: {  	v56 =	vand.u32 $0x7FFFFF00, v56;
	v16 =	vand.u32 $0x7FFFFF00, v16;
	v55 =	vor.u32 v37, v52  }
0xc6: {  	v18 =	vand.u32 $0x7FFFFF00, v18;
	v53 =	vor.u32 v56, v53;
	v56 =	vand.u32 $0x7FFFFF00, v62  }
0xc7: {  	v62 =	vshll.u32 v61, $0x1;
	v16 =	vor.u32 v16, v63;
	v58 =	vor.u32 v38, v52  }
0xc8: {  	v53 =	vor.u32 v34, v53;
	v56 =	vor.u32 v56, v57;
	v57 =	vor.u32 s30, v3;
	v54 =	vld.idx.msk [tilespmem:v54+s4+$0x0], $0xffff  }
0xc9: {  	v17 =	vor.u32 v18, v17;
	v59 =	vor.u32 v39, v52;
	v60 =	vshll.u32 v57, $0x1  }
0xca: {  	v56 =	vor.u32 v34, v56;
	v57 =	vand.u32 $0x6F, v57;
	v60 =	vand.u32 $0x7FFFFF00, v60;
	v55 =	vld.idx.msk [tilespmem:v55+s4+$0x0], $0xffff  }
0xcb: {  	v15 =	vor.u32 v42, v52;
	v57 =	vor.u32 v60, v57;
	v60 =	vand.u32 $0x6F, v61  }
0xcc: {  	v61 =	vand.u32 $0x7FFFFF00, v62;
	v62 =	vor.u32 v40, v52;
	v57 =	vor.u32 v34, v57;
	v58 =	vld.idx.msk [tilespmem:v58+s4+$0x0], $0xffff  }
0xcd: {  	v18 =	vor.u32 s30, v5;
	v60 =	vor.u32 v61, v60;
	v61 =	vor.u32 v41, v52;
	[tilespmem:v53+s19+$0x0] =	vst.idx.msk $0xffff, v54  }
0xce: {  	v16 =	vor.u32 v34, v16;
	v17 =	vor.u32 v34, v17;
	v60 =	vor.u32 v34, v60;
	v53 =	vld.idx.msk [tilespmem:v59+s4+$0x0], $0xffff  }
0xcf: {  	v63 =	vshll.u32 v18, $0x1;
	v18 =	vand.u32 $0x6F, v18;
	[tilespmem:v56+s19+$0x0] =	vst.idx.msk $0xffff, v55;
	v56 =	vor.u32 s30, v6  }
0xd0: {  	v54 =	vor.u32 v43, v52;
	v55 =	vand.u32 $0x7FFFFF00, v63;
	v63 =	vshll.u32 v56, $0x1  }
0xd1: {  	v59 =	vld.idx.msk [tilespmem:v62+s4+$0x0], $0xffff;
	v18 =	vor.u32 v55, v18;
	[tilespmem:v57+s19+$0x0] =	vst.idx.msk $0xffff, v58;
	v56 =	vand.u32 $0x6F, v56;
	v55 =	vand.u32 $0x7FFFFF00, v63  }
0xd2: {  	v62 =	vor.u32 v44, v52;
	v58 =	vor.u32 v45, v52;
	v57 =	vld.idx.msk [tilespmem:v61+s4+$0x0], $0xffff;
	v55 =	vor.u32 v55, v56  }
0xd3: {  	v18 =	vor.u32 v34, v18;
	v56 =	vor.u32 s30, v7;
	[tilespmem:v60+s19+$0x0] =	vst.idx.msk $0xffff, v53;
	v53 =	vor.u32 v34, v55  }
0xd4: {  	v55 =	vshll.u32 v56, $0x1;
	v60 =	vor.u32 s30, v8;
	v56 =	vand.u32 $0x6F, v56  }
0xd5: {  	v15 =	vld.idx.msk [tilespmem:v15+s4+$0x0], $0xffff;
	v55 =	vand.u32 $0x7FFFFF00, v55;
	v61 =	vshll.u32 v60, $0x1;
	v63 =	vand.u32 $0x6F, v60  }
0xd6: {  	[tilespmem:v16+s19+$0x0] =	vst.idx.msk $0xffff, v59;
	v59 =	vor.u32 v46, v52;
	v16 =	vor.u32 v55, v56;
	v60 =	vand.u32 $0x7FFFFF00, v61  }
0xd7: {  	v54 =	vld.idx.msk [tilespmem:v54+s4+$0x0], $0xffff;
	v56 =	vor.u32 v47, v52;
	[tilespmem:v17+s19+$0x0] =	vst.idx.msk $0xffff, v57;
	v17 =	vor.u32 v48, v52  }
0xd8: {  	v61 =	vor.u32 s30, v10;
	v55 =	vor.u32 v60, v63;
	v60 =	vor.u32 s30, v9  }
0xd9: {  	v16 =	vor.u32 v34, v16;
	v63 =	vshll.u32 v61, $0x1;
	v57 =	vshll.u32 v60, $0x1  }
0xda: {  	v62 =	vld.idx.msk [tilespmem:v62+s4+$0x0], $0xffff;
	v55 =	vor.u32 v34, v55;
	v60 =	vand.u32 $0x6F, v60;
	v57 =	vand.u32 $0x7FFFFF00, v57  }
0xdb: {  	[tilespmem:v18+s19+$0x0] =	vst.idx.msk $0xffff, v15;
	v15 =	vor.u32 v57, v60;
	v18 =	vand.u32 $0x6F, v61;
	v61 =	vand.u32 $0x7FFFFF00, v63  }
0xdc: {  	v63 =	vor.u32 s30, v11;
	v58 =	vld.idx.msk [tilespmem:v58+s4+$0x0], $0xffff;
	v15 =	vor.u32 v34, v15;
	v18 =	vor.u32 v61, v18  }
0xdd: {  	[tilespmem:v53+s19+$0x0] =	vst.idx.msk $0xffff, v54;
	v53 =	vor.u32 v49, v52;
	v60 =	vshll.u32 v63, $0x1;
	v57 =	vand.u32 $0x6F, v63  }
0xde: {  	v18 =	vor.u32 v34, v18;
	v59 =	vld.idx.msk [tilespmem:v59+s4+$0x0], $0xffff;
	v54 =	vand.u32 $0x7FFFFF00, v60;
	v60 =	vor.u32 s30, v12  }
0xdf: {  	[tilespmem:v16+s19+$0x0] =	vst.idx.msk $0xffff, v62;
	v16 =	vor.u32 v50, v52;
	v52 =	vor.u32 v51, v52;
	v62 =	vor.u32 s30, v13  }
0xe0: {  	v54 =	vor.u32 v54, v57;
	v57 =	vshll.u32 v60, $0x1;
	v56 =	vld.idx.msk [tilespmem:v56+s4+$0x0], $0xffff;
	v60 =	vand.u32 $0x6F, v60  }
0xe1: {  	v63 =	vand.u32 $0x6F, v62;
	v54 =	vor.u32 v34, v54;
	v57 =	vand.u32 $0x7FFFFF00, v57;
	[tilespmem:v55+s19+$0x0] =	vst.idx.msk $0xffff, v58  }
0xe2: {  	s29 =	sor.u32 $0x10, s29;
	v61 =	vor.u32 v57, v60;
	v57 =	vshll.u32 v62, $0x1;
	v60 =	vor.u32 s30, v14;
	v17 =	vld.idx.msk [tilespmem:v17+s4+$0x0], $0xffff  }
0xe3: {  	v55 =	vor.u32 v34, v61;
	v61 =	vor.u32 s29, v1;
	v62 =	vshll.u32 v60, $0x1;
	s29 =	sor.u32 s28, s29  }
0xe4: {  	[tilespmem:v15+s19+$0x0] =	vst.idx.msk $0xffff, v59;
	v15 =	vand.u32 $0x7FFFFF00, v57;
	v59 =	vshrl.u32 v61, $0x3;
	v61 =	vor.u32 s29, v31  }
0xe5: {  	v53 =	vld.idx.msk [tilespmem:v53+s4+$0x0], $0xffff;
	v15 =	vor.u32 v15, v63;
	[tilespmem:v18+s19+$0x0] =	vst.idx.msk $0xffff, v56;
	v18 =	vand.u32 $0x6F, v60;
	v63 =	vand.u32 $0x7FFFFF00, v62  }
0xe6: {  	v60 =	vmul.u32 $0xC00, v59;
	v62 =	vshll.u32 v61, $0x1;
	v56 =	vand.u32 $0x7F, v61  }
0xe7: {  	v16 =	vld.idx.msk [tilespmem:v16+s4+$0x0], $0xffff;
	v15 =	vor.u32 v34, v15;
	v18 =	vor.u32 v63, v18;
	[tilespmem:v54+s19+$0x0] =	vst.idx.msk $0xffff, v17  }
0xe8: {  	v17 =	vor.u32 v34, v18;
	v18 =	vadd.s32 v60, v36;
	v54 =	vand.u32 $0x7FFFFF00, v62;
	v52 =	vld.idx.msk [tilespmem:v52+s4+$0x0], $0xffff  }
0xe9: {  	v62 =	vor.u32 s29, v3;
	v57 =	vor.u32 v35, v18;
	v58 =	vor.u32 v37, v18  }
0xea: {  	v54 =	vor.u32 v54, v56;
	v56 =	vor.u32 s29, v2;
	v59 =	vor.u32 v38, v18  }
0xeb: {  	[tilespmem:v55+s19+$0x0] =	vst.idx.msk $0xffff, v53;
	v55 =	vor.u32 v40, v18;
	v54 =	vor.u32 v34, v54;
	v60 =	vshll.u32 v56, $0x1  }
0xec: {  	v63 =	vand.u32 $0x7F, v56;
	[tilespmem:v15+s19+$0x0] =	vst.idx.msk $0xffff, v16;
	v15 =	vor.u32 v39, v18;
	v61 =	vand.u32 $0x7FFFFF00, v60  }
0xed: {  	v16 =	vor.u32 v61, v63;
	v63 =	vshll.u32 v62, $0x1;
	v61 =	vor.u32 s29, v4;
	[tilespmem:v17+s19+$0x0] =	vst.idx.msk $0xffff, v52  }
0xee: {  	v16 =	vor.u32 v34, v16;
	v60 =	vand.u32 $0x7FFFFF00, v63;
	v17 =	vand.u32 $0x7F, v62;
	v53 =	vld.idx.msk [tilespmem:v57+s4+$0x0], $0xffff  }
0xef: {  	v62 =	vshll.u32 v61, $0x1;
	v52 =	vand.u32 $0x7F, v61;
	v17 =	vor.u32 v60, v17  }
0xf0: {  	v57 =	vor.u32 s29, v32;
	v58 =	vld.idx.msk [tilespmem:v58+s4+$0x0], $0xffff;
	v56 =	vand.u32 $0x7FFFFF00, v62;
	v17 =	vor.u32 v34, v17  }
0xf1: {  	v59 =	vld.idx.msk [tilespmem:v59+s4+$0x0], $0xffff;
	v60 =	vshll.u32 v57, $0x1;
	v52 =	vor.u32 v56, v52;
	v56 =	vand.u32 $0x7F, v57  }
0xf2: {  	v57 =	vand.u32 $0x7FFFFF00, v60;
	v60 =	vor.u32 v41, v18;
	v52 =	vor.u32 v34, v52  }
0xf3: {  	v62 =	vor.u32 s29, v5;
	v56 =	vor.u32 v57, v56;
	v57 =	vor.u32 v43, v18;
	[tilespmem:v54+s19+$0x0] =	vst.idx.msk $0xffff, v53  }
0xf4: {  	v53 =	vor.u32 v42, v18;
	v54 =	vor.u32 v34, v56;
	v56 =	vor.u32 s29, v0;
	v15 =	vld.idx.msk [tilespmem:v15+s4+$0x0], $0xffff  }
0xf5: {  	v61 =	vshll.u32 v56, $0x1;
	[tilespmem:v16+s19+$0x0] =	vst.idx.msk $0xffff, v58;
	v16 =	vand.u32 $0x7F, v56;
	v56 =	vor.u32 s29, v6  }
0xf6: {  	v63 =	vand.u32 $0x7FFFFF00, v61;
	v61 =	vshll.u32 v62, $0x1;
	v55 =	vld.idx.msk [tilespmem:v55+s4+$0x0], $0xffff;
	[tilespmem:v17+s19+$0x0] =	vst.idx.msk $0xffff, v59;
	v59 =	vor.u32 v44, v18  }
0xf7: {  	v16 =	vor.u32 v63, v16;
	v63 =	vand.u32 $0x7F, v62;
	v58 =	vand.u32 $0x7FFFFF00, v61  }
0xf8: {  	v16 =	vor.u32 v34, v16;
	v17 =	vor.u32 v58, v63;
	v58 =	vld.idx.msk [tilespmem:v60+s4+$0x0], $0xffff;
	v60 =	vshll.u32 v56, $0x1  }
0xf9: {  	v63 =	vor.u32 s29, v8;
	v17 =	vor.u32 v34, v17;
	[tilespmem:v52+s19+$0x0] =	vst.idx.msk $0xffff, v15;
	v15 =	vand.u32 $0x7F, v56  }
0xfa: {  	v52 =	vand.u32 $0x7FFFFF00, v60;
	v56 =	vor.u32 s29, v7;
	v60 =	vor.u32 v45, v18  }
0xfb: {  	v53 =	vld.idx.msk [tilespmem:v53+s4+$0x0], $0xffff;
	v15 =	vor.u32 v52, v15;
	v61 =	vshll.u32 v56, $0x1;
	v62 =	vand.u32 $0x7F, v56  }
0xfc: {  	[tilespmem:v54+s19+$0x0] =	vst.idx.msk $0xffff, v55;
	v56 =	vor.u32 v46, v18;
	v54 =	vand.u32 $0x7F, v63;
	v52 =	vand.u32 $0x7FFFFF00, v61  }
0xfd: {  	v15 =	vor.u32 v34, v15;
	v55 =	vld.idx.msk [tilespmem:v57+s4+$0x0], $0xffff;
	v61 =	vshll.u32 v63, $0x1;
	v52 =	vor.u32 v52, v62  }
0xfe: {  	v57 =	vor.u32 v48, v18;
	[tilespmem:v16+s19+$0x0] =	vst.idx.msk $0xffff, v58;
	v62 =	vor.u32 s29, v9;
	v16 =	vor.u32 v34, v52  }
0xff: {  	v58 =	vld.idx.msk [tilespmem:v59+s4+$0x0], $0xffff;
	v52 =	vand.u32 $0x7FFFFF00, v61;
	v63 =	vshll.u32 v62, $0x1;
	v61 =	vand.u32 $0x7F, v62  }
0x100: {  	v62 =	vand.u32 $0x7FFFFF00, v63;
	[tilespmem:v17+s19+$0x0] =	vst.idx.msk $0xffff, v53;
	v17 =	vor.u32 v52, v54;
	v54 =	vor.u32 v47, v18  }
0x101: {  	v59 =	vor.u32 s29, v10;
	v52 =	vor.u32 v62, v61;
	v17 =	vor.u32 v34, v17;
	v53 =	vld.idx.msk [tilespmem:v60+s4+$0x0], $0xffff  }
0x102: {  	v52 =	vor.u32 v34, v52;
	[tilespmem:v15+s19+$0x0] =	vst.idx.msk $0xffff, v55;
	v15 =	vor.u32 v49, v18;
	v55 =	vshll.u32 v59, $0x1  }
0x103: {  	v60 =	vor.u32 s29, v11;
	v59 =	vand.u32 $0x7F, v59;
	v56 =	vld.idx.msk [tilespmem:v56+s4+$0x0], $0xffff;
	v55 =	vand.u32 $0x7FFFFF00, v55  }
0x104: {  	v61 =	vshll.u32 v60, $0x1;
	v63 =	vand.u32 $0x7F, v60;
	[tilespmem:v16+s19+$0x0] =	vst.idx.msk $0xffff, v58;
	v16 =	vor.u32 v55, v59  }
0x105: {  	v60 =	vand.u32 $0x7FFFFF00, v61;
	v61 =	vor.u32 s29, v12;
	v16 =	vor.u32 v34, v16;
	v54 =	vld.idx.msk [tilespmem:v54+s4+$0x0], $0xffff  }
0x106: {  	v55 =	vor.u32 v60, v63;
	v62 =	vshll.u32 v61, $0x1;
	v63 =	vor.u32 s29, v13;
	[tilespmem:v17+s19+$0x0] =	vst.idx.msk $0xffff, v53  }
0x107: {  	v60 =	vand.u32 $0x7FFFFF00, v62;
	v17 =	vor.u32 v50, v18;
	v53 =	vor.u32 v34, v55;
	v57 =	vld.idx.msk [tilespmem:v57+s4+$0x0], $0xffff  }
0x108: {  	v18 =	vor.u32 v51, v18;
	[tilespmem:v52+s19+$0x0] =	vst.idx.msk $0xffff, v56;
	v52 =	vand.u32 $0x7F, v61;
	v61 =	vshll.u32 v63, $0x1  }
0x109: {  	v62 =	vand.u32 $0x7F, v63;
	v63 =	vor.u32 s29, v14;
	v15 =	vld.idx.msk [tilespmem:v15+s4+$0x0], $0xffff;
	v56 =	vand.u32 $0x7FFFFF00, v61  }
0x10a: {  	v61 =	vshll.u32 v63, $0x1;
	[tilespmem:v16+s19+$0x0] =	vst.idx.msk $0xffff, v54;
	v16 =	vor.u32 v60, v52;
	v60 =	vor.u32 v56, v62  }
0x10b: {  	v62 =	vand.u32 $0x7F, v63;
	v54 =	vand.u32 $0x7FFFFF00, v61;
	v16 =	vor.u32 v34, v16  }
0x10c: {  	v17 =	vld.idx.msk [tilespmem:v17+s4+$0x0], $0xffff;
	v63 =	vor.u32 v54, v62;
	v52 =	vor.u32 v34, v60;
	[tilespmem:v53+s19+$0x0] =	vst.idx.msk $0xffff, v57  }
0x10d: {  	p3 =	por p2, p2;
	v53 =	vor.u32 v34, v63;
	v18 =	vld.idx.msk [tilespmem:v18+s4+$0x0], $0xffff  }
.Ltmp11:
0x10e: {  	_ = 	snop;
	(pc) =	sbr.rel @p3 .LBB2_12-.Ltmp11, $4  }
0x10f: {  	_ = 	snop  }
0x110: {  	[tilespmem:v16+s19+$0x0] =	vst.idx.msk $0xffff, v15  }
0x111: {  	[tilespmem:v52+s19+$0x0] =	vst.idx.msk $0xffff, v17  }
0x112: {  	p2 =	por $0x0, $0x0;
	s29 =	simm.s32 $0x20;
	[tilespmem:v53+s19+$0x0] =	vst.idx.msk $0xffff, v18  }
0x113: {  	s28 =	sor.u32 $0x1, s26  }
0x114: {  	s29 =	sshll.u32 s28, $0x4  }
0x115: {  	v16 =	vor.u32 s29, v1  }
0x116: {  	v35 =	vand.u32 $0x7F, v16;
	v16 =	vld [tilespmem:$0x1FFF0]  }
0x117: {  	v15 =	vmov s29  }
0x118: {  	v15 =	vshll.u32 v15, $0x3  }
0x119: {  	v15 =	vand.u32 $0xC00, v15  }
0x11a: {  	v36 =	vor.u32 v33, v15;
	v15 =	vld [tilespmem:$0x1FFE0]  }
0x11b: {  	v16 =	vor.u32 s29, v16  }
0x11c: {  	v17 =	vor.u32 s29, v19;
	v38 =	vand.u32 $0x7F, v16;
	v16 =	vor.u32 s29, v21  }
0x11d: {  	v39 =	vand.u32 $0x7F, v17;
	v17 =	vor.u32 s29, v22;
	v41 =	vand.u32 $0x7F, v16;
	v16 =	vld [tilespmem:$0x1FFD0]  }
0x11e: {  	v42 =	vand.u32 $0x7F, v17;
	v17 =	vor.u32 s29, v24  }
0x11f: {  	v45 =	vand.u32 $0x7F, v17;
	v17 =	vor.u32 s29, v27;
	v15 =	vor.u32 s29, v15  }
0x120: {  	v48 =	vand.u32 $0x7F, v17;
	v37 =	vand.u32 $0x7F, v15;
	v15 =	vor.u32 s29, v20  }
0x121: {  	v17 =	vor.u32 s29, v30;
	v40 =	vand.u32 $0x7F, v15;
	v15 =	vor.u32 s29, v23  }
0x122: {  	v43 =	vand.u32 $0x7F, v15;
	v15 =	vor.u32 s29, v25;
	v16 =	vor.u32 s29, v16  }
0x123: {  	v46 =	vand.u32 $0x7F, v15;
	v44 =	vand.u32 $0x7F, v16;
	v16 =	vor.u32 s29, v26  }
0x124: {  	v15 =	vor.u32 s29, v28;
	v47 =	vand.u32 $0x7F, v16;
	v16 =	vor.u32 s29, v29  }
0x125: {  	p2 =	por $0x1, $0x1;
	s28 =	sshll.u32 s28, $0xA;
	v51 =	vand.u32 $0x7F, v17;
	v49 =	vand.u32 $0x7F, v15;
	s29 =	simm.s32 $0x0;
	v50 =	vand.u32 $0x7F, v16  }
.LBB2_14:
0x126: {  	v15 =	vor.u32 s29, v1  }
0x127: {  	s30 =	sor.u32 s28, s29;
	v15 =	vshrl.u32 v15, $0x3  }
0x128: {  	v16 =	vor.u32 s30, v31;
	v53 =	vor.u32 s30, v2;
	v60 =	vor.u32 s30, v3  }
0x129: {  	v57 =	vor.u32 s30, v4;
	v15 =	vmul.u32 $0xC00, v15;
	v52 =	vshll.u32 v16, $0x1  }
0x12a: {  	v16 =	vand.u32 $0x6F, v16;
	v59 =	vshll.u32 v53, $0x1;
	v53 =	vand.u32 $0x6F, v53  }
0x12b: {  	v56 =	vshll.u32 v60, $0x1;
	v58 =	vshll.u32 v57, $0x1;
	v15 =	vadd.s32 v15, v36  }
0x12c: {  	v61 =	vand.u32 $0x6F, v57;
	v52 =	vand.u32 $0x7FFFFF00, v52;
	v17 =	vor.u32 v35, v15  }
0x12d: {  	v56 =	vand.u32 $0x7FFFFF00, v56;
	v62 =	vand.u32 $0x7FFFFF00, v58;
	v16 =	vor.u32 v52, v16  }
0x12e: {  	v52 =	vand.u32 $0x7FFFFF00, v59;
	v59 =	vor.u32 s30, v32;
	v18 =	vor.u32 v37, v15  }
0x12f: {  	v54 =	vor.u32 v38, v15;
	v16 =	vor.u32 v34, v16;
	v55 =	vor.u32 v39, v15  }
0x130: {  	v52 =	vor.u32 v52, v53;
	v53 =	vand.u32 $0x6F, v60;
	v58 =	vor.u32 v40, v15  }
0x131: {  	v57 =	vor.u32 v41, v15;
	v60 =	vor.u32 v42, v15;
	v52 =	vor.u32 v34, v52;
	v17 =	vld.idx.msk [tilespmem:v17+s4+$0x0], $0xffff  }
0x132: {  	v53 =	vor.u32 v56, v53;
	v56 =	vor.u32 v62, v61;
	v61 =	vshll.u32 v59, $0x1  }
0x133: {  	v62 =	vor.u32 s30, v0;
	v59 =	vand.u32 $0x6F, v59;
	v53 =	vor.u32 v34, v53;
	v18 =	vld.idx.msk [tilespmem:v18+s4+$0x0], $0xffff  }
0x134: {  	v56 =	vor.u32 v34, v56;
	v61 =	vand.u32 $0x7FFFFF00, v61;
	v63 =	vshll.u32 v62, $0x1  }
0x135: {  	v59 =	vor.u32 v61, v59;
	v61 =	vand.u32 $0x6F, v62;
	v62 =	vand.u32 $0x7FFFFF00, v63;
	v54 =	vld.idx.msk [tilespmem:v54+s4+$0x0], $0xffff  }
0x136: {  	[tilespmem:v16+s19+$0x0] =	vst.idx.msk $0xffff, v17;
	v16 =	vor.u32 v34, v59;
	v17 =	vor.u32 v62, v61  }
0x137: {  	v59 =	vor.u32 s30, v5;
	v61 =	vor.u32 v43, v15;
	v17 =	vor.u32 v34, v17  }
0x138: {  	v55 =	vld.idx.msk [tilespmem:v55+s4+$0x0], $0xffff;
	v62 =	vshll.u32 v59, $0x1;
	[tilespmem:v52+s19+$0x0] =	vst.idx.msk $0xffff, v18;
	v18 =	vand.u32 $0x6F, v59;
	v59 =	vor.u32 s30, v6  }
0x139: {  	v52 =	vand.u32 $0x7FFFFF00, v62;
	v58 =	vld.idx.msk [tilespmem:v58+s4+$0x0], $0xffff;
	v62 =	vor.u32 v44, v15;
	v63 =	vand.u32 $0x6F, v59  }
0x13a: {  	[tilespmem:v53+s19+$0x0] =	vst.idx.msk $0xffff, v54;
	v53 =	vor.u32 s30, v7;
	v18 =	vor.u32 v52, v18;
	v52 =	vshll.u32 v59, $0x1  }
0x13b: {  	v54 =	vld.idx.msk [tilespmem:v57+s4+$0x0], $0xffff;
	v57 =	vor.u32 v45, v15;
	v18 =	vor.u32 v34, v18;
	v52 =	vand.u32 $0x7FFFFF00, v52  }
0x13c: {  	v52 =	vor.u32 v52, v63;
	v63 =	vshll.u32 v53, $0x1;
	v53 =	vand.u32 $0x6F, v53  }
0x13d: {  	[tilespmem:v56+s19+$0x0] =	vst.idx.msk $0xffff, v55;
	v52 =	vor.u32 v34, v52;
	v56 =	vor.u32 s30, v8;
	v55 =	vand.u32 $0x7FFFFF00, v63  }
0x13e: {  	v59 =	vld.idx.msk [tilespmem:v60+s4+$0x0], $0xffff;
	v60 =	vshll.u32 v56, $0x1;
	[tilespmem:v16+s19+$0x0] =	vst.idx.msk $0xffff, v58;
	v16 =	vor.u32 v55, v53;
	v63 =	vand.u32 $0x6F, v56  }
0x13f: {  	v56 =	vor.u32 v46, v15;
	v58 =	vor.u32 v47, v15;
	v60 =	vand.u32 $0x7FFFFF00, v60  }
0x140: {  	v16 =	vor.u32 v34, v16;
	v55 =	vld.idx.msk [tilespmem:v61+s4+$0x0], $0xffff;
	v53 =	vor.u32 v60, v63;
	v60 =	vor.u32 s30, v9  }
0x141: {  	[tilespmem:v17+s19+$0x0] =	vst.idx.msk $0xffff, v54;
	v17 =	vor.u32 v48, v15;
	v61 =	vor.u32 s30, v10;
	v54 =	vshll.u32 v60, $0x1  }
0x142: {  	v62 =	vld.idx.msk [tilespmem:v62+s4+$0x0], $0xffff;
	v63 =	vshll.u32 v61, $0x1;
	v60 =	vand.u32 $0x6F, v60;
	v54 =	vand.u32 $0x7FFFFF00, v54  }
0x143: {  	v61 =	vand.u32 $0x6F, v61;
	[tilespmem:v18+s19+$0x0] =	vst.idx.msk $0xffff, v59;
	v18 =	vor.u32 v54, v60;
	v60 =	vand.u32 $0x7FFFFF00, v63  }
0x144: {  	v53 =	vor.u32 v34, v53;
	v57 =	vld.idx.msk [tilespmem:v57+s4+$0x0], $0xffff;
	v18 =	vor.u32 v34, v18;
	v54 =	vor.u32 v60, v61  }
0x145: {  	v61 =	vor.u32 s30, v11;
	[tilespmem:v52+s19+$0x0] =	vst.idx.msk $0xffff, v55;
	v52 =	vor.u32 v49, v15;
	v60 =	vor.u32 s30, v12  }
0x146: {  	v54 =	vor.u32 v34, v54;
	v63 =	vshll.u32 v61, $0x1;
	v56 =	vld.idx.msk [tilespmem:v56+s4+$0x0], $0xffff;
	v59 =	vand.u32 $0x6F, v61  }
0x147: {  	[tilespmem:v16+s19+$0x0] =	vst.idx.msk $0xffff, v62;
	v16 =	vor.u32 v50, v15;
	v15 =	vor.u32 v51, v15;
	v61 =	vor.u32 s30, v13  }
0x148: {  	v55 =	vand.u32 $0x7FFFFF00, v63;
	v62 =	vand.u32 $0x6F, v61;
	v63 =	vor.u32 s30, v14  }
0x149: {  	v58 =	vld.idx.msk [tilespmem:v58+s4+$0x0], $0xffff;
	v55 =	vor.u32 v55, v59;
	v59 =	vshll.u32 v60, $0x1;
	v60 =	vand.u32 $0x6F, v60;
	[tilespmem:v53+s19+$0x0] =	vst.idx.msk $0xffff, v57  }
0x14a: {  	v55 =	vor.u32 v34, v55;
	v59 =	vand.u32 $0x7FFFFF00, v59;
	v57 =	vshll.u32 v61, $0x1;
	v17 =	vld.idx.msk [tilespmem:v17+s4+$0x0], $0xffff  }
0x14b: {  	s29 =	sor.u32 $0x10, s29;
	v60 =	vor.u32 v59, v60;
	v61 =	vshll.u32 v63, $0x1;
	[tilespmem:v18+s19+$0x0] =	vst.idx.msk $0xffff, v56;
	v18 =	vand.u32 $0x7FFFFF00, v57  }
0x14c: {  	v53 =	vor.u32 v34, v60;
	v60 =	vor.u32 s29, v1;
	v18 =	vor.u32 v18, v62  }
0x14d: {  	s29 =	sor.u32 s28, s29;
	v57 =	vshrl.u32 v60, $0x3;
	v62 =	vand.u32 $0x6F, v63;
	v63 =	vand.u32 $0x7FFFFF00, v61  }
0x14e: {  	v52 =	vld.idx.msk [tilespmem:v52+s4+$0x0], $0xffff;
	[tilespmem:v54+s19+$0x0] =	vst.idx.msk $0xffff, v58;
	v60 =	vor.u32 s29, v31;
	v57 =	vmul.u32 $0xC00, v57;
	v18 =	vor.u32 v34, v18  }
0x14f: {  	v16 =	vld.idx.msk [tilespmem:v16+s4+$0x0], $0xffff;
	v54 =	vor.u32 v63, v62;
	v61 =	vshll.u32 v60, $0x1;
	v56 =	vand.u32 $0x7F, v60;
	[tilespmem:v55+s19+$0x0] =	vst.idx.msk $0xffff, v17  }
0x150: {  	v17 =	vor.u32 v34, v54;
	v54 =	vadd.s32 v57, v36;
	v55 =	vand.u32 $0x7FFFFF00, v61;
	v15 =	vld.idx.msk [tilespmem:v15+s4+$0x0], $0xffff  }
0x151: {  	v57 =	vor.u32 v35, v54;
	v55 =	vor.u32 v55, v56;
	v56 =	vor.u32 s29, v2  }
0x152: {  	v58 =	vor.u32 v37, v54;
	v59 =	vor.u32 v38, v54;
	v60 =	vshll.u32 v56, $0x1  }
0x153: {  	[tilespmem:v53+s19+$0x0] =	vst.idx.msk $0xffff, v52;
	v62 =	vand.u32 $0x7F, v56;
	v63 =	vand.u32 $0x7FFFFF00, v60;
	v60 =	vor.u32 s29, v3  }
0x154: {  	v53 =	vor.u32 v40, v54;
	[tilespmem:v18+s19+$0x0] =	vst.idx.msk $0xffff, v16;
	v18 =	vor.u32 v63, v62;
	v61 =	vshll.u32 v60, $0x1  }
0x155: {  	[tilespmem:v17+s19+$0x0] =	vst.idx.msk $0xffff, v15;
	v15 =	vor.u32 v34, v18;
	v17 =	vand.u32 $0x7F, v60;
	v18 =	vand.u32 $0x7FFFFF00, v61  }
0x156: {  	v55 =	vor.u32 v34, v55;
	v17 =	vor.u32 v18, v17;
	v18 =	vor.u32 s29, v4  }
0x157: {  	v16 =	vor.u32 v39, v54;
	v52 =	vld.idx.msk [tilespmem:v57+s4+$0x0], $0xffff;
	v57 =	vor.u32 s29, v32;
	v62 =	vshll.u32 v18, $0x1  }
0x158: {  	v58 =	vld.idx.msk [tilespmem:v58+s4+$0x0], $0xffff;
	v17 =	vor.u32 v34, v17;
	v18 =	vand.u32 $0x7F, v18;
	v56 =	vand.u32 $0x7FFFFF00, v62  }
0x159: {  	v59 =	vld.idx.msk [tilespmem:v59+s4+$0x0], $0xffff;
	v60 =	vshll.u32 v57, $0x1;
	v62 =	vor.u32 s29, v5;
	v18 =	vor.u32 v56, v18  }
0x15a: {  	v56 =	vand.u32 $0x7F, v57;
	v57 =	vand.u32 $0x7FFFFF00, v60;
	v60 =	vor.u32 v41, v54  }
0x15b: {  	v18 =	vor.u32 v34, v18;
	v56 =	vor.u32 v57, v56;
	v57 =	vor.u32 v43, v54  }
0x15c: {  	[tilespmem:v55+s19+$0x0] =	vst.idx.msk $0xffff, v52;
	v52 =	vor.u32 v42, v54;
	v55 =	vor.u32 v34, v56;
	v56 =	vor.u32 s29, v0  }
0x15d: {  	v16 =	vld.idx.msk [tilespmem:v16+s4+$0x0], $0xffff;
	v61 =	vshll.u32 v56, $0x1;
	[tilespmem:v15+s19+$0x0] =	vst.idx.msk $0xffff, v58;
	v15 =	vand.u32 $0x7F, v56;
	v56 =	vor.u32 s29, v6  }
0x15e: {  	v63 =	vand.u32 $0x7FFFFF00, v61;
	v61 =	vshll.u32 v62, $0x1;
	v53 =	vld.idx.msk [tilespmem:v53+s4+$0x0], $0xffff;
	[tilespmem:v17+s19+$0x0] =	vst.idx.msk $0xffff, v59;
	v59 =	vor.u32 v44, v54  }
0x15f: {  	v15 =	vor.u32 v63, v15;
	v63 =	vand.u32 $0x7F, v62;
	v58 =	vand.u32 $0x7FFFFF00, v61  }
0x160: {  	v62 =	vor.u32 s29, v8;
	v15 =	vor.u32 v34, v15;
	v17 =	vor.u32 v58, v63  }
0x161: {  	v58 =	vld.idx.msk [tilespmem:v60+s4+$0x0], $0xffff;
	v60 =	vshll.u32 v56, $0x1;
	v63 =	vor.u32 s29, v9;
	v17 =	vor.u32 v34, v17  }
0x162: {  	[tilespmem:v18+s19+$0x0] =	vst.idx.msk $0xffff, v16;
	v16 =	vand.u32 $0x7F, v56;
	v18 =	vand.u32 $0x7FFFFF00, v60;
	v56 =	vor.u32 s29, v7  }
0x163: {  	v60 =	vor.u32 v45, v54;
	v52 =	vld.idx.msk [tilespmem:v52+s4+$0x0], $0xffff;
	v16 =	vor.u32 v18, v16;
	v18 =	vshll.u32 v56, $0x1  }
0x164: {  	[tilespmem:v55+s19+$0x0] =	vst.idx.msk $0xffff, v53;
	v61 =	vand.u32 $0x7F, v56;
	v56 =	vor.u32 v46, v54;
	v18 =	vand.u32 $0x7FFFFF00, v18  }
0x165: {  	v53 =	vand.u32 $0x7F, v62;
	v16 =	vor.u32 v34, v16;
	v55 =	vld.idx.msk [tilespmem:v57+s4+$0x0], $0xffff;
	v18 =	vor.u32 v18, v61  }
0x166: {  	[tilespmem:v15+s19+$0x0] =	vst.idx.msk $0xffff, v58;
	v61 =	vshll.u32 v63, $0x1;
	v15 =	vor.u32 v34, v18;
	v18 =	vshll.u32 v62, $0x1  }
0x167: {  	v57 =	vor.u32 v48, v54;
	v58 =	vld.idx.msk [tilespmem:v59+s4+$0x0], $0xffff;
	v62 =	vand.u32 $0x7FFFFF00, v61;
	v18 =	vand.u32 $0x7FFFFF00, v18  }
0x168: {  	[tilespmem:v17+s19+$0x0] =	vst.idx.msk $0xffff, v52;
	v17 =	vor.u32 v18, v53;
	v18 =	vand.u32 $0x7F, v63;
	v53 =	vor.u32 v47, v54  }
0x169: {  	v59 =	vor.u32 s29, v10;
	v17 =	vor.u32 v34, v17;
	v18 =	vor.u32 v62, v18;
	v52 =	vld.idx.msk [tilespmem:v60+s4+$0x0], $0xffff  }
0x16a: {  	[tilespmem:v16+s19+$0x0] =	vst.idx.msk $0xffff, v55;
	v16 =	vor.u32 v49, v54;
	v55 =	vshll.u32 v59, $0x1;
	v60 =	vor.u32 s29, v11  }
0x16b: {  	v59 =	vand.u32 $0x7F, v59;
	v18 =	vor.u32 v34, v18;
	v56 =	vld.idx.msk [tilespmem:v56+s4+$0x0], $0xffff;
	v55 =	vand.u32 $0x7FFFFF00, v55  }
0x16c: {  	v61 =	vshll.u32 v60, $0x1;
	v63 =	vand.u32 $0x7F, v60;
	[tilespmem:v15+s19+$0x0] =	vst.idx.msk $0xffff, v58;
	v15 =	vor.u32 v55, v59  }
0x16d: {  	v60 =	vand.u32 $0x7FFFFF00, v61;
	v61 =	vor.u32 s29, v12;
	v15 =	vor.u32 v34, v15;
	v53 =	vld.idx.msk [tilespmem:v53+s4+$0x0], $0xffff  }
0x16e: {  	v55 =	vor.u32 v60, v63;
	v62 =	vshll.u32 v61, $0x1;
	v63 =	vor.u32 s29, v13;
	[tilespmem:v17+s19+$0x0] =	vst.idx.msk $0xffff, v52  }
0x16f: {  	v60 =	vand.u32 $0x7FFFFF00, v62;
	v17 =	vor.u32 v50, v54;
	v52 =	vor.u32 v34, v55;
	v57 =	vld.idx.msk [tilespmem:v57+s4+$0x0], $0xffff  }
0x170: {  	v54 =	vor.u32 v51, v54;
	[tilespmem:v18+s19+$0x0] =	vst.idx.msk $0xffff, v56;
	v18 =	vand.u32 $0x7F, v61;
	v61 =	vshll.u32 v63, $0x1  }
0x171: {  	v62 =	vand.u32 $0x7F, v63;
	v63 =	vor.u32 s29, v14;
	v56 =	vand.u32 $0x7FFFFF00, v61  }
0x172: {  	v16 =	vld.idx.msk [tilespmem:v16+s4+$0x0], $0xffff;
	v61 =	vand.u32 $0x7F, v63;
	[tilespmem:v15+s19+$0x0] =	vst.idx.msk $0xffff, v53;
	v15 =	vor.u32 v60, v18;
	v60 =	vshll.u32 v63, $0x1  }
0x173: {  	v18 =	vor.u32 v56, v62;
	v15 =	vor.u32 v34, v15;
	v53 =	vand.u32 $0x7FFFFF00, v60  }
0x174: {  	v17 =	vld.idx.msk [tilespmem:v17+s4+$0x0], $0xffff;
	v18 =	vor.u32 v34, v18;
	[tilespmem:v52+s19+$0x0] =	vst.idx.msk $0xffff, v57;
	v62 =	vor.u32 v53, v61  }
0x175: {  	p3 =	por p2, p2;
	v63 =	vld.idx.msk [tilespmem:v54+s4+$0x0], $0xffff;
	v52 =	vor.u32 v34, v62  }
.Ltmp12:
0x176: {  	_ = 	snop;
	(pc) =	sbr.rel @p3 .LBB2_14-.Ltmp12, $4  }
0x177: {  	_ = 	snop  }
0x178: {  	[tilespmem:v15+s19+$0x0] =	vst.idx.msk $0xffff, v16  }
0x179: {  	[tilespmem:v18+s19+$0x0] =	vst.idx.msk $0xffff, v17  }
0x17a: {  	p2 =	por $0x0, $0x0;
	s29 =	simm.s32 $0x20;
	[tilespmem:v52+s19+$0x0] =	vst.idx.msk $0xffff, v63  }
0x17b: {  	p2 =	slt.u32 s26, $0x16  }
.Ltmp13:
0x17c: {  	_ = 	snop;
	(pc) =	sbr.rel @p2 .LBB2_11-.Ltmp13, $3  }
0x17d: {  	_ =	sdelay $0x1  }
0x17e: {  	s28 =	sadd.s32 $0x2, s26  }
0x17f: {  	s26 =	smov.u32 s28  }
.Ltmp14:
0x180: {  	(pc) =	sbr.rel @!p1 .LBB2_20-.Ltmp14, $3  }
0x181: {  	s25 =	sadd.s32 s5, s25  }
0x182: {  	s25 =	smul.u32 $0xC00, s25;
	_ =	sdelay $0x1  }
0x183: {  	s26 =	simm.s32 $0xE080;
	s28 =	simm.s32 $0xE000;
	s25 =	sadd.s32 s6, s25  }
0x184: {  	s26 =	simm.s32 $0x10;
	s30 =	sadd.s32 $0x0, s25;
	s29 =	simm.s32 $0xE100  }
.LBB2_18:
0x185: {  	[hbm4b:s30+s4] =	stream.linear.scatter [tilespmem:s28], [sflag:$0x3], $0x80, $0x38;
	[tilespmem:$0x1A000] =	vst v63  }
0x186: {  	s30 =	smov.u32 s26;
	s28 =	smov.u32 s29;
	p1 =	seq.s32 s26, $0xBF0  }
.Ltmp15:
0x187: {  	s26 =	sadd.s32 $0x10, s26;
	(pc) =	sbr.rel @!p1 .LBB2_18-.Ltmp15, $2  }
0x188: {  	_ =	sdelay $0x2  }
0x189: {  	s29 =	sadd.s32 $0x100, s29;
	s30 =	sadd.s32 s30, s25  }
.Ltmp16:
0x18a: {  	(pc) =	sbr.rel .LBB2_23-.Ltmp16, $2  }
0x18b: {  	_ =	sdelay $0x2  }
0x18c: {  	[hbm4b:s30+s4] =	stream.linear.scatter [tilespmem:s28], [sflag:$0x3], $0x80, $0x38;
	[tilespmem:$0x1A000] =	vst v63  }
.LBB2_20:
0x18d: {  	s28 =	simm.s32 $0x10;
	s30 =	sadd.s32 $0x0, s25;
	s29 =	simm.s32 $0xE180  }
.LBB2_21:
0x18e: {  	[hbm4b:s30+s4] =	stream.linear.scatter [tilespmem:s26], [sflag:$0x4], $0x80, $0x38;
	[tilespmem:$0x1A000] =	vst v63  }
0x18f: {  	s30 =	smov.u32 s28;
	s26 =	smov.u32 s29;
	p1 =	sne.s32 s28, $0xBF0  }
.Ltmp17:
0x190: {  	s28 =	sadd.s32 $0x10, s28;
	(pc) =	sbr.rel @p1 .LBB2_21-.Ltmp17, $2  }
0x191: {  	_ =	sdelay $0x2  }
0x192: {  	s29 =	sadd.s32 $0x100, s29;
	s30 =	sadd.s32 s30, s25  }
.Ltmp18:
0x193: {  	_ = 	snop;
	(pc) =	sbr.rel .LBB2_22-.Ltmp18, $1  }
0x194: {  	_ =	sdelay $0x3  }
.LBB2_24:
0x195: {  	_ =	swait.ge [sflag:s13], $0x6000  }
.Ltmp19:
0x196: {  	[sflag:s13] =	ssyncset.done $0x0;
	(pc) =	sbr.rel @p0 .LBB2_34-.Ltmp19, $4  }
0x197: {  	[sflag:s13] =	ssyncadd.s32 $0xFFFFA000  }
0x198: {  	_ =	swait.ge [sflag:s14], $0x6000  }
0x199: {  	[sflag:s14] =	ssyncset.done $0x0  }
0x19a: {  	[sflag:s14] =	ssyncadd.s32 $0xFFFFA000  }
0x19b: {  	s24 =	simm.s32 $0x0  }
0x19c: {  	[tilespmem:s21], [sflag:$0x5] =	stream.linear.gather [hbm4b:s2+s24], $0x2000, $0x38;
	[tilespmem:$0x1A000] =	vst v63  }
0x19d: {  	_ =	swait.ge [sflag:s22], $0x2000  }
0x19e: {  	[sflag:s22] =	ssyncset.done $0x0  }
0x19f: {  	p2 =	por $0x1, $0x1;
	[sflag:s22] =	ssyncadd.s32 $0xFFFFE000  }
.LBB2_26:
0x1a0: {  	v15 =	vld [tilespmem:$0x1FFE0];
	_ =	sdelay $0x3  }
0x1a1: {  	s26 =	sshll.u32 s24, $0x4  }
0x1a2: {  	v35 =	vor.u32 s26, v15;
	v15 =	vld [tilespmem:$0x1FFF0];
	_ =	sdelay $0x4  }
0x1a3: {  	v36 =	vor.u32 s26, v15;
	v15 =	vld [tilespmem:$0x1FFD0]  }
0x1a4: {  	v34 =	vor.u32 s26, v1;
	v37 =	vor.u32 s26, v19  }
0x1a5: {  	v38 =	vor.u32 s26, v20;
	v39 =	vor.u32 s26, v21;
	v40 =	vor.u32 s26, v22  }
0x1a6: {  	v41 =	vor.u32 s26, v23;
	v43 =	vor.u32 s26, v24;
	v44 =	vor.u32 s26, v25  }
0x1a7: {  	p1 =	por p2, p2;
	v45 =	vor.u32 s26, v26;
	v46 =	vor.u32 s26, v27;
	v47 =	vor.u32 s26, v28  }
0x1a8: {  	s25 =	sshll.u32 s24, $0xA;
	p2 =	por $0x1, $0x1;
	v48 =	vor.u32 s26, v29;
	v49 =	vor.u32 s26, v30;
	v42 =	vor.u32 s26, v15;
	s26 =	simm.s32 $0x0  }
.LBB2_27:
0x1a9: {  	v15 =	vmov s26;
	v33 =	vmul.u32 $0x80, v1  }
0x1aa: {  	v15 =	vshll.u32 v15, $0x7  }
0x1ab: {  	v15 =	vor.u32 v33, v15  }
0x1ac: {  	v16 =	vor.u32 v34, v15  }
0x1ad: {  	s28 =	sor.u32 s25, s26  }
0x1ae: {  	v18 =	vor.u32 s28, v31;
	v17 =	vor.u32 v35, v15  }
0x1af: {  	v52 =	vor.u32 s28, v2;
	v51 =	vshll.u32 v18, $0x1  }
0x1b0: {  	v54 =	vor.u32 s28, v3;
	v18 =	vand.u32 $0x6F, v18;
	v51 =	vand.u32 $0x7FFFFF00, v51  }
0x1b1: {  	v53 =	vshll.u32 v52, $0x1;
	v50 =	vor.u32 v36, v15;
	v18 =	vor.u32 v18, v51;
	v16 =	vld.idx.msk [tilespmem:v16+s21+$0x0], $0xffff  }
0x1b2: {  	v52 =	vand.u32 $0x6F, v52;
	v61 =	vor.u32 v37, v15;
	v53 =	vand.u32 $0x7FFFFF00, v53  }
0x1b3: {  	v56 =	vor.u32 s28, v4;
	v62 =	vor.u32 s28, v32;
	v52 =	vor.u32 v52, v53;
	v17 =	vld.idx.msk [tilespmem:v17+s21+$0x0], $0xffff  }
0x1b4: {  	v55 =	vshll.u32 v54, $0x1;
	v54 =	vand.u32 $0x6F, v54;
	v53 =	vor.u32 v38, v15  }
0x1b5: {  	v57 =	vshll.u32 v56, $0x1;
	v63 =	vshll.u32 v62, $0x1;
	v55 =	vand.u32 $0x7FFFFF00, v55  }
0x1b6: {  	v54 =	vor.u32 v54, v55;
	v50 =	vld.idx.msk [tilespmem:v50+s21+$0x0], $0xffff;
	[tilespmem:v18+s19+$0x0] =	vst.idx.msk $0xffff, v16;
	v16 =	vand.u32 $0x6F, v56;
	v18 =	vand.u32 $0x7FFFFF00, v57  }
0x1b7: {  	v60 =	vand.u32 $0x7FFFFF00, v63;
	v55 =	vor.u32 v39, v15;
	v51 =	vld.idx.msk [tilespmem:v61+s21+$0x0], $0xffff;
	v16 =	vor.u32 v16, v18  }
0x1b8: {  	v18 =	vor.u32 v40, v15;
	[tilespmem:v52+s19+$0x0] =	vst.idx.msk $0xffff, v17;
	v17 =	vand.u32 $0x6F, v62;
	v61 =	vor.u32 s28, v0  }
0x1b9: {  	v53 =	vld.idx.msk [tilespmem:v53+s21+$0x0], $0xffff;
	v17 =	vor.u32 v17, v60;
	v62 =	vshll.u32 v61, $0x1  }
0x1ba: {  	v63 =	vand.u32 $0x6F, v61;
	v61 =	vor.u32 s28, v5;
	v60 =	vand.u32 $0x7FFFFF00, v62  }
0x1bb: {  	v52 =	vor.u32 v41, v15;
	[tilespmem:v54+s19+$0x0] =	vst.idx.msk $0xffff, v50;
	v62 =	vshll.u32 v61, $0x1;
	v50 =	vor.u32 v63, v60  }
0x1bc: {  	v55 =	vld.idx.msk [tilespmem:v55+s21+$0x0], $0xffff;
	v63 =	vand.u32 $0x7FFFFF00, v62;
	v60 =	vor.u32 s28, v6;
	[tilespmem:v16+s19+$0x0] =	vst.idx.msk $0xffff, v51;
	v16 =	vand.u32 $0x6F, v61  }
0x1bd: {  	v54 =	vor.u32 v42, v15;
	v61 =	vshll.u32 v60, $0x1;
	v18 =	vld.idx.msk [tilespmem:v18+s21+$0x0], $0xffff;
	v16 =	vor.u32 v16, v63  }
0x1be: {  	s31 =	sor.u32 $0x10, s26;
	v51 =	vor.u32 v43, v15;
	[tilespmem:v17+s19+$0x0] =	vst.idx.msk $0xffff, v53;
	v17 =	vand.u32 $0x6F, v60;
	v62 =	vand.u32 $0x7FFFFF00, v61  }
0x1bf: {  	v59 =	vmov s31;
	v63 =	vor.u32 s28, v7;
	v17 =	vor.u32 v17, v62  }
0x1c0: {  	v52 =	vld.idx.msk [tilespmem:v52+s21+$0x0], $0xffff;
	v60 =	vshll.u32 v63, $0x1;
	v61 =	vand.u32 $0x6F, v63;
	v63 =	vor.u32 s28, v8  }
0x1c1: {  	v53 =	vor.u32 v44, v15;
	[tilespmem:v50+s19+$0x0] =	vst.idx.msk $0xffff, v55;
	v62 =	vand.u32 $0x7FFFFF00, v60;
	v60 =	vshll.u32 v63, $0x1  }
0x1c2: {  	v54 =	vld.idx.msk [tilespmem:v54+s21+$0x0], $0xffff;
	v50 =	vor.u32 v61, v62;
	[tilespmem:v16+s19+$0x0] =	vst.idx.msk $0xffff, v18;
	v16 =	vand.u32 $0x6F, v63;
	v18 =	vand.u32 $0x7FFFFF00, v60  }
0x1c3: {  	v55 =	vor.u32 v45, v15;
	v61 =	vor.u32 s28, v9;
	v51 =	vld.idx.msk [tilespmem:v51+s21+$0x0], $0xffff;
	v16 =	vor.u32 v16, v18  }
0x1c4: {  	v62 =	vshll.u32 v61, $0x1;
	v60 =	vor.u32 s28, v10;
	v18 =	vor.u32 v46, v15  }
0x1c5: {  	v63 =	vand.u32 $0x7FFFFF00, v62;
	[tilespmem:v17+s19+$0x0] =	vst.idx.msk $0xffff, v52;
	v17 =	vand.u32 $0x6F, v61;
	v61 =	vshll.u32 v60, $0x1  }
0x1c6: {  	v62 =	vand.u32 $0x6F, v60;
	v60 =	vor.u32 s28, v11;
	v53 =	vld.idx.msk [tilespmem:v53+s21+$0x0], $0xffff;
	v17 =	vor.u32 v17, v63  }
0x1c7: {  	v52 =	vor.u32 v47, v15;
	v63 =	vand.u32 $0x7FFFFF00, v61;
	v61 =	vshll.u32 v60, $0x1;
	[tilespmem:v50+s19+$0x0] =	vst.idx.msk $0xffff, v54  }
0x1c8: {  	v50 =	vor.u32 v62, v63;
	v62 =	vand.u32 $0x7FFFFF00, v61;
	v55 =	vld.idx.msk [tilespmem:v55+s21+$0x0], $0xffff;
	[tilespmem:v16+s19+$0x0] =	vst.idx.msk $0xffff, v51;
	v16 =	vand.u32 $0x6F, v60  }
0x1c9: {  	v57 =	vor.u32 s28, v14;
	v54 =	vor.u32 v48, v15;
	v18 =	vld.idx.msk [tilespmem:v18+s21+$0x0], $0xffff;
	v16 =	vor.u32 v16, v62  }
0x1ca: {  	v58 =	vshll.u32 v57, $0x1;
	v63 =	vor.u32 s28, v12;
	v15 =	vor.u32 v49, v15  }
0x1cb: {  	v61 =	vor.u32 s28, v13;
	v60 =	vshll.u32 v63, $0x1;
	[tilespmem:v17+s19+$0x0] =	vst.idx.msk $0xffff, v53;
	v17 =	vand.u32 $0x6F, v63  }
0x1cc: {  	v51 =	vand.u32 $0x7FFFFF00, v60;
	v62 =	vshll.u32 v61, $0x1;
	v63 =	vand.u32 $0x6F, v61  }
0x1cd: {  	v60 =	vshll.u32 v59, $0x7;
	v52 =	vld.idx.msk [tilespmem:v52+s21+$0x0], $0xffff;
	v17 =	vor.u32 v17, v51;
	v51 =	vand.u32 $0x7FFFFF00, v62;
	[tilespmem:v50+s19+$0x0] =	vst.idx.msk $0xffff, v55  }
0x1ce: {  	v50 =	vor.u32 v63, v51;
	v54 =	vld.idx.msk [tilespmem:v54+s21+$0x0], $0xffff;
	[tilespmem:v16+s19+$0x0] =	vst.idx.msk $0xffff, v18;
	v16 =	vand.u32 $0x6F, v57;
	v18 =	vand.u32 $0x7FFFFF00, v58  }
0x1cf: {  	v15 =	vld.idx.msk [tilespmem:v15+s21+$0x0], $0xffff;
	v16 =	vor.u32 v16, v18;
	v18 =	vor.u32 v33, v60  }
0x1d0: {  	v51 =	vor.u32 v34, v18  }
0x1d1: {  	s26 =	sor.u32 s25, s31  }
0x1d2: {  	v61 =	vor.u32 s26, v31;
	[tilespmem:v17+s19+$0x0] =	vst.idx.msk $0xffff, v52;
	v17 =	vor.u32 v35, v18  }
0x1d3: {  	v56 =	vor.u32 s26, v2;
	v63 =	vshll.u32 v61, $0x1;
	[tilespmem:v50+s19+$0x0] =	vst.idx.msk $0xffff, v54  }
0x1d4: {  	v57 =	vshll.u32 v56, $0x1;
	[tilespmem:v16+s19+$0x0] =	vst.idx.msk $0xffff, v15;
	v15 =	vand.u32 $0x7F, v61;
	v16 =	vand.u32 $0x7FFFFF00, v63  }
0x1d5: {  	v58 =	vor.u32 s26, v3;
	v62 =	vor.u32 v36, v18;
	v51 =	vld.idx.msk [tilespmem:v51+s21+$0x0], $0xffff;
	v15 =	vor.u32 v15, v16  }
0x1d6: {  	v52 =	vand.u32 $0x7F, v56;
	v53 =	vand.u32 $0x7FFFFF00, v57;
	v16 =	vor.u32 v37, v18  }
0x1d7: {  	v59 =	vshll.u32 v58, $0x1;
	v60 =	vor.u32 s26, v4;
	v52 =	vor.u32 v52, v53;
	v17 =	vld.idx.msk [tilespmem:v17+s21+$0x0], $0xffff  }
0x1d8: {  	v53 =	vor.u32 v38, v18;
	v55 =	vand.u32 $0x7FFFFF00, v59;
	v54 =	vand.u32 $0x7F, v58  }
0x1d9: {  	v54 =	vor.u32 v54, v55;
	v55 =	vor.u32 v39, v18;
	v61 =	vshll.u32 v60, $0x1  }
0x1da: {  	v63 =	vor.u32 s26, v32;
	v50 =	vld.idx.msk [tilespmem:v62+s21+$0x0], $0xffff;
	v62 =	vand.u32 $0x7FFFFF00, v61;
	[tilespmem:v15+s19+$0x0] =	vst.idx.msk $0xffff, v51;
	v15 =	vand.u32 $0x7F, v60  }
0x1db: {  	v51 =	vor.u32 v40, v18;
	v60 =	vshll.u32 v63, $0x1;
	v16 =	vld.idx.msk [tilespmem:v16+s21+$0x0], $0xffff;
	v15 =	vor.u32 v15, v62  }
0x1dc: {  	[tilespmem:v52+s19+$0x0] =	vst.idx.msk $0xffff, v17;
	v17 =	vand.u32 $0x7F, v63;
	v61 =	vand.u32 $0x7FFFFF00, v60;
	v62 =	vor.u32 s26, v0  }
0x1dd: {  	v52 =	vor.u32 v41, v18;
	v53 =	vld.idx.msk [tilespmem:v53+s21+$0x0], $0xffff;
	v17 =	vor.u32 v17, v61;
	v63 =	vshll.u32 v62, $0x1  }
0x1de: {  	v60 =	vand.u32 $0x7F, v62;
	v62 =	vor.u32 s26, v5;
	v61 =	vand.u32 $0x7FFFFF00, v63  }
0x1df: {  	[tilespmem:v54+s19+$0x0] =	vst.idx.msk $0xffff, v50;
	v63 =	vshll.u32 v62, $0x1;
	v50 =	vor.u32 v60, v61;
	v60 =	vor.u32 s26, v6  }
0x1e0: {  	v55 =	vld.idx.msk [tilespmem:v55+s21+$0x0], $0xffff;
	v61 =	vshll.u32 v60, $0x1;
	[tilespmem:v15+s19+$0x0] =	vst.idx.msk $0xffff, v16;
	v15 =	vand.u32 $0x7F, v62;
	v16 =	vand.u32 $0x7FFFFF00, v63  }
0x1e1: {  	v54 =	vor.u32 v42, v18;
	v62 =	vand.u32 $0x7FFFFF00, v61;
	v51 =	vld.idx.msk [tilespmem:v51+s21+$0x0], $0xffff;
	v15 =	vor.u32 v15, v16  }
0x1e2: {  	v63 =	vor.u32 s26, v7;
	v16 =	vor.u32 v43, v18;
	[tilespmem:v17+s19+$0x0] =	vst.idx.msk $0xffff, v53;
	v17 =	vand.u32 $0x7F, v60  }
0x1e3: {  	v53 =	vor.u32 v44, v18;
	v60 =	vshll.u32 v63, $0x1;
	v52 =	vld.idx.msk [tilespmem:v52+s21+$0x0], $0xffff;
	v17 =	vor.u32 v17, v62  }
0x1e4: {  	v61 =	vand.u32 $0x7F, v63;
	v63 =	vor.u32 s26, v8;
	v62 =	vand.u32 $0x7FFFFF00, v60  }
0x1e5: {  	v60 =	vshll.u32 v63, $0x1;
	[tilespmem:v50+s19+$0x0] =	vst.idx.msk $0xffff, v55;
	v50 =	vor.u32 v61, v62  }
0x1e6: {  	v61 =	vand.u32 $0x7FFFFF00, v60;
	v62 =	vor.u32 s26, v9;
	v54 =	vld.idx.msk [tilespmem:v54+s21+$0x0], $0xffff;
	[tilespmem:v15+s19+$0x0] =	vst.idx.msk $0xffff, v51;
	v15 =	vand.u32 $0x7F, v63  }
0x1e7: {  	v55 =	vor.u32 v45, v18;
	v63 =	vshll.u32 v62, $0x1;
	v16 =	vld.idx.msk [tilespmem:v16+s21+$0x0], $0xffff;
	v15 =	vor.u32 v15, v61  }
0x1e8: {  	v51 =	vor.u32 v46, v18;
	[tilespmem:v17+s19+$0x0] =	vst.idx.msk $0xffff, v52;
	v17 =	vand.u32 $0x7F, v62;
	v60 =	vand.u32 $0x7FFFFF00, v63  }
0x1e9: {  	v61 =	vor.u32 s26, v10;
	v53 =	vld.idx.msk [tilespmem:v53+s21+$0x0], $0xffff;
	v17 =	vor.u32 v17, v60  }
0x1ea: {  	v62 =	vshll.u32 v61, $0x1;
	v63 =	vand.u32 $0x7F, v61;
	v61 =	vor.u32 s26, v11  }
0x1eb: {  	v52 =	vor.u32 v47, v18;
	[tilespmem:v50+s19+$0x0] =	vst.idx.msk $0xffff, v54;
	v60 =	vand.u32 $0x7FFFFF00, v62;
	v62 =	vshll.u32 v61, $0x1  }
0x1ec: {  	v55 =	vld.idx.msk [tilespmem:v55+s21+$0x0], $0xffff;
	v50 =	vor.u32 v63, v60;
	v54 =	vand.u32 $0x7FFFFF00, v62;
	[tilespmem:v15+s19+$0x0] =	vst.idx.msk $0xffff, v16;
	v16 =	vand.u32 $0x7F, v61  }
0x1ed: {  	v15 =	vor.u32 v48, v18;
	v51 =	vld.idx.msk [tilespmem:v51+s21+$0x0], $0xffff;
	v16 =	vor.u32 v16, v54  }
0x1ee: {  	v58 =	vor.u32 s26, v13;
	v63 =	vor.u32 s26, v12;
	[tilespmem:v17+s19+$0x0] =	vst.idx.msk $0xffff, v53;
	v17 =	vor.u32 v49, v18  }
0x1ef: {  	v59 =	vshll.u32 v58, $0x1;
	v60 =	vor.u32 s26, v14;
	v18 =	vshll.u32 v63, $0x1  }
0x1f0: {  	v57 =	vand.u32 $0x7F, v63;
	v61 =	vshll.u32 v60, $0x1;
	v18 =	vand.u32 $0x7FFFFF00, v18  }
0x1f1: {  	v54 =	vand.u32 $0x7F, v58;
	v52 =	vld.idx.msk [tilespmem:v52+s21+$0x0], $0xffff;
	[tilespmem:v50+s19+$0x0] =	vst.idx.msk $0xffff, v55;
	v18 =	vor.u32 v57, v18;
	v50 =	vand.u32 $0x7FFFFF00, v59  }
0x1f2: {  	v62 =	vand.u32 $0x7F, v60;
	v63 =	vand.u32 $0x7FFFFF00, v61;
	v15 =	vld.idx.msk [tilespmem:v15+s21+$0x0], $0xffff;
	[tilespmem:v16+s19+$0x0] =	vst.idx.msk $0xffff, v51;
	v16 =	vor.u32 v54, v50  }
0x1f3: {  	p3 =	por p2, p2;
	v50 =	vor.u32 v62, v63;
	v17 =	vld.idx.msk [tilespmem:v17+s21+$0x0], $0xffff  }
.Ltmp20:
0x1f4: {  	_ = 	snop;
	(pc) =	sbr.rel @p3 .LBB2_27-.Ltmp20, $4  }
0x1f5: {  	_ = 	snop  }
0x1f6: {  	[tilespmem:v18+s19+$0x0] =	vst.idx.msk $0xffff, v52  }
0x1f7: {  	[tilespmem:v16+s19+$0x0] =	vst.idx.msk $0xffff, v15  }
0x1f8: {  	p2 =	por $0x0, $0x0;
	s26 =	simm.s32 $0x20;
	[tilespmem:v50+s19+$0x0] =	vst.idx.msk $0xffff, v17  }
0x1f9: {  	v15 =	vld [tilespmem:$0x1FFE0];
	_ =	sdelay $0x2  }
0x1fa: {  	s24 =	sor.u32 $0x1, s24  }
0x1fb: {  	s25 =	sshll.u32 s24, $0x4  }
0x1fc: {  	v35 =	vor.u32 s25, v15;
	v15 =	vld [tilespmem:$0x1FFF0];
	_ =	sdelay $0x4  }
0x1fd: {  	v36 =	vor.u32 s25, v15;
	v15 =	vld [tilespmem:$0x1FFD0]  }
0x1fe: {  	v34 =	vor.u32 s25, v1;
	v37 =	vor.u32 s25, v19  }
0x1ff: {  	v38 =	vor.u32 s25, v20;
	v39 =	vor.u32 s25, v21;
	v40 =	vor.u32 s25, v22  }
0x200: {  	v41 =	vor.u32 s25, v23;
	v43 =	vor.u32 s25, v24;
	v44 =	vor.u32 s25, v25  }
0x201: {  	v45 =	vor.u32 s25, v26;
	v46 =	vor.u32 s25, v27;
	v47 =	vor.u32 s25, v28  }
0x202: {  	p2 =	por $0x1, $0x1;
	s24 =	sshll.u32 s24, $0xA;
	v48 =	vor.u32 s25, v29;
	v49 =	vor.u32 s25, v30;
	v42 =	vor.u32 s25, v15;
	s25 =	simm.s32 $0x0  }
.LBB2_29:
0x203: {  	v15 =	vmov s25  }
0x204: {  	v15 =	vshll.u32 v15, $0x7  }
0x205: {  	v15 =	vor.u32 v33, v15  }
0x206: {  	v16 =	vor.u32 v34, v15  }
0x207: {  	s26 =	sor.u32 s24, s25  }
0x208: {  	v18 =	vor.u32 s26, v31;
	v17 =	vor.u32 v35, v15  }
0x209: {  	v52 =	vor.u32 s26, v2;
	v51 =	vshll.u32 v18, $0x1  }
0x20a: {  	v54 =	vor.u32 s26, v3;
	v18 =	vand.u32 $0x6F, v18;
	v51 =	vand.u32 $0x7FFFFF00, v51  }
0x20b: {  	v53 =	vshll.u32 v52, $0x1;
	v50 =	vor.u32 v36, v15;
	v18 =	vor.u32 v18, v51;
	v16 =	vld.idx.msk [tilespmem:v16+s21+$0x0], $0xffff  }
0x20c: {  	v52 =	vand.u32 $0x6F, v52;
	v61 =	vor.u32 v37, v15;
	v53 =	vand.u32 $0x7FFFFF00, v53  }
0x20d: {  	v56 =	vor.u32 s26, v4;
	v62 =	vor.u32 s26, v32;
	v52 =	vor.u32 v52, v53;
	v17 =	vld.idx.msk [tilespmem:v17+s21+$0x0], $0xffff  }
0x20e: {  	v55 =	vshll.u32 v54, $0x1;
	v54 =	vand.u32 $0x6F, v54;
	v53 =	vor.u32 v38, v15  }
0x20f: {  	v57 =	vshll.u32 v56, $0x1;
	v63 =	vshll.u32 v62, $0x1;
	v55 =	vand.u32 $0x7FFFFF00, v55  }
0x210: {  	v54 =	vor.u32 v54, v55;
	v50 =	vld.idx.msk [tilespmem:v50+s21+$0x0], $0xffff;
	[tilespmem:v18+s19+$0x0] =	vst.idx.msk $0xffff, v16;
	v16 =	vand.u32 $0x6F, v56;
	v18 =	vand.u32 $0x7FFFFF00, v57  }
0x211: {  	v60 =	vand.u32 $0x7FFFFF00, v63;
	v55 =	vor.u32 v39, v15;
	v51 =	vld.idx.msk [tilespmem:v61+s21+$0x0], $0xffff;
	v16 =	vor.u32 v16, v18  }
0x212: {  	v18 =	vor.u32 v40, v15;
	[tilespmem:v52+s19+$0x0] =	vst.idx.msk $0xffff, v17;
	v17 =	vand.u32 $0x6F, v62;
	v61 =	vor.u32 s26, v0  }
0x213: {  	v53 =	vld.idx.msk [tilespmem:v53+s21+$0x0], $0xffff;
	v17 =	vor.u32 v17, v60;
	v62 =	vshll.u32 v61, $0x1  }
0x214: {  	v63 =	vand.u32 $0x6F, v61;
	v61 =	vor.u32 s26, v5;
	v60 =	vand.u32 $0x7FFFFF00, v62  }
0x215: {  	v52 =	vor.u32 v41, v15;
	[tilespmem:v54+s19+$0x0] =	vst.idx.msk $0xffff, v50;
	v62 =	vshll.u32 v61, $0x1;
	v50 =	vor.u32 v63, v60  }
0x216: {  	v55 =	vld.idx.msk [tilespmem:v55+s21+$0x0], $0xffff;
	v63 =	vand.u32 $0x7FFFFF00, v62;
	v60 =	vor.u32 s26, v6;
	[tilespmem:v16+s19+$0x0] =	vst.idx.msk $0xffff, v51;
	v16 =	vand.u32 $0x6F, v61  }
0x217: {  	v54 =	vor.u32 v42, v15;
	v61 =	vshll.u32 v60, $0x1;
	v18 =	vld.idx.msk [tilespmem:v18+s21+$0x0], $0xffff;
	v16 =	vor.u32 v16, v63  }
0x218: {  	s31 =	sor.u32 $0x10, s25;
	v51 =	vor.u32 v43, v15;
	[tilespmem:v17+s19+$0x0] =	vst.idx.msk $0xffff, v53;
	v17 =	vand.u32 $0x6F, v60;
	v62 =	vand.u32 $0x7FFFFF00, v61  }
0x219: {  	v59 =	vmov s31;
	v63 =	vor.u32 s26, v7;
	v17 =	vor.u32 v17, v62  }
0x21a: {  	v52 =	vld.idx.msk [tilespmem:v52+s21+$0x0], $0xffff;
	v60 =	vshll.u32 v63, $0x1;
	v61 =	vand.u32 $0x6F, v63;
	v63 =	vor.u32 s26, v8  }
0x21b: {  	v53 =	vor.u32 v44, v15;
	[tilespmem:v50+s19+$0x0] =	vst.idx.msk $0xffff, v55;
	v62 =	vand.u32 $0x7FFFFF00, v60;
	v60 =	vshll.u32 v63, $0x1  }
0x21c: {  	v54 =	vld.idx.msk [tilespmem:v54+s21+$0x0], $0xffff;
	v50 =	vor.u32 v61, v62;
	[tilespmem:v16+s19+$0x0] =	vst.idx.msk $0xffff, v18;
	v16 =	vand.u32 $0x6F, v63;
	v18 =	vand.u32 $0x7FFFFF00, v60  }
0x21d: {  	v55 =	vor.u32 v45, v15;
	v61 =	vor.u32 s26, v9;
	v51 =	vld.idx.msk [tilespmem:v51+s21+$0x0], $0xffff;
	v16 =	vor.u32 v16, v18  }
0x21e: {  	v62 =	vshll.u32 v61, $0x1;
	v60 =	vor.u32 s26, v10;
	v18 =	vor.u32 v46, v15  }
0x21f: {  	v63 =	vand.u32 $0x7FFFFF00, v62;
	[tilespmem:v17+s19+$0x0] =	vst.idx.msk $0xffff, v52;
	v17 =	vand.u32 $0x6F, v61;
	v61 =	vshll.u32 v60, $0x1  }
0x220: {  	v62 =	vand.u32 $0x6F, v60;
	v60 =	vor.u32 s26, v11;
	v53 =	vld.idx.msk [tilespmem:v53+s21+$0x0], $0xffff;
	v17 =	vor.u32 v17, v63  }
0x221: {  	v52 =	vor.u32 v47, v15;
	v63 =	vand.u32 $0x7FFFFF00, v61;
	v61 =	vshll.u32 v60, $0x1;
	[tilespmem:v50+s19+$0x0] =	vst.idx.msk $0xffff, v54  }
0x222: {  	v50 =	vor.u32 v62, v63;
	v62 =	vand.u32 $0x7FFFFF00, v61;
	v55 =	vld.idx.msk [tilespmem:v55+s21+$0x0], $0xffff;
	[tilespmem:v16+s19+$0x0] =	vst.idx.msk $0xffff, v51;
	v16 =	vand.u32 $0x6F, v60  }
0x223: {  	v57 =	vor.u32 s26, v14;
	v54 =	vor.u32 v48, v15;
	v18 =	vld.idx.msk [tilespmem:v18+s21+$0x0], $0xffff;
	v16 =	vor.u32 v16, v62  }
0x224: {  	v58 =	vshll.u32 v57, $0x1;
	v63 =	vor.u32 s26, v12;
	v15 =	vor.u32 v49, v15  }
0x225: {  	v61 =	vor.u32 s26, v13;
	v60 =	vshll.u32 v63, $0x1;
	[tilespmem:v17+s19+$0x0] =	vst.idx.msk $0xffff, v53;
	v17 =	vand.u32 $0x6F, v63  }
0x226: {  	v51 =	vand.u32 $0x7FFFFF00, v60;
	v62 =	vshll.u32 v61, $0x1;
	v63 =	vand.u32 $0x6F, v61  }
0x227: {  	v60 =	vshll.u32 v59, $0x7;
	v52 =	vld.idx.msk [tilespmem:v52+s21+$0x0], $0xffff;
	v17 =	vor.u32 v17, v51;
	v51 =	vand.u32 $0x7FFFFF00, v62;
	[tilespmem:v50+s19+$0x0] =	vst.idx.msk $0xffff, v55  }
0x228: {  	v50 =	vor.u32 v63, v51;
	v54 =	vld.idx.msk [tilespmem:v54+s21+$0x0], $0xffff;
	[tilespmem:v16+s19+$0x0] =	vst.idx.msk $0xffff, v18;
	v16 =	vand.u32 $0x6F, v57;
	v18 =	vand.u32 $0x7FFFFF00, v58  }
0x229: {  	v15 =	vld.idx.msk [tilespmem:v15+s21+$0x0], $0xffff;
	v16 =	vor.u32 v16, v18;
	v18 =	vor.u32 v33, v60  }
0x22a: {  	v51 =	vor.u32 v34, v18  }
0x22b: {  	s25 =	sor.u32 s24, s31  }
0x22c: {  	v61 =	vor.u32 s25, v31;
	[tilespmem:v17+s19+$0x0] =	vst.idx.msk $0xffff, v52;
	v17 =	vor.u32 v35, v18  }
0x22d: {  	v56 =	vor.u32 s25, v2;
	v63 =	vshll.u32 v61, $0x1;
	[tilespmem:v50+s19+$0x0] =	vst.idx.msk $0xffff, v54  }
0x22e: {  	v57 =	vshll.u32 v56, $0x1;
	[tilespmem:v16+s19+$0x0] =	vst.idx.msk $0xffff, v15;
	v15 =	vand.u32 $0x7F, v61;
	v16 =	vand.u32 $0x7FFFFF00, v63  }
0x22f: {  	v58 =	vor.u32 s25, v3;
	v62 =	vor.u32 v36, v18;
	v51 =	vld.idx.msk [tilespmem:v51+s21+$0x0], $0xffff;
	v15 =	vor.u32 v15, v16  }
0x230: {  	v52 =	vand.u32 $0x7F, v56;
	v53 =	vand.u32 $0x7FFFFF00, v57;
	v16 =	vor.u32 v37, v18  }
0x231: {  	v59 =	vshll.u32 v58, $0x1;
	v60 =	vor.u32 s25, v4;
	v52 =	vor.u32 v52, v53;
	v17 =	vld.idx.msk [tilespmem:v17+s21+$0x0], $0xffff  }
0x232: {  	v53 =	vor.u32 v38, v18;
	v55 =	vand.u32 $0x7FFFFF00, v59;
	v54 =	vand.u32 $0x7F, v58  }
0x233: {  	v54 =	vor.u32 v54, v55;
	v55 =	vor.u32 v39, v18;
	v61 =	vshll.u32 v60, $0x1  }
0x234: {  	v63 =	vor.u32 s25, v32;
	v50 =	vld.idx.msk [tilespmem:v62+s21+$0x0], $0xffff;
	v62 =	vand.u32 $0x7FFFFF00, v61;
	[tilespmem:v15+s19+$0x0] =	vst.idx.msk $0xffff, v51;
	v15 =	vand.u32 $0x7F, v60  }
0x235: {  	v51 =	vor.u32 v40, v18;
	v60 =	vshll.u32 v63, $0x1;
	v16 =	vld.idx.msk [tilespmem:v16+s21+$0x0], $0xffff;
	v15 =	vor.u32 v15, v62  }
0x236: {  	[tilespmem:v52+s19+$0x0] =	vst.idx.msk $0xffff, v17;
	v17 =	vand.u32 $0x7F, v63;
	v61 =	vand.u32 $0x7FFFFF00, v60;
	v62 =	vor.u32 s25, v0  }
0x237: {  	v52 =	vor.u32 v41, v18;
	v53 =	vld.idx.msk [tilespmem:v53+s21+$0x0], $0xffff;
	v17 =	vor.u32 v17, v61;
	v63 =	vshll.u32 v62, $0x1  }
0x238: {  	v60 =	vand.u32 $0x7F, v62;
	v62 =	vor.u32 s25, v5;
	v61 =	vand.u32 $0x7FFFFF00, v63  }
0x239: {  	[tilespmem:v54+s19+$0x0] =	vst.idx.msk $0xffff, v50;
	v63 =	vshll.u32 v62, $0x1;
	v50 =	vor.u32 v60, v61;
	v60 =	vor.u32 s25, v6  }
0x23a: {  	v55 =	vld.idx.msk [tilespmem:v55+s21+$0x0], $0xffff;
	v61 =	vshll.u32 v60, $0x1;
	[tilespmem:v15+s19+$0x0] =	vst.idx.msk $0xffff, v16;
	v15 =	vand.u32 $0x7F, v62;
	v16 =	vand.u32 $0x7FFFFF00, v63  }
0x23b: {  	v54 =	vor.u32 v42, v18;
	v62 =	vand.u32 $0x7FFFFF00, v61;
	v51 =	vld.idx.msk [tilespmem:v51+s21+$0x0], $0xffff;
	v15 =	vor.u32 v15, v16  }
0x23c: {  	v63 =	vor.u32 s25, v7;
	v16 =	vor.u32 v43, v18;
	[tilespmem:v17+s19+$0x0] =	vst.idx.msk $0xffff, v53;
	v17 =	vand.u32 $0x7F, v60  }
0x23d: {  	v53 =	vor.u32 v44, v18;
	v60 =	vshll.u32 v63, $0x1;
	v52 =	vld.idx.msk [tilespmem:v52+s21+$0x0], $0xffff;
	v17 =	vor.u32 v17, v62  }
0x23e: {  	v61 =	vand.u32 $0x7F, v63;
	v63 =	vor.u32 s25, v8;
	v62 =	vand.u32 $0x7FFFFF00, v60  }
0x23f: {  	v60 =	vshll.u32 v63, $0x1;
	[tilespmem:v50+s19+$0x0] =	vst.idx.msk $0xffff, v55;
	v50 =	vor.u32 v61, v62  }
0x240: {  	v61 =	vand.u32 $0x7FFFFF00, v60;
	v62 =	vor.u32 s25, v9;
	v54 =	vld.idx.msk [tilespmem:v54+s21+$0x0], $0xffff;
	[tilespmem:v15+s19+$0x0] =	vst.idx.msk $0xffff, v51;
	v15 =	vand.u32 $0x7F, v63  }
0x241: {  	v55 =	vor.u32 v45, v18;
	v63 =	vshll.u32 v62, $0x1;
	v16 =	vld.idx.msk [tilespmem:v16+s21+$0x0], $0xffff;
	v15 =	vor.u32 v15, v61  }
0x242: {  	v51 =	vor.u32 v46, v18;
	[tilespmem:v17+s19+$0x0] =	vst.idx.msk $0xffff, v52;
	v17 =	vand.u32 $0x7F, v62;
	v60 =	vand.u32 $0x7FFFFF00, v63  }
0x243: {  	v61 =	vor.u32 s25, v10;
	v53 =	vld.idx.msk [tilespmem:v53+s21+$0x0], $0xffff;
	v17 =	vor.u32 v17, v60  }
0x244: {  	v62 =	vshll.u32 v61, $0x1;
	v63 =	vand.u32 $0x7F, v61;
	v61 =	vor.u32 s25, v11  }
0x245: {  	v52 =	vor.u32 v47, v18;
	[tilespmem:v50+s19+$0x0] =	vst.idx.msk $0xffff, v54;
	v60 =	vand.u32 $0x7FFFFF00, v62;
	v62 =	vshll.u32 v61, $0x1  }
0x246: {  	v55 =	vld.idx.msk [tilespmem:v55+s21+$0x0], $0xffff;
	v50 =	vor.u32 v63, v60;
	v54 =	vand.u32 $0x7FFFFF00, v62;
	[tilespmem:v15+s19+$0x0] =	vst.idx.msk $0xffff, v16;
	v16 =	vand.u32 $0x7F, v61  }
0x247: {  	v15 =	vor.u32 v48, v18;
	v51 =	vld.idx.msk [tilespmem:v51+s21+$0x0], $0xffff;
	v16 =	vor.u32 v16, v54  }
0x248: {  	v58 =	vor.u32 s25, v13;
	v63 =	vor.u32 s25, v12;
	[tilespmem:v17+s19+$0x0] =	vst.idx.msk $0xffff, v53;
	v17 =	vor.u32 v49, v18  }
0x249: {  	v59 =	vshll.u32 v58, $0x1;
	v60 =	vor.u32 s25, v14;
	v18 =	vshll.u32 v63, $0x1  }
0x24a: {  	v57 =	vand.u32 $0x7F, v63;
	v61 =	vshll.u32 v60, $0x1;
	v18 =	vand.u32 $0x7FFFFF00, v18  }
0x24b: {  	v54 =	vand.u32 $0x7F, v58;
	v52 =	vld.idx.msk [tilespmem:v52+s21+$0x0], $0xffff;
	[tilespmem:v50+s19+$0x0] =	vst.idx.msk $0xffff, v55;
	v18 =	vor.u32 v57, v18;
	v50 =	vand.u32 $0x7FFFFF00, v59  }
0x24c: {  	v62 =	vand.u32 $0x7F, v60;
	v63 =	vand.u32 $0x7FFFFF00, v61;
	v15 =	vld.idx.msk [tilespmem:v15+s21+$0x0], $0xffff;
	[tilespmem:v16+s19+$0x0] =	vst.idx.msk $0xffff, v51;
	v16 =	vor.u32 v54, v50  }
0x24d: {  	p3 =	por p2, p2;
	v50 =	vor.u32 v62, v63;
	v17 =	vld.idx.msk [tilespmem:v17+s21+$0x0], $0xffff  }
.Ltmp21:
0x24e: {  	_ = 	snop;
	(pc) =	sbr.rel @p3 .LBB2_29-.Ltmp21, $4  }
0x24f: {  	_ = 	snop  }
0x250: {  	[tilespmem:v18+s19+$0x0] =	vst.idx.msk $0xffff, v52  }
0x251: {  	[tilespmem:v16+s19+$0x0] =	vst.idx.msk $0xffff, v15  }
0x252: {  	p2 =	por $0x0, $0x0;
	s25 =	simm.s32 $0x20;
	[tilespmem:v50+s19+$0x0] =	vst.idx.msk $0xffff, v17  }
.Ltmp22:
0x253: {  	(pc) =	sbr.rel @p1 .LBB2_26-.Ltmp22, $2  }
0x254: {  	_ =	sdelay $0x2  }
0x255: {  	s24 =	simm.s32 $0x2;
	p2 =	por $0x0, $0x0  }
0x256: {  	s24 =	simm.s32 $0xE000  }
0x257: {  	s25 =	simm.s32 $0x10;
	s28 =	sadd.s32 $0x0, s10;
	s26 =	simm.s32 $0xE100  }
.LBB2_32:
0x258: {  	[hbm4b:s28+s4] =	stream.linear.scatter [tilespmem:s24], [sflag:$0x3], $0x80, $0x38;
	[tilespmem:$0x1A000] =	vst v63  }
0x259: {  	s28 =	smov.u32 s25;
	s24 =	smov.u32 s26;
	p1 =	sne.s32 s25, $0x1F0  }
.Ltmp23:
0x25a: {  	s25 =	sadd.s32 $0x10, s25;
	(pc) =	sbr.rel @p1 .LBB2_32-.Ltmp23, $2  }
0x25b: {  	_ =	sdelay $0x2  }
0x25c: {  	s26 =	sadd.s32 $0x100, s26;
	s28 =	sadd.s32 s28, s10  }
.Ltmp24:
0x25d: {  	_ = 	snop;
	(pc) =	sbr.rel .LBB2_33-.Ltmp24, $1  }
0x25e: {  	_ =	sdelay $0x3  }
.LBB2_35:
0x25f: {  	_ =	sfence.sel $0x180000  }
0x260: {  	[bflag:$0x0] =	sbarrier.arrive $0xFFFF  }
0x261: {  	p0 =	sne.s32 s1, $0x0;
	_ =	strace $0x90000047  }
0x262: {  	s0 =	sadd.s32 @!p0 $0x100000, s3;
	[bflag:$0x2] =	sbarrier.arrive $0xFFFF  }
0x263: {  	[sflag:s0] =	ssyncadd.tile.s32 @!p0 $0x1;
	_ =	shalt  }
.Lfunc_end2:
_tile_overlayer_lowered:
.L_overlay_start_2:
0x264: {  	(tag) =	ssettag $0x2  }
0x265: {  	s0 =	rddreg [dreg:$0x0];
	s2 =	stileid.u32  }
0x266: {  	s1 =	rddreg [dreg:$0x1];
	p0 =	sne.s32 s2, $0x0  }
0x267: {  	s3 =	rddreg [dreg:$0x2];
	[bflag:$0x3] =	sbarrier.arrive $0xFFFF;
	s2 =	simm.s32 @!p0 $0x1C05  }
0x268: {  	[timem:s3], [sflag:s2] =	dma.local @!p0 [hbm:s0], s1  }
0x269: {  	s0 =	simm.s32 @!p0 $0x5  }
0x26a: {  	_ =	swait.ge @!p0 [sflag:s0], s1  }
0x26b: {  	s1 =	ssub.s32 @!p0 $0x0, s1;
	[sflag:s0] =	ssyncset.done @!p0 $0x0  }
0x26c: {  	[sflag:s0] =	ssyncadd.s32 @!p0 s1  }
0x26d: {  	[bflag:$0x3] =	sbarrier.arrive $0xFFFF  }
0x26e: {  	_ =	shalt  }

// kernel: kernel.7.cloned.1.call-start
scs
__scs_entry_jumppad:
0x0: {  	(pc) =	sbr.rel $0x88, $3  }
0x1: {  	(tag) =	ssettag $0x0;
	lr =	simm.s32 $0x1  }
0x2: {  	[smem:$0x3F9F] =	sst lr;
	_ =	strace $0xD0000000  }
0x3: {  	_ = 	snop  }
0x4: {  	_ = 	snop  }
0x5: {  	_ = 	snop  }
0x6: {  	_ = 	snop  }
0x7: {  	_ = 	snop  }
__scs_overlays_trampoline_lowered:
0x8: {  	[smem:$0x3FAE] =	sst s0  }
0x9: {  	[smem:$0x3FAF] =	sst s1  }
0xa: {  	[smem:$0x3FB0] =	sst s2  }
0xb: {  	[smem:$0x3FB1] =	sst s3  }
0xc: {  	[smem:$0x3FB2] =	sst s4  }
0xd: {  	[smem:$0x3FB3] =	sst s5  }
0xe: {  	[smem:$0x3FB4] =	sst s6  }
0xf: {  	[smem:$0x3FB5] =	sst s7  }
0x10: {  	[smem:$0x3FB6] =	sst s8  }
0x11: {  	[smem:$0x3FB7] =	sst s9;
	s0 =	simm.s32 @!p0 $0x0  }
0x12: {  	s1 =	sld [smem:$0x3F9D];
	s0 =	simm.s32 @p0 $0x1  }
0x13: {  	[smem:$0x3FB8] =	sst s0;
	s0 =	simm.s32 @!p1 $0x0  }
0x14: {  	s2 =	sld [smem:$0x3F9C];
	s0 =	simm.s32 @p1 $0x1  }
0x15: {  	[smem:$0x3FB9] =	sst s0;
	s0 =	simm.s32 @!p2 $0x0  }
0x16: {  	s3 =	sld [smem:$0x3FDB];
	s0 =	simm.s32 @p2 $0x1  }
0x17: {  	s4 =	simm.s32 $0x1BF5;
	[smem:$0x3FBB] =	sst s0  }
0x18: {  	s0 =	sld [smem:$0x3F9E];
	_ =	swait.ge [sflag:s4], $0x0  }
0x19: {  	s7 =	sld [smem:$0x3F9F]  }
0x1a: {  	s8 =	sadd.s32 $0xFFFFE003, lr  }
0x1b: {  	s9 =	sadd.s32 $0xFFFFFEF7, lr;
	s5 =	simm.s32 $0xFFFFFFFF;
	p2 =	slt.u32 s8, $0xFFFFF086  }
0x1c: {  	p1 =	slt.u32 s9, $0xF7A;
	s5 =	simm.s32 @!p2 $0x0  }
0x1d: {  	s5 =	simm.s32 @p1 $0x1;
	p0 =	seq.s32 s7, s2  }
0x1e: {  	s7 =	smul.u32 @!p0 $0xF7A, s2;
	p2 =	seq.s32 @!p0 s5, $0x0  }
0x1f: {  	s9 =	smul.u32 $0xF7A, s1;
	s8 =	simm.s32 @!p0 $0x1BF5;
	p2 =	por !p2, p0  }
0x20: {  	[sflag:s8] =	ssyncset.s32 @!p0 $0xFFFFF086;
	s6 =	sadd.s32 @!p0 s3, s7;
	s7 =	simm.s32 @!p0 $0x108  }
0x21: {  	s3 =	sadd.s32 s3, s9;
	s6 =	sadd.s32 @!p0 $0x88, s6;
	s7 =	simm.s32 @p2 $0x1082  }
0x22: {  	[simem:s7], [sflag:s8] =	dma.local @!p0 [hbm:s6], $0xF7A  }
0x23: {  	s9 =	sor.u32 $0xD0000000, s2;
	s6 =	simm.s32 $0x108;
	_ =	swait.ge @!p0 [sflag:s8], $0x0  }
0x24: {  	s3 =	sadd.s32 $0x88, s3;
	s6 =	simm.s32 @!p1 $0x1082;
	[sflag:s4] =	ssyncset.s32 $0xFFFFF086  }
0x25: {  	[simem:s6], [sflag:s4] =	dma.local [hbm:s3], $0xF7A  }
0x26: {  	[smem:$0x3F9F] =	sst s1;
	(tag) =	ssettag s2;
	_ =	strace s9  }
0x27: {  	s1 =	sld [smem:$0x3FAF]  }
0x28: {  	s2 =	sld [smem:$0x3FB0]  }
0x29: {  	s4 =	sld [smem:$0x3FB2]  }
0x2a: {  	p0 =	seq.s32 s5, $0x0;
	s5 =	sld [smem:$0x3FB3]  }
0x2b: {  	s6 =	sld [smem:$0x3FB4]  }
0x2c: {  	s7 =	sld [smem:$0x3FB5]  }
0x2d: {  	s3 =	simm.s32 $0x108;
	s8 =	sld [smem:$0x3FB6]  }
0x2e: {  	s3 =	simm.s32 @!p0 $0x1082;
	s9 =	sld [smem:$0x3FB7]  }
0x2f: {  	lr =	sadd.s32 s0, s3;
	s0 =	sld [smem:$0x3FAE]  }
0x30: {  	s3 =	sld [smem:$0x3FB1]  }
0x31: {  	[smem:$0x3FBA] =	sst s10  }
0x32: {  	s10 =	sld [smem:$0x3FB8];
	_ =	sdelay $0x3  }
0x33: {  	p0 =	seq.s32 s10, $0x1;
	s10 =	sld [smem:$0x3FBA];
	_ =	sdelay $0x3  }
0x34: {  	[smem:$0x3FBA] =	sst s10  }
0x35: {  	s10 =	sld [smem:$0x3FB9];
	_ =	sdelay $0x3  }
0x36: {  	p1 =	seq.s32 s10, $0x1;
	s10 =	sld [smem:$0x3FBA];
	_ =	sdelay $0x3  }
0x37: {  	[smem:$0x3FBA] =	sst s10  }
0x38: {  	s10 =	sld [smem:$0x3FBB]  }
0x39: {  	_ = 	snop;
	(pc) =	sbr.ind lr, $3  }
0x3a: {  	_ = 	snop  }
0x3b: {  	_ = 	snop  }
0x3c: {  	p2 =	seq.s32 s10, $0x1;
	s10 =	sld [smem:$0x3FBA]  }
0x3d: {  	_ =	shalt  }
0x3e: {  	_ =	shalt  }
0x3f: {  	_ =	shalt  }
0x40: {  	_ =	shalt  }
0x41: {  	_ =	shalt  }
0x42: {  	_ =	shalt  }
0x43: {  	_ =	shalt  }
0x44: {  	_ =	shalt  }
0x45: {  	_ =	shalt  }
0x46: {  	_ =	shalt  }
0x47: {  	_ =	shalt  }
0x48: {  	_ =	shalt  }
0x49: {  	_ =	shalt  }
0x4a: {  	_ =	shalt  }
0x4b: {  	_ =	shalt  }
0x4c: {  	_ =	shalt  }
0x4d: {  	_ =	shalt  }
0x4e: {  	_ =	shalt  }
0x4f: {  	_ =	shalt  }
0x50: {  	_ =	shalt  }
0x51: {  	_ =	shalt  }
0x52: {  	_ =	shalt  }
0x53: {  	_ =	shalt  }
0x54: {  	_ =	shalt  }
0x55: {  	_ =	shalt  }
0x56: {  	_ =	shalt  }
0x57: {  	_ =	shalt  }
0x58: {  	_ =	shalt  }
0x59: {  	_ =	shalt  }
0x5a: {  	_ =	shalt  }
0x5b: {  	_ =	shalt  }
0x5c: {  	_ =	shalt  }
0x5d: {  	_ =	shalt  }
0x5e: {  	_ =	shalt  }
0x5f: {  	_ =	shalt  }
0x60: {  	_ =	shalt  }
0x61: {  	_ =	shalt  }
0x62: {  	_ =	shalt  }
0x63: {  	_ =	shalt  }
0x64: {  	_ =	shalt  }
0x65: {  	_ =	shalt  }
0x66: {  	_ =	shalt  }
0x67: {  	_ =	shalt  }
0x68: {  	_ =	shalt  }
0x69: {  	_ =	shalt  }
0x6a: {  	_ =	shalt  }
0x6b: {  	_ =	shalt  }
0x6c: {  	_ =	shalt  }
0x6d: {  	_ =	shalt  }
0x6e: {  	_ =	shalt  }
0x6f: {  	_ =	shalt  }
0x70: {  	_ =	shalt  }
0x71: {  	_ =	shalt  }
0x72: {  	_ =	shalt  }
0x73: {  	_ =	shalt  }
0x74: {  	_ =	shalt  }
0x75: {  	_ =	shalt  }
0x76: {  	_ =	shalt  }
0x77: {  	_ =	shalt  }
0x78: {  	_ =	shalt  }
0x79: {  	_ =	shalt  }
0x7a: {  	_ =	shalt  }
0x7b: {  	_ =	shalt  }
0x7c: {  	_ =	shalt  }
0x7d: {  	_ =	shalt  }
0x7e: {  	_ =	shalt  }
0x7f: {  	_ =	shalt  }
0x80: {  	_ =	shalt  }
0x81: {  	_ =	shalt  }
0x82: {  	_ =	shalt  }
0x83: {  	_ =	shalt  }
0x84: {  	_ =	shalt  }
0x85: {  	_ =	shalt  }
0x86: {  	_ =	shalt  }
0x87: {  	_ =	shalt  }
.Lfunc_end0:
.L_simem_size_0:
called_computation.2_lowered:
.L_overlay_start_0:
0x88: {  	s2 =	sld [smem:$0x3FD9]  }
0x89: {  	s3 =	sld [smem:$0x3FFE];
	_ =	sdelay $0x1  }
0x8a: {  	s1 =	srdreg.scid  }
0x8b: {  	s0 =	sand.u32 $0x1, s1  }
0x8c: {  	s17 =	sshll.u32 s0, $0xA;
	s2 =	sadd.s32 s3, s2  }
0x8d: {  	s2 =	sadd.s32 s2, s17  }
0x8e: {  	[smem:$0x3FC6] =	sst s2  }
0x8f: {  	_ = 	snop  }
0x90: {  	s2 =	sld [smem:$0x3FD0];
	(tm) =	ssettm $0x1  }
0x91: {  	s18 =	sld [smem:$0x3FFB];
	_ =	sdelay $0x3  }
0x92: {  	_ =	strace s18  }
0x93: {  	s3 =	sld [smem:$0x3FFC];
	_ =	sdelay $0x3  }
0x94: {  	_ =	strace s3  }
0x95: {  	s3 =	sld [smem:$0x3FFD];
	_ =	sdelay $0x3  }
0x96: {  	_ =	strace s3  }
0x97: {  	_ =	strace $0x8FFFFFFF  }
0x98: {  	s19 =	sld [smem:$0x3FDB];
	_ =	sdelay $0x1  }
0x99: {  	s4 =	simm.s32 $_scs_section_size  }
0x9a: {  	s5 =	simm.s32 $_size__tile_overlayer_lowered;
	s6 =	simm.s32 $_tile_overlayer_lowered  }
0x9b: {  	s22 =	simm.s32 $0x1BFF;
	s21 =	sshll.u32 s6, $0x1;
	s3 =	sadd.s32 s4, s19  }
0x9c: {  	s7 =	simm.s32 $0x0;
	s20 =	sshll.u32 s5, $0x1;
	s5 =	sadd.s32 s21, s3  }
0x9d: {  	[timem:s7], [sflag:s22] =	dma.local [hbm:s5], s20  }
0x9e: {  	_ =	swait.ge [sflag:s22], s20  }
0x9f: {  	s4 =	ssub.s32 $0x0, s20;
	[sflag:s22] =	ssyncset.done $0x0  }
0xa0: {  	[sflag:s22] =	ssyncadd.s32 s4;
	_ =	sdelay $0x1  }
0xa1: {  	s23 =	simm.s32 $0x1B8B  }
0xa2: {  	_ =	swait.ge [sflag:s23], $0x1  }
0xa3: {  	[sflag:s23] =	ssyncset.done $0x0  }
0xa4: {  	s25 =	simm.s32 $0x1B8E;
	s24 =	sld [smem:$0x3FFE];
	[sflag:s23] =	ssyncadd.s32 $0xFFFFFFFF  }
0xa5: {  	s26 =	simm.s32 $execute0_lowered;
	[smem:$0x3FD2] =	sst s25  }
0xa6: {  	s5 =	sshll.u32 s26, $0x1;
	_ =	strace $0x80000049;
	[dreg:$0x1] =	wrdreg $0xFFFFFFFF  }
0xa7: {  	s28 =	simm.s32 $_size_execute0_lowered;
	s3 =	sadd.s32 s3, s5;
	[dreg:$0x0] =	wrdreg $0x0  }
0xa8: {  	s5 =	sshll.u32 s28, $0x1;
	[dreg:$0x2] =	wrdreg s3  }
0xa9: {  	[dreg:$0x3] =	wrdreg s5  }
0xaa: {  	[dreg:$0x4] =	wrdreg $0xC0  }
0xab: {  	_ =	task [dreg:s7], $0x5FFFF  }
0xac: {  	[dreg:$0x1] =	wrdreg $0xFFFFFFFF  }
0xad: {  	[dreg:$0x0] =	wrdreg $0x60  }
0xae: {  	[dreg:$0x2] =	wrdreg s24  }
0xaf: {  	[dreg:$0x3] =	wrdreg s2  }
0xb0: {  	[dreg:$0x4] =	wrdreg $0x9  }
0xb1: {  	_ =	task.clear_ibuf [dreg:s7], $0x5FFFF;
	_ =	strace $0x90000049  }
0xb2: {  	s29 =	simm.s32 $0x9;
	_ =	strace $0x8000004B  }
0xb3: {  	_ =	swait.ge [sflag:s29], $0x1  }
0xb4: {  	[sflag:s29] =	ssyncadd.s32 $0xFFFFFFFF  }
0xb5: {  	_ =	strace $0x9000004B  }
0xb6: {  	_ =	sfence  }
0xb7: {  	s30 =	sld [smem:$0x0];
	_ =	sdelay $0x2  }
0xb8: {  	s31 =	sshll.u32 s1, $0xD;
	s1 =	sshrl.u32 s1, $0x2  }
0xb9: {  	s3 =	sand.u32 $0x4000, s31;
	s1 =	sadd.s32 s1, s30  }
0xba: {  	s0 =	sor.u32 s3, s0;
	s1 =	sshll.u32 s1, $0x11  }
0xbb: {  	s0 =	sor.u32 s1, s0  }
0xbc: {  	s0 =	sadd.s32 $0x8F2B, s0  }
0xbd: {  	[sflag:s0] =	ssyncadd.remote.s32 $0x1  }
0xbe: {  	_ =	sfence.sel $0xFFFF  }
0xbf: {  	[dreg:$0x0] =	wrdreg $0xFFFFFFFF;
	(pc) =	sbr.abs _section_cstart, $3  }
0xc0: {  	[dreg:$0x1] =	wrdreg $0xFFFFFFFF  }
0xc1: {  	_ =	task.clear_ibuf [dreg:s7], $0x2FFFF;
	_ =	strace $0x9FFFFFFF  }
0xc2: {  	(tm) =	ssettm $0x7FFFFFFF  }
0xc3: {  	_ =	shalt  }
tec
execute0_lowered:
.L_overlay_start_1:
0x0: {  	(tag) =	ssettag $0x1  }
0x1: {  	s1 =	srdreg.scid;
	s5 =	rddreg [dreg:$0x0]  }
0x2: {  	s0 =	stileid.u32;
	s7 =	rddreg [dreg:$0x1]  }
0x3: {  	s2 =	simm.s32 $0x0;
	s11 =	simm.s32 $0x8800;
	s12 =	simm.s32 $0xA800  }
0x4: {  	s13 =	simm.s32 $0xC800;
	s14 =	simm.s32 $0xE800;
	s15 =	simm.s32 $0x10800  }
0x5: {  	s16 =	simm.s32 $0x1;
	s17 =	simm.s32 $0x2;
	s18 =	simm.s32 $0x3  }
0x6: {  	s19 =	simm.s32 $0x4;
	s20 =	simm.s32 $0x5;
	s3 =	smul.u32 $0x140000, s0  }
0x7: {  	s4 =	sand.u32 $0x1, s1;
	s8 =	smul.u32 $0x5000, s0;
	s1 =	rddreg [dreg:$0x2]  }
0x8: {  	[smem:$0x7FF] =	sst s2;
	s10 =	sshll.u32 s0, $0x1;
	s6 =	smul.u32 $0xA0000, s4  }
0x9: {  	s9 =	smul.u32 $0x2800, s4;
	s10 =	sor.u32 s4, s10;
	s4 =	ssub.s32 $0x2, s4  }
0xa: {  	_ =	strace $0x8000004A;
	s22 =	smul.u32 $0x2800, s10;
	s29 =	sshrl.u32 s4, $0x1  }
0xb: {  	s10 =	simm.s32 $0x6800;
	s3 =	sadd.s32 s6, s3;
	s21 =	sadd.s32 s9, s8  }
0xc: {  	s8 =	ssub.s32 s4, s29;
	s9 =	simm.s32 $0x4800;
	s3 =	sshrl.u32 s3, $0x3  }
0xd: {  	s6 =	sshll.u32 s21, $0x3;
	s23 =	sshrl.u32 s22, $0x3;
	s21 =	simm.s32 $0x6  }
0xe: {  	s22 =	simm.s32 $0x7;
	s3 =	sadd.s32 s3, s7;
	s6 =	sadd.s32 s6, s7  }
0xf: {  	s7 =	sadd.s32 s23, s5;
	[dreg:$0x3] =	wrdreg s3;
	s24 =	sadd.s32 $0x1800, s6  }
0x10: {  	s23 =	simm.s32 $0x8;
	s25 =	sadd.s32 $0x1400, s6;
	[dreg:$0x4] =	wrdreg s24  }
0x11: {  	s3 =	sadd.s32 $0xE00, s5;
	s26 =	sadd.s32 $0x1000, s6;
	[dreg:$0x5] =	wrdreg s25  }
0x12: {  	s28 =	sadd.s32 $0xC00, s6;
	s30 =	sadd.s32 $0x800, s6;
	[dreg:$0x6] =	wrdreg s26  }
0x13: {  	s31 =	sadd.s32 $0x400, s6;
	s4 =	sadd.s32 $0x7A2000, s7;
	[dreg:$0x7] =	wrdreg s28  }
0x14: {  	s6 =	sadd.s32 $0x1C00, s6;
	s5 =	smax.u32 s8, $0x1;
	[dreg:$0x8] =	wrdreg s30  }
0x15: {  	s7 =	simm.s32 $0x80;
	s8 =	simm.s32 $0x2800;
	[dreg:$0x9] =	wrdreg s31  }
0x16: {  	[dreg:$0xa] =	wrdreg s6;
	s6 =	simm.s32 $0x9;
	s24 =	simm.s32 $0x0  }
.LBB2_1:
0x17: {  	[tilespmem:s2], [sflag:$0x9] =	stream.linear.gather [hbm4b:s4+s2], $0x2800, $0x38;
	[tilespmem:$0x12800] =	vst v63  }
0x18: {  	_ =	swait.ge [sflag:s6], $0x2800  }
0x19: {  	[sflag:s6] =	ssyncset.done $0x0  }
0x1a: {  	[sflag:s6] =	ssyncadd.s32 $0xFFFFD800  }
0x1b: {  	[tilespmem:s8], [sflag:$0x1] =	stream.indirect.gather [hbm4b:s3+s7], $0x40, s2, s7, $0xb8;
	[tilespmem:$0x12800] =	vst v63  }
0x1c: {  	s25 =	simm.s32 $0x80  }
0x1d: {  	[tilespmem:s9], [sflag:$0x2] =	stream.indirect.gather [hbm4b:s3+s7], $0x40, s25, s7, $0xb8;
	[tilespmem:$0x12800] =	vst v63  }
0x1e: {  	s28 =	simm.s32 $0x100  }
0x1f: {  	[tilespmem:s10], [sflag:$0x3] =	stream.indirect.gather [hbm4b:s3+s7], $0x40, s28, s7, $0xb8;
	[tilespmem:$0x12800] =	vst v63  }
0x20: {  	s29 =	simm.s32 $0x180  }
0x21: {  	[tilespmem:s11], [sflag:$0x4] =	stream.indirect.gather [hbm4b:s3+s7], $0x40, s29, s7, $0xb8;
	[tilespmem:$0x12800] =	vst v63  }
0x22: {  	s30 =	simm.s32 $0x200  }
0x23: {  	[tilespmem:s12], [sflag:$0x5] =	stream.indirect.gather [hbm4b:s3+s7], $0x40, s30, s7, $0xb8;
	[tilespmem:$0x12800] =	vst v63  }
0x24: {  	s31 =	simm.s32 $0x280  }
0x25: {  	[tilespmem:s13], [sflag:$0x6] =	stream.indirect.gather [hbm4b:s3+s7], $0x40, s31, s7, $0xb8;
	[tilespmem:$0x12800] =	vst v63  }
0x26: {  	s26 =	simm.s32 $0x300  }
0x27: {  	[tilespmem:s14], [sflag:$0x7] =	stream.indirect.gather [hbm4b:s3+s7], $0x40, s26, s7, $0xb8;
	[tilespmem:$0x12800] =	vst v63  }
0x28: {  	s28 =	simm.s32 $0x380  }
0x29: {  	[tilespmem:s15], [sflag:$0x8] =	stream.indirect.gather [hbm4b:s3+s7], $0x40, s28, s7, $0xb8;
	[tilespmem:$0x12800] =	vst v63  }
0x2a: {  	_ =	swait.ge [sflag:s16], $0x2000  }
0x2b: {  	s29 =	rddreg [dreg:$0x3];
	[sflag:s16] =	ssyncset.done $0x0  }
0x2c: {  	[sflag:s16] =	ssyncadd.s32 $0xFFFFE000;
	s25 =	sadd.s32 $0x0, s29  }
0x2d: {  	[hbm4b:s25+s2] =	stream.linear.scatter [tilespmem:s8], [sflag:$0x9], $0x2000, $0x38;
	[tilespmem:$0x12800] =	vst v63  }
0x2e: {  	_ =	swait.ge [sflag:s6], $0x2000  }
0x2f: {  	[sflag:s6] =	ssyncset.done $0x0  }
0x30: {  	[sflag:s6] =	ssyncadd.s32 $0xFFFFE000  }
0x31: {  	_ =	swait.ge [sflag:s17], $0x2000  }
0x32: {  	s30 =	rddreg [dreg:$0x9];
	[sflag:s17] =	ssyncset.done $0x0  }
0x33: {  	[sflag:s17] =	ssyncadd.s32 $0xFFFFE000;
	s25 =	sadd.s32 $0x0, s30  }
0x34: {  	[hbm4b:s25+s2] =	stream.linear.scatter [tilespmem:s9], [sflag:$0x9], $0x2000, $0x38;
	[tilespmem:$0x12800] =	vst v63  }
0x35: {  	_ =	swait.ge [sflag:s6], $0x2000  }
0x36: {  	[sflag:s6] =	ssyncset.done $0x0  }
0x37: {  	[sflag:s6] =	ssyncadd.s32 $0xFFFFE000  }
0x38: {  	_ =	swait.ge [sflag:s18], $0x2000  }
0x39: {  	s31 =	rddreg [dreg:$0x8];
	[sflag:s18] =	ssyncset.done $0x0  }
0x3a: {  	[sflag:s18] =	ssyncadd.s32 $0xFFFFE000;
	s25 =	sadd.s32 $0x0, s31  }
0x3b: {  	[hbm4b:s25+s2] =	stream.linear.scatter [tilespmem:s10], [sflag:$0x9], $0x2000, $0x38;
	[tilespmem:$0x12800] =	vst v63  }
0x3c: {  	_ =	swait.ge [sflag:s6], $0x2000  }
0x3d: {  	[sflag:s6] =	ssyncset.done $0x0  }
0x3e: {  	[sflag:s6] =	ssyncadd.s32 $0xFFFFE000  }
0x3f: {  	_ =	swait.ge [sflag:s19], $0x2000  }
0x40: {  	s26 =	rddreg [dreg:$0x7];
	[sflag:s19] =	ssyncset.done $0x0  }
0x41: {  	[sflag:s19] =	ssyncadd.s32 $0xFFFFE000;
	s25 =	sadd.s32 $0x0, s26  }
0x42: {  	[hbm4b:s25+s2] =	stream.linear.scatter [tilespmem:s11], [sflag:$0x9], $0x2000, $0x38;
	[tilespmem:$0x12800] =	vst v63  }
0x43: {  	_ =	swait.ge [sflag:s6], $0x2000  }
0x44: {  	[sflag:s6] =	ssyncset.done $0x0  }
0x45: {  	[sflag:s6] =	ssyncadd.s32 $0xFFFFE000  }
0x46: {  	_ =	swait.ge [sflag:s20], $0x2000  }
0x47: {  	s28 =	rddreg [dreg:$0x6];
	[sflag:s20] =	ssyncset.done $0x0  }
0x48: {  	[sflag:s20] =	ssyncadd.s32 $0xFFFFE000;
	s25 =	sadd.s32 $0x0, s28  }
0x49: {  	[hbm4b:s25+s2] =	stream.linear.scatter [tilespmem:s12], [sflag:$0x9], $0x2000, $0x38;
	[tilespmem:$0x12800] =	vst v63  }
0x4a: {  	_ =	swait.ge [sflag:s6], $0x2000  }
0x4b: {  	[sflag:s6] =	ssyncset.done $0x0  }
0x4c: {  	[sflag:s6] =	ssyncadd.s32 $0xFFFFE000  }
0x4d: {  	_ =	swait.ge [sflag:s21], $0x2000  }
0x4e: {  	s29 =	rddreg [dreg:$0x5];
	[sflag:s21] =	ssyncset.done $0x0  }
0x4f: {  	[sflag:s21] =	ssyncadd.s32 $0xFFFFE000;
	s25 =	sadd.s32 $0x0, s29  }
0x50: {  	[hbm4b:s25+s2] =	stream.linear.scatter [tilespmem:s13], [sflag:$0x9], $0x2000, $0x38;
	[tilespmem:$0x12800] =	vst v63  }
0x51: {  	_ =	swait.ge [sflag:s6], $0x2000  }
0x52: {  	[sflag:s6] =	ssyncset.done $0x0  }
0x53: {  	[sflag:s6] =	ssyncadd.s32 $0xFFFFE000  }
0x54: {  	_ =	swait.ge [sflag:s22], $0x2000  }
0x55: {  	s30 =	rddreg [dreg:$0x4];
	[sflag:s22] =	ssyncset.done $0x0  }
0x56: {  	[sflag:s22] =	ssyncadd.s32 $0xFFFFE000;
	s25 =	sadd.s32 $0x0, s30  }
0x57: {  	[hbm4b:s25+s2] =	stream.linear.scatter [tilespmem:s14], [sflag:$0x9], $0x2000, $0x38;
	[tilespmem:$0x12800] =	vst v63  }
0x58: {  	_ =	swait.ge [sflag:s6], $0x2000  }
0x59: {  	[sflag:s6] =	ssyncset.done $0x0  }
0x5a: {  	[sflag:s6] =	ssyncadd.s32 $0xFFFFE000  }
0x5b: {  	_ =	swait.ge [sflag:s23], $0x2000  }
0x5c: {  	s31 =	rddreg [dreg:$0xa];
	[sflag:s23] =	ssyncset.done $0x0  }
0x5d: {  	[sflag:s23] =	ssyncadd.s32 $0xFFFFE000;
	s25 =	sadd.s32 $0x0, s31  }
0x5e: {  	[hbm4b:s25+s2] =	stream.linear.scatter [tilespmem:s15], [sflag:$0x9], $0x2000, $0x38;
	[tilespmem:$0x12800] =	vst v63  }
0x5f: {  	_ =	swait.ge [sflag:s6], $0x2000  }
0x60: {  	s26 =	simm.s32 $0x0;
	s25 =	simm.s32 $0x2000;
	[sflag:s6] =	ssyncset.done $0x0  }
.LBB2_2:
0x61: {  	[sflag:s6] =	ssyncadd.s32 $0xFFFFE000;
	s26 =	sadd.s32 $0x400, s26  }
0x62: {  	[tilespmem:s8], [sflag:$0x1] =	stream.indirect.gather [hbm4b:s3+s7], $0x40, s26, s7, $0xb8;
	[tilespmem:$0x12800] =	vst v63  }
0x63: {  	s29 =	sadd.s32 $0x80, s26  }
0x64: {  	[tilespmem:s9], [sflag:$0x2] =	stream.indirect.gather [hbm4b:s3+s7], $0x40, s29, s7, $0xb8;
	[tilespmem:$0x12800] =	vst v63  }
0x65: {  	s30 =	sadd.s32 $0x100, s26  }
0x66: {  	[tilespmem:s10], [sflag:$0x3] =	stream.indirect.gather [hbm4b:s3+s7], $0x40, s30, s7, $0xb8;
	[tilespmem:$0x12800] =	vst v63  }
0x67: {  	s31 =	sadd.s32 $0x180, s26  }
0x68: {  	[tilespmem:s11], [sflag:$0x4] =	stream.indirect.gather [hbm4b:s3+s7], $0x40, s31, s7, $0xb8;
	[tilespmem:$0x12800] =	vst v63  }
0x69: {  	s30 =	sadd.s32 $0x200, s26  }
0x6a: {  	[tilespmem:s12], [sflag:$0x5] =	stream.indirect.gather [hbm4b:s3+s7], $0x40, s30, s7, $0xb8;
	[tilespmem:$0x12800] =	vst v63  }
0x6b: {  	s31 =	sadd.s32 $0x280, s26  }
0x6c: {  	[tilespmem:s13], [sflag:$0x6] =	stream.indirect.gather [hbm4b:s3+s7], $0x40, s31, s7, $0xb8;
	[tilespmem:$0x12800] =	vst v63  }
0x6d: {  	s30 =	sadd.s32 $0x300, s26  }
0x6e: {  	[tilespmem:s14], [sflag:$0x7] =	stream.indirect.gather [hbm4b:s3+s7], $0x40, s30, s7, $0xb8;
	[tilespmem:$0x12800] =	vst v63  }
0x6f: {  	s31 =	sadd.s32 $0x380, s26  }
0x70: {  	[tilespmem:s15], [sflag:$0x8] =	stream.indirect.gather [hbm4b:s3+s7], $0x40, s31, s7, $0xb8;
	[tilespmem:$0x12800] =	vst v63  }
0x71: {  	_ =	swait.ge [sflag:s16], $0x2000  }
0x72: {  	s28 =	smov.u32 s25;
	s30 =	rddreg [dreg:$0x3];
	[sflag:s16] =	ssyncset.done $0x0  }
0x73: {  	[sflag:s16] =	ssyncadd.s32 $0xFFFFE000;
	s29 =	sadd.s32 s28, s30  }
0x74: {  	[hbm4b:s29+s2] =	stream.linear.scatter [tilespmem:s8], [sflag:$0x9], $0x2000, $0x38;
	[tilespmem:$0x12800] =	vst v63  }
0x75: {  	_ =	swait.ge [sflag:s6], $0x2000  }
0x76: {  	[sflag:s6] =	ssyncset.done $0x0  }
0x77: {  	[sflag:s6] =	ssyncadd.s32 $0xFFFFE000  }
0x78: {  	_ =	swait.ge [sflag:s17], $0x2000  }
0x79: {  	s31 =	rddreg [dreg:$0x9];
	[sflag:s17] =	ssyncset.done $0x0  }
0x7a: {  	[sflag:s17] =	ssyncadd.s32 $0xFFFFE000;
	s29 =	sadd.s32 s28, s31  }
0x7b: {  	[hbm4b:s29+s2] =	stream.linear.scatter [tilespmem:s9], [sflag:$0x9], $0x2000, $0x38;
	[tilespmem:$0x12800] =	vst v63  }
0x7c: {  	_ =	swait.ge [sflag:s6], $0x2000  }
0x7d: {  	[sflag:s6] =	ssyncset.done $0x0  }
0x7e: {  	[sflag:s6] =	ssyncadd.s32 $0xFFFFE000  }
0x7f: {  	_ =	swait.ge [sflag:s18], $0x2000  }
0x80: {  	s30 =	rddreg [dreg:$0x8];
	[sflag:s18] =	ssyncset.done $0x0  }
0x81: {  	[sflag:s18] =	ssyncadd.s32 $0xFFFFE000;
	s29 =	sadd.s32 s28, s30  }
0x82: {  	[hbm4b:s29+s2] =	stream.linear.scatter [tilespmem:s10], [sflag:$0x9], $0x2000, $0x38;
	[tilespmem:$0x12800] =	vst v63  }
0x83: {  	_ =	swait.ge [sflag:s6], $0x2000  }
0x84: {  	[sflag:s6] =	ssyncset.done $0x0  }
0x85: {  	[sflag:s6] =	ssyncadd.s32 $0xFFFFE000  }
0x86: {  	_ =	swait.ge [sflag:s19], $0x2000  }
0x87: {  	s31 =	rddreg [dreg:$0x7];
	[sflag:s19] =	ssyncset.done $0x0  }
0x88: {  	[sflag:s19] =	ssyncadd.s32 $0xFFFFE000;
	s29 =	sadd.s32 s28, s31  }
0x89: {  	[hbm4b:s29+s2] =	stream.linear.scatter [tilespmem:s11], [sflag:$0x9], $0x2000, $0x38;
	[tilespmem:$0x12800] =	vst v63  }
0x8a: {  	_ =	swait.ge [sflag:s6], $0x2000  }
0x8b: {  	[sflag:s6] =	ssyncset.done $0x0  }
0x8c: {  	[sflag:s6] =	ssyncadd.s32 $0xFFFFE000  }
0x8d: {  	_ =	swait.ge [sflag:s20], $0x2000  }
0x8e: {  	s30 =	rddreg [dreg:$0x6];
	[sflag:s20] =	ssyncset.done $0x0  }
0x8f: {  	[sflag:s20] =	ssyncadd.s32 $0xFFFFE000;
	s29 =	sadd.s32 s28, s30  }
0x90: {  	[hbm4b:s29+s2] =	stream.linear.scatter [tilespmem:s12], [sflag:$0x9], $0x2000, $0x38;
	[tilespmem:$0x12800] =	vst v63  }
0x91: {  	_ =	swait.ge [sflag:s6], $0x2000  }
0x92: {  	[sflag:s6] =	ssyncset.done $0x0  }
0x93: {  	[sflag:s6] =	ssyncadd.s32 $0xFFFFE000  }
0x94: {  	_ =	swait.ge [sflag:s21], $0x2000  }
0x95: {  	s31 =	rddreg [dreg:$0x5];
	[sflag:s21] =	ssyncset.done $0x0  }
0x96: {  	[sflag:s21] =	ssyncadd.s32 $0xFFFFE000;
	s29 =	sadd.s32 s28, s31  }
0x97: {  	[hbm4b:s29+s2] =	stream.linear.scatter [tilespmem:s13], [sflag:$0x9], $0x2000, $0x38;
	[tilespmem:$0x12800] =	vst v63  }
0x98: {  	_ =	swait.ge [sflag:s6], $0x2000  }
0x99: {  	[sflag:s6] =	ssyncset.done $0x0  }
0x9a: {  	[sflag:s6] =	ssyncadd.s32 $0xFFFFE000  }
0x9b: {  	_ =	swait.ge [sflag:s22], $0x2000  }
0x9c: {  	s30 =	rddreg [dreg:$0x4];
	[sflag:s22] =	ssyncset.done $0x0  }
0x9d: {  	[sflag:s22] =	ssyncadd.s32 $0xFFFFE000;
	s29 =	sadd.s32 s28, s30  }
0x9e: {  	[hbm4b:s29+s2] =	stream.linear.scatter [tilespmem:s14], [sflag:$0x9], $0x2000, $0x38;
	[tilespmem:$0x12800] =	vst v63  }
0x9f: {  	_ =	swait.ge [sflag:s6], $0x2000  }
0xa0: {  	[sflag:s6] =	ssyncset.done $0x0  }
0xa1: {  	[sflag:s6] =	ssyncadd.s32 $0xFFFFE000  }
0xa2: {  	p0 =	sne.s32 s25, $0x12000;
	_ =	swait.ge [sflag:s23], $0x2000  }
.Ltmp0:
0xa3: {  	s31 =	rddreg [dreg:$0xa];
	[sflag:s23] =	ssyncset.done $0x0;
	(pc) =	sbr.rel @p0 .LBB2_2-.Ltmp0, $4  }
0xa4: {  	[sflag:s23] =	ssyncadd.s32 $0xFFFFE000;
	s28 =	sadd.s32 s28, s31  }
0xa5: {  	[hbm4b:s28+s2] =	stream.linear.scatter [tilespmem:s15], [sflag:$0x9], $0x2000, $0x38;
	[tilespmem:$0x12800] =	vst v63  }
0xa6: {  	_ =	swait.ge [sflag:s6], $0x2000  }
0xa7: {  	s25 =	sadd.s32 $0x2000, s25;
	[sflag:s6] =	ssyncset.done $0x0  }
0xa8: {  	s24 =	sadd.s32 $0x1, s24  }
0xa9: {  	p0 =	sne.s32 s24, s5  }
.Ltmp1:
0xaa: {  	_ = 	snop;
	(pc) =	sbr.rel @p0 .LBB2_1-.Ltmp1, $2  }
0xab: {  	_ =	sdelay $0x2  }
0xac: {  	[sflag:s6] =	ssyncadd.s32 $0xFFFFE000  }
0xad: {  	_ =	sfence.sel $0x180000  }
0xae: {  	[bflag:$0x0] =	sbarrier.arrive $0xFFFF  }
0xaf: {  	p0 =	sne.s32 s0, $0x0;
	_ =	strace $0x9000004A  }
0xb0: {  	s0 =	sadd.s32 @!p0 $0x100000, s1;
	[bflag:$0x2] =	sbarrier.arrive $0xFFFF  }
0xb1: {  	[sflag:s0] =	ssyncadd.tile.s32 @!p0 $0x1;
	_ =	shalt  }
.Lfunc_end2:
_tile_overlayer_lowered:
.L_overlay_start_2:
0xb2: {  	(tag) =	ssettag $0x2  }
0xb3: {  	s0 =	rddreg [dreg:$0x0];
	s2 =	stileid.u32  }
0xb4: {  	s1 =	rddreg [dreg:$0x1];
	p0 =	sne.s32 s2, $0x0  }
0xb5: {  	s3 =	rddreg [dreg:$0x2];
	[bflag:$0x3] =	sbarrier.arrive $0xFFFF;
	s2 =	simm.s32 @!p0 $0x1C09  }
0xb6: {  	[timem:s3], [sflag:s2] =	dma.local @!p0 [hbm:s0], s1  }
0xb7: {  	s0 =	simm.s32 @!p0 $0x9  }
0xb8: {  	_ =	swait.ge @!p0 [sflag:s0], s1  }
0xb9: {  	s1 =	ssub.s32 @!p0 $0x0, s1;
	[sflag:s0] =	ssyncset.done @!p0 $0x0  }
0xba: {  	[sflag:s0] =	ssyncadd.s32 @!p0 s1  }
0xbb: {  	[bflag:$0x3] =	sbarrier.arrive $0xFFFF  }
0xbc: {  	_ =	shalt  }

// kernel: sparse-core-data-format-call.cloned.1.call-start
scs
called_computation_lowered:
.L_overlay_start_0:
0x0: {  	s2 =	sld [smem:$0x3FD9]  }
0x1: {  	s3 =	sld [smem:$0x3FFE];
	_ =	sdelay $0x1  }
0x2: {  	s1 =	srdreg.scid  }
0x3: {  	s0 =	sand.u32 $0x1, s1  }
0x4: {  	s18 =	sshll.u32 s0, $0xA;
	s2 =	sadd.s32 s3, s2  }
0x5: {  	s2 =	sadd.s32 s2, s18  }
0x6: {  	[smem:$0x3FC6] =	sst s2  }
0x7: {  	_ = 	snop  }
0x8: {  	s2 =	sld [smem:$0x3FD0];
	(tm) =	ssettm $0x1  }
0x9: {  	s19 =	sld [smem:$0x3FFB];
	_ =	sdelay $0x3  }
0xa: {  	_ =	strace s19  }
0xb: {  	s3 =	sld [smem:$0x3FFC];
	_ =	sdelay $0x3  }
0xc: {  	_ =	strace s3  }
0xd: {  	s3 =	sld [smem:$0x3FFD];
	_ =	sdelay $0x3  }
0xe: {  	_ =	strace s3  }
0xf: {  	_ =	strace $0x8FFFFFFF  }
0x10: {  	s20 =	sld [smem:$0x3FDB];
	_ =	sdelay $0x1  }
0x11: {  	s4 =	simm.s32 $_scs_section_size  }
0x12: {  	s5 =	simm.s32 $_size__tile_overlayer_lowered;
	s6 =	simm.s32 $_tile_overlayer_lowered  }
0x13: {  	s23 =	simm.s32 $0x1BFF;
	s22 =	sshll.u32 s6, $0x1;
	s3 =	sadd.s32 s4, s20  }
0x14: {  	s7 =	simm.s32 $0x0;
	s21 =	sshll.u32 s5, $0x1;
	s5 =	sadd.s32 s22, s3  }
0x15: {  	[timem:s7], [sflag:s23] =	dma.local [hbm:s5], s21  }
0x16: {  	_ =	swait.ge [sflag:s23], s21  }
0x17: {  	s4 =	ssub.s32 $0x0, s21;
	[sflag:s23] =	ssyncset.done $0x0  }
0x18: {  	[sflag:s23] =	ssyncadd.s32 s4;
	_ =	sdelay $0x1  }
0x19: {  	s24 =	simm.s32 $0x1B8B  }
0x1a: {  	_ =	swait.ge [sflag:s24], $0x1  }
0x1b: {  	[sflag:s24] =	ssyncset.done $0x0  }
0x1c: {  	s26 =	simm.s32 $0x1B8E;
	s25 =	sld [smem:$0x3FFE];
	[sflag:s24] =	ssyncadd.s32 $0xFFFFFFFF  }
0x1d: {  	s27 =	simm.s32 $execute0_lowered;
	[smem:$0x3FD2] =	sst s26  }
0x1e: {  	s5 =	sshll.u32 s27, $0x1;
	_ =	strace $0x8000004C;
	[dreg:$0x1] =	wrdreg $0xFFFFFFFF  }
0x1f: {  	s28 =	simm.s32 $_size_execute0_lowered;
	s3 =	sadd.s32 s3, s5;
	[dreg:$0x0] =	wrdreg $0x0  }
0x20: {  	s5 =	sshll.u32 s28, $0x1;
	[dreg:$0x2] =	wrdreg s3  }
0x21: {  	[dreg:$0x3] =	wrdreg s5  }
0x22: {  	[dreg:$0x4] =	wrdreg $0xC0  }
0x23: {  	_ =	task [dreg:s7], $0x5FFFF  }
0x24: {  	[dreg:$0x1] =	wrdreg $0xFFFFFFFF  }
0x25: {  	[dreg:$0x0] =	wrdreg $0x60  }
0x26: {  	[dreg:$0x2] =	wrdreg s25  }
0x27: {  	[dreg:$0x3] =	wrdreg s2  }
0x28: {  	[dreg:$0x4] =	wrdreg $0x9  }
0x29: {  	_ =	task.clear_ibuf [dreg:s7], $0x5FFFF;
	_ =	strace $0x9000004C  }
0x2a: {  	s29 =	simm.s32 $0x9;
	_ =	strace $0x8000004E  }
0x2b: {  	_ =	swait.ge [sflag:s29], $0x1  }
0x2c: {  	[sflag:s29] =	ssyncadd.s32 $0xFFFFFFFF  }
0x2d: {  	_ =	strace $0x9000004E  }
0x2e: {  	_ =	sfence  }
0x2f: {  	s30 =	sld [smem:$0x0];
	_ =	sdelay $0x2  }
0x30: {  	s31 =	sshll.u32 s1, $0xD;
	s1 =	sshrl.u32 s1, $0x2  }
0x31: {  	s3 =	sand.u32 $0x4000, s31;
	s1 =	sadd.s32 s1, s30  }
0x32: {  	s0 =	sor.u32 s3, s0;
	s1 =	sshll.u32 s1, $0x11  }
0x33: {  	s0 =	sor.u32 s1, s0  }
0x34: {  	s0 =	sadd.s32 $0x8F2B, s0  }
0x35: {  	[sflag:s0] =	ssyncadd.remote.s32 $0x1  }
0x36: {  	_ =	sfence.sel $0xFFFF  }
0x37: {  	[dreg:$0x0] =	wrdreg $0xFFFFFFFF;
	(pc) =	sbr.abs _section_cstart, $3  }
0x38: {  	[dreg:$0x1] =	wrdreg $0xFFFFFFFF  }
0x39: {  	_ =	task.clear_ibuf [dreg:s7], $0x2FFFF;
	_ =	strace $0x9FFFFFFF  }
0x3a: {  	(tm) =	ssettm $0x7FFFFFFF  }
0x3b: {  	_ =	shalt  }
tec
execute0_lowered:
.L_overlay_start_1:
0x0: {  	(tag) =	ssettag $0x1  }
0x1: {  	s0 =	srdreg.scid  }
0x2: {  	s1 =	sshll.u32 s0, $0x4  }
0x3: {  	s0 =	stileid.u32;
	s1 =	sand.u32 $0x10, s1  }
0x4: {  	s1 =	sor.u32 s0, s1  }
0x5: {  	s6 =	rddreg [dreg:$0x0];
	s4 =	simm.s32 $0x1;
	s2 =	sshll.u32 s1, $0x7  }
0x6: {  	s7 =	simm.s32 $0x2;
	s12 =	simm.s32 $0x0;
	s1 =	ssub.s32 $0x4000, s2  }
0x7: {  	s8 =	simm.s32 $0x20000;
	s13 =	simm.s32 $0x0;
	s3 =	sand.u32 $0xF80, s1  }
0x8: {  	s9 =	simm.s32 $0x0;
	s5 =	sshrl.u32 s1, $0xC;
	p0 =	sne.s32 s3, $0x0  }
.Ltmp0:
0x9: {  	s1 =	rddreg [dreg:$0x2];
	s4 =	simm.s32 @!p0 $0x0;
	(pc) =	sbr.rel .LBB1_1-.Ltmp0, $4  }
0xa: {  	s11 =	simm.s32 $0x0;
	s3 =	rddreg [dreg:$0x1];
	s5 =	sadd.s32 s4, s5  }
0xb: {  	_ =	strace $0x8000004D;
	s4 =	simm.s32 $0x1;
	s5 =	smul.u32 $0x14, s5  }
0xc: {  	s6 =	sadd.s32 $0xE00, s6;
	s10 =	smov.u32 s2;
	[sflag:s4] =	ssyncpa.u1 $0x0  }
0xd: {  	p0 =	por $0x0, $0x0;
	[sflag:s7] =	ssyncpa.u1 $0x0;
	s7 =	sor.u32 $0x1, s5  }
.LBB1_4:
0xe: {  	s16 =	sshll.u32 s13, $0x3;
	s17 =	sand.u32 $0x78, s13  }
0xf: {  	s30 =	sand.u32 $0x1F800, s13;
	s12 =	sshll.u32 s12, $0x11;
	s16 =	sand.u32 $0x3C00, s16  }
0x10: {  	[tilespmem:s15+$0x810 ss:$0x81] =	vst.msk $0xffff, v2;
	s31 =	sand.u32 $0x7, s13;
	s16 =	sor.u32 s17, s16;
	s17 =	sadd.s32 s3, s30  }
0x11: {  	[tilespmem:s15+$0x1020 ss:$0x81] =	vst.msk $0xffff, v0;
	s13 =	sshll.u32 s31, $0x12;
	s12 =	sadd.s32 s12, s17;
	s16 =	sshrl.u32 s16, $0x3  }
0x12: {  	[tilespmem:s15+$0x0 ss:$0x81] =	vst.msk $0xffff, v1;
	s13 =	sor.u32 $0x400, s13;
	s12 =	sadd.s32 s16, s12  }
0x13: {  	[hbm4b:s12+s13] =	stream.strided.scatter [tilespmem:s14], [sflag:$0x2], $0x2000, s8, s13, $0x20;
	[tilespmem:$0x8080] =	vst v63  }
.LBB1_5:
0x14: {  	s14 =	sadd.s32 $0x1, s9  }
0x15: {  	s12 =	sadd.s32 $0x1000, s10;
	s16 =	smov.u32 s10;
	p2 =	sgt.s32 s14, $0x13  }
0x16: {  	s16 =	smov.u32 @p2 s12  }
0x17: {  	s14 =	simm.s32 @p2 $0x0;
	p2 =	sgt.s32 s16, $0x3FFF  }
0x18: {  	s16 =	smov.u32 @p2 s2;
	p2 =	sne.s32 s11, s7  }
.Ltmp1:
0x19: {  	p1 =	slt.u32 s11, $0x2;
	(pc) =	sbr.rel @!p2 .LBB1_6-.Ltmp1, $4  }
0x1a: {  	s15 =	simm.s32 @!p1 $0x2  }
0x1b: {  	s13 =	smov.u32 s10;
	p0 =	por !p0, !p0;
	_ =	swait.ge @!p1 [sflag:s15], $0x2000  }
0x1c: {  	s12 =	smov.u32 s9;
	[sflag:s15] =	ssyncset.done @!p1 $0x0;
	s9 =	smov.u32 s14  }
0x1d: {  	s11 =	sadd.s32 $0x1, s11;
	[sflag:s15] =	ssyncadd.s32 @!p1 $0xFFFFE000;
	s10 =	smov.u32 s16  }
.LBB1_1:
0x1e: {  	p1 =	sge.u32 s11, s5  }
0x1f: {  	s14 =	sand.u32 @!p1 $0x1FFFFFF, s9  }
0x20: {  	s15 =	smulhi.u32 @!p1 $0xAAAAAAB, s14;
	_ =	sdelay $0x1  }
0x21: {  	s15 =	smul.u32 @!p1 $0x18, s15  }
0x22: {  	s16 =	sxor.u32 @!p1 $0xFFFFFFFF, s11;
	s17 =	smul.u32 @!p1 $0x180, s10  }
0x23: {  	s31 =	sadd.s32 $0xFFFFFFFF, s11;
	s16 =	sshll.u32 @!p1 s16, $0xD;
	s14 =	ssub.s32 @!p1 s14, s15  }
0x24: {  	s15 =	sand.u32 @!p1 $0x2000, s16;
	s16 =	sadd.s32 @!p1 s6, s17;
	s14 =	sshll.u32 @!p1 s14, $0x4  }
0x25: {  	s17 =	simm.s32 @!p1 $0xC00;
	s14 =	sadd.s32 @!p1 s14, s16;
	s16 =	simm.s32 @!p1 $0x40  }
0x26: {  	[tilespmem:s15], [sflag:$0x1] =	stream.strided.gather @!p1 [hbm4b:s14+s16], $0x2000, s17, s16, $0x38;
	[tilespmem:$0x8080] =	vst v63  }
0x27: {  	p1 =	sge.u32 s31, s5  }
.Ltmp2:
0x28: {  	_ = 	snop;
	(pc) =	sbr.rel @p1 .LBB1_5-.Ltmp2, $1  }
0x29: {  	_ =	sdelay $0x3  }
0x2a: {  	s14 =	simm.s32 $0x1  }
0x2b: {  	_ =	swait.ge [sflag:s4], $0x2000;
	s14 =	simm.s32 @!p0 $0x0  }
0x2c: {  	[sflag:s4] =	ssyncset.done $0x0;
	s15 =	sshll.u32 s14, $0xD  }
0x2d: {  	[sflag:s4] =	ssyncadd.s32 $0xFFFFE000;
	s18 =	sor.u32 $0x20, s15  }
0x2e: {  	s14 =	smul.u32 $0x8100, s14;
	v3 =	vld [tilespmem:s18+$0x10]  }
0x2f: {  	s30 =	sand.u32 $0x1, s11;
	v2 =	vld [tilespmem:s18+$0xFFFFFFF0]  }
0x30: {  	s15 =	smul.u32 $0x8100, s30;
	s14 =	sshrl.u32 s14, $0x2;
	v0 =	vld [tilespmem:s18+$0x0]  }
0x31: {  	v1 =	vld [tilespmem:s18+$0xFFFFFFE0];
	s16 =	sor.u32 $0x4000, s14  }
0x32: {  	s31 =	sshrl.u32 s15, $0x2;
	s15 =	sadd.s32 $0x0, s16  }
0x33: {  	s17 =	simm.s32 $0x4;
	s18 =	sadd.s32 $0x40, s18;
	s14 =	sor.u32 $0x4000, s31;
	[tilespmem:s15+$0x1830 ss:$0x81] =	vst.msk $0xffff, v3  }
.LBB1_3:
0x34: {  	v3 =	vld [tilespmem:s18+$0x10];
	p1 =	sne.s32 s17, $0x1FC;
	[tilespmem:s15+$0x810 ss:$0x81] =	vst.msk $0xffff, v2;
	s19 =	smov.u32 s17;
	s17 =	sadd.s32 $0x4, s17  }
.Ltmp3:
0x35: {  	v2 =	vld [tilespmem:s18+$0xFFFFFFF0];
	[tilespmem:s15+$0x1020 ss:$0x81] =	vst.msk $0xffff, v0;
	(pc) =	sbr.rel @p1 .LBB1_3-.Ltmp3, $4  }
0x36: {  	v0 =	vld [tilespmem:s18+$0x0];
	[tilespmem:s15+$0x0 ss:$0x81] =	vst.msk $0xffff, v1  }
0x37: {  	s15 =	sshra.s32 s19, $0x2;
	v1 =	vld [tilespmem:s18+$0xFFFFFFE0]  }
0x38: {  	s15 =	sadd.s32 s15, s16  }
0x39: {  	s18 =	sadd.s32 $0x40, s18;
	[tilespmem:s15+$0x1830 ss:$0x81] =	vst.msk $0xffff, v3  }
.Ltmp4:
0x3a: {  	_ = 	snop;
	(pc) =	sbr.rel .LBB1_4-.Ltmp4, $1  }
0x3b: {  	_ =	sdelay $0x3  }
.LBB1_6:
0x3c: {  	_ =	sfence.sel $0x180000  }
0x3d: {  	s2 =	simm.s32 $0x1;
	[bflag:$0x0] =	sbarrier.arrive $0xFFFF  }
0x3e: {  	s31 =	simm.s32 $0x2;
	[sflag:s2] =	ssyncpa.u1 $0x1  }
0x3f: {  	[sflag:s31] =	ssyncpa.u1 $0x1  }
0x40: {  	p0 =	sne.s32 s0, $0x0;
	_ =	strace $0x9000004D  }
0x41: {  	s0 =	sadd.s32 @!p0 $0x100000, s1;
	[bflag:$0x2] =	sbarrier.arrive $0xFFFF  }
0x42: {  	[sflag:s0] =	ssyncadd.tile.s32 @!p0 $0x1;
	_ =	shalt  }
.Lfunc_end1:
_tile_overlayer_lowered:
.L_overlay_start_2:
0x43: {  	(tag) =	ssettag $0x2  }
0x44: {  	s0 =	rddreg [dreg:$0x0];
	s2 =	stileid.u32  }
0x45: {  	s1 =	rddreg [dreg:$0x1];
	p0 =	sne.s32 s2, $0x0  }
0x46: {  	s3 =	rddreg [dreg:$0x2];
	[bflag:$0x3] =	sbarrier.arrive $0xFFFF;
	s2 =	simm.s32 @!p0 $0x1C01  }
0x47: {  	[timem:s3], [sflag:s2] =	dma.local @!p0 [hbm:s0], s1  }
0x48: {  	s0 =	simm.s32 @!p0 $0x1  }
0x49: {  	_ =	swait.ge @!p0 [sflag:s0], s1  }
0x4a: {  	s1 =	ssub.s32 @!p0 $0x0, s1;
	[sflag:s0] =	ssyncset.done @!p0 $0x0  }
0x4b: {  	[sflag:s0] =	ssyncadd.s32 @!p0 s1  }
0x4c: {  	[bflag:$0x3] =	sbarrier.arrive $0xFFFF  }
0x4d: {  	_ =	shalt  }

</sc_bundles>
